<compile_context>
chip_gen: v7x
topology: tpu7x:2x2x1
jax: 0.10.2.dev20260603
libtpu: 0.0.44.dev20260713+nightly
codegen_flags: <defaults>
</compile_context>

<pallas_src>
import functools

import jax
import jax.numpy as jnp
from jax import lax
from jax.experimental import pallas as pl
from jax.experimental.pallas import tpu as pltpu
from jax.experimental.pallas import tpu_sc as plsc

N = 10000
E = 320000
D = 128
NC = 2
NS = 16
NW = NC * NS
EPW = E // NW
CH = 125
NCHUNK = EPW // CH
CHD = 128
NCHUNKD = -(-EPW // CHD)
EPWPD = NCHUNKD * CHD
N2 = 10240
TRASH = N2 - 1
RPT = N2 // NS
ZR = 16
DEGW = 16
BLK = 1000
GRID = N // BLK

_mesh = plsc.VectorSubcoreMesh(
    core_axis_name="c", subcore_axis_name="s", num_cores=NC, num_subcores=NS
)


def _unpack_chunk(pk_v, jc, st_s, st_d):

    def u(k, carry):
        v = pk_v[jc, 0, pl.ds(k * 16, 16)]
        if st_s is not None:
            st_s[pl.ds(k * 16, 16)] = jnp.bitwise_and(v, 0xFFFF)
        st_d[pl.ds(k * 16, 16)] = lax.shift_right_logical(v, 16)
        return carry

    lax.fori_loop(0, CHD // 16, u, 0)



@functools.partial(
    pl.kernel,
    out_type=jax.ShapeDtypeStruct((NC, N2, DEGW), jnp.float32),
    mesh=_mesh,
    scratch_types=[
        pltpu.VMEM((NCHUNKD, 1, CHD), jnp.int32),
        pltpu.VMEM((CHD,), jnp.int32),
        pltpu.VMEM((CHD,), jnp.int32),
        pltpu.VMEM((CHD, DEGW), jnp.float32),
        pltpu.VMEM((ZR, DEGW), jnp.float32),
        pltpu.VMEM_SHARED((N2, DEGW), jnp.float32),
        pltpu.SemaphoreType.DMA,
        pltpu.SemaphoreType.DMA,
    ],
)
def _sc_deg(pk_hbm, out_hbm, pk_v, std_a, std_b, ones_v, zer_v, acc, sem_a, sem_b):
    c = lax.axis_index("c")
    s = lax.axis_index("s")
    w = c * NS + s

    pltpu.async_copy(pk_hbm.at[w], pk_v, sem_a)

    def fill_ones(i, carry):
        ones_v[i, :] = jnp.ones((16,), jnp.float32)
        return carry

    lax.fori_loop(0, CHD, fill_ones, 0)

    def fill_zero(i, carry):
        zer_v[i, :] = jnp.zeros((16,), jnp.float32)
        return carry

    lax.fori_loop(0, ZR, fill_zero, 0)

    for k in range(RPT // ZR):
        pltpu.sync_copy(zer_v, acc.at[pl.ds(s * RPT + k * ZR, ZR)])

    pltpu.make_async_copy(pk_hbm.at[w], pk_v, sem_a).wait()
    plsc.subcore_barrier()

    _unpack_chunk(pk_v, 0, None, std_a)
    pltpu.async_copy(ones_v, acc.at[std_a], sem_a, add=True)
    _unpack_chunk(pk_v, 1, None, std_b)
    pltpu.async_copy(ones_v, acc.at[std_b], sem_b, add=True)

    def body(jj, carry):
        j = 2 * jj
        pltpu.make_async_copy(ones_v, acc.at[std_a], sem_a).wait()
        _unpack_chunk(pk_v, j + 2, None, std_a)
        pltpu.async_copy(ones_v, acc.at[std_a], sem_a, add=True)
        pltpu.make_async_copy(ones_v, acc.at[std_b], sem_b).wait()
        _unpack_chunk(pk_v, j + 3, None, std_b)
        pltpu.async_copy(ones_v, acc.at[std_b], sem_b, add=True)
        return carry

    lax.fori_loop(0, (NCHUNKD - 3) // 2, body, 0)
    pltpu.make_async_copy(ones_v, acc.at[std_a], sem_a).wait()
    _unpack_chunk(pk_v, NCHUNKD - 1, None, std_a)
    pltpu.async_copy(ones_v, acc.at[std_a], sem_a, add=True)
    pltpu.make_async_copy(ones_v, acc.at[std_a], sem_a).wait()
    pltpu.make_async_copy(ones_v, acc.at[std_b], sem_b).wait()
    plsc.subcore_barrier()
    pltpu.sync_copy(acc.at[pl.ds(s * RPT, RPT)], out_hbm.at[c, pl.ds(s * RPT, RPT)])



@functools.partial(
    pl.kernel,
    out_type=jax.ShapeDtypeStruct((NC, N2, D), jnp.float32),
    mesh=_mesh,
    scratch_types=[
        pltpu.VMEM((NCHUNK, 1, CH), jnp.int32),
        pltpu.VMEM((NCHUNK, 1, CH), jnp.int32),
        pltpu.VMEM((CH, D), jnp.float32),
        pltpu.VMEM((ZR, D), jnp.float32),
        pltpu.VMEM_SHARED((N2, D), jnp.float32),
        pltpu.SemaphoreType.DMA,
        pltpu.SemaphoreType.DMA,
    ],
)
def _sc_agg(g_hbm, src4_hbm, dst4_hbm, out_hbm, idxs_v, idxd_v,
            rows_v, zer_v, acc, sem_g, sem_i):
    c = lax.axis_index("c")
    s = lax.axis_index("s")
    w = c * NS + s

    pltpu.async_copy(src4_hbm.at[pl.ds(w * NCHUNK, NCHUNK)], idxs_v, sem_i)
    pltpu.async_copy(dst4_hbm.at[pl.ds(w * NCHUNK, NCHUNK)], idxd_v, sem_i)

    def fill_zero(i, carry):
        r = i // (D // 16)
        k = i - r * (D // 16)
        zer_v[r, pl.ds(k * 16, 16)] = jnp.zeros((16,), jnp.float32)
        return carry

    lax.fori_loop(0, ZR * (D // 16), fill_zero, 0)

    for k in range(RPT // ZR):
        pltpu.sync_copy(zer_v, acc.at[pl.ds(s * RPT + k * ZR, ZR)])

    pltpu.make_async_copy(src4_hbm.at[pl.ds(w * NCHUNK, NCHUNK)], idxs_v, sem_i).wait()
    pltpu.make_async_copy(dst4_hbm.at[pl.ds(w * NCHUNK, NCHUNK)], idxd_v, sem_i).wait()
    plsc.subcore_barrier()

    def body(j, carry):
        pltpu.async_copy(g_hbm.at[idxs_v.at[j, 0]], rows_v, sem_g).wait()
        pltpu.sync_copy(rows_v, acc.at[idxd_v.at[j, 0]], add=True)
        return carry

    lax.fori_loop(0, NCHUNK, body, 0)
    plsc.subcore_barrier()
    pltpu.sync_copy(acc.at[pl.ds(s * RPT, RPT)], out_hbm.at[c, pl.ds(s * RPT, RPT)])



def _dis(deg_ref):
    return lax.rsqrt(1.0 + deg_ref[0, :, 0:1] + deg_ref[1, :, 0:1])


def _tc_g1_body(x_ref, w_ref, deg_ref, o_ref):
    h = jnp.dot(x_ref[...], w_ref[...], preferred_element_type=jnp.float32)
    o_ref[...] = h * _dis(deg_ref)


def _tc_g2_body(p_ref, g_ref, deg_ref, b_ref, w_ref, o_ref):
    dis = _dis(deg_ref)
    ssum = p_ref[0] + p_ref[1] + g_ref[...]
    h = jnp.maximum(dis * ssum + b_ref[...], 0.0)
    o_ref[...] = jnp.dot(h, w_ref[...], preferred_element_type=jnp.float32) * dis


def _tc_out_body(p_ref, g_ref, deg_ref, b_ref, o_ref):
    dis = _dis(deg_ref)
    o_ref[...] = dis * (p_ref[0] + p_ref[1] + g_ref[...]) + b_ref[...]


_row_spec = pl.BlockSpec((BLK, D), lambda i: (i, 0))
_w_spec = pl.BlockSpec((D, D), lambda i: (0, 0))
_deg_spec = pl.BlockSpec((NC, BLK, DEGW), lambda i: (0, i, 0))
_p_spec = pl.BlockSpec((NC, BLK, D), lambda i: (0, i, 0))
_b_spec = pl.BlockSpec((1, D), lambda i: (0, 0))

_g1_call = pl.pallas_call(
    _tc_g1_body,
    grid=(GRID,),
    in_specs=[_row_spec, _w_spec, _deg_spec],
    out_specs=_row_spec,
    out_shape=jax.ShapeDtypeStruct((N, D), jnp.float32),
)

_g2_call = pl.pallas_call(
    _tc_g2_body,
    grid=(GRID,),
    in_specs=[_p_spec, _row_spec, _deg_spec, _b_spec, _w_spec],
    out_specs=_row_spec,
    out_shape=jax.ShapeDtypeStruct((N, D), jnp.float32),
)

_out_call = pl.pallas_call(
    _tc_out_body,
    grid=(GRID,),
    in_specs=[_p_spec, _row_spec, _deg_spec, _b_spec],
    out_specs=_row_spec,
    out_shape=jax.ShapeDtypeStruct((N, D), jnp.float32),
)


def kernel(x, edge_index, W1, b1, W2, b2):
    packed = jnp.bitwise_or(
        edge_index[0], jnp.left_shift(edge_index[1], 16)
    ).reshape(NW, EPW)
    padv = jnp.full((NW, EPWPD - EPW), TRASH << 16, dtype=jnp.int32)
    pk4 = jnp.concatenate([packed, padv], axis=1).reshape(NW, NCHUNKD, 1, CHD)
    src4 = edge_index[0].reshape(NW * NCHUNK, 1, CH)
    dst4 = edge_index[1].reshape(NW * NCHUNK, 1, CH)
    b1r = b1.reshape(1, D)
    b2r = b2.reshape(1, D)

    deg16 = _sc_deg(pk4)
    g1 = _g1_call(x, W1, deg16)
    p1 = _sc_agg(g1, src4, dst4)
    g2 = _g2_call(p1, g1, deg16, b1r, W2)
    p2 = _sc_agg(g2, src4, dst4)
    out = _out_call(p2, g2, deg16, b2r)
    return out

# --- scband reference (transcript-rebuilt; emitter-appended) ---
"""Pipeline reference for scband-baseline-gcn-24592982737326 (READ-ONLY COPY).

The authoritative reference and input builder live on the scoring server;
editing this copy changes nothing except your own understanding.
"""

import jax, jax.numpy as jnp
import numpy as np


def gcn_conv(x, edge_index, W, b):
    # PyG-style GCNConv: add self loops, symmetric normalization, gather-matmul-scatter
    N = x.shape[0]
    loop = jnp.arange(N, dtype=edge_index.dtype)
    src = jnp.concatenate([edge_index[0], loop])
    dst = jnp.concatenate([edge_index[1], loop])
    deg = jnp.zeros((N,), x.dtype).at[dst].add(1.0)
    deg_inv_sqrt = jnp.where(deg > 0, 1.0 / jnp.sqrt(deg), 0.0)
    norm = deg_inv_sqrt[src] * deg_inv_sqrt[dst]
    h = x @ W
    msg = h[src] * norm[:, None]
    out = jnp.zeros((N, W.shape[1]), x.dtype).at[dst].add(msg)
    return out + b


def setup_inputs(seed: int = 0) -> dict:
    key = jax.random.key(seed)
    k1, k2, k3, k4, k5, k6 = jax.random.split(key, 6)
    N, E, D_in, D_h, D_out = 10000, 320000, 128, 128, 128
    x = jax.random.normal(k1, (N, D_in), dtype=jnp.float32)
    edge_index = jax.random.randint(k2, (2, E), 0, N, dtype=jnp.int32)
    W1 = jax.random.normal(k3, (D_in, D_h), dtype=jnp.float32) * (1.0 / np.sqrt(D_in))
    b1 = jnp.zeros((D_h,), dtype=jnp.float32)
    W2 = jax.random.normal(k4, (D_h, D_out), dtype=jnp.float32) * (1.0 / np.sqrt(D_h))
    b2 = jnp.zeros((D_out,), dtype=jnp.float32)
    return {"x": x, "edge_index": edge_index, "W1": W1, "b1": b1, "W2": W2, "b2": b2}


def reference(x, edge_index, W1, b1, W2, b2):
    # BaselineGCN with num_layers=2: conv1 -> relu -> conv2
    h = gcn_conv(x, edge_index, W1, b1)
    h = jax.nn.relu(h)
    out = gcn_conv(h, edge_index, W2, b2)
    return out

if __name__ == "__main__":
    import jax
    _d = setup_inputs()
    print(jax.jit(kernel)(*tuple(_d.values())))

</pallas_src>

<mosaic_0001>
#map = affine_map<(d0, d1) -> (0, 0, 0, 0)>
#map1 = affine_map<(d0, d1) -> (0, 0, 0)>
module attributes {stable_mosaic.version = 14 : i64} {
  func.func @_sc_deg(%arg0: i32, %arg1: i32, %arg2: memref<32x79x1x128xi32, #tpu.memory_space<hbm>>, %arg3: memref<2x10240x16xf32, #tpu.memory_space<hbm>>, %arg4: memref<79x1x128xi32, #tpu.memory_space<vmem>>, %arg5: memref<128xi32, #tpu.memory_space<vmem>>, %arg6: memref<128xi32, #tpu.memory_space<vmem>>, %arg7: memref<128x16xf32, #tpu.memory_space<vmem>>, %arg8: memref<16x16xf32, #tpu.memory_space<vmem>>, %arg9: memref<10240x16xf32, #tpu.memory_space<vmem_shared>>, %arg10: memref<!tpu.dma_semaphore, #tpu.memory_space<semaphore_mem>>, %arg11: memref<!tpu.dma_semaphore, #tpu.memory_space<semaphore_mem>>) attributes {dimension_semantics = [#tpu.dimension_semantics<core_parallel>, #tpu.dimension_semantics<subcore_parallel>], iteration_bounds = array<i64: 2, 16>, scalar_prefetch = 0 : i64, scratch_operands = 8 : i64, tpu.core_type = #tpu.core_type<sc_vector_subcore>, window_params = [{transform_indices = #map}, {transform_indices = #map1}]} {
    %mul3A = arith.constant 16 : i32
    %mul3A_0 = arith.muli %arg0, %mul3A : i32
    %add3A = arith.addi %mul3A_0, %arg1 : i32
    %dma_start3A = arith.constant 0 : i32
    %dma_start3A_1 = arith.constant 0 : i32
    %dma_start3A_2 = arith.constant 0 : i32
    %dma_start3A_3 = tpu.memref_slice %arg2[%add3A, %dma_start3A, %dma_start3A_1, %dma_start3A_2] : memref<32x79x1x128xi32, #tpu.memory_space<hbm>> -> memref<1x79x1x128xi32, #tpu.memory_space<hbm>>
    %dma_start3A_4 = tpu.memref_squeeze %dma_start3A_3 : memref<1x79x1x128xi32, #tpu.memory_space<hbm>> -> memref<79x1x128xi32, #tpu.memory_space<hbm>>
    %dma_start3A_5 = arith.constant 0 : i32
    %dma_start3A_6 = arith.constant 0 : i32
    %dma_start3A_7 = arith.constant 0 : i32
    %dma_start3A_8 = tpu.memref_slice %arg2[%add3A, %dma_start3A_5, %dma_start3A_6, %dma_start3A_7] : memref<32x79x1x128xi32, #tpu.memory_space<hbm>> -> memref<1x79x1x128xi32, #tpu.memory_space<hbm>>
    %dma_start3A_9 = tpu.memref_squeeze %dma_start3A_8 : memref<1x79x1x128xi32, #tpu.memory_space<hbm>> -> memref<79x1x128xi32, #tpu.memory_space<hbm>>
    tpu.enqueue_dma source(%dma_start3A_9 : memref<79x1x128xi32, #tpu.memory_space<hbm>>) target(%arg4 : memref<79x1x128xi32, #tpu.memory_space<vmem>>) target_semaphore(%arg10 : memref<!tpu.dma_semaphore, #tpu.memory_space<semaphore_mem>>)
    %scan3A = arith.constant 0 : i32
    %scan3A_10 = arith.constant 0 : i32
    %scan3A_11 = arith.constant 128 : i32
    %scan3A_12 = arith.addi %scan3A_10, %scan3A_11 : i32
    %scan3A_13 = arith.constant 1 : i32
    scf.for %scan3A_237 = %scan3A_10 to %scan3A_12 step %scan3A_13  : i32 {
      %broadcast_in_dim3A = arith.constant 1.000000e+00 : f32
      %broadcast_in_dim3A_238 = vector.broadcast %broadcast_in_dim3A : f32 to vector<16xf32>
      %swap3A = arith.index_cast %scan3A_237 : i32 to index
      %swap3A_239 = arith.constant 0 : index
      %swap3A_240 = tpu.vector_load %arg7[%swap3A, %swap3A_239] {strides = array<i32>} : memref<128x16xf32, #tpu.memory_space<vmem>>, vector<1x16xf32>,
      %swap3A_241 = vector.shape_cast %swap3A_240 : vector<1x16xf32> to vector<16xf32>
      %swap3A_242 = vector.shape_cast %broadcast_in_dim3A_238 : vector<16xf32> to vector<1x16xf32>
      tpu.vector_store %arg7[%swap3A, %swap3A_239], %swap3A_242 {strides = array<i32>} : memref<128x16xf32, #tpu.memory_space<vmem>>, vector<1x16xf32>,
    }
    %scan3A_14 = arith.constant 128 : i32
    %scan3A_15 = arith.constant 0 : i32
    %scan3A_16 = arith.constant 0 : i32
    %scan3A_17 = arith.constant 16 : i32
    %scan3A_18 = arith.addi %scan3A_16, %scan3A_17 : i32
    %scan3A_19 = arith.constant 1 : i32
    scf.for %scan3A_237 = %scan3A_16 to %scan3A_18 step %scan3A_19  : i32 {
      %broadcast_in_dim3A = arith.constant 0.000000e+00 : f32
      %broadcast_in_dim3A_238 = vector.broadcast %broadcast_in_dim3A : f32 to vector<16xf32>
      %swap3A = arith.index_cast %scan3A_237 : i32 to index
      %swap3A_239 = arith.constant 0 : index
      %swap3A_240 = tpu.vector_load %arg8[%swap3A, %swap3A_239] {strides = array<i32>} : memref<16x16xf32, #tpu.memory_space<vmem>>, vector<1x16xf32>,
      %swap3A_241 = vector.shape_cast %swap3A_240 : vector<1x16xf32> to vector<16xf32>
      %swap3A_242 = vector.shape_cast %broadcast_in_dim3A_238 : vector<16xf32> to vector<1x16xf32>
      tpu.vector_store %arg8[%swap3A, %swap3A_239], %swap3A_242 {strides = array<i32>} : memref<16x16xf32, #tpu.memory_space<vmem>>, vector<1x16xf32>,
    }
    %scan3A_20 = arith.constant 16 : i32
    %mul3A_21 = arith.constant 640 : i32
    %mul3A_22 = arith.muli %arg1, %mul3A_21 : i32
    %add3A_23 = arith.constant 0 : i32
    %add3A_24 = arith.addi %mul3A_22, %add3A_23 : i32
    "tpu.region"() ({
      %run_scoped3A = tpu.sem_alloc : memref<!tpu.dma_semaphore, #tpu.memory_space<semaphore_mem>>
      %dma_start3A_237 = arith.constant 0 : i32
      %dma_start3A_238 = tpu.memref_slice %arg9[%add3A_24, %dma_start3A_237] : memref<10240x16xf32, #tpu.memory_space<vmem_shared>> -> memref<16x16xf32, #tpu.memory_space<vmem_shared>>
      %dma_start3A_239 = arith.constant 0 : i32
      %dma_start3A_240 = tpu.memref_slice %arg9[%add3A_24, %dma_start3A_239] : memref<10240x16xf32, #tpu.memory_space<vmem_shared>> -> memref<16x16xf32, #tpu.memory_space<vmem_shared>>
      tpu.enqueue_dma source(%arg8 : memref<16x16xf32, #tpu.memory_space<vmem>>) target(%dma_start3A_240 : memref<16x16xf32, #tpu.memory_space<vmem_shared>>) target_semaphore(%run_scoped3A : memref<!tpu.dma_semaphore, #tpu.memory_space<semaphore_mem>>)
      %dma_wait3A_241 = arith.constant 0 : i32
      %dma_wait3A_242 = tpu.memref_slice %arg9[%add3A_24, %dma_wait3A_241] : memref<10240x16xf32, #tpu.memory_space<vmem_shared>> -> memref<16x16xf32, #tpu.memory_space<vmem_shared>>
      %dma_wait3A_243 = arith.constant 0 : i32
      %dma_wait3A_244 = tpu.memref_slice %arg9[%add3A_24, %dma_wait3A_243] : memref<10240x16xf32, #tpu.memory_space<vmem_shared>> -> memref<16x16xf32, #tpu.memory_space<vmem_shared>>
      tpu.wait_dma2 semaphore(%run_scoped3A : memref<!tpu.dma_semaphore, #tpu.memory_space<semaphore_mem>>) src(%arg8 : memref<16x16xf32, #tpu.memory_space<vmem>>) dst(%dma_wait3A_244 : memref<16x16xf32, #tpu.memory_space<vmem_shared>>)
      tpu.yield
    }) : () -> ()
    %mul3A_25 = arith.constant 640 : i32
    %mul3A_26 = arith.muli %arg1, %mul3A_25 : i32
    %add3A_27 = arith.constant 16 : i32
    %add3A_28 = arith.addi %mul3A_26, %add3A_27 : i32
    "tpu.region"() ({
      %run_scoped3A = tpu.sem_alloc : memref<!tpu.dma_semaphore, #tpu.memory_space<semaphore_mem>>
      %dma_start3A_237 = arith.constant 0 : i32
      %dma_start3A_238 = tpu.memref_slice %arg9[%add3A_28, %dma_start3A_237] : memref<10240x16xf32, #tpu.memory_space<vmem_shared>> -> memref<16x16xf32, #tpu.memory_space<vmem_shared>>
      %dma_start3A_239 = arith.constant 0 : i32
      %dma_start3A_240 = tpu.memref_slice %arg9[%add3A_28, %dma_start3A_239] : memref<10240x16xf32, #tpu.memory_space<vmem_shared>> -> memref<16x16xf32, #tpu.memory_space<vmem_shared>>
      tpu.enqueue_dma source(%arg8 : memref<16x16xf32, #tpu.memory_space<vmem>>) target(%dma_start3A_240 : memref<16x16xf32, #tpu.memory_space<vmem_shared>>) target_semaphore(%run_scoped3A : memref<!tpu.dma_semaphore, #tpu.memory_space<semaphore_mem>>)
      %dma_wait3A_241 = arith.constant 0 : i32
      %dma_wait3A_242 = tpu.memref_slice %arg9[%add3A_28, %dma_wait3A_241] : memref<10240x16xf32, #tpu.memory_space<vmem_shared>> -> memref<16x16xf32, #tpu.memory_space<vmem_shared>>
      %dma_wait3A_243 = arith.constant 0 : i32
      %dma_wait3A_244 = tpu.memref_slice %arg9[%add3A_28, %dma_wait3A_243] : memref<10240x16xf32, #tpu.memory_space<vmem_shared>> -> memref<16x16xf32, #tpu.memory_space<vmem_shared>>
      tpu.wait_dma2 semaphore(%run_scoped3A : memref<!tpu.dma_semaphore, #tpu.memory_space<semaphore_mem>>) src(%arg8 : memref<16x16xf32, #tpu.memory_space<vmem>>) dst(%dma_wait3A_244 : memref<16x16xf32, #tpu.memory_space<vmem_shared>>)
      tpu.yield
    }) : () -> ()
    %mul3A_29 = arith.constant 640 : i32
    %mul3A_30 = arith.muli %arg1, %mul3A_29 : i32
    %add3A_31 = arith.constant 32 : i32
    %add3A_32 = arith.addi %mul3A_30, %add3A_31 : i32
    "tpu.region"() ({
      %run_scoped3A = tpu.sem_alloc : memref<!tpu.dma_semaphore, #tpu.memory_space<semaphore_mem>>
      %dma_start3A_237 = arith.constant 0 : i32
      %dma_start3A_238 = tpu.memref_slice %arg9[%add3A_32, %dma_start3A_237] : memref<10240x16xf32, #tpu.memory_space<vmem_shared>> -> memref<16x16xf32, #tpu.memory_space<vmem_shared>>
      %dma_start3A_239 = arith.constant 0 : i32
      %dma_start3A_240 = tpu.memref_slice %arg9[%add3A_32, %dma_start3A_239] : memref<10240x16xf32, #tpu.memory_space<vmem_shared>> -> memref<16x16xf32, #tpu.memory_space<vmem_shared>>
      tpu.enqueue_dma source(%arg8 : memref<16x16xf32, #tpu.memory_space<vmem>>) target(%dma_start3A_240 : memref<16x16xf32, #tpu.memory_space<vmem_shared>>) target_semaphore(%run_scoped3A : memref<!tpu.dma_semaphore, #tpu.memory_space<semaphore_mem>>)
      %dma_wait3A_241 = arith.constant 0 : i32
      %dma_wait3A_242 = tpu.memref_slice %arg9[%add3A_32, %dma_wait3A_241] : memref<10240x16xf32, #tpu.memory_space<vmem_shared>> -> memref<16x16xf32, #tpu.memory_space<vmem_shared>>
      %dma_wait3A_243 = arith.constant 0 : i32
      %dma_wait3A_244 = tpu.memref_slice %arg9[%add3A_32, %dma_wait3A_243] : memref<10240x16xf32, #tpu.memory_space<vmem_shared>> -> memref<16x16xf32, #tpu.memory_space<vmem_shared>>
      tpu.wait_dma2 semaphore(%run_scoped3A : memref<!tpu.dma_semaphore, #tpu.memory_space<semaphore_mem>>) src(%arg8 : memref<16x16xf32, #tpu.memory_space<vmem>>) dst(%dma_wait3A_244 : memref<16x16xf32, #tpu.memory_space<vmem_shared>>)
      tpu.yield
    }) : () -> ()
    %mul3A_33 = arith.constant 640 : i32
    %mul3A_34 = arith.muli %arg1, %mul3A_33 : i32
    %add3A_35 = arith.constant 48 : i32
    %add3A_36 = arith.addi %mul3A_34, %add3A_35 : i32
    "tpu.region"() ({
      %run_scoped3A = tpu.sem_alloc : memref<!tpu.dma_semaphore, #tpu.memory_space<semaphore_mem>>
      %dma_start3A_237 = arith.constant 0 : i32
      %dma_start3A_238 = tpu.memref_slice %arg9[%add3A_36, %dma_start3A_237] : memref<10240x16xf32, #tpu.memory_space<vmem_shared>> -> memref<16x16xf32, #tpu.memory_space<vmem_shared>>
      %dma_start3A_239 = arith.constant 0 : i32
      %dma_start3A_240 = tpu.memref_slice %arg9[%add3A_36, %dma_start3A_239] : memref<10240x16xf32, #tpu.memory_space<vmem_shared>> -> memref<16x16xf32, #tpu.memory_space<vmem_shared>>
      tpu.enqueue_dma source(%arg8 : memref<16x16xf32, #tpu.memory_space<vmem>>) target(%dma_start3A_240 : memref<16x16xf32, #tpu.memory_space<vmem_shared>>) target_semaphore(%run_scoped3A : memref<!tpu.dma_semaphore, #tpu.memory_space<semaphore_mem>>)
      %dma_wait3A_241 = arith.constant 0 : i32
      %dma_wait3A_242 = tpu.memref_slice %arg9[%add3A_36, %dma_wait3A_241] : memref<10240x16xf32, #tpu.memory_space<vmem_shared>> -> memref<16x16xf32, #tpu.memory_space<vmem_shared>>
      %dma_wait3A_243 = arith.constant 0 : i32
      %dma_wait3A_244 = tpu.memref_slice %arg9[%add3A_36, %dma_wait3A_243] : memref<10240x16xf32, #tpu.memory_space<vmem_shared>> -> memref<16x16xf32, #tpu.memory_space<vmem_shared>>
      tpu.wait_dma2 semaphore(%run_scoped3A : memref<!tpu.dma_semaphore, #tpu.memory_space<semaphore_mem>>) src(%arg8 : memref<16x16xf32, #tpu.memory_space<vmem>>) dst(%dma_wait3A_244 : memref<16x16xf32, #tpu.memory_space<vmem_shared>>)
      tpu.yield
    }) : () -> ()
    %mul3A_37 = arith.constant 640 : i32
    %mul3A_38 = arith.muli %arg1, %mul3A_37 : i32
    %add3A_39 = arith.constant 64 : i32
    %add3A_40 = arith.addi %mul3A_38, %add3A_39 : i32
    "tpu.region"() ({
      %run_scoped3A = tpu.sem_alloc : memref<!tpu.dma_semaphore, #tpu.memory_space<semaphore_mem>>
      %dma_start3A_237 = arith.constant 0 : i32
      %dma_start3A_238 = tpu.memref_slice %arg9[%add3A_40, %dma_start3A_237] : memref<10240x16xf32, #tpu.memory_space<vmem_shared>> -> memref<16x16xf32, #tpu.memory_space<vmem_shared>>
      %dma_start3A_239 = arith.constant 0 : i32
      %dma_start3A_240 = tpu.memref_slice %arg9[%add3A_40, %dma_start3A_239] : memref<10240x16xf32, #tpu.memory_space<vmem_shared>> -> memref<16x16xf32, #tpu.memory_space<vmem_shared>>
      tpu.enqueue_dma source(%arg8 : memref<16x16xf32, #tpu.memory_space<vmem>>) target(%dma_start3A_240 : memref<16x16xf32, #tpu.memory_space<vmem_shared>>) target_semaphore(%run_scoped3A : memref<!tpu.dma_semaphore, #tpu.memory_space<semaphore_mem>>)
      %dma_wait3A_241 = arith.constant 0 : i32
      %dma_wait3A_242 = tpu.memref_slice %arg9[%add3A_40, %dma_wait3A_241] : memref<10240x16xf32, #tpu.memory_space<vmem_shared>> -> memref<16x16xf32, #tpu.memory_space<vmem_shared>>
      %dma_wait3A_243 = arith.constant 0 : i32
      %dma_wait3A_244 = tpu.memref_slice %arg9[%add3A_40, %dma_wait3A_243] : memref<10240x16xf32, #tpu.memory_space<vmem_shared>> -> memref<16x16xf32, #tpu.memory_space<vmem_shared>>
      tpu.wait_dma2 semaphore(%run_scoped3A : memref<!tpu.dma_semaphore, #tpu.memory_space<semaphore_mem>>) src(%arg8 : memref<16x16xf32, #tpu.memory_space<vmem>>) dst(%dma_wait3A_244 : memref<16x16xf32, #tpu.memory_space<vmem_shared>>)
      tpu.yield
    }) : () -> ()
    %mul3A_41 = arith.constant 640 : i32
    %mul3A_42 = arith.muli %arg1, %mul3A_41 : i32
    %add3A_43 = arith.constant 80 : i32
    %add3A_44 = arith.addi %mul3A_42, %add3A_43 : i32
    "tpu.region"() ({
      %run_scoped3A = tpu.sem_alloc : memref<!tpu.dma_semaphore, #tpu.memory_space<semaphore_mem>>
      %dma_start3A_237 = arith.constant 0 : i32
      %dma_start3A_238 = tpu.memref_slice %arg9[%add3A_44, %dma_start3A_237] : memref<10240x16xf32, #tpu.memory_space<vmem_shared>> -> memref<16x16xf32, #tpu.memory_space<vmem_shared>>
      %dma_start3A_239 = arith.constant 0 : i32
      %dma_start3A_240 = tpu.memref_slice %arg9[%add3A_44, %dma_start3A_239] : memref<10240x16xf32, #tpu.memory_space<vmem_shared>> -> memref<16x16xf32, #tpu.memory_space<vmem_shared>>
      tpu.enqueue_dma source(%arg8 : memref<16x16xf32, #tpu.memory_space<vmem>>) target(%dma_start3A_240 : memref<16x16xf32, #tpu.memory_space<vmem_shared>>) target_semaphore(%run_scoped3A : memref<!tpu.dma_semaphore, #tpu.memory_space<semaphore_mem>>)
      %dma_wait3A_241 = arith.constant 0 : i32
      %dma_wait3A_242 = tpu.memref_slice %arg9[%add3A_44, %dma_wait3A_241] : memref<10240x16xf32, #tpu.memory_space<vmem_shared>> -> memref<16x16xf32, #tpu.memory_space<vmem_shared>>
      %dma_wait3A_243 = arith.constant 0 : i32
      %dma_wait3A_244 = tpu.memref_slice %arg9[%add3A_44, %dma_wait3A_243] : memref<10240x16xf32, #tpu.memory_space<vmem_shared>> -> memref<16x16xf32, #tpu.memory_space<vmem_shared>>
      tpu.wait_dma2 semaphore(%run_scoped3A : memref<!tpu.dma_semaphore, #tpu.memory_space<semaphore_mem>>) src(%arg8 : memref<16x16xf32, #tpu.memory_space<vmem>>) dst(%dma_wait3A_244 : memref<16x16xf32, #tpu.memory_space<vmem_shared>>)
      tpu.yield
    }) : () -> ()
    %mul3A_45 = arith.constant 640 : i32
    %mul3A_46 = arith.muli %arg1, %mul3A_45 : i32
    %add3A_47 = arith.constant 96 : i32
    %add3A_48 = arith.addi %mul3A_46, %add3A_47 : i32
    "tpu.region"() ({
      %run_scoped3A = tpu.sem_alloc : memref<!tpu.dma_semaphore, #tpu.memory_space<semaphore_mem>>
      %dma_start3A_237 = arith.constant 0 : i32
      %dma_start3A_238 = tpu.memref_slice %arg9[%add3A_48, %dma_start3A_237] : memref<10240x16xf32, #tpu.memory_space<vmem_shared>> -> memref<16x16xf32, #tpu.memory_space<vmem_shared>>
      %dma_start3A_239 = arith.constant 0 : i32
      %dma_start3A_240 = tpu.memref_slice %arg9[%add3A_48, %dma_start3A_239] : memref<10240x16xf32, #tpu.memory_space<vmem_shared>> -> memref<16x16xf32, #tpu.memory_space<vmem_shared>>
      tpu.enqueue_dma source(%arg8 : memref<16x16xf32, #tpu.memory_space<vmem>>) target(%dma_start3A_240 : memref<16x16xf32, #tpu.memory_space<vmem_shared>>) target_semaphore(%run_scoped3A : memref<!tpu.dma_semaphore, #tpu.memory_space<semaphore_mem>>)
      %dma_wait3A_241 = arith.constant 0 : i32
      %dma_wait3A_242 = tpu.memref_slice %arg9[%add3A_48, %dma_wait3A_241] : memref<10240x16xf32, #tpu.memory_space<vmem_shared>> -> memref<16x16xf32, #tpu.memory_space<vmem_shared>>
      %dma_wait3A_243 = arith.constant 0 : i32
      %dma_wait3A_244 = tpu.memref_slice %arg9[%add3A_48, %dma_wait3A_243] : memref<10240x16xf32, #tpu.memory_space<vmem_shared>> -> memref<16x16xf32, #tpu.memory_space<vmem_shared>>
      tpu.wait_dma2 semaphore(%run_scoped3A : memref<!tpu.dma_semaphore, #tpu.memory_space<semaphore_mem>>) src(%arg8 : memref<16x16xf32, #tpu.memory_space<vmem>>) dst(%dma_wait3A_244 : memref<16x16xf32, #tpu.memory_space<vmem_shared>>)
      tpu.yield
    }) : () -> ()
    %mul3A_49 = arith.constant 640 : i32
    %mul3A_50 = arith.muli %arg1, %mul3A_49 : i32
    %add3A_51 = arith.constant 112 : i32
    %add3A_52 = arith.addi %mul3A_50, %add3A_51 : i32
    "tpu.region"() ({
      %run_scoped3A = tpu.sem_alloc : memref<!tpu.dma_semaphore, #tpu.memory_space<semaphore_mem>>
      %dma_start3A_237 = arith.constant 0 : i32
      %dma_start3A_238 = tpu.memref_slice %arg9[%add3A_52, %dma_start3A_237] : memref<10240x16xf32, #tpu.memory_space<vmem_shared>> -> memref<16x16xf32, #tpu.memory_space<vmem_shared>>
      %dma_start3A_239 = arith.constant 0 : i32
      %dma_start3A_240 = tpu.memref_slice %arg9[%add3A_52, %dma_start3A_239] : memref<10240x16xf32, #tpu.memory_space<vmem_shared>> -> memref<16x16xf32, #tpu.memory_space<vmem_shared>>
      tpu.enqueue_dma source(%arg8 : memref<16x16xf32, #tpu.memory_space<vmem>>) target(%dma_start3A_240 : memref<16x16xf32, #tpu.memory_space<vmem_shared>>) target_semaphore(%run_scoped3A : memref<!tpu.dma_semaphore, #tpu.memory_space<semaphore_mem>>)
      %dma_wait3A_241 = arith.constant 0 : i32
      %dma_wait3A_242 = tpu.memref_slice %arg9[%add3A_52, %dma_wait3A_241] : memref<10240x16xf32, #tpu.memory_space<vmem_shared>> -> memref<16x16xf32, #tpu.memory_space<vmem_shared>>
      %dma_wait3A_243 = arith.constant 0 : i32
      %dma_wait3A_244 = tpu.memref_slice %arg9[%add3A_52, %dma_wait3A_243] : memref<10240x16xf32, #tpu.memory_space<vmem_shared>> -> memref<16x16xf32, #tpu.memory_space<vmem_shared>>
      tpu.wait_dma2 semaphore(%run_scoped3A : memref<!tpu.dma_semaphore, #tpu.memory_space<semaphore_mem>>) src(%arg8 : memref<16x16xf32, #tpu.memory_space<vmem>>) dst(%dma_wait3A_244 : memref<16x16xf32, #tpu.memory_space<vmem_shared>>)
      tpu.yield
    }) : () -> ()
    %mul3A_53 = arith.constant 640 : i32
    %mul3A_54 = arith.muli %arg1, %mul3A_53 : i32
    %add3A_55 = arith.constant 128 : i32
    %add3A_56 = arith.addi %mul3A_54, %add3A_55 : i32
    "tpu.region"() ({
      %run_scoped3A = tpu.sem_alloc : memref<!tpu.dma_semaphore, #tpu.memory_space<semaphore_mem>>
      %dma_start3A_237 = arith.constant 0 : i32
      %dma_start3A_238 = tpu.memref_slice %arg9[%add3A_56, %dma_start3A_237] : memref<10240x16xf32, #tpu.memory_space<vmem_shared>> -> memref<16x16xf32, #tpu.memory_space<vmem_shared>>
      %dma_start3A_239 = arith.constant 0 : i32
      %dma_start3A_240 = tpu.memref_slice %arg9[%add3A_56, %dma_start3A_239] : memref<10240x16xf32, #tpu.memory_space<vmem_shared>> -> memref<16x16xf32, #tpu.memory_space<vmem_shared>>
      tpu.enqueue_dma source(%arg8 : memref<16x16xf32, #tpu.memory_space<vmem>>) target(%dma_start3A_240 : memref<16x16xf32, #tpu.memory_space<vmem_shared>>) target_semaphore(%run_scoped3A : memref<!tpu.dma_semaphore, #tpu.memory_space<semaphore_mem>>)
      %dma_wait3A_241 = arith.constant 0 : i32
      %dma_wait3A_242 = tpu.memref_slice %arg9[%add3A_56, %dma_wait3A_241] : memref<10240x16xf32, #tpu.memory_space<vmem_shared>> -> memref<16x16xf32, #tpu.memory_space<vmem_shared>>
      %dma_wait3A_243 = arith.constant 0 : i32
      %dma_wait3A_244 = tpu.memref_slice %arg9[%add3A_56, %dma_wait3A_243] : memref<10240x16xf32, #tpu.memory_space<vmem_shared>> -> memref<16x16xf32, #tpu.memory_space<vmem_shared>>
      tpu.wait_dma2 semaphore(%run_scoped3A : memref<!tpu.dma_semaphore, #tpu.memory_space<semaphore_mem>>) src(%arg8 : memref<16x16xf32, #tpu.memory_space<vmem>>) dst(%dma_wait3A_244 : memref<16x16xf32, #tpu.memory_space<vmem_shared>>)
      tpu.yield
    }) : () -> ()
    %mul3A_57 = arith.constant 640 : i32
    %mul3A_58 = arith.muli %arg1, %mul3A_57 : i32
    %add3A_59 = arith.constant 144 : i32
    %add3A_60 = arith.addi %mul3A_58, %add3A_59 : i32
    "tpu.region"() ({
      %run_scoped3A = tpu.sem_alloc : memref<!tpu.dma_semaphore, #tpu.memory_space<semaphore_mem>>
      %dma_start3A_237 = arith.constant 0 : i32
      %dma_start3A_238 = tpu.memref_slice %arg9[%add3A_60, %dma_start3A_237] : memref<10240x16xf32, #tpu.memory_space<vmem_shared>> -> memref<16x16xf32, #tpu.memory_space<vmem_shared>>
      %dma_start3A_239 = arith.constant 0 : i32
      %dma_start3A_240 = tpu.memref_slice %arg9[%add3A_60, %dma_start3A_239] : memref<10240x16xf32, #tpu.memory_space<vmem_shared>> -> memref<16x16xf32, #tpu.memory_space<vmem_shared>>
      tpu.enqueue_dma source(%arg8 : memref<16x16xf32, #tpu.memory_space<vmem>>) target(%dma_start3A_240 : memref<16x16xf32, #tpu.memory_space<vmem_shared>>) target_semaphore(%run_scoped3A : memref<!tpu.dma_semaphore, #tpu.memory_space<semaphore_mem>>)
      %dma_wait3A_241 = arith.constant 0 : i32
      %dma_wait3A_242 = tpu.memref_slice %arg9[%add3A_60, %dma_wait3A_241] : memref<10240x16xf32, #tpu.memory_space<vmem_shared>> -> memref<16x16xf32, #tpu.memory_space<vmem_shared>>
      %dma_wait3A_243 = arith.constant 0 : i32
      %dma_wait3A_244 = tpu.memref_slice %arg9[%add3A_60, %dma_wait3A_243] : memref<10240x16xf32, #tpu.memory_space<vmem_shared>> -> memref<16x16xf32, #tpu.memory_space<vmem_shared>>
      tpu.wait_dma2 semaphore(%run_scoped3A : memref<!tpu.dma_semaphore, #tpu.memory_space<semaphore_mem>>) src(%arg8 : memref<16x16xf32, #tpu.memory_space<vmem>>) dst(%dma_wait3A_244 : memref<16x16xf32, #tpu.memory_space<vmem_shared>>)
      tpu.yield
    }) : () -> ()
    %mul3A_61 = arith.constant 640 : i32
    %mul3A_62 = arith.muli %arg1, %mul3A_61 : i32
    %add3A_63 = arith.constant 160 : i32
    %add3A_64 = arith.addi %mul3A_62, %add3A_63 : i32
    "tpu.region"() ({
      %run_scoped3A = tpu.sem_alloc : memref<!tpu.dma_semaphore, #tpu.memory_space<semaphore_mem>>
      %dma_start3A_237 = arith.constant 0 : i32
      %dma_start3A_238 = tpu.memref_slice %arg9[%add3A_64, %dma_start3A_237] : memref<10240x16xf32, #tpu.memory_space<vmem_shared>> -> memref<16x16xf32, #tpu.memory_space<vmem_shared>>
      %dma_start3A_239 = arith.constant 0 : i32
      %dma_start3A_240 = tpu.memref_slice %arg9[%add3A_64, %dma_start3A_239] : memref<10240x16xf32, #tpu.memory_space<vmem_shared>> -> memref<16x16xf32, #tpu.memory_space<vmem_shared>>
      tpu.enqueue_dma source(%arg8 : memref<16x16xf32, #tpu.memory_space<vmem>>) target(%dma_start3A_240 : memref<16x16xf32, #tpu.memory_space<vmem_shared>>) target_semaphore(%run_scoped3A : memref<!tpu.dma_semaphore, #tpu.memory_space<semaphore_mem>>)
      %dma_wait3A_241 = arith.constant 0 : i32
      %dma_wait3A_242 = tpu.memref_slice %arg9[%add3A_64, %dma_wait3A_241] : memref<10240x16xf32, #tpu.memory_space<vmem_shared>> -> memref<16x16xf32, #tpu.memory_space<vmem_shared>>
      %dma_wait3A_243 = arith.constant 0 : i32
      %dma_wait3A_244 = tpu.memref_slice %arg9[%add3A_64, %dma_wait3A_243] : memref<10240x16xf32, #tpu.memory_space<vmem_shared>> -> memref<16x16xf32, #tpu.memory_space<vmem_shared>>
      tpu.wait_dma2 semaphore(%run_scoped3A : memref<!tpu.dma_semaphore, #tpu.memory_space<semaphore_mem>>) src(%arg8 : memref<16x16xf32, #tpu.memory_space<vmem>>) dst(%dma_wait3A_244 : memref<16x16xf32, #tpu.memory_space<vmem_shared>>)
      tpu.yield
    }) : () -> ()
    %mul3A_65 = arith.constant 640 : i32
    %mul3A_66 = arith.muli %arg1, %mul3A_65 : i32
    %add3A_67 = arith.constant 176 : i32
    %add3A_68 = arith.addi %mul3A_66, %add3A_67 : i32
    "tpu.region"() ({
      %run_scoped3A = tpu.sem_alloc : memref<!tpu.dma_semaphore, #tpu.memory_space<semaphore_mem>>
      %dma_start3A_237 = arith.constant 0 : i32
      %dma_start3A_238 = tpu.memref_slice %arg9[%add3A_68, %dma_start3A_237] : memref<10240x16xf32, #tpu.memory_space<vmem_shared>> -> memref<16x16xf32, #tpu.memory_space<vmem_shared>>
      %dma_start3A_239 = arith.constant 0 : i32
      %dma_start3A_240 = tpu.memref_slice %arg9[%add3A_68, %dma_start3A_239] : memref<10240x16xf32, #tpu.memory_space<vmem_shared>> -> memref<16x16xf32, #tpu.memory_space<vmem_shared>>
      tpu.enqueue_dma source(%arg8 : memref<16x16xf32, #tpu.memory_space<vmem>>) target(%dma_start3A_240 : memref<16x16xf32, #tpu.memory_space<vmem_shared>>) target_semaphore(%run_scoped3A : memref<!tpu.dma_semaphore, #tpu.memory_space<semaphore_mem>>)
      %dma_wait3A_241 = arith.constant 0 : i32
      %dma_wait3A_242 = tpu.memref_slice %arg9[%add3A_68, %dma_wait3A_241] : memref<10240x16xf32, #tpu.memory_space<vmem_shared>> -> memref<16x16xf32, #tpu.memory_space<vmem_shared>>
      %dma_wait3A_243 = arith.constant 0 : i32
      %dma_wait3A_244 = tpu.memref_slice %arg9[%add3A_68, %dma_wait3A_243] : memref<10240x16xf32, #tpu.memory_space<vmem_shared>> -> memref<16x16xf32, #tpu.memory_space<vmem_shared>>
      tpu.wait_dma2 semaphore(%run_scoped3A : memref<!tpu.dma_semaphore, #tpu.memory_space<semaphore_mem>>) src(%arg8 : memref<16x16xf32, #tpu.memory_space<vmem>>) dst(%dma_wait3A_244 : memref<16x16xf32, #tpu.memory_space<vmem_shared>>)
      tpu.yield
    }) : () -> ()
    %mul3A_69 = arith.constant 640 : i32
    %mul3A_70 = arith.muli %arg1, %mul3A_69 : i32
    %add3A_71 = arith.constant 192 : i32
    %add3A_72 = arith.addi %mul3A_70, %add3A_71 : i32
    "tpu.region"() ({
      %run_scoped3A = tpu.sem_alloc : memref<!tpu.dma_semaphore, #tpu.memory_space<semaphore_mem>>
      %dma_start3A_237 = arith.constant 0 : i32
      %dma_start3A_238 = tpu.memref_slice %arg9[%add3A_72, %dma_start3A_237] : memref<10240x16xf32, #tpu.memory_space<vmem_shared>> -> memref<16x16xf32, #tpu.memory_space<vmem_shared>>
      %dma_start3A_239 = arith.constant 0 : i32
      %dma_start3A_240 = tpu.memref_slice %arg9[%add3A_72, %dma_start3A_239] : memref<10240x16xf32, #tpu.memory_space<vmem_shared>> -> memref<16x16xf32, #tpu.memory_space<vmem_shared>>
      tpu.enqueue_dma source(%arg8 : memref<16x16xf32, #tpu.memory_space<vmem>>) target(%dma_start3A_240 : memref<16x16xf32, #tpu.memory_space<vmem_shared>>) target_semaphore(%run_scoped3A : memref<!tpu.dma_semaphore, #tpu.memory_space<semaphore_mem>>)
      %dma_wait3A_241 = arith.constant 0 : i32
      %dma_wait3A_242 = tpu.memref_slice %arg9[%add3A_72, %dma_wait3A_241] : memref<10240x16xf32, #tpu.memory_space<vmem_shared>> -> memref<16x16xf32, #tpu.memory_space<vmem_shared>>
      %dma_wait3A_243 = arith.constant 0 : i32
      %dma_wait3A_244 = tpu.memref_slice %arg9[%add3A_72, %dma_wait3A_243] : memref<10240x16xf32, #tpu.memory_space<vmem_shared>> -> memref<16x16xf32, #tpu.memory_space<vmem_shared>>
      tpu.wait_dma2 semaphore(%run_scoped3A : memref<!tpu.dma_semaphore, #tpu.memory_space<semaphore_mem>>) src(%arg8 : memref<16x16xf32, #tpu.memory_space<vmem>>) dst(%dma_wait3A_244 : memref<16x16xf32, #tpu.memory_space<vmem_shared>>)
      tpu.yield
    }) : () -> ()
    %mul3A_73 = arith.constant 640 : i32
    %mul3A_74 = arith.muli %arg1, %mul3A_73 : i32
    %add3A_75 = arith.constant 208 : i32
    %add3A_76 = arith.addi %mul3A_74, %add3A_75 : i32
    "tpu.region"() ({
      %run_scoped3A = tpu.sem_alloc : memref<!tpu.dma_semaphore, #tpu.memory_space<semaphore_mem>>
      %dma_start3A_237 = arith.constant 0 : i32
      %dma_start3A_238 = tpu.memref_slice %arg9[%add3A_76, %dma_start3A_237] : memref<10240x16xf32, #tpu.memory_space<vmem_shared>> -> memref<16x16xf32, #tpu.memory_space<vmem_shared>>
      %dma_start3A_239 = arith.constant 0 : i32
      %dma_start3A_240 = tpu.memref_slice %arg9[%add3A_76, %dma_start3A_239] : memref<10240x16xf32, #tpu.memory_space<vmem_shared>> -> memref<16x16xf32, #tpu.memory_space<vmem_shared>>
      tpu.enqueue_dma source(%arg8 : memref<16x16xf32, #tpu.memory_space<vmem>>) target(%dma_start3A_240 : memref<16x16xf32, #tpu.memory_space<vmem_shared>>) target_semaphore(%run_scoped3A : memref<!tpu.dma_semaphore, #tpu.memory_space<semaphore_mem>>)
      %dma_wait3A_241 = arith.constant 0 : i32
      %dma_wait3A_242 = tpu.memref_slice %arg9[%add3A_76, %dma_wait3A_241] : memref<10240x16xf32, #tpu.memory_space<vmem_shared>> -> memref<16x16xf32, #tpu.memory_space<vmem_shared>>
      %dma_wait3A_243 = arith.constant 0 : i32
      %dma_wait3A_244 = tpu.memref_slice %arg9[%add3A_76, %dma_wait3A_243] : memref<10240x16xf32, #tpu.memory_space<vmem_shared>> -> memref<16x16xf32, #tpu.memory_space<vmem_shared>>
      tpu.wait_dma2 semaphore(%run_scoped3A : memref<!tpu.dma_semaphore, #tpu.memory_space<semaphore_mem>>) src(%arg8 : memref<16x16xf32, #tpu.memory_space<vmem>>) dst(%dma_wait3A_244 : memref<16x16xf32, #tpu.memory_space<vmem_shared>>)
      tpu.yield
    }) : () -> ()
    %mul3A_77 = arith.constant 640 : i32
    %mul3A_78 = arith.muli %arg1, %mul3A_77 : i32
    %add3A_79 = arith.constant 224 : i32
    %add3A_80 = arith.addi %mul3A_78, %add3A_79 : i32
    "tpu.region"() ({
      %run_scoped3A = tpu.sem_alloc : memref<!tpu.dma_semaphore, #tpu.memory_space<semaphore_mem>>
      %dma_start3A_237 = arith.constant 0 : i32
      %dma_start3A_238 = tpu.memref_slice %arg9[%add3A_80, %dma_start3A_237] : memref<10240x16xf32, #tpu.memory_space<vmem_shared>> -> memref<16x16xf32, #tpu.memory_space<vmem_shared>>
      %dma_start3A_239 = arith.constant 0 : i32
      %dma_start3A_240 = tpu.memref_slice %arg9[%add3A_80, %dma_start3A_239] : memref<10240x16xf32, #tpu.memory_space<vmem_shared>> -> memref<16x16xf32, #tpu.memory_space<vmem_shared>>
      tpu.enqueue_dma source(%arg8 : memref<16x16xf32, #tpu.memory_space<vmem>>) target(%dma_start3A_240 : memref<16x16xf32, #tpu.memory_space<vmem_shared>>) target_semaphore(%run_scoped3A : memref<!tpu.dma_semaphore, #tpu.memory_space<semaphore_mem>>)
      %dma_wait3A_241 = arith.constant 0 : i32
      %dma_wait3A_242 = tpu.memref_slice %arg9[%add3A_80, %dma_wait3A_241] : memref<10240x16xf32, #tpu.memory_space<vmem_shared>> -> memref<16x16xf32, #tpu.memory_space<vmem_shared>>
      %dma_wait3A_243 = arith.constant 0 : i32
      %dma_wait3A_244 = tpu.memref_slice %arg9[%add3A_80, %dma_wait3A_243] : memref<10240x16xf32, #tpu.memory_space<vmem_shared>> -> memref<16x16xf32, #tpu.memory_space<vmem_shared>>
      tpu.wait_dma2 semaphore(%run_scoped3A : memref<!tpu.dma_semaphore, #tpu.memory_space<semaphore_mem>>) src(%arg8 : memref<16x16xf32, #tpu.memory_space<vmem>>) dst(%dma_wait3A_244 : memref<16x16xf32, #tpu.memory_space<vmem_shared>>)
      tpu.yield
    }) : () -> ()
    %mul3A_81 = arith.constant 640 : i32
    %mul3A_82 = arith.muli %arg1, %mul3A_81 : i32
    %add3A_83 = arith.constant 240 : i32
    %add3A_84 = arith.addi %mul3A_82, %add3A_83 : i32
    "tpu.region"() ({
      %run_scoped3A = tpu.sem_alloc : memref<!tpu.dma_semaphore, #tpu.memory_space<semaphore_mem>>
      %dma_start3A_237 = arith.constant 0 : i32
      %dma_start3A_238 = tpu.memref_slice %arg9[%add3A_84, %dma_start3A_237] : memref<10240x16xf32, #tpu.memory_space<vmem_shared>> -> memref<16x16xf32, #tpu.memory_space<vmem_shared>>
      %dma_start3A_239 = arith.constant 0 : i32
      %dma_start3A_240 = tpu.memref_slice %arg9[%add3A_84, %dma_start3A_239] : memref<10240x16xf32, #tpu.memory_space<vmem_shared>> -> memref<16x16xf32, #tpu.memory_space<vmem_shared>>
      tpu.enqueue_dma source(%arg8 : memref<16x16xf32, #tpu.memory_space<vmem>>) target(%dma_start3A_240 : memref<16x16xf32, #tpu.memory_space<vmem_shared>>) target_semaphore(%run_scoped3A : memref<!tpu.dma_semaphore, #tpu.memory_space<semaphore_mem>>)
      %dma_wait3A_241 = arith.constant 0 : i32
      %dma_wait3A_242 = tpu.memref_slice %arg9[%add3A_84, %dma_wait3A_241] : memref<10240x16xf32, #tpu.memory_space<vmem_shared>> -> memref<16x16xf32, #tpu.memory_space<vmem_shared>>
      %dma_wait3A_243 = arith.constant 0 : i32
      %dma_wait3A_244 = tpu.memref_slice %arg9[%add3A_84, %dma_wait3A_243] : memref<10240x16xf32, #tpu.memory_space<vmem_shared>> -> memref<16x16xf32, #tpu.memory_space<vmem_shared>>
      tpu.wait_dma2 semaphore(%run_scoped3A : memref<!tpu.dma_semaphore, #tpu.memory_space<semaphore_mem>>) src(%arg8 : memref<16x16xf32, #tpu.memory_space<vmem>>) dst(%dma_wait3A_244 : memref<16x16xf32, #tpu.memory_space<vmem_shared>>)
      tpu.yield
    }) : () -> ()
    %mul3A_85 = arith.constant 640 : i32
    %mul3A_86 = arith.muli %arg1, %mul3A_85 : i32
    %add3A_87 = arith.constant 256 : i32
    %add3A_88 = arith.addi %mul3A_86, %add3A_87 : i32
    "tpu.region"() ({
      %run_scoped3A = tpu.sem_alloc : memref<!tpu.dma_semaphore, #tpu.memory_space<semaphore_mem>>
      %dma_start3A_237 = arith.constant 0 : i32
      %dma_start3A_238 = tpu.memref_slice %arg9[%add3A_88, %dma_start3A_237] : memref<10240x16xf32, #tpu.memory_space<vmem_shared>> -> memref<16x16xf32, #tpu.memory_space<vmem_shared>>
      %dma_start3A_239 = arith.constant 0 : i32
      %dma_start3A_240 = tpu.memref_slice %arg9[%add3A_88, %dma_start3A_239] : memref<10240x16xf32, #tpu.memory_space<vmem_shared>> -> memref<16x16xf32, #tpu.memory_space<vmem_shared>>
      tpu.enqueue_dma source(%arg8 : memref<16x16xf32, #tpu.memory_space<vmem>>) target(%dma_start3A_240 : memref<16x16xf32, #tpu.memory_space<vmem_shared>>) target_semaphore(%run_scoped3A : memref<!tpu.dma_semaphore, #tpu.memory_space<semaphore_mem>>)
      %dma_wait3A_241 = arith.constant 0 : i32
      %dma_wait3A_242 = tpu.memref_slice %arg9[%add3A_88, %dma_wait3A_241] : memref<10240x16xf32, #tpu.memory_space<vmem_shared>> -> memref<16x16xf32, #tpu.memory_space<vmem_shared>>
      %dma_wait3A_243 = arith.constant 0 : i32
      %dma_wait3A_244 = tpu.memref_slice %arg9[%add3A_88, %dma_wait3A_243] : memref<10240x16xf32, #tpu.memory_space<vmem_shared>> -> memref<16x16xf32, #tpu.memory_space<vmem_shared>>
      tpu.wait_dma2 semaphore(%run_scoped3A : memref<!tpu.dma_semaphore, #tpu.memory_space<semaphore_mem>>) src(%arg8 : memref<16x16xf32, #tpu.memory_space<vmem>>) dst(%dma_wait3A_244 : memref<16x16xf32, #tpu.memory_space<vmem_shared>>)
      tpu.yield
    }) : () -> ()
    %mul3A_89 = arith.constant 640 : i32
    %mul3A_90 = arith.muli %arg1, %mul3A_89 : i32
    %add3A_91 = arith.constant 272 : i32
    %add3A_92 = arith.addi %mul3A_90, %add3A_91 : i32
    "tpu.region"() ({
      %run_scoped3A = tpu.sem_alloc : memref<!tpu.dma_semaphore, #tpu.memory_space<semaphore_mem>>
      %dma_start3A_237 = arith.constant 0 : i32
      %dma_start3A_238 = tpu.memref_slice %arg9[%add3A_92, %dma_start3A_237] : memref<10240x16xf32, #tpu.memory_space<vmem_shared>> -> memref<16x16xf32, #tpu.memory_space<vmem_shared>>
      %dma_start3A_239 = arith.constant 0 : i32
      %dma_start3A_240 = tpu.memref_slice %arg9[%add3A_92, %dma_start3A_239] : memref<10240x16xf32, #tpu.memory_space<vmem_shared>> -> memref<16x16xf32, #tpu.memory_space<vmem_shared>>
      tpu.enqueue_dma source(%arg8 : memref<16x16xf32, #tpu.memory_space<vmem>>) target(%dma_start3A_240 : memref<16x16xf32, #tpu.memory_space<vmem_shared>>) target_semaphore(%run_scoped3A : memref<!tpu.dma_semaphore, #tpu.memory_space<semaphore_mem>>)
      %dma_wait3A_241 = arith.constant 0 : i32
      %dma_wait3A_242 = tpu.memref_slice %arg9[%add3A_92, %dma_wait3A_241] : memref<10240x16xf32, #tpu.memory_space<vmem_shared>> -> memref<16x16xf32, #tpu.memory_space<vmem_shared>>
      %dma_wait3A_243 = arith.constant 0 : i32
      %dma_wait3A_244 = tpu.memref_slice %arg9[%add3A_92, %dma_wait3A_243] : memref<10240x16xf32, #tpu.memory_space<vmem_shared>> -> memref<16x16xf32, #tpu.memory_space<vmem_shared>>
      tpu.wait_dma2 semaphore(%run_scoped3A : memref<!tpu.dma_semaphore, #tpu.memory_space<semaphore_mem>>) src(%arg8 : memref<16x16xf32, #tpu.memory_space<vmem>>) dst(%dma_wait3A_244 : memref<16x16xf32, #tpu.memory_space<vmem_shared>>)
      tpu.yield
    }) : () -> ()
    %mul3A_93 = arith.constant 640 : i32
    %mul3A_94 = arith.muli %arg1, %mul3A_93 : i32
    %add3A_95 = arith.constant 288 : i32
    %add3A_96 = arith.addi %mul3A_94, %add3A_95 : i32
    "tpu.region"() ({
      %run_scoped3A = tpu.sem_alloc : memref<!tpu.dma_semaphore, #tpu.memory_space<semaphore_mem>>
      %dma_start3A_237 = arith.constant 0 : i32
      %dma_start3A_238 = tpu.memref_slice %arg9[%add3A_96, %dma_start3A_237] : memref<10240x16xf32, #tpu.memory_space<vmem_shared>> -> memref<16x16xf32, #tpu.memory_space<vmem_shared>>
      %dma_start3A_239 = arith.constant 0 : i32
      %dma_start3A_240 = tpu.memref_slice %arg9[%add3A_96, %dma_start3A_239] : memref<10240x16xf32, #tpu.memory_space<vmem_shared>> -> memref<16x16xf32, #tpu.memory_space<vmem_shared>>
      tpu.enqueue_dma source(%arg8 : memref<16x16xf32, #tpu.memory_space<vmem>>) target(%dma_start3A_240 : memref<16x16xf32, #tpu.memory_space<vmem_shared>>) target_semaphore(%run_scoped3A : memref<!tpu.dma_semaphore, #tpu.memory_space<semaphore_mem>>)
      %dma_wait3A_241 = arith.constant 0 : i32
      %dma_wait3A_242 = tpu.memref_slice %arg9[%add3A_96, %dma_wait3A_241] : memref<10240x16xf32, #tpu.memory_space<vmem_shared>> -> memref<16x16xf32, #tpu.memory_space<vmem_shared>>
      %dma_wait3A_243 = arith.constant 0 : i32
      %dma_wait3A_244 = tpu.memref_slice %arg9[%add3A_96, %dma_wait3A_243] : memref<10240x16xf32, #tpu.memory_space<vmem_shared>> -> memref<16x16xf32, #tpu.memory_space<vmem_shared>>
      tpu.wait_dma2 semaphore(%run_scoped3A : memref<!tpu.dma_semaphore, #tpu.memory_space<semaphore_mem>>) src(%arg8 : memref<16x16xf32, #tpu.memory_space<vmem>>) dst(%dma_wait3A_244 : memref<16x16xf32, #tpu.memory_space<vmem_shared>>)
      tpu.yield
    }) : () -> ()
    %mul3A_97 = arith.constant 640 : i32
    %mul3A_98 = arith.muli %arg1, %mul3A_97 : i32
    %add3A_99 = arith.constant 304 : i32
    %add3A_100 = arith.addi %mul3A_98, %add3A_99 : i32
    "tpu.region"() ({
      %run_scoped3A = tpu.sem_alloc : memref<!tpu.dma_semaphore, #tpu.memory_space<semaphore_mem>>
      %dma_start3A_237 = arith.constant 0 : i32
      %dma_start3A_238 = tpu.memref_slice %arg9[%add3A_100, %dma_start3A_237] : memref<10240x16xf32, #tpu.memory_space<vmem_shared>> -> memref<16x16xf32, #tpu.memory_space<vmem_shared>>
      %dma_start3A_239 = arith.constant 0 : i32
      %dma_start3A_240 = tpu.memref_slice %arg9[%add3A_100, %dma_start3A_239] : memref<10240x16xf32, #tpu.memory_space<vmem_shared>> -> memref<16x16xf32, #tpu.memory_space<vmem_shared>>
      tpu.enqueue_dma source(%arg8 : memref<16x16xf32, #tpu.memory_space<vmem>>) target(%dma_start3A_240 : memref<16x16xf32, #tpu.memory_space<vmem_shared>>) target_semaphore(%run_scoped3A : memref<!tpu.dma_semaphore, #tpu.memory_space<semaphore_mem>>)
      %dma_wait3A_241 = arith.constant 0 : i32
      %dma_wait3A_242 = tpu.memref_slice %arg9[%add3A_100, %dma_wait3A_241] : memref<10240x16xf32, #tpu.memory_space<vmem_shared>> -> memref<16x16xf32, #tpu.memory_space<vmem_shared>>
      %dma_wait3A_243 = arith.constant 0 : i32
      %dma_wait3A_244 = tpu.memref_slice %arg9[%add3A_100, %dma_wait3A_243] : memref<10240x16xf32, #tpu.memory_space<vmem_shared>> -> memref<16x16xf32, #tpu.memory_space<vmem_shared>>
      tpu.wait_dma2 semaphore(%run_scoped3A : memref<!tpu.dma_semaphore, #tpu.memory_space<semaphore_mem>>) src(%arg8 : memref<16x16xf32, #tpu.memory_space<vmem>>) dst(%dma_wait3A_244 : memref<16x16xf32, #tpu.memory_space<vmem_shared>>)
      tpu.yield
    }) : () -> ()
    %mul3A_101 = arith.constant 640 : i32
    %mul3A_102 = arith.muli %arg1, %mul3A_101 : i32
    %add3A_103 = arith.constant 320 : i32
    %add3A_104 = arith.addi %mul3A_102, %add3A_103 : i32
    "tpu.region"() ({
      %run_scoped3A = tpu.sem_alloc : memref<!tpu.dma_semaphore, #tpu.memory_space<semaphore_mem>>
      %dma_start3A_237 = arith.constant 0 : i32
      %dma_start3A_238 = tpu.memref_slice %arg9[%add3A_104, %dma_start3A_237] : memref<10240x16xf32, #tpu.memory_space<vmem_shared>> -> memref<16x16xf32, #tpu.memory_space<vmem_shared>>
      %dma_start3A_239 = arith.constant 0 : i32
      %dma_start3A_240 = tpu.memref_slice %arg9[%add3A_104, %dma_start3A_239] : memref<10240x16xf32, #tpu.memory_space<vmem_shared>> -> memref<16x16xf32, #tpu.memory_space<vmem_shared>>
      tpu.enqueue_dma source(%arg8 : memref<16x16xf32, #tpu.memory_space<vmem>>) target(%dma_start3A_240 : memref<16x16xf32, #tpu.memory_space<vmem_shared>>) target_semaphore(%run_scoped3A : memref<!tpu.dma_semaphore, #tpu.memory_space<semaphore_mem>>)
      %dma_wait3A_241 = arith.constant 0 : i32
      %dma_wait3A_242 = tpu.memref_slice %arg9[%add3A_104, %dma_wait3A_241] : memref<10240x16xf32, #tpu.memory_space<vmem_shared>> -> memref<16x16xf32, #tpu.memory_space<vmem_shared>>
      %dma_wait3A_243 = arith.constant 0 : i32
      %dma_wait3A_244 = tpu.memref_slice %arg9[%add3A_104, %dma_wait3A_243] : memref<10240x16xf32, #tpu.memory_space<vmem_shared>> -> memref<16x16xf32, #tpu.memory_space<vmem_shared>>
      tpu.wait_dma2 semaphore(%run_scoped3A : memref<!tpu.dma_semaphore, #tpu.memory_space<semaphore_mem>>) src(%arg8 : memref<16x16xf32, #tpu.memory_space<vmem>>) dst(%dma_wait3A_244 : memref<16x16xf32, #tpu.memory_space<vmem_shared>>)
      tpu.yield
    }) : () -> ()
    %mul3A_105 = arith.constant 640 : i32
    %mul3A_106 = arith.muli %arg1, %mul3A_105 : i32
    %add3A_107 = arith.constant 336 : i32
    %add3A_108 = arith.addi %mul3A_106, %add3A_107 : i32
    "tpu.region"() ({
      %run_scoped3A = tpu.sem_alloc : memref<!tpu.dma_semaphore, #tpu.memory_space<semaphore_mem>>
      %dma_start3A_237 = arith.constant 0 : i32
      %dma_start3A_238 = tpu.memref_slice %arg9[%add3A_108, %dma_start3A_237] : memref<10240x16xf32, #tpu.memory_space<vmem_shared>> -> memref<16x16xf32, #tpu.memory_space<vmem_shared>>
      %dma_start3A_239 = arith.constant 0 : i32
      %dma_start3A_240 = tpu.memref_slice %arg9[%add3A_108, %dma_start3A_239] : memref<10240x16xf32, #tpu.memory_space<vmem_shared>> -> memref<16x16xf32, #tpu.memory_space<vmem_shared>>
      tpu.enqueue_dma source(%arg8 : memref<16x16xf32, #tpu.memory_space<vmem>>) target(%dma_start3A_240 : memref<16x16xf32, #tpu.memory_space<vmem_shared>>) target_semaphore(%run_scoped3A : memref<!tpu.dma_semaphore, #tpu.memory_space<semaphore_mem>>)
      %dma_wait3A_241 = arith.constant 0 : i32
      %dma_wait3A_242 = tpu.memref_slice %arg9[%add3A_108, %dma_wait3A_241] : memref<10240x16xf32, #tpu.memory_space<vmem_shared>> -> memref<16x16xf32, #tpu.memory_space<vmem_shared>>
      %dma_wait3A_243 = arith.constant 0 : i32
      %dma_wait3A_244 = tpu.memref_slice %arg9[%add3A_108, %dma_wait3A_243] : memref<10240x16xf32, #tpu.memory_space<vmem_shared>> -> memref<16x16xf32, #tpu.memory_space<vmem_shared>>
      tpu.wait_dma2 semaphore(%run_scoped3A : memref<!tpu.dma_semaphore, #tpu.memory_space<semaphore_mem>>) src(%arg8 : memref<16x16xf32, #tpu.memory_space<vmem>>) dst(%dma_wait3A_244 : memref<16x16xf32, #tpu.memory_space<vmem_shared>>)
      tpu.yield
    }) : () -> ()
    %mul3A_109 = arith.constant 640 : i32
    %mul3A_110 = arith.muli %arg1, %mul3A_109 : i32
    %add3A_111 = arith.constant 352 : i32
    %add3A_112 = arith.addi %mul3A_110, %add3A_111 : i32
    "tpu.region"() ({
      %run_scoped3A = tpu.sem_alloc : memref<!tpu.dma_semaphore, #tpu.memory_space<semaphore_mem>>
      %dma_start3A_237 = arith.constant 0 : i32
      %dma_start3A_238 = tpu.memref_slice %arg9[%add3A_112, %dma_start3A_237] : memref<10240x16xf32, #tpu.memory_space<vmem_shared>> -> memref<16x16xf32, #tpu.memory_space<vmem_shared>>
      %dma_start3A_239 = arith.constant 0 : i32
      %dma_start3A_240 = tpu.memref_slice %arg9[%add3A_112, %dma_start3A_239] : memref<10240x16xf32, #tpu.memory_space<vmem_shared>> -> memref<16x16xf32, #tpu.memory_space<vmem_shared>>
      tpu.enqueue_dma source(%arg8 : memref<16x16xf32, #tpu.memory_space<vmem>>) target(%dma_start3A_240 : memref<16x16xf32, #tpu.memory_space<vmem_shared>>) target_semaphore(%run_scoped3A : memref<!tpu.dma_semaphore, #tpu.memory_space<semaphore_mem>>)
      %dma_wait3A_241 = arith.constant 0 : i32
      %dma_wait3A_242 = tpu.memref_slice %arg9[%add3A_112, %dma_wait3A_241] : memref<10240x16xf32, #tpu.memory_space<vmem_shared>> -> memref<16x16xf32, #tpu.memory_space<vmem_shared>>
      %dma_wait3A_243 = arith.constant 0 : i32
      %dma_wait3A_244 = tpu.memref_slice %arg9[%add3A_112, %dma_wait3A_243] : memref<10240x16xf32, #tpu.memory_space<vmem_shared>> -> memref<16x16xf32, #tpu.memory_space<vmem_shared>>
      tpu.wait_dma2 semaphore(%run_scoped3A : memref<!tpu.dma_semaphore, #tpu.memory_space<semaphore_mem>>) src(%arg8 : memref<16x16xf32, #tpu.memory_space<vmem>>) dst(%dma_wait3A_244 : memref<16x16xf32, #tpu.memory_space<vmem_shared>>)
      tpu.yield
    }) : () -> ()
    %mul3A_113 = arith.constant 640 : i32
    %mul3A_114 = arith.muli %arg1, %mul3A_113 : i32
    %add3A_115 = arith.constant 368 : i32
    %add3A_116 = arith.addi %mul3A_114, %add3A_115 : i32
    "tpu.region"() ({
      %run_scoped3A = tpu.sem_alloc : memref<!tpu.dma_semaphore, #tpu.memory_space<semaphore_mem>>
      %dma_start3A_237 = arith.constant 0 : i32
      %dma_start3A_238 = tpu.memref_slice %arg9[%add3A_116, %dma_start3A_237] : memref<10240x16xf32, #tpu.memory_space<vmem_shared>> -> memref<16x16xf32, #tpu.memory_space<vmem_shared>>
      %dma_start3A_239 = arith.constant 0 : i32
      %dma_start3A_240 = tpu.memref_slice %arg9[%add3A_116, %dma_start3A_239] : memref<10240x16xf32, #tpu.memory_space<vmem_shared>> -> memref<16x16xf32, #tpu.memory_space<vmem_shared>>
      tpu.enqueue_dma source(%arg8 : memref<16x16xf32, #tpu.memory_space<vmem>>) target(%dma_start3A_240 : memref<16x16xf32, #tpu.memory_space<vmem_shared>>) target_semaphore(%run_scoped3A : memref<!tpu.dma_semaphore, #tpu.memory_space<semaphore_mem>>)
      %dma_wait3A_241 = arith.constant 0 : i32
      %dma_wait3A_242 = tpu.memref_slice %arg9[%add3A_116, %dma_wait3A_241] : memref<10240x16xf32, #tpu.memory_space<vmem_shared>> -> memref<16x16xf32, #tpu.memory_space<vmem_shared>>
      %dma_wait3A_243 = arith.constant 0 : i32
      %dma_wait3A_244 = tpu.memref_slice %arg9[%add3A_116, %dma_wait3A_243] : memref<10240x16xf32, #tpu.memory_space<vmem_shared>> -> memref<16x16xf32, #tpu.memory_space<vmem_shared>>
      tpu.wait_dma2 semaphore(%run_scoped3A : memref<!tpu.dma_semaphore, #tpu.memory_space<semaphore_mem>>) src(%arg8 : memref<16x16xf32, #tpu.memory_space<vmem>>) dst(%dma_wait3A_244 : memref<16x16xf32, #tpu.memory_space<vmem_shared>>)
      tpu.yield
    }) : () -> ()
    %mul3A_117 = arith.constant 640 : i32
    %mul3A_118 = arith.muli %arg1, %mul3A_117 : i32
    %add3A_119 = arith.constant 384 : i32
    %add3A_120 = arith.addi %mul3A_118, %add3A_119 : i32
    "tpu.region"() ({
      %run_scoped3A = tpu.sem_alloc : memref<!tpu.dma_semaphore, #tpu.memory_space<semaphore_mem>>
      %dma_start3A_237 = arith.constant 0 : i32
      %dma_start3A_238 = tpu.memref_slice %arg9[%add3A_120, %dma_start3A_237] : memref<10240x16xf32, #tpu.memory_space<vmem_shared>> -> memref<16x16xf32, #tpu.memory_space<vmem_shared>>
      %dma_start3A_239 = arith.constant 0 : i32
      %dma_start3A_240 = tpu.memref_slice %arg9[%add3A_120, %dma_start3A_239] : memref<10240x16xf32, #tpu.memory_space<vmem_shared>> -> memref<16x16xf32, #tpu.memory_space<vmem_shared>>
      tpu.enqueue_dma source(%arg8 : memref<16x16xf32, #tpu.memory_space<vmem>>) target(%dma_start3A_240 : memref<16x16xf32, #tpu.memory_space<vmem_shared>>) target_semaphore(%run_scoped3A : memref<!tpu.dma_semaphore, #tpu.memory_space<semaphore_mem>>)
      %dma_wait3A_241 = arith.constant 0 : i32
      %dma_wait3A_242 = tpu.memref_slice %arg9[%add3A_120, %dma_wait3A_241] : memref<10240x16xf32, #tpu.memory_space<vmem_shared>> -> memref<16x16xf32, #tpu.memory_space<vmem_shared>>
      %dma_wait3A_243 = arith.constant 0 : i32
      %dma_wait3A_244 = tpu.memref_slice %arg9[%add3A_120, %dma_wait3A_243] : memref<10240x16xf32, #tpu.memory_space<vmem_shared>> -> memref<16x16xf32, #tpu.memory_space<vmem_shared>>
      tpu.wait_dma2 semaphore(%run_scoped3A : memref<!tpu.dma_semaphore, #tpu.memory_space<semaphore_mem>>) src(%arg8 : memref<16x16xf32, #tpu.memory_space<vmem>>) dst(%dma_wait3A_244 : memref<16x16xf32, #tpu.memory_space<vmem_shared>>)
      tpu.yield
    }) : () -> ()
    %mul3A_121 = arith.constant 640 : i32
    %mul3A_122 = arith.muli %arg1, %mul3A_121 : i32
    %add3A_123 = arith.constant 400 : i32
    %add3A_124 = arith.addi %mul3A_122, %add3A_123 : i32
    "tpu.region"() ({
      %run_scoped3A = tpu.sem_alloc : memref<!tpu.dma_semaphore, #tpu.memory_space<semaphore_mem>>
      %dma_start3A_237 = arith.constant 0 : i32
      %dma_start3A_238 = tpu.memref_slice %arg9[%add3A_124, %dma_start3A_237] : memref<10240x16xf32, #tpu.memory_space<vmem_shared>> -> memref<16x16xf32, #tpu.memory_space<vmem_shared>>
      %dma_start3A_239 = arith.constant 0 : i32
      %dma_start3A_240 = tpu.memref_slice %arg9[%add3A_124, %dma_start3A_239] : memref<10240x16xf32, #tpu.memory_space<vmem_shared>> -> memref<16x16xf32, #tpu.memory_space<vmem_shared>>
      tpu.enqueue_dma source(%arg8 : memref<16x16xf32, #tpu.memory_space<vmem>>) target(%dma_start3A_240 : memref<16x16xf32, #tpu.memory_space<vmem_shared>>) target_semaphore(%run_scoped3A : memref<!tpu.dma_semaphore, #tpu.memory_space<semaphore_mem>>)
      %dma_wait3A_241 = arith.constant 0 : i32
      %dma_wait3A_242 = tpu.memref_slice %arg9[%add3A_124, %dma_wait3A_241] : memref<10240x16xf32, #tpu.memory_space<vmem_shared>> -> memref<16x16xf32, #tpu.memory_space<vmem_shared>>
      %dma_wait3A_243 = arith.constant 0 : i32
      %dma_wait3A_244 = tpu.memref_slice %arg9[%add3A_124, %dma_wait3A_243] : memref<10240x16xf32, #tpu.memory_space<vmem_shared>> -> memref<16x16xf32, #tpu.memory_space<vmem_shared>>
      tpu.wait_dma2 semaphore(%run_scoped3A : memref<!tpu.dma_semaphore, #tpu.memory_space<semaphore_mem>>) src(%arg8 : memref<16x16xf32, #tpu.memory_space<vmem>>) dst(%dma_wait3A_244 : memref<16x16xf32, #tpu.memory_space<vmem_shared>>)
      tpu.yield
    }) : () -> ()
    %mul3A_125 = arith.constant 640 : i32
    %mul3A_126 = arith.muli %arg1, %mul3A_125 : i32
    %add3A_127 = arith.constant 416 : i32
    %add3A_128 = arith.addi %mul3A_126, %add3A_127 : i32
    "tpu.region"() ({
      %run_scoped3A = tpu.sem_alloc : memref<!tpu.dma_semaphore, #tpu.memory_space<semaphore_mem>>
      %dma_start3A_237 = arith.constant 0 : i32
      %dma_start3A_238 = tpu.memref_slice %arg9[%add3A_128, %dma_start3A_237] : memref<10240x16xf32, #tpu.memory_space<vmem_shared>> -> memref<16x16xf32, #tpu.memory_space<vmem_shared>>
      %dma_start3A_239 = arith.constant 0 : i32
      %dma_start3A_240 = tpu.memref_slice %arg9[%add3A_128, %dma_start3A_239] : memref<10240x16xf32, #tpu.memory_space<vmem_shared>> -> memref<16x16xf32, #tpu.memory_space<vmem_shared>>
      tpu.enqueue_dma source(%arg8 : memref<16x16xf32, #tpu.memory_space<vmem>>) target(%dma_start3A_240 : memref<16x16xf32, #tpu.memory_space<vmem_shared>>) target_semaphore(%run_scoped3A : memref<!tpu.dma_semaphore, #tpu.memory_space<semaphore_mem>>)
      %dma_wait3A_241 = arith.constant 0 : i32
      %dma_wait3A_242 = tpu.memref_slice %arg9[%add3A_128, %dma_wait3A_241] : memref<10240x16xf32, #tpu.memory_space<vmem_shared>> -> memref<16x16xf32, #tpu.memory_space<vmem_shared>>
      %dma_wait3A_243 = arith.constant 0 : i32
      %dma_wait3A_244 = tpu.memref_slice %arg9[%add3A_128, %dma_wait3A_243] : memref<10240x16xf32, #tpu.memory_space<vmem_shared>> -> memref<16x16xf32, #tpu.memory_space<vmem_shared>>
      tpu.wait_dma2 semaphore(%run_scoped3A : memref<!tpu.dma_semaphore, #tpu.memory_space<semaphore_mem>>) src(%arg8 : memref<16x16xf32, #tpu.memory_space<vmem>>) dst(%dma_wait3A_244 : memref<16x16xf32, #tpu.memory_space<vmem_shared>>)
      tpu.yield
    }) : () -> ()
    %mul3A_129 = arith.constant 640 : i32
    %mul3A_130 = arith.muli %arg1, %mul3A_129 : i32
    %add3A_131 = arith.constant 432 : i32
    %add3A_132 = arith.addi %mul3A_130, %add3A_131 : i32
    "tpu.region"() ({
      %run_scoped3A = tpu.sem_alloc : memref<!tpu.dma_semaphore, #tpu.memory_space<semaphore_mem>>
      %dma_start3A_237 = arith.constant 0 : i32
      %dma_start3A_238 = tpu.memref_slice %arg9[%add3A_132, %dma_start3A_237] : memref<10240x16xf32, #tpu.memory_space<vmem_shared>> -> memref<16x16xf32, #tpu.memory_space<vmem_shared>>
      %dma_start3A_239 = arith.constant 0 : i32
      %dma_start3A_240 = tpu.memref_slice %arg9[%add3A_132, %dma_start3A_239] : memref<10240x16xf32, #tpu.memory_space<vmem_shared>> -> memref<16x16xf32, #tpu.memory_space<vmem_shared>>
      tpu.enqueue_dma source(%arg8 : memref<16x16xf32, #tpu.memory_space<vmem>>) target(%dma_start3A_240 : memref<16x16xf32, #tpu.memory_space<vmem_shared>>) target_semaphore(%run_scoped3A : memref<!tpu.dma_semaphore, #tpu.memory_space<semaphore_mem>>)
      %dma_wait3A_241 = arith.constant 0 : i32
      %dma_wait3A_242 = tpu.memref_slice %arg9[%add3A_132, %dma_wait3A_241] : memref<10240x16xf32, #tpu.memory_space<vmem_shared>> -> memref<16x16xf32, #tpu.memory_space<vmem_shared>>
      %dma_wait3A_243 = arith.constant 0 : i32
      %dma_wait3A_244 = tpu.memref_slice %arg9[%add3A_132, %dma_wait3A_243] : memref<10240x16xf32, #tpu.memory_space<vmem_shared>> -> memref<16x16xf32, #tpu.memory_space<vmem_shared>>
      tpu.wait_dma2 semaphore(%run_scoped3A : memref<!tpu.dma_semaphore, #tpu.memory_space<semaphore_mem>>) src(%arg8 : memref<16x16xf32, #tpu.memory_space<vmem>>) dst(%dma_wait3A_244 : memref<16x16xf32, #tpu.memory_space<vmem_shared>>)
      tpu.yield
    }) : () -> ()
    %mul3A_133 = arith.constant 640 : i32
    %mul3A_134 = arith.muli %arg1, %mul3A_133 : i32
    %add3A_135 = arith.constant 448 : i32
    %add3A_136 = arith.addi %mul3A_134, %add3A_135 : i32
    "tpu.region"() ({
      %run_scoped3A = tpu.sem_alloc : memref<!tpu.dma_semaphore, #tpu.memory_space<semaphore_mem>>
      %dma_start3A_237 = arith.constant 0 : i32
      %dma_start3A_238 = tpu.memref_slice %arg9[%add3A_136, %dma_start3A_237] : memref<10240x16xf32, #tpu.memory_space<vmem_shared>> -> memref<16x16xf32, #tpu.memory_space<vmem_shared>>
      %dma_start3A_239 = arith.constant 0 : i32
      %dma_start3A_240 = tpu.memref_slice %arg9[%add3A_136, %dma_start3A_239] : memref<10240x16xf32, #tpu.memory_space<vmem_shared>> -> memref<16x16xf32, #tpu.memory_space<vmem_shared>>
      tpu.enqueue_dma source(%arg8 : memref<16x16xf32, #tpu.memory_space<vmem>>) target(%dma_start3A_240 : memref<16x16xf32, #tpu.memory_space<vmem_shared>>) target_semaphore(%run_scoped3A : memref<!tpu.dma_semaphore, #tpu.memory_space<semaphore_mem>>)
      %dma_wait3A_241 = arith.constant 0 : i32
      %dma_wait3A_242 = tpu.memref_slice %arg9[%add3A_136, %dma_wait3A_241] : memref<10240x16xf32, #tpu.memory_space<vmem_shared>> -> memref<16x16xf32, #tpu.memory_space<vmem_shared>>
      %dma_wait3A_243 = arith.constant 0 : i32
      %dma_wait3A_244 = tpu.memref_slice %arg9[%add3A_136, %dma_wait3A_243] : memref<10240x16xf32, #tpu.memory_space<vmem_shared>> -> memref<16x16xf32, #tpu.memory_space<vmem_shared>>
      tpu.wait_dma2 semaphore(%run_scoped3A : memref<!tpu.dma_semaphore, #tpu.memory_space<semaphore_mem>>) src(%arg8 : memref<16x16xf32, #tpu.memory_space<vmem>>) dst(%dma_wait3A_244 : memref<16x16xf32, #tpu.memory_space<vmem_shared>>)
      tpu.yield
    }) : () -> ()
    %mul3A_137 = arith.constant 640 : i32
    %mul3A_138 = arith.muli %arg1, %mul3A_137 : i32
    %add3A_139 = arith.constant 464 : i32
    %add3A_140 = arith.addi %mul3A_138, %add3A_139 : i32
    "tpu.region"() ({
      %run_scoped3A = tpu.sem_alloc : memref<!tpu.dma_semaphore, #tpu.memory_space<semaphore_mem>>
      %dma_start3A_237 = arith.constant 0 : i32
      %dma_start3A_238 = tpu.memref_slice %arg9[%add3A_140, %dma_start3A_237] : memref<10240x16xf32, #tpu.memory_space<vmem_shared>> -> memref<16x16xf32, #tpu.memory_space<vmem_shared>>
      %dma_start3A_239 = arith.constant 0 : i32
      %dma_start3A_240 = tpu.memref_slice %arg9[%add3A_140, %dma_start3A_239] : memref<10240x16xf32, #tpu.memory_space<vmem_shared>> -> memref<16x16xf32, #tpu.memory_space<vmem_shared>>
      tpu.enqueue_dma source(%arg8 : memref<16x16xf32, #tpu.memory_space<vmem>>) target(%dma_start3A_240 : memref<16x16xf32, #tpu.memory_space<vmem_shared>>) target_semaphore(%run_scoped3A : memref<!tpu.dma_semaphore, #tpu.memory_space<semaphore_mem>>)
      %dma_wait3A_241 = arith.constant 0 : i32
      %dma_wait3A_242 = tpu.memref_slice %arg9[%add3A_140, %dma_wait3A_241] : memref<10240x16xf32, #tpu.memory_space<vmem_shared>> -> memref<16x16xf32, #tpu.memory_space<vmem_shared>>
      %dma_wait3A_243 = arith.constant 0 : i32
      %dma_wait3A_244 = tpu.memref_slice %arg9[%add3A_140, %dma_wait3A_243] : memref<10240x16xf32, #tpu.memory_space<vmem_shared>> -> memref<16x16xf32, #tpu.memory_space<vmem_shared>>
      tpu.wait_dma2 semaphore(%run_scoped3A : memref<!tpu.dma_semaphore, #tpu.memory_space<semaphore_mem>>) src(%arg8 : memref<16x16xf32, #tpu.memory_space<vmem>>) dst(%dma_wait3A_244 : memref<16x16xf32, #tpu.memory_space<vmem_shared>>)
      tpu.yield
    }) : () -> ()
    %mul3A_141 = arith.constant 640 : i32
    %mul3A_142 = arith.muli %arg1, %mul3A_141 : i32
    %add3A_143 = arith.constant 480 : i32
    %add3A_144 = arith.addi %mul3A_142, %add3A_143 : i32
    "tpu.region"() ({
      %run_scoped3A = tpu.sem_alloc : memref<!tpu.dma_semaphore, #tpu.memory_space<semaphore_mem>>
      %dma_start3A_237 = arith.constant 0 : i32
      %dma_start3A_238 = tpu.memref_slice %arg9[%add3A_144, %dma_start3A_237] : memref<10240x16xf32, #tpu.memory_space<vmem_shared>> -> memref<16x16xf32, #tpu.memory_space<vmem_shared>>
      %dma_start3A_239 = arith.constant 0 : i32
      %dma_start3A_240 = tpu.memref_slice %arg9[%add3A_144, %dma_start3A_239] : memref<10240x16xf32, #tpu.memory_space<vmem_shared>> -> memref<16x16xf32, #tpu.memory_space<vmem_shared>>
      tpu.enqueue_dma source(%arg8 : memref<16x16xf32, #tpu.memory_space<vmem>>) target(%dma_start3A_240 : memref<16x16xf32, #tpu.memory_space<vmem_shared>>) target_semaphore(%run_scoped3A : memref<!tpu.dma_semaphore, #tpu.memory_space<semaphore_mem>>)
      %dma_wait3A_241 = arith.constant 0 : i32
      %dma_wait3A_242 = tpu.memref_slice %arg9[%add3A_144, %dma_wait3A_241] : memref<10240x16xf32, #tpu.memory_space<vmem_shared>> -> memref<16x16xf32, #tpu.memory_space<vmem_shared>>
      %dma_wait3A_243 = arith.constant 0 : i32
      %dma_wait3A_244 = tpu.memref_slice %arg9[%add3A_144, %dma_wait3A_243] : memref<10240x16xf32, #tpu.memory_space<vmem_shared>> -> memref<16x16xf32, #tpu.memory_space<vmem_shared>>
      tpu.wait_dma2 semaphore(%run_scoped3A : memref<!tpu.dma_semaphore, #tpu.memory_space<semaphore_mem>>) src(%arg8 : memref<16x16xf32, #tpu.memory_space<vmem>>) dst(%dma_wait3A_244 : memref<16x16xf32, #tpu.memory_space<vmem_shared>>)
      tpu.yield
    }) : () -> ()
    %mul3A_145 = arith.constant 640 : i32
    %mul3A_146 = arith.muli %arg1, %mul3A_145 : i32
    %add3A_147 = arith.constant 496 : i32
    %add3A_148 = arith.addi %mul3A_146, %add3A_147 : i32
    "tpu.region"() ({
      %run_scoped3A = tpu.sem_alloc : memref<!tpu.dma_semaphore, #tpu.memory_space<semaphore_mem>>
      %dma_start3A_237 = arith.constant 0 : i32
      %dma_start3A_238 = tpu.memref_slice %arg9[%add3A_148, %dma_start3A_237] : memref<10240x16xf32, #tpu.memory_space<vmem_shared>> -> memref<16x16xf32, #tpu.memory_space<vmem_shared>>
      %dma_start3A_239 = arith.constant 0 : i32
      %dma_start3A_240 = tpu.memref_slice %arg9[%add3A_148, %dma_start3A_239] : memref<10240x16xf32, #tpu.memory_space<vmem_shared>> -> memref<16x16xf32, #tpu.memory_space<vmem_shared>>
      tpu.enqueue_dma source(%arg8 : memref<16x16xf32, #tpu.memory_space<vmem>>) target(%dma_start3A_240 : memref<16x16xf32, #tpu.memory_space<vmem_shared>>) target_semaphore(%run_scoped3A : memref<!tpu.dma_semaphore, #tpu.memory_space<semaphore_mem>>)
      %dma_wait3A_241 = arith.constant 0 : i32
      %dma_wait3A_242 = tpu.memref_slice %arg9[%add3A_148, %dma_wait3A_241] : memref<10240x16xf32, #tpu.memory_space<vmem_shared>> -> memref<16x16xf32, #tpu.memory_space<vmem_shared>>
      %dma_wait3A_243 = arith.constant 0 : i32
      %dma_wait3A_244 = tpu.memref_slice %arg9[%add3A_148, %dma_wait3A_243] : memref<10240x16xf32, #tpu.memory_space<vmem_shared>> -> memref<16x16xf32, #tpu.memory_space<vmem_shared>>
      tpu.wait_dma2 semaphore(%run_scoped3A : memref<!tpu.dma_semaphore, #tpu.memory_space<semaphore_mem>>) src(%arg8 : memref<16x16xf32, #tpu.memory_space<vmem>>) dst(%dma_wait3A_244 : memref<16x16xf32, #tpu.memory_space<vmem_shared>>)
      tpu.yield
    }) : () -> ()
    %mul3A_149 = arith.constant 640 : i32
    %mul3A_150 = arith.muli %arg1, %mul3A_149 : i32
    %add3A_151 = arith.constant 512 : i32
    %add3A_152 = arith.addi %mul3A_150, %add3A_151 : i32
    "tpu.region"() ({
      %run_scoped3A = tpu.sem_alloc : memref<!tpu.dma_semaphore, #tpu.memory_space<semaphore_mem>>
      %dma_start3A_237 = arith.constant 0 : i32
      %dma_start3A_238 = tpu.memref_slice %arg9[%add3A_152, %dma_start3A_237] : memref<10240x16xf32, #tpu.memory_space<vmem_shared>> -> memref<16x16xf32, #tpu.memory_space<vmem_shared>>
      %dma_start3A_239 = arith.constant 0 : i32
      %dma_start3A_240 = tpu.memref_slice %arg9[%add3A_152, %dma_start3A_239] : memref<10240x16xf32, #tpu.memory_space<vmem_shared>> -> memref<16x16xf32, #tpu.memory_space<vmem_shared>>
      tpu.enqueue_dma source(%arg8 : memref<16x16xf32, #tpu.memory_space<vmem>>) target(%dma_start3A_240 : memref<16x16xf32, #tpu.memory_space<vmem_shared>>) target_semaphore(%run_scoped3A : memref<!tpu.dma_semaphore, #tpu.memory_space<semaphore_mem>>)
      %dma_wait3A_241 = arith.constant 0 : i32
      %dma_wait3A_242 = tpu.memref_slice %arg9[%add3A_152, %dma_wait3A_241] : memref<10240x16xf32, #tpu.memory_space<vmem_shared>> -> memref<16x16xf32, #tpu.memory_space<vmem_shared>>
      %dma_wait3A_243 = arith.constant 0 : i32
      %dma_wait3A_244 = tpu.memref_slice %arg9[%add3A_152, %dma_wait3A_243] : memref<10240x16xf32, #tpu.memory_space<vmem_shared>> -> memref<16x16xf32, #tpu.memory_space<vmem_shared>>
      tpu.wait_dma2 semaphore(%run_scoped3A : memref<!tpu.dma_semaphore, #tpu.memory_space<semaphore_mem>>) src(%arg8 : memref<16x16xf32, #tpu.memory_space<vmem>>) dst(%dma_wait3A_244 : memref<16x16xf32, #tpu.memory_space<vmem_shared>>)
      tpu.yield
    }) : () -> ()
    %mul3A_153 = arith.constant 640 : i32
    %mul3A_154 = arith.muli %arg1, %mul3A_153 : i32
    %add3A_155 = arith.constant 528 : i32
    %add3A_156 = arith.addi %mul3A_154, %add3A_155 : i32
    "tpu.region"() ({
      %run_scoped3A = tpu.sem_alloc : memref<!tpu.dma_semaphore, #tpu.memory_space<semaphore_mem>>
      %dma_start3A_237 = arith.constant 0 : i32
      %dma_start3A_238 = tpu.memref_slice %arg9[%add3A_156, %dma_start3A_237] : memref<10240x16xf32, #tpu.memory_space<vmem_shared>> -> memref<16x16xf32, #tpu.memory_space<vmem_shared>>
      %dma_start3A_239 = arith.constant 0 : i32
      %dma_start3A_240 = tpu.memref_slice %arg9[%add3A_156, %dma_start3A_239] : memref<10240x16xf32, #tpu.memory_space<vmem_shared>> -> memref<16x16xf32, #tpu.memory_space<vmem_shared>>
      tpu.enqueue_dma source(%arg8 : memref<16x16xf32, #tpu.memory_space<vmem>>) target(%dma_start3A_240 : memref<16x16xf32, #tpu.memory_space<vmem_shared>>) target_semaphore(%run_scoped3A : memref<!tpu.dma_semaphore, #tpu.memory_space<semaphore_mem>>)
      %dma_wait3A_241 = arith.constant 0 : i32
      %dma_wait3A_242 = tpu.memref_slice %arg9[%add3A_156, %dma_wait3A_241] : memref<10240x16xf32, #tpu.memory_space<vmem_shared>> -> memref<16x16xf32, #tpu.memory_space<vmem_shared>>
      %dma_wait3A_243 = arith.constant 0 : i32
      %dma_wait3A_244 = tpu.memref_slice %arg9[%add3A_156, %dma_wait3A_243] : memref<10240x16xf32, #tpu.memory_space<vmem_shared>> -> memref<16x16xf32, #tpu.memory_space<vmem_shared>>
      tpu.wait_dma2 semaphore(%run_scoped3A : memref<!tpu.dma_semaphore, #tpu.memory_space<semaphore_mem>>) src(%arg8 : memref<16x16xf32, #tpu.memory_space<vmem>>) dst(%dma_wait3A_244 : memref<16x16xf32, #tpu.memory_space<vmem_shared>>)
      tpu.yield
    }) : () -> ()
    %mul3A_157 = arith.constant 640 : i32
    %mul3A_158 = arith.muli %arg1, %mul3A_157 : i32
    %add3A_159 = arith.constant 544 : i32
    %add3A_160 = arith.addi %mul3A_158, %add3A_159 : i32
    "tpu.region"() ({
      %run_scoped3A = tpu.sem_alloc : memref<!tpu.dma_semaphore, #tpu.memory_space<semaphore_mem>>
      %dma_start3A_237 = arith.constant 0 : i32
      %dma_start3A_238 = tpu.memref_slice %arg9[%add3A_160, %dma_start3A_237] : memref<10240x16xf32, #tpu.memory_space<vmem_shared>> -> memref<16x16xf32, #tpu.memory_space<vmem_shared>>
      %dma_start3A_239 = arith.constant 0 : i32
      %dma_start3A_240 = tpu.memref_slice %arg9[%add3A_160, %dma_start3A_239] : memref<10240x16xf32, #tpu.memory_space<vmem_shared>> -> memref<16x16xf32, #tpu.memory_space<vmem_shared>>
      tpu.enqueue_dma source(%arg8 : memref<16x16xf32, #tpu.memory_space<vmem>>) target(%dma_start3A_240 : memref<16x16xf32, #tpu.memory_space<vmem_shared>>) target_semaphore(%run_scoped3A : memref<!tpu.dma_semaphore, #tpu.memory_space<semaphore_mem>>)
      %dma_wait3A_241 = arith.constant 0 : i32
      %dma_wait3A_242 = tpu.memref_slice %arg9[%add3A_160, %dma_wait3A_241] : memref<10240x16xf32, #tpu.memory_space<vmem_shared>> -> memref<16x16xf32, #tpu.memory_space<vmem_shared>>
      %dma_wait3A_243 = arith.constant 0 : i32
      %dma_wait3A_244 = tpu.memref_slice %arg9[%add3A_160, %dma_wait3A_243] : memref<10240x16xf32, #tpu.memory_space<vmem_shared>> -> memref<16x16xf32, #tpu.memory_space<vmem_shared>>
      tpu.wait_dma2 semaphore(%run_scoped3A : memref<!tpu.dma_semaphore, #tpu.memory_space<semaphore_mem>>) src(%arg8 : memref<16x16xf32, #tpu.memory_space<vmem>>) dst(%dma_wait3A_244 : memref<16x16xf32, #tpu.memory_space<vmem_shared>>)
      tpu.yield
    }) : () -> ()
    %mul3A_161 = arith.constant 640 : i32
    %mul3A_162 = arith.muli %arg1, %mul3A_161 : i32
    %add3A_163 = arith.constant 560 : i32
    %add3A_164 = arith.addi %mul3A_162, %add3A_163 : i32
    "tpu.region"() ({
      %run_scoped3A = tpu.sem_alloc : memref<!tpu.dma_semaphore, #tpu.memory_space<semaphore_mem>>
      %dma_start3A_237 = arith.constant 0 : i32
      %dma_start3A_238 = tpu.memref_slice %arg9[%add3A_164, %dma_start3A_237] : memref<10240x16xf32, #tpu.memory_space<vmem_shared>> -> memref<16x16xf32, #tpu.memory_space<vmem_shared>>
      %dma_start3A_239 = arith.constant 0 : i32
      %dma_start3A_240 = tpu.memref_slice %arg9[%add3A_164, %dma_start3A_239] : memref<10240x16xf32, #tpu.memory_space<vmem_shared>> -> memref<16x16xf32, #tpu.memory_space<vmem_shared>>
      tpu.enqueue_dma source(%arg8 : memref<16x16xf32, #tpu.memory_space<vmem>>) target(%dma_start3A_240 : memref<16x16xf32, #tpu.memory_space<vmem_shared>>) target_semaphore(%run_scoped3A : memref<!tpu.dma_semaphore, #tpu.memory_space<semaphore_mem>>)
      %dma_wait3A_241 = arith.constant 0 : i32
      %dma_wait3A_242 = tpu.memref_slice %arg9[%add3A_164, %dma_wait3A_241] : memref<10240x16xf32, #tpu.memory_space<vmem_shared>> -> memref<16x16xf32, #tpu.memory_space<vmem_shared>>
      %dma_wait3A_243 = arith.constant 0 : i32
      %dma_wait3A_244 = tpu.memref_slice %arg9[%add3A_164, %dma_wait3A_243] : memref<10240x16xf32, #tpu.memory_space<vmem_shared>> -> memref<16x16xf32, #tpu.memory_space<vmem_shared>>
      tpu.wait_dma2 semaphore(%run_scoped3A : memref<!tpu.dma_semaphore, #tpu.memory_space<semaphore_mem>>) src(%arg8 : memref<16x16xf32, #tpu.memory_space<vmem>>) dst(%dma_wait3A_244 : memref<16x16xf32, #tpu.memory_space<vmem_shared>>)
      tpu.yield
    }) : () -> ()
    %mul3A_165 = arith.constant 640 : i32
    %mul3A_166 = arith.muli %arg1, %mul3A_165 : i32
    %add3A_167 = arith.constant 576 : i32
    %add3A_168 = arith.addi %mul3A_166, %add3A_167 : i32
    "tpu.region"() ({
      %run_scoped3A = tpu.sem_alloc : memref<!tpu.dma_semaphore, #tpu.memory_space<semaphore_mem>>
      %dma_start3A_237 = arith.constant 0 : i32
      %dma_start3A_238 = tpu.memref_slice %arg9[%add3A_168, %dma_start3A_237] : memref<10240x16xf32, #tpu.memory_space<vmem_shared>> -> memref<16x16xf32, #tpu.memory_space<vmem_shared>>
      %dma_start3A_239 = arith.constant 0 : i32
      %dma_start3A_240 = tpu.memref_slice %arg9[%add3A_168, %dma_start3A_239] : memref<10240x16xf32, #tpu.memory_space<vmem_shared>> -> memref<16x16xf32, #tpu.memory_space<vmem_shared>>
      tpu.enqueue_dma source(%arg8 : memref<16x16xf32, #tpu.memory_space<vmem>>) target(%dma_start3A_240 : memref<16x16xf32, #tpu.memory_space<vmem_shared>>) target_semaphore(%run_scoped3A : memref<!tpu.dma_semaphore, #tpu.memory_space<semaphore_mem>>)
      %dma_wait3A_241 = arith.constant 0 : i32
      %dma_wait3A_242 = tpu.memref_slice %arg9[%add3A_168, %dma_wait3A_241] : memref<10240x16xf32, #tpu.memory_space<vmem_shared>> -> memref<16x16xf32, #tpu.memory_space<vmem_shared>>
      %dma_wait3A_243 = arith.constant 0 : i32
      %dma_wait3A_244 = tpu.memref_slice %arg9[%add3A_168, %dma_wait3A_243] : memref<10240x16xf32, #tpu.memory_space<vmem_shared>> -> memref<16x16xf32, #tpu.memory_space<vmem_shared>>
      tpu.wait_dma2 semaphore(%run_scoped3A : memref<!tpu.dma_semaphore, #tpu.memory_space<semaphore_mem>>) src(%arg8 : memref<16x16xf32, #tpu.memory_space<vmem>>) dst(%dma_wait3A_244 : memref<16x16xf32, #tpu.memory_space<vmem_shared>>)
      tpu.yield
    }) : () -> ()
    %mul3A_169 = arith.constant 640 : i32
    %mul3A_170 = arith.muli %arg1, %mul3A_169 : i32
    %add3A_171 = arith.constant 592 : i32
    %add3A_172 = arith.addi %mul3A_170, %add3A_171 : i32
    "tpu.region"() ({
      %run_scoped3A = tpu.sem_alloc : memref<!tpu.dma_semaphore, #tpu.memory_space<semaphore_mem>>
      %dma_start3A_237 = arith.constant 0 : i32
      %dma_start3A_238 = tpu.memref_slice %arg9[%add3A_172, %dma_start3A_237] : memref<10240x16xf32, #tpu.memory_space<vmem_shared>> -> memref<16x16xf32, #tpu.memory_space<vmem_shared>>
      %dma_start3A_239 = arith.constant 0 : i32
      %dma_start3A_240 = tpu.memref_slice %arg9[%add3A_172, %dma_start3A_239] : memref<10240x16xf32, #tpu.memory_space<vmem_shared>> -> memref<16x16xf32, #tpu.memory_space<vmem_shared>>
      tpu.enqueue_dma source(%arg8 : memref<16x16xf32, #tpu.memory_space<vmem>>) target(%dma_start3A_240 : memref<16x16xf32, #tpu.memory_space<vmem_shared>>) target_semaphore(%run_scoped3A : memref<!tpu.dma_semaphore, #tpu.memory_space<semaphore_mem>>)
      %dma_wait3A_241 = arith.constant 0 : i32
      %dma_wait3A_242 = tpu.memref_slice %arg9[%add3A_172, %dma_wait3A_241] : memref<10240x16xf32, #tpu.memory_space<vmem_shared>> -> memref<16x16xf32, #tpu.memory_space<vmem_shared>>
      %dma_wait3A_243 = arith.constant 0 : i32
      %dma_wait3A_244 = tpu.memref_slice %arg9[%add3A_172, %dma_wait3A_243] : memref<10240x16xf32, #tpu.memory_space<vmem_shared>> -> memref<16x16xf32, #tpu.memory_space<vmem_shared>>
      tpu.wait_dma2 semaphore(%run_scoped3A : memref<!tpu.dma_semaphore, #tpu.memory_space<semaphore_mem>>) src(%arg8 : memref<16x16xf32, #tpu.memory_space<vmem>>) dst(%dma_wait3A_244 : memref<16x16xf32, #tpu.memory_space<vmem_shared>>)
      tpu.yield
    }) : () -> ()
    %mul3A_173 = arith.constant 640 : i32
    %mul3A_174 = arith.muli %arg1, %mul3A_173 : i32
    %add3A_175 = arith.constant 608 : i32
    %add3A_176 = arith.addi %mul3A_174, %add3A_175 : i32
    "tpu.region"() ({
      %run_scoped3A = tpu.sem_alloc : memref<!tpu.dma_semaphore, #tpu.memory_space<semaphore_mem>>
      %dma_start3A_237 = arith.constant 0 : i32
      %dma_start3A_238 = tpu.memref_slice %arg9[%add3A_176, %dma_start3A_237] : memref<10240x16xf32, #tpu.memory_space<vmem_shared>> -> memref<16x16xf32, #tpu.memory_space<vmem_shared>>
      %dma_start3A_239 = arith.constant 0 : i32
      %dma_start3A_240 = tpu.memref_slice %arg9[%add3A_176, %dma_start3A_239] : memref<10240x16xf32, #tpu.memory_space<vmem_shared>> -> memref<16x16xf32, #tpu.memory_space<vmem_shared>>
      tpu.enqueue_dma source(%arg8 : memref<16x16xf32, #tpu.memory_space<vmem>>) target(%dma_start3A_240 : memref<16x16xf32, #tpu.memory_space<vmem_shared>>) target_semaphore(%run_scoped3A : memref<!tpu.dma_semaphore, #tpu.memory_space<semaphore_mem>>)
      %dma_wait3A_241 = arith.constant 0 : i32
      %dma_wait3A_242 = tpu.memref_slice %arg9[%add3A_176, %dma_wait3A_241] : memref<10240x16xf32, #tpu.memory_space<vmem_shared>> -> memref<16x16xf32, #tpu.memory_space<vmem_shared>>
      %dma_wait3A_243 = arith.constant 0 : i32
      %dma_wait3A_244 = tpu.memref_slice %arg9[%add3A_176, %dma_wait3A_243] : memref<10240x16xf32, #tpu.memory_space<vmem_shared>> -> memref<16x16xf32, #tpu.memory_space<vmem_shared>>
      tpu.wait_dma2 semaphore(%run_scoped3A : memref<!tpu.dma_semaphore, #tpu.memory_space<semaphore_mem>>) src(%arg8 : memref<16x16xf32, #tpu.memory_space<vmem>>) dst(%dma_wait3A_244 : memref<16x16xf32, #tpu.memory_space<vmem_shared>>)
      tpu.yield
    }) : () -> ()
    %mul3A_177 = arith.constant 640 : i32
    %mul3A_178 = arith.muli %arg1, %mul3A_177 : i32
    %add3A_179 = arith.constant 624 : i32
    %add3A_180 = arith.addi %mul3A_178, %add3A_179 : i32
    "tpu.region"() ({
      %run_scoped3A = tpu.sem_alloc : memref<!tpu.dma_semaphore, #tpu.memory_space<semaphore_mem>>
      %dma_start3A_237 = arith.constant 0 : i32
      %dma_start3A_238 = tpu.memref_slice %arg9[%add3A_180, %dma_start3A_237] : memref<10240x16xf32, #tpu.memory_space<vmem_shared>> -> memref<16x16xf32, #tpu.memory_space<vmem_shared>>
      %dma_start3A_239 = arith.constant 0 : i32
      %dma_start3A_240 = tpu.memref_slice %arg9[%add3A_180, %dma_start3A_239] : memref<10240x16xf32, #tpu.memory_space<vmem_shared>> -> memref<16x16xf32, #tpu.memory_space<vmem_shared>>
      tpu.enqueue_dma source(%arg8 : memref<16x16xf32, #tpu.memory_space<vmem>>) target(%dma_start3A_240 : memref<16x16xf32, #tpu.memory_space<vmem_shared>>) target_semaphore(%run_scoped3A : memref<!tpu.dma_semaphore, #tpu.memory_space<semaphore_mem>>)
      %dma_wait3A_241 = arith.constant 0 : i32
      %dma_wait3A_242 = tpu.memref_slice %arg9[%add3A_180, %dma_wait3A_241] : memref<10240x16xf32, #tpu.memory_space<vmem_shared>> -> memref<16x16xf32, #tpu.memory_space<vmem_shared>>
      %dma_wait3A_243 = arith.constant 0 : i32
      %dma_wait3A_244 = tpu.memref_slice %arg9[%add3A_180, %dma_wait3A_243] : memref<10240x16xf32, #tpu.memory_space<vmem_shared>> -> memref<16x16xf32, #tpu.memory_space<vmem_shared>>
      tpu.wait_dma2 semaphore(%run_scoped3A : memref<!tpu.dma_semaphore, #tpu.memory_space<semaphore_mem>>) src(%arg8 : memref<16x16xf32, #tpu.memory_space<vmem>>) dst(%dma_wait3A_244 : memref<16x16xf32, #tpu.memory_space<vmem_shared>>)
      tpu.yield
    }) : () -> ()
    %dma_wait3A = arith.constant 0 : i32
    %dma_wait3A_181 = arith.constant 0 : i32
    %dma_wait3A_182 = arith.constant 0 : i32
    %dma_wait3A_183 = tpu.memref_slice %arg2[%add3A, %dma_wait3A, %dma_wait3A_181, %dma_wait3A_182] : memref<32x79x1x128xi32, #tpu.memory_space<hbm>> -> memref<1x79x1x128xi32, #tpu.memory_space<hbm>>
    %dma_wait3A_184 = tpu.memref_squeeze %dma_wait3A_183 : memref<1x79x1x128xi32, #tpu.memory_space<hbm>> -> memref<79x1x128xi32, #tpu.memory_space<hbm>>
    %dma_wait3A_185 = arith.constant 0 : i32
    %dma_wait3A_186 = arith.constant 0 : i32
    %dma_wait3A_187 = arith.constant 0 : i32
    %dma_wait3A_188 = tpu.memref_slice %arg2[%add3A, %dma_wait3A_185, %dma_wait3A_186, %dma_wait3A_187] : memref<32x79x1x128xi32, #tpu.memory_space<hbm>> -> memref<1x79x1x128xi32, #tpu.memory_space<hbm>>
    %dma_wait3A_189 = tpu.memref_squeeze %dma_wait3A_188 : memref<1x79x1x128xi32, #tpu.memory_space<hbm>> -> memref<79x1x128xi32, #tpu.memory_space<hbm>>
    tpu.wait_dma2 semaphore(%arg10 : memref<!tpu.dma_semaphore, #tpu.memory_space<semaphore_mem>>) src(%dma_wait3A_189 : memref<79x1x128xi32, #tpu.memory_space<hbm>>) dst(%arg4 : memref<79x1x128xi32, #tpu.memory_space<vmem>>)
    %barrier3A = arith.constant 0 : index
    tpu.barrier barrier_id(%barrier3A)
    %scan3A_190 = arith.constant 0 : i32
    %scan3A_191 = arith.constant 0 : i32
    %scan3A_192 = arith.constant 8 : i32
    %scan3A_193 = arith.addi %scan3A_191, %scan3A_192 : i32
    %scan3A_194 = arith.constant 1 : i32
    scf.for %scan3A_237 = %scan3A_191 to %scan3A_193 step %scan3A_194  : i32 {
      %mul3A_238 = arith.constant 16 : i32
      %mul3A_239 = arith.muli %scan3A_237, %mul3A_238 : i32
      %get3A = arith.constant 0 : i32
      %get3A_240 = arith.constant 0 : i32
      %get3A_241 = arith.index_cast %get3A : i32 to index
      %get3A_242 = arith.index_cast %get3A_240 : i32 to index
      %get3A_243 = arith.index_cast %mul3A_239 : i32 to index
      %get3A_244 = tpu.vector_load %arg4[%get3A_241, %get3A_242, %get3A_243] {strides = array<i32>} : memref<79x1x128xi32, #tpu.memory_space<vmem>>, vector<1x1x16xi32>,
      %get3A_245 = vector.shape_cast %get3A_244 : vector<1x1x16xi32> to vector<16xi32>
      %shift_right_logical3A = arith.constant 16 : i32
      %shift_right_logical3A_246 = vector.broadcast %shift_right_logical3A : i32 to vector<16xi32>
      %shift_right_logical3A_247 = arith.shrui %get3A_245, %shift_right_logical3A_246 : vector<16xi32>
      %mul3A_248 = arith.constant 16 : i32
      %mul3A_249 = arith.muli %scan3A_237, %mul3A_248 : i32
      %swap3A = arith.index_cast %mul3A_249 : i32 to index
      %swap3A_250 = tpu.vector_load %arg5[%swap3A] {strides = array<i32>} : memref<128xi32, #tpu.memory_space<vmem>>, vector<16xi32>,
      %swap3A_251 = vector.shape_cast %swap3A_250 : vector<16xi32> to vector<16xi32>
      %swap3A_252 = vector.shape_cast %shift_right_logical3A_247 : vector<16xi32> to vector<16xi32>
      tpu.vector_store %arg5[%swap3A], %swap3A_252 {strides = array<i32>} : memref<128xi32, #tpu.memory_space<vmem>>, vector<16xi32>,
    }
    %scan3A_195 = arith.constant 8 : i32
    %dma_start3A_196 = arith.constant 0 : i32
    %dma_start3A_197 = arith.constant 0 : i32
    %dma_start3A_198 = tpu.memref_slice %arg9[%dma_start3A_196, %dma_start3A_197] : memref<10240x16xf32, #tpu.memory_space<vmem_shared>> -> memref<10240x16xf32, #tpu.memory_space<vmem_shared>>
    tpu.enqueue_indirect_dma source(%arg7 : memref<128x16xf32, #tpu.memory_space<vmem>>) target(%dma_start3A_198 : memref<10240x16xf32, #tpu.memory_space<vmem_shared>>) offsets(%arg5 : memref<128xi32, #tpu.memory_space<vmem>>) semaphore(%arg10 : memref<!tpu.dma_semaphore, #tpu.memory_space<semaphore_mem>>) {add = true}
    %scan3A_199 = arith.constant 0 : i32
    %scan3A_200 = arith.constant 0 : i32
    %scan3A_201 = arith.constant 8 : i32
    %scan3A_202 = arith.addi %scan3A_200, %scan3A_201 : i32
    %scan3A_203 = arith.constant 1 : i32
    scf.for %scan3A_237 = %scan3A_200 to %scan3A_202 step %scan3A_203  : i32 {
      %mul3A_238 = arith.constant 16 : i32
      %mul3A_239 = arith.muli %scan3A_237, %mul3A_238 : i32
      %get3A = arith.constant 1 : i32
      %get3A_240 = arith.constant 0 : i32
      %get3A_241 = arith.index_cast %get3A : i32 to index
      %get3A_242 = arith.index_cast %get3A_240 : i32 to index
      %get3A_243 = arith.index_cast %mul3A_239 : i32 to index
      %get3A_244 = tpu.vector_load %arg4[%get3A_241, %get3A_242, %get3A_243] {strides = array<i32>} : memref<79x1x128xi32, #tpu.memory_space<vmem>>, vector<1x1x16xi32>,
      %get3A_245 = vector.shape_cast %get3A_244 : vector<1x1x16xi32> to vector<16xi32>
      %shift_right_logical3A = arith.constant 16 : i32
      %shift_right_logical3A_246 = vector.broadcast %shift_right_logical3A : i32 to vector<16xi32>
      %shift_right_logical3A_247 = arith.shrui %get3A_245, %shift_right_logical3A_246 : vector<16xi32>
      %mul3A_248 = arith.constant 16 : i32
      %mul3A_249 = arith.muli %scan3A_237, %mul3A_248 : i32
      %swap3A = arith.index_cast %mul3A_249 : i32 to index
      %swap3A_250 = tpu.vector_load %arg6[%swap3A] {strides = array<i32>} : memref<128xi32, #tpu.memory_space<vmem>>, vector<16xi32>,
      %swap3A_251 = vector.shape_cast %swap3A_250 : vector<16xi32> to vector<16xi32>
      %swap3A_252 = vector.shape_cast %shift_right_logical3A_247 : vector<16xi32> to vector<16xi32>
      tpu.vector_store %arg6[%swap3A], %swap3A_252 {strides = array<i32>} : memref<128xi32, #tpu.memory_space<vmem>>, vector<16xi32>,
    }
    %scan3A_204 = arith.constant 8 : i32
    %dma_start3A_205 = arith.constant 0 : i32
    %dma_start3A_206 = arith.constant 0 : i32
    %dma_start3A_207 = tpu.memref_slice %arg9[%dma_start3A_205, %dma_start3A_206] : memref<10240x16xf32, #tpu.memory_space<vmem_shared>> -> memref<10240x16xf32, #tpu.memory_space<vmem_shared>>
    tpu.enqueue_indirect_dma source(%arg7 : memref<128x16xf32, #tpu.memory_space<vmem>>) target(%dma_start3A_207 : memref<10240x16xf32, #tpu.memory_space<vmem_shared>>) offsets(%arg6 : memref<128xi32, #tpu.memory_space<vmem>>) semaphore(%arg11 : memref<!tpu.dma_semaphore, #tpu.memory_space<semaphore_mem>>) {add = true}
    %scan3A_208 = arith.constant 0 : i32
    %scan3A_209 = arith.constant 0 : i32
    %scan3A_210 = arith.constant 38 : i32
    %scan3A_211 = arith.addi %scan3A_209, %scan3A_210 : i32
    %scan3A_212 = arith.constant 1 : i32
    scf.for %scan3A_237 = %scan3A_209 to %scan3A_211 step %scan3A_212  : i32 {
      %mul3A_238 = arith.constant 2 : i32
      %mul3A_239 = arith.muli %mul3A_238, %scan3A_237 : i32
      %dma_wait3A_240 = arith.constant 0 : i32
      %dma_wait3A_241 = arith.constant 0 : i32
      %dma_wait3A_242 = tpu.memref_slice %arg9[%dma_wait3A_240, %dma_wait3A_241] : memref<10240x16xf32, #tpu.memory_space<vmem_shared>> -> memref<10240x16xf32, #tpu.memory_space<vmem_shared>>
      tpu.wait_indirect_dma semaphore(%arg10 : memref<!tpu.dma_semaphore, #tpu.memory_space<semaphore_mem>>) src(%arg7 : memref<128x16xf32, #tpu.memory_space<vmem>>) dst(%dma_wait3A_242 : memref<10240x16xf32, #tpu.memory_space<vmem_shared>>)
      %add3A_243 = arith.constant 2 : i32
      %add3A_244 = arith.addi %mul3A_239, %add3A_243 : i32
      %scan3A_245 = arith.constant 0 : i32
      %scan3A_246 = arith.constant 0 : i32
      %scan3A_247 = arith.constant 8 : i32
      %scan3A_248 = arith.addi %scan3A_246, %scan3A_247 : i32
      %scan3A_249 = arith.constant 1 : i32
      scf.for %scan3A_268 = %scan3A_246 to %scan3A_248 step %scan3A_249  : i32 {
        %mul3A_269 = arith.constant 16 : i32
        %mul3A_270 = arith.muli %scan3A_268, %mul3A_269 : i32
        %get3A = arith.constant 0 : i32
        %get3A_271 = arith.index_cast %add3A_244 : i32 to index
        %get3A_272 = arith.index_cast %get3A : i32 to index
        %get3A_273 = arith.index_cast %mul3A_270 : i32 to index
        %get3A_274 = tpu.vector_load %arg4[%get3A_271, %get3A_272, %get3A_273] {strides = array<i32>} : memref<79x1x128xi32, #tpu.memory_space<vmem>>, vector<1x1x16xi32>,
        %get3A_275 = vector.shape_cast %get3A_274 : vector<1x1x16xi32> to vector<16xi32>
        %shift_right_logical3A = arith.constant 16 : i32
        %shift_right_logical3A_276 = vector.broadcast %shift_right_logical3A : i32 to vector<16xi32>
        %shift_right_logical3A_277 = arith.shrui %get3A_275, %shift_right_logical3A_276 : vector<16xi32>
        %mul3A_278 = arith.constant 16 : i32
        %mul3A_279 = arith.muli %scan3A_268, %mul3A_278 : i32
        %swap3A = arith.index_cast %mul3A_279 : i32 to index
        %swap3A_280 = tpu.vector_load %arg5[%swap3A] {strides = array<i32>} : memref<128xi32, #tpu.memory_space<vmem>>, vector<16xi32>,
        %swap3A_281 = vector.shape_cast %swap3A_280 : vector<16xi32> to vector<16xi32>
        %swap3A_282 = vector.shape_cast %shift_right_logical3A_277 : vector<16xi32> to vector<16xi32>
        tpu.vector_store %arg5[%swap3A], %swap3A_282 {strides = array<i32>} : memref<128xi32, #tpu.memory_space<vmem>>, vector<16xi32>,
      }
      %scan3A_250 = arith.constant 8 : i32
      %dma_start3A_251 = arith.constant 0 : i32
      %dma_start3A_252 = arith.constant 0 : i32
      %dma_start3A_253 = tpu.memref_slice %arg9[%dma_start3A_251, %dma_start3A_252] : memref<10240x16xf32, #tpu.memory_space<vmem_shared>> -> memref<10240x16xf32, #tpu.memory_space<vmem_shared>>
      tpu.enqueue_indirect_dma source(%arg7 : memref<128x16xf32, #tpu.memory_space<vmem>>) target(%dma_start3A_253 : memref<10240x16xf32, #tpu.memory_space<vmem_shared>>) offsets(%arg5 : memref<128xi32, #tpu.memory_space<vmem>>) semaphore(%arg10 : memref<!tpu.dma_semaphore, #tpu.memory_space<semaphore_mem>>) {add = true}
      %dma_wait3A_254 = arith.constant 0 : i32
      %dma_wait3A_255 = arith.constant 0 : i32
      %dma_wait3A_256 = tpu.memref_slice %arg9[%dma_wait3A_254, %dma_wait3A_255] : memref<10240x16xf32, #tpu.memory_space<vmem_shared>> -> memref<10240x16xf32, #tpu.memory_space<vmem_shared>>
      tpu.wait_indirect_dma semaphore(%arg11 : memref<!tpu.dma_semaphore, #tpu.memory_space<semaphore_mem>>) src(%arg7 : memref<128x16xf32, #tpu.memory_space<vmem>>) dst(%dma_wait3A_256 : memref<10240x16xf32, #tpu.memory_space<vmem_shared>>)
      %add3A_257 = arith.constant 3 : i32
      %add3A_258 = arith.addi %mul3A_239, %add3A_257 : i32
      %scan3A_259 = arith.constant 0 : i32
      %scan3A_260 = arith.constant 0 : i32
      %scan3A_261 = arith.constant 8 : i32
      %scan3A_262 = arith.addi %scan3A_260, %scan3A_261 : i32
      %scan3A_263 = arith.constant 1 : i32
      scf.for %scan3A_268 = %scan3A_260 to %scan3A_262 step %scan3A_263  : i32 {
        %mul3A_269 = arith.constant 16 : i32
        %mul3A_270 = arith.muli %scan3A_268, %mul3A_269 : i32
        %get3A = arith.constant 0 : i32
        %get3A_271 = arith.index_cast %add3A_258 : i32 to index
        %get3A_272 = arith.index_cast %get3A : i32 to index
        %get3A_273 = arith.index_cast %mul3A_270 : i32 to index
        %get3A_274 = tpu.vector_load %arg4[%get3A_271, %get3A_272, %get3A_273] {strides = array<i32>} : memref<79x1x128xi32, #tpu.memory_space<vmem>>, vector<1x1x16xi32>,
        %get3A_275 = vector.shape_cast %get3A_274 : vector<1x1x16xi32> to vector<16xi32>
        %shift_right_logical3A = arith.constant 16 : i32
        %shift_right_logical3A_276 = vector.broadcast %shift_right_logical3A : i32 to vector<16xi32>
        %shift_right_logical3A_277 = arith.shrui %get3A_275, %shift_right_logical3A_276 : vector<16xi32>
        %mul3A_278 = arith.constant 16 : i32
        %mul3A_279 = arith.muli %scan3A_268, %mul3A_278 : i32
        %swap3A = arith.index_cast %mul3A_279 : i32 to index
        %swap3A_280 = tpu.vector_load %arg6[%swap3A] {strides = array<i32>} : memref<128xi32, #tpu.memory_space<vmem>>, vector<16xi32>,
        %swap3A_281 = vector.shape_cast %swap3A_280 : vector<16xi32> to vector<16xi32>
        %swap3A_282 = vector.shape_cast %shift_right_logical3A_277 : vector<16xi32> to vector<16xi32>
        tpu.vector_store %arg6[%swap3A], %swap3A_282 {strides = array<i32>} : memref<128xi32, #tpu.memory_space<vmem>>, vector<16xi32>,
      }
      %scan3A_264 = arith.constant 8 : i32
      %dma_start3A_265 = arith.constant 0 : i32
      %dma_start3A_266 = arith.constant 0 : i32
      %dma_start3A_267 = tpu.memref_slice %arg9[%dma_start3A_265, %dma_start3A_266] : memref<10240x16xf32, #tpu.memory_space<vmem_shared>> -> memref<10240x16xf32, #tpu.memory_space<vmem_shared>>
      tpu.enqueue_indirect_dma source(%arg7 : memref<128x16xf32, #tpu.memory_space<vmem>>) target(%dma_start3A_267 : memref<10240x16xf32, #tpu.memory_space<vmem_shared>>) offsets(%arg6 : memref<128xi32, #tpu.memory_space<vmem>>) semaphore(%arg11 : memref<!tpu.dma_semaphore, #tpu.memory_space<semaphore_mem>>) {add = true}
    }
    %scan3A_213 = arith.constant 38 : i32
    %dma_wait3A_214 = arith.constant 0 : i32
    %dma_wait3A_215 = arith.constant 0 : i32
    %dma_wait3A_216 = tpu.memref_slice %arg9[%dma_wait3A_214, %dma_wait3A_215] : memref<10240x16xf32, #tpu.memory_space<vmem_shared>> -> memref<10240x16xf32, #tpu.memory_space<vmem_shared>>
    tpu.wait_indirect_dma semaphore(%arg10 : memref<!tpu.dma_semaphore, #tpu.memory_space<semaphore_mem>>) src(%arg7 : memref<128x16xf32, #tpu.memory_space<vmem>>) dst(%dma_wait3A_216 : memref<10240x16xf32, #tpu.memory_space<vmem_shared>>)
    %scan3A_217 = arith.constant 0 : i32
    %scan3A_218 = arith.constant 0 : i32
    %scan3A_219 = arith.constant 8 : i32
    %scan3A_220 = arith.addi %scan3A_218, %scan3A_219 : i32
    %scan3A_221 = arith.constant 1 : i32
    scf.for %scan3A_237 = %scan3A_218 to %scan3A_220 step %scan3A_221  : i32 {
      %mul3A_238 = arith.constant 16 : i32
      %mul3A_239 = arith.muli %scan3A_237, %mul3A_238 : i32
      %get3A = arith.constant 78 : i32
      %get3A_240 = arith.constant 0 : i32
      %get3A_241 = arith.index_cast %get3A : i32 to index
      %get3A_242 = arith.index_cast %get3A_240 : i32 to index
      %get3A_243 = arith.index_cast %mul3A_239 : i32 to index
      %get3A_244 = tpu.vector_load %arg4[%get3A_241, %get3A_242, %get3A_243] {strides = array<i32>} : memref<79x1x128xi32, #tpu.memory_space<vmem>>, vector<1x1x16xi32>,
      %get3A_245 = vector.shape_cast %get3A_244 : vector<1x1x16xi32> to vector<16xi32>
      %shift_right_logical3A = arith.constant 16 : i32
      %shift_right_logical3A_246 = vector.broadcast %shift_right_logical3A : i32 to vector<16xi32>
      %shift_right_logical3A_247 = arith.shrui %get3A_245, %shift_right_logical3A_246 : vector<16xi32>
      %mul3A_248 = arith.constant 16 : i32
      %mul3A_249 = arith.muli %scan3A_237, %mul3A_248 : i32
      %swap3A = arith.index_cast %mul3A_249 : i32 to index
      %swap3A_250 = tpu.vector_load %arg5[%swap3A] {strides = array<i32>} : memref<128xi32, #tpu.memory_space<vmem>>, vector<16xi32>,
      %swap3A_251 = vector.shape_cast %swap3A_250 : vector<16xi32> to vector<16xi32>
      %swap3A_252 = vector.shape_cast %shift_right_logical3A_247 : vector<16xi32> to vector<16xi32>
      tpu.vector_store %arg5[%swap3A], %swap3A_252 {strides = array<i32>} : memref<128xi32, #tpu.memory_space<vmem>>, vector<16xi32>,
    }
    %scan3A_222 = arith.constant 8 : i32
    %dma_start3A_223 = arith.constant 0 : i32
    %dma_start3A_224 = arith.constant 0 : i32
    %dma_start3A_225 = tpu.memref_slice %arg9[%dma_start3A_223, %dma_start3A_224] : memref<10240x16xf32, #tpu.memory_space<vmem_shared>> -> memref<10240x16xf32, #tpu.memory_space<vmem_shared>>
    tpu.enqueue_indirect_dma source(%arg7 : memref<128x16xf32, #tpu.memory_space<vmem>>) target(%dma_start3A_225 : memref<10240x16xf32, #tpu.memory_space<vmem_shared>>) offsets(%arg5 : memref<128xi32, #tpu.memory_space<vmem>>) semaphore(%arg10 : memref<!tpu.dma_semaphore, #tpu.memory_space<semaphore_mem>>) {add = true}
    %dma_wait3A_226 = arith.constant 0 : i32
    %dma_wait3A_227 = arith.constant 0 : i32
    %dma_wait3A_228 = tpu.memref_slice %arg9[%dma_wait3A_226, %dma_wait3A_227] : memref<10240x16xf32, #tpu.memory_space<vmem_shared>> -> memref<10240x16xf32, #tpu.memory_space<vmem_shared>>
    tpu.wait_indirect_dma semaphore(%arg10 : memref<!tpu.dma_semaphore, #tpu.memory_space<semaphore_mem>>) src(%arg7 : memref<128x16xf32, #tpu.memory_space<vmem>>) dst(%dma_wait3A_228 : memref<10240x16xf32, #tpu.memory_space<vmem_shared>>)
    %dma_wait3A_229 = arith.constant 0 : i32
    %dma_wait3A_230 = arith.constant 0 : i32
    %dma_wait3A_231 = tpu.memref_slice %arg9[%dma_wait3A_229, %dma_wait3A_230] : memref<10240x16xf32, #tpu.memory_space<vmem_shared>> -> memref<10240x16xf32, #tpu.memory_space<vmem_shared>>
    tpu.wait_indirect_dma semaphore(%arg11 : memref<!tpu.dma_semaphore, #tpu.memory_space<semaphore_mem>>) src(%arg7 : memref<128x16xf32, #tpu.memory_space<vmem>>) dst(%dma_wait3A_231 : memref<10240x16xf32, #tpu.memory_space<vmem_shared>>)
    %barrier3A_232 = arith.constant 0 : index
    tpu.barrier barrier_id(%barrier3A_232)
    %mul3A_233 = arith.constant 640 : i32
    %mul3A_234 = arith.muli %arg1, %mul3A_233 : i32
    %mul3A_235 = arith.constant 640 : i32
    %mul3A_236 = arith.muli %arg1, %mul3A_235 : i32
    "tpu.region"() ({
      %run_scoped3A = tpu.sem_alloc : memref<!tpu.dma_semaphore, #tpu.memory_space<semaphore_mem>>
      %dma_start3A_237 = arith.constant 0 : i32
      %dma_start3A_238 = tpu.memref_slice %arg3[%arg0, %mul3A_236, %dma_start3A_237] : memref<2x10240x16xf32, #tpu.memory_space<hbm>> -> memref<1x640x16xf32, #tpu.memory_space<hbm>>
      %dma_start3A_239 = tpu.memref_squeeze %dma_start3A_238 : memref<1x640x16xf32, #tpu.memory_space<hbm>> -> memref<640x16xf32, #tpu.memory_space<hbm>>
      %dma_start3A_240 = arith.constant 0 : i32
      %dma_start3A_241 = tpu.memref_slice %arg9[%mul3A_234, %dma_start3A_240] : memref<10240x16xf32, #tpu.memory_space<vmem_shared>> -> memref<640x16xf32, #tpu.memory_space<vmem_shared>>
      tpu.enqueue_dma source(%dma_start3A_241 : memref<640x16xf32, #tpu.memory_space<vmem_shared>>) target(%dma_start3A_239 : memref<640x16xf32, #tpu.memory_space<hbm>>) target_semaphore(%run_scoped3A : memref<!tpu.dma_semaphore, #tpu.memory_space<semaphore_mem>>)
      %dma_wait3A_242 = arith.constant 0 : i32
      %dma_wait3A_243 = tpu.memref_slice %arg3[%arg0, %mul3A_236, %dma_wait3A_242] : memref<2x10240x16xf32, #tpu.memory_space<hbm>> -> memref<1x640x16xf32, #tpu.memory_space<hbm>>
      %dma_wait3A_244 = tpu.memref_squeeze %dma_wait3A_243 : memref<1x640x16xf32, #tpu.memory_space<hbm>> -> memref<640x16xf32, #tpu.memory_space<hbm>>
      %dma_wait3A_245 = arith.constant 0 : i32
      %dma_wait3A_246 = tpu.memref_slice %arg9[%mul3A_234, %dma_wait3A_245] : memref<10240x16xf32, #tpu.memory_space<vmem_shared>> -> memref<640x16xf32, #tpu.memory_space<vmem_shared>>
      tpu.wait_dma2 semaphore(%run_scoped3A : memref<!tpu.dma_semaphore, #tpu.memory_space<semaphore_mem>>) src(%dma_wait3A_246 : memref<640x16xf32, #tpu.memory_space<vmem_shared>>) dst(%dma_wait3A_244 : memref<640x16xf32, #tpu.memory_space<hbm>>)
      tpu.yield
    }) : () -> ()
    return
  }
}

#map = affine_map<(d0, d1) -> (0, 0)>
#map1 = affine_map<(d0, d1) -> (0, 0, 0)>
module attributes {stable_mosaic.version = 14 : i64} {
  func.func @_sc_agg(%arg0: i32, %arg1: i32, %arg2: memref<10000x128xf32, #tpu.memory_space<hbm>>, %arg3: memref<2560x1x125xi32, #tpu.memory_space<hbm>>, %arg4: memref<2560x1x125xi32, #tpu.memory_space<hbm>>, %arg5: memref<2x10240x128xf32, #tpu.memory_space<hbm>>, %arg6: memref<80x1x125xi32, #tpu.memory_space<vmem>>, %arg7: memref<80x1x125xi32, #tpu.memory_space<vmem>>, %arg8: memref<125x128xf32, #tpu.memory_space<vmem>>, %arg9: memref<16x128xf32, #tpu.memory_space<vmem>>, %arg10: memref<10240x128xf32, #tpu.memory_space<vmem_shared>>, %arg11: memref<!tpu.dma_semaphore, #tpu.memory_space<semaphore_mem>>, %arg12: memref<!tpu.dma_semaphore, #tpu.memory_space<semaphore_mem>>) attributes {dimension_semantics = [#tpu.dimension_semantics<core_parallel>, #tpu.dimension_semantics<subcore_parallel>], iteration_bounds = array<i64: 2, 16>, scalar_prefetch = 0 : i64, scratch_operands = 7 : i64, tpu.core_type = #tpu.core_type<sc_vector_subcore>, window_params = [{transform_indices = #map}, {transform_indices = #map1}, {transform_indices = #map1}, {transform_indices = #map1}]} {
    %mul3A = arith.constant 16 : i32
    %mul3A_0 = arith.muli %arg0, %mul3A : i32
    %add3A = arith.addi %mul3A_0, %arg1 : i32
    %mul3A_1 = arith.constant 80 : i32
    %mul3A_2 = arith.muli %add3A, %mul3A_1 : i32
    %dma_start3A = arith.constant 0 : i32
    %dma_start3A_3 = arith.constant 0 : i32
    %dma_start3A_4 = tpu.memref_slice %arg3[%mul3A_2, %dma_start3A, %dma_start3A_3] : memref<2560x1x125xi32, #tpu.memory_space<hbm>> -> memref<80x1x125xi32, #tpu.memory_space<hbm>>
    %dma_start3A_5 = arith.constant 0 : i32
    %dma_start3A_6 = arith.constant 0 : i32
    %dma_start3A_7 = tpu.memref_slice %arg3[%mul3A_2, %dma_start3A_5, %dma_start3A_6] : memref<2560x1x125xi32, #tpu.memory_space<hbm>> -> memref<80x1x125xi32, #tpu.memory_space<hbm>>
    tpu.enqueue_dma source(%dma_start3A_7 : memref<80x1x125xi32, #tpu.memory_space<hbm>>) target(%arg6 : memref<80x1x125xi32, #tpu.memory_space<vmem>>) target_semaphore(%arg12 : memref<!tpu.dma_semaphore, #tpu.memory_space<semaphore_mem>>)
    %mul3A_8 = arith.constant 80 : i32
    %mul3A_9 = arith.muli %add3A, %mul3A_8 : i32
    %dma_start3A_10 = arith.constant 0 : i32
    %dma_start3A_11 = arith.constant 0 : i32
    %dma_start3A_12 = tpu.memref_slice %arg4[%mul3A_9, %dma_start3A_10, %dma_start3A_11] : memref<2560x1x125xi32, #tpu.memory_space<hbm>> -> memref<80x1x125xi32, #tpu.memory_space<hbm>>
    %dma_start3A_13 = arith.constant 0 : i32
    %dma_start3A_14 = arith.constant 0 : i32
    %dma_start3A_15 = tpu.memref_slice %arg4[%mul3A_9, %dma_start3A_13, %dma_start3A_14] : memref<2560x1x125xi32, #tpu.memory_space<hbm>> -> memref<80x1x125xi32, #tpu.memory_space<hbm>>
    tpu.enqueue_dma source(%dma_start3A_15 : memref<80x1x125xi32, #tpu.memory_space<hbm>>) target(%arg7 : memref<80x1x125xi32, #tpu.memory_space<vmem>>) target_semaphore(%arg12 : memref<!tpu.dma_semaphore, #tpu.memory_space<semaphore_mem>>)
    %scan3A = arith.constant 0 : i32
    %scan3A_16 = arith.constant 0 : i32
    %scan3A_17 = arith.constant 128 : i32
    %scan3A_18 = arith.addi %scan3A_16, %scan3A_17 : i32
    %scan3A_19 = arith.constant 1 : i32
    scf.for %scan3A_207 = %scan3A_16 to %scan3A_18 step %scan3A_19  : i32 {
      %jit3A = arith.constant 8 : i32
      %div3A = arith.divsi %scan3A_207, %jit3A : i32
      %sign3A = arith.constant 0 : i32
      %sign3A_208 = arith.cmpi sgt, %scan3A_207, %sign3A : i32
      %sign3A_209 = arith.extui %sign3A_208 : i1 to i32
      %sign3A_210 = arith.constant 0 : i32
      %sign3A_211 = arith.cmpi slt, %scan3A_207, %sign3A_210 : i32
      %sign3A_212 = arith.extui %sign3A_211 : i1 to i32
      %sign3A_213 = arith.subi %sign3A_209, %sign3A_212 : i32
      %sign3A_214 = arith.constant 0 : i32
      %sign3A_215 = arith.cmpi sgt, %jit3A, %sign3A_214 : i32
      %sign3A_216 = arith.extui %sign3A_215 : i1 to i32
      %sign3A_217 = arith.constant 0 : i32
      %sign3A_218 = arith.cmpi slt, %jit3A, %sign3A_217 : i32
      %sign3A_219 = arith.extui %sign3A_218 : i1 to i32
      %sign3A_220 = arith.subi %sign3A_216, %sign3A_219 : i32
      %ne3A = arith.cmpi ne, %sign3A_213, %sign3A_220 : i32
      %rem3A = arith.remsi %scan3A_207, %jit3A : i32
      %ne3A_221 = arith.constant 0 : i32
      %ne3A_222 = arith.cmpi ne, %rem3A, %ne3A_221 : i32
      %and3A = arith.andi %ne3A, %ne3A_222 : i1
      %sub3A = arith.constant 1 : i32
      %sub3A_223 = arith.subi %div3A, %sub3A : i32
      %select_n3A = arith.select %and3A, %sub3A_223, %div3A : i32
      %mul3A_224 = arith.constant 8 : i32
      %mul3A_225 = arith.muli %select_n3A, %mul3A_224 : i32
      %sub3A_226 = arith.subi %scan3A_207, %mul3A_225 : i32
      %broadcast_in_dim3A = arith.constant 0.000000e+00 : f32
      %broadcast_in_dim3A_227 = vector.broadcast %broadcast_in_dim3A : f32 to vector<16xf32>
      %mul3A_228 = arith.constant 16 : i32
      %mul3A_229 = arith.muli %sub3A_226, %mul3A_228 : i32
      %swap3A = arith.index_cast %select_n3A : i32 to index
      %swap3A_230 = arith.index_cast %mul3A_229 : i32 to index
      %swap3A_231 = tpu.vector_load %arg9[%swap3A, %swap3A_230] {strides = array<i32>} : memref<16x128xf32, #tpu.memory_space<vmem>>, vector<1x16xf32>,
      %swap3A_232 = vector.shape_cast %swap3A_231 : vector<1x16xf32> to vector<16xf32>
      %swap3A_233 = vector.shape_cast %broadcast_in_dim3A_227 : vector<16xf32> to vector<1x16xf32>
      tpu.vector_store %arg9[%swap3A, %swap3A_230], %swap3A_233 {strides = array<i32>} : memref<16x128xf32, #tpu.memory_space<vmem>>, vector<1x16xf32>,
    }
    %scan3A_20 = arith.constant 128 : i32
    %mul3A_21 = arith.constant 640 : i32
    %mul3A_22 = arith.muli %arg1, %mul3A_21 : i32
    %add3A_23 = arith.constant 0 : i32
    %add3A_24 = arith.addi %mul3A_22, %add3A_23 : i32
    "tpu.region"() ({
      %run_scoped3A = tpu.sem_alloc : memref<!tpu.dma_semaphore, #tpu.memory_space<semaphore_mem>>
      %dma_start3A_207 = arith.constant 0 : i32
      %dma_start3A_208 = tpu.memref_slice %arg10[%add3A_24, %dma_start3A_207] : memref<10240x128xf32, #tpu.memory_space<vmem_shared>> -> memref<16x128xf32, #tpu.memory_space<vmem_shared>>
      %dma_start3A_209 = arith.constant 0 : i32
      %dma_start3A_210 = tpu.memref_slice %arg10[%add3A_24, %dma_start3A_209] : memref<10240x128xf32, #tpu.memory_space<vmem_shared>> -> memref<16x128xf32, #tpu.memory_space<vmem_shared>>
      tpu.enqueue_dma source(%arg9 : memref<16x128xf32, #tpu.memory_space<vmem>>) target(%dma_start3A_210 : memref<16x128xf32, #tpu.memory_space<vmem_shared>>) target_semaphore(%run_scoped3A : memref<!tpu.dma_semaphore, #tpu.memory_space<semaphore_mem>>)
      %dma_wait3A_211 = arith.constant 0 : i32
      %dma_wait3A_212 = tpu.memref_slice %arg10[%add3A_24, %dma_wait3A_211] : memref<10240x128xf32, #tpu.memory_space<vmem_shared>> -> memref<16x128xf32, #tpu.memory_space<vmem_shared>>
      %dma_wait3A_213 = arith.constant 0 : i32
      %dma_wait3A_214 = tpu.memref_slice %arg10[%add3A_24, %dma_wait3A_213] : memref<10240x128xf32, #tpu.memory_space<vmem_shared>> -> memref<16x128xf32, #tpu.memory_space<vmem_shared>>
      tpu.wait_dma2 semaphore(%run_scoped3A : memref<!tpu.dma_semaphore, #tpu.memory_space<semaphore_mem>>) src(%arg9 : memref<16x128xf32, #tpu.memory_space<vmem>>) dst(%dma_wait3A_214 : memref<16x128xf32, #tpu.memory_space<vmem_shared>>)
      tpu.yield
    }) : () -> ()
    %mul3A_25 = arith.constant 640 : i32
    %mul3A_26 = arith.muli %arg1, %mul3A_25 : i32
    %add3A_27 = arith.constant 16 : i32
    %add3A_28 = arith.addi %mul3A_26, %add3A_27 : i32
    "tpu.region"() ({
      %run_scoped3A = tpu.sem_alloc : memref<!tpu.dma_semaphore, #tpu.memory_space<semaphore_mem>>
      %dma_start3A_207 = arith.constant 0 : i32
      %dma_start3A_208 = tpu.memref_slice %arg10[%add3A_28, %dma_start3A_207] : memref<10240x128xf32, #tpu.memory_space<vmem_shared>> -> memref<16x128xf32, #tpu.memory_space<vmem_shared>>
      %dma_start3A_209 = arith.constant 0 : i32
      %dma_start3A_210 = tpu.memref_slice %arg10[%add3A_28, %dma_start3A_209] : memref<10240x128xf32, #tpu.memory_space<vmem_shared>> -> memref<16x128xf32, #tpu.memory_space<vmem_shared>>
      tpu.enqueue_dma source(%arg9 : memref<16x128xf32, #tpu.memory_space<vmem>>) target(%dma_start3A_210 : memref<16x128xf32, #tpu.memory_space<vmem_shared>>) target_semaphore(%run_scoped3A : memref<!tpu.dma_semaphore, #tpu.memory_space<semaphore_mem>>)
      %dma_wait3A_211 = arith.constant 0 : i32
      %dma_wait3A_212 = tpu.memref_slice %arg10[%add3A_28, %dma_wait3A_211] : memref<10240x128xf32, #tpu.memory_space<vmem_shared>> -> memref<16x128xf32, #tpu.memory_space<vmem_shared>>
      %dma_wait3A_213 = arith.constant 0 : i32
      %dma_wait3A_214 = tpu.memref_slice %arg10[%add3A_28, %dma_wait3A_213] : memref<10240x128xf32, #tpu.memory_space<vmem_shared>> -> memref<16x128xf32, #tpu.memory_space<vmem_shared>>
      tpu.wait_dma2 semaphore(%run_scoped3A : memref<!tpu.dma_semaphore, #tpu.memory_space<semaphore_mem>>) src(%arg9 : memref<16x128xf32, #tpu.memory_space<vmem>>) dst(%dma_wait3A_214 : memref<16x128xf32, #tpu.memory_space<vmem_shared>>)
      tpu.yield
    }) : () -> ()
    %mul3A_29 = arith.constant 640 : i32
    %mul3A_30 = arith.muli %arg1, %mul3A_29 : i32
    %add3A_31 = arith.constant 32 : i32
    %add3A_32 = arith.addi %mul3A_30, %add3A_31 : i32
    "tpu.region"() ({
      %run_scoped3A = tpu.sem_alloc : memref<!tpu.dma_semaphore, #tpu.memory_space<semaphore_mem>>
      %dma_start3A_207 = arith.constant 0 : i32
      %dma_start3A_208 = tpu.memref_slice %arg10[%add3A_32, %dma_start3A_207] : memref<10240x128xf32, #tpu.memory_space<vmem_shared>> -> memref<16x128xf32, #tpu.memory_space<vmem_shared>>
      %dma_start3A_209 = arith.constant 0 : i32
      %dma_start3A_210 = tpu.memref_slice %arg10[%add3A_32, %dma_start3A_209] : memref<10240x128xf32, #tpu.memory_space<vmem_shared>> -> memref<16x128xf32, #tpu.memory_space<vmem_shared>>
      tpu.enqueue_dma source(%arg9 : memref<16x128xf32, #tpu.memory_space<vmem>>) target(%dma_start3A_210 : memref<16x128xf32, #tpu.memory_space<vmem_shared>>) target_semaphore(%run_scoped3A : memref<!tpu.dma_semaphore, #tpu.memory_space<semaphore_mem>>)
      %dma_wait3A_211 = arith.constant 0 : i32
      %dma_wait3A_212 = tpu.memref_slice %arg10[%add3A_32, %dma_wait3A_211] : memref<10240x128xf32, #tpu.memory_space<vmem_shared>> -> memref<16x128xf32, #tpu.memory_space<vmem_shared>>
      %dma_wait3A_213 = arith.constant 0 : i32
      %dma_wait3A_214 = tpu.memref_slice %arg10[%add3A_32, %dma_wait3A_213] : memref<10240x128xf32, #tpu.memory_space<vmem_shared>> -> memref<16x128xf32, #tpu.memory_space<vmem_shared>>
      tpu.wait_dma2 semaphore(%run_scoped3A : memref<!tpu.dma_semaphore, #tpu.memory_space<semaphore_mem>>) src(%arg9 : memref<16x128xf32, #tpu.memory_space<vmem>>) dst(%dma_wait3A_214 : memref<16x128xf32, #tpu.memory_space<vmem_shared>>)
      tpu.yield
    }) : () -> ()
    %mul3A_33 = arith.constant 640 : i32
    %mul3A_34 = arith.muli %arg1, %mul3A_33 : i32
    %add3A_35 = arith.constant 48 : i32
    %add3A_36 = arith.addi %mul3A_34, %add3A_35 : i32
    "tpu.region"() ({
      %run_scoped3A = tpu.sem_alloc : memref<!tpu.dma_semaphore, #tpu.memory_space<semaphore_mem>>
      %dma_start3A_207 = arith.constant 0 : i32
      %dma_start3A_208 = tpu.memref_slice %arg10[%add3A_36, %dma_start3A_207] : memref<10240x128xf32, #tpu.memory_space<vmem_shared>> -> memref<16x128xf32, #tpu.memory_space<vmem_shared>>
      %dma_start3A_209 = arith.constant 0 : i32
      %dma_start3A_210 = tpu.memref_slice %arg10[%add3A_36, %dma_start3A_209] : memref<10240x128xf32, #tpu.memory_space<vmem_shared>> -> memref<16x128xf32, #tpu.memory_space<vmem_shared>>
      tpu.enqueue_dma source(%arg9 : memref<16x128xf32, #tpu.memory_space<vmem>>) target(%dma_start3A_210 : memref<16x128xf32, #tpu.memory_space<vmem_shared>>) target_semaphore(%run_scoped3A : memref<!tpu.dma_semaphore, #tpu.memory_space<semaphore_mem>>)
      %dma_wait3A_211 = arith.constant 0 : i32
      %dma_wait3A_212 = tpu.memref_slice %arg10[%add3A_36, %dma_wait3A_211] : memref<10240x128xf32, #tpu.memory_space<vmem_shared>> -> memref<16x128xf32, #tpu.memory_space<vmem_shared>>
      %dma_wait3A_213 = arith.constant 0 : i32
      %dma_wait3A_214 = tpu.memref_slice %arg10[%add3A_36, %dma_wait3A_213] : memref<10240x128xf32, #tpu.memory_space<vmem_shared>> -> memref<16x128xf32, #tpu.memory_space<vmem_shared>>
      tpu.wait_dma2 semaphore(%run_scoped3A : memref<!tpu.dma_semaphore, #tpu.memory_space<semaphore_mem>>) src(%arg9 : memref<16x128xf32, #tpu.memory_space<vmem>>) dst(%dma_wait3A_214 : memref<16x128xf32, #tpu.memory_space<vmem_shared>>)
      tpu.yield
    }) : () -> ()
    %mul3A_37 = arith.constant 640 : i32
    %mul3A_38 = arith.muli %arg1, %mul3A_37 : i32
    %add3A_39 = arith.constant 64 : i32
    %add3A_40 = arith.addi %mul3A_38, %add3A_39 : i32
    "tpu.region"() ({
      %run_scoped3A = tpu.sem_alloc : memref<!tpu.dma_semaphore, #tpu.memory_space<semaphore_mem>>
      %dma_start3A_207 = arith.constant 0 : i32
      %dma_start3A_208 = tpu.memref_slice %arg10[%add3A_40, %dma_start3A_207] : memref<10240x128xf32, #tpu.memory_space<vmem_shared>> -> memref<16x128xf32, #tpu.memory_space<vmem_shared>>
      %dma_start3A_209 = arith.constant 0 : i32
      %dma_start3A_210 = tpu.memref_slice %arg10[%add3A_40, %dma_start3A_209] : memref<10240x128xf32, #tpu.memory_space<vmem_shared>> -> memref<16x128xf32, #tpu.memory_space<vmem_shared>>
      tpu.enqueue_dma source(%arg9 : memref<16x128xf32, #tpu.memory_space<vmem>>) target(%dma_start3A_210 : memref<16x128xf32, #tpu.memory_space<vmem_shared>>) target_semaphore(%run_scoped3A : memref<!tpu.dma_semaphore, #tpu.memory_space<semaphore_mem>>)
      %dma_wait3A_211 = arith.constant 0 : i32
      %dma_wait3A_212 = tpu.memref_slice %arg10[%add3A_40, %dma_wait3A_211] : memref<10240x128xf32, #tpu.memory_space<vmem_shared>> -> memref<16x128xf32, #tpu.memory_space<vmem_shared>>
      %dma_wait3A_213 = arith.constant 0 : i32
      %dma_wait3A_214 = tpu.memref_slice %arg10[%add3A_40, %dma_wait3A_213] : memref<10240x128xf32, #tpu.memory_space<vmem_shared>> -> memref<16x128xf32, #tpu.memory_space<vmem_shared>>
      tpu.wait_dma2 semaphore(%run_scoped3A : memref<!tpu.dma_semaphore, #tpu.memory_space<semaphore_mem>>) src(%arg9 : memref<16x128xf32, #tpu.memory_space<vmem>>) dst(%dma_wait3A_214 : memref<16x128xf32, #tpu.memory_space<vmem_shared>>)
      tpu.yield
    }) : () -> ()
    %mul3A_41 = arith.constant 640 : i32
    %mul3A_42 = arith.muli %arg1, %mul3A_41 : i32
    %add3A_43 = arith.constant 80 : i32
    %add3A_44 = arith.addi %mul3A_42, %add3A_43 : i32
    "tpu.region"() ({
      %run_scoped3A = tpu.sem_alloc : memref<!tpu.dma_semaphore, #tpu.memory_space<semaphore_mem>>
      %dma_start3A_207 = arith.constant 0 : i32
      %dma_start3A_208 = tpu.memref_slice %arg10[%add3A_44, %dma_start3A_207] : memref<10240x128xf32, #tpu.memory_space<vmem_shared>> -> memref<16x128xf32, #tpu.memory_space<vmem_shared>>
      %dma_start3A_209 = arith.constant 0 : i32
      %dma_start3A_210 = tpu.memref_slice %arg10[%add3A_44, %dma_start3A_209] : memref<10240x128xf32, #tpu.memory_space<vmem_shared>> -> memref<16x128xf32, #tpu.memory_space<vmem_shared>>
      tpu.enqueue_dma source(%arg9 : memref<16x128xf32, #tpu.memory_space<vmem>>) target(%dma_start3A_210 : memref<16x128xf32, #tpu.memory_space<vmem_shared>>) target_semaphore(%run_scoped3A : memref<!tpu.dma_semaphore, #tpu.memory_space<semaphore_mem>>)
      %dma_wait3A_211 = arith.constant 0 : i32
      %dma_wait3A_212 = tpu.memref_slice %arg10[%add3A_44, %dma_wait3A_211] : memref<10240x128xf32, #tpu.memory_space<vmem_shared>> -> memref<16x128xf32, #tpu.memory_space<vmem_shared>>
      %dma_wait3A_213 = arith.constant 0 : i32
      %dma_wait3A_214 = tpu.memref_slice %arg10[%add3A_44, %dma_wait3A_213] : memref<10240x128xf32, #tpu.memory_space<vmem_shared>> -> memref<16x128xf32, #tpu.memory_space<vmem_shared>>
      tpu.wait_dma2 semaphore(%run_scoped3A : memref<!tpu.dma_semaphore, #tpu.memory_space<semaphore_mem>>) src(%arg9 : memref<16x128xf32, #tpu.memory_space<vmem>>) dst(%dma_wait3A_214 : memref<16x128xf32, #tpu.memory_space<vmem_shared>>)
      tpu.yield
    }) : () -> ()
    %mul3A_45 = arith.constant 640 : i32
    %mul3A_46 = arith.muli %arg1, %mul3A_45 : i32
    %add3A_47 = arith.constant 96 : i32
    %add3A_48 = arith.addi %mul3A_46, %add3A_47 : i32
    "tpu.region"() ({
      %run_scoped3A = tpu.sem_alloc : memref<!tpu.dma_semaphore, #tpu.memory_space<semaphore_mem>>
      %dma_start3A_207 = arith.constant 0 : i32
      %dma_start3A_208 = tpu.memref_slice %arg10[%add3A_48, %dma_start3A_207] : memref<10240x128xf32, #tpu.memory_space<vmem_shared>> -> memref<16x128xf32, #tpu.memory_space<vmem_shared>>
      %dma_start3A_209 = arith.constant 0 : i32
      %dma_start3A_210 = tpu.memref_slice %arg10[%add3A_48, %dma_start3A_209] : memref<10240x128xf32, #tpu.memory_space<vmem_shared>> -> memref<16x128xf32, #tpu.memory_space<vmem_shared>>
      tpu.enqueue_dma source(%arg9 : memref<16x128xf32, #tpu.memory_space<vmem>>) target(%dma_start3A_210 : memref<16x128xf32, #tpu.memory_space<vmem_shared>>) target_semaphore(%run_scoped3A : memref<!tpu.dma_semaphore, #tpu.memory_space<semaphore_mem>>)
      %dma_wait3A_211 = arith.constant 0 : i32
      %dma_wait3A_212 = tpu.memref_slice %arg10[%add3A_48, %dma_wait3A_211] : memref<10240x128xf32, #tpu.memory_space<vmem_shared>> -> memref<16x128xf32, #tpu.memory_space<vmem_shared>>
      %dma_wait3A_213 = arith.constant 0 : i32
      %dma_wait3A_214 = tpu.memref_slice %arg10[%add3A_48, %dma_wait3A_213] : memref<10240x128xf32, #tpu.memory_space<vmem_shared>> -> memref<16x128xf32, #tpu.memory_space<vmem_shared>>
      tpu.wait_dma2 semaphore(%run_scoped3A : memref<!tpu.dma_semaphore, #tpu.memory_space<semaphore_mem>>) src(%arg9 : memref<16x128xf32, #tpu.memory_space<vmem>>) dst(%dma_wait3A_214 : memref<16x128xf32, #tpu.memory_space<vmem_shared>>)
      tpu.yield
    }) : () -> ()
    %mul3A_49 = arith.constant 640 : i32
    %mul3A_50 = arith.muli %arg1, %mul3A_49 : i32
    %add3A_51 = arith.constant 112 : i32
    %add3A_52 = arith.addi %mul3A_50, %add3A_51 : i32
    "tpu.region"() ({
      %run_scoped3A = tpu.sem_alloc : memref<!tpu.dma_semaphore, #tpu.memory_space<semaphore_mem>>
      %dma_start3A_207 = arith.constant 0 : i32
      %dma_start3A_208 = tpu.memref_slice %arg10[%add3A_52, %dma_start3A_207] : memref<10240x128xf32, #tpu.memory_space<vmem_shared>> -> memref<16x128xf32, #tpu.memory_space<vmem_shared>>
      %dma_start3A_209 = arith.constant 0 : i32
      %dma_start3A_210 = tpu.memref_slice %arg10[%add3A_52, %dma_start3A_209] : memref<10240x128xf32, #tpu.memory_space<vmem_shared>> -> memref<16x128xf32, #tpu.memory_space<vmem_shared>>
      tpu.enqueue_dma source(%arg9 : memref<16x128xf32, #tpu.memory_space<vmem>>) target(%dma_start3A_210 : memref<16x128xf32, #tpu.memory_space<vmem_shared>>) target_semaphore(%run_scoped3A : memref<!tpu.dma_semaphore, #tpu.memory_space<semaphore_mem>>)
      %dma_wait3A_211 = arith.constant 0 : i32
      %dma_wait3A_212 = tpu.memref_slice %arg10[%add3A_52, %dma_wait3A_211] : memref<10240x128xf32, #tpu.memory_space<vmem_shared>> -> memref<16x128xf32, #tpu.memory_space<vmem_shared>>
      %dma_wait3A_213 = arith.constant 0 : i32
      %dma_wait3A_214 = tpu.memref_slice %arg10[%add3A_52, %dma_wait3A_213] : memref<10240x128xf32, #tpu.memory_space<vmem_shared>> -> memref<16x128xf32, #tpu.memory_space<vmem_shared>>
      tpu.wait_dma2 semaphore(%run_scoped3A : memref<!tpu.dma_semaphore, #tpu.memory_space<semaphore_mem>>) src(%arg9 : memref<16x128xf32, #tpu.memory_space<vmem>>) dst(%dma_wait3A_214 : memref<16x128xf32, #tpu.memory_space<vmem_shared>>)
      tpu.yield
    }) : () -> ()
    %mul3A_53 = arith.constant 640 : i32
    %mul3A_54 = arith.muli %arg1, %mul3A_53 : i32
    %add3A_55 = arith.constant 128 : i32
    %add3A_56 = arith.addi %mul3A_54, %add3A_55 : i32
    "tpu.region"() ({
      %run_scoped3A = tpu.sem_alloc : memref<!tpu.dma_semaphore, #tpu.memory_space<semaphore_mem>>
      %dma_start3A_207 = arith.constant 0 : i32
      %dma_start3A_208 = tpu.memref_slice %arg10[%add3A_56, %dma_start3A_207] : memref<10240x128xf32, #tpu.memory_space<vmem_shared>> -> memref<16x128xf32, #tpu.memory_space<vmem_shared>>
      %dma_start3A_209 = arith.constant 0 : i32
      %dma_start3A_210 = tpu.memref_slice %arg10[%add3A_56, %dma_start3A_209] : memref<10240x128xf32, #tpu.memory_space<vmem_shared>> -> memref<16x128xf32, #tpu.memory_space<vmem_shared>>
      tpu.enqueue_dma source(%arg9 : memref<16x128xf32, #tpu.memory_space<vmem>>) target(%dma_start3A_210 : memref<16x128xf32, #tpu.memory_space<vmem_shared>>) target_semaphore(%run_scoped3A : memref<!tpu.dma_semaphore, #tpu.memory_space<semaphore_mem>>)
      %dma_wait3A_211 = arith.constant 0 : i32
      %dma_wait3A_212 = tpu.memref_slice %arg10[%add3A_56, %dma_wait3A_211] : memref<10240x128xf32, #tpu.memory_space<vmem_shared>> -> memref<16x128xf32, #tpu.memory_space<vmem_shared>>
      %dma_wait3A_213 = arith.constant 0 : i32
      %dma_wait3A_214 = tpu.memref_slice %arg10[%add3A_56, %dma_wait3A_213] : memref<10240x128xf32, #tpu.memory_space<vmem_shared>> -> memref<16x128xf32, #tpu.memory_space<vmem_shared>>
      tpu.wait_dma2 semaphore(%run_scoped3A : memref<!tpu.dma_semaphore, #tpu.memory_space<semaphore_mem>>) src(%arg9 : memref<16x128xf32, #tpu.memory_space<vmem>>) dst(%dma_wait3A_214 : memref<16x128xf32, #tpu.memory_space<vmem_shared>>)
      tpu.yield
    }) : () -> ()
    %mul3A_57 = arith.constant 640 : i32
    %mul3A_58 = arith.muli %arg1, %mul3A_57 : i32
    %add3A_59 = arith.constant 144 : i32
    %add3A_60 = arith.addi %mul3A_58, %add3A_59 : i32
    "tpu.region"() ({
      %run_scoped3A = tpu.sem_alloc : memref<!tpu.dma_semaphore, #tpu.memory_space<semaphore_mem>>
      %dma_start3A_207 = arith.constant 0 : i32
      %dma_start3A_208 = tpu.memref_slice %arg10[%add3A_60, %dma_start3A_207] : memref<10240x128xf32, #tpu.memory_space<vmem_shared>> -> memref<16x128xf32, #tpu.memory_space<vmem_shared>>
      %dma_start3A_209 = arith.constant 0 : i32
      %dma_start3A_210 = tpu.memref_slice %arg10[%add3A_60, %dma_start3A_209] : memref<10240x128xf32, #tpu.memory_space<vmem_shared>> -> memref<16x128xf32, #tpu.memory_space<vmem_shared>>
      tpu.enqueue_dma source(%arg9 : memref<16x128xf32, #tpu.memory_space<vmem>>) target(%dma_start3A_210 : memref<16x128xf32, #tpu.memory_space<vmem_shared>>) target_semaphore(%run_scoped3A : memref<!tpu.dma_semaphore, #tpu.memory_space<semaphore_mem>>)
      %dma_wait3A_211 = arith.constant 0 : i32
      %dma_wait3A_212 = tpu.memref_slice %arg10[%add3A_60, %dma_wait3A_211] : memref<10240x128xf32, #tpu.memory_space<vmem_shared>> -> memref<16x128xf32, #tpu.memory_space<vmem_shared>>
      %dma_wait3A_213 = arith.constant 0 : i32
      %dma_wait3A_214 = tpu.memref_slice %arg10[%add3A_60, %dma_wait3A_213] : memref<10240x128xf32, #tpu.memory_space<vmem_shared>> -> memref<16x128xf32, #tpu.memory_space<vmem_shared>>
      tpu.wait_dma2 semaphore(%run_scoped3A : memref<!tpu.dma_semaphore, #tpu.memory_space<semaphore_mem>>) src(%arg9 : memref<16x128xf32, #tpu.memory_space<vmem>>) dst(%dma_wait3A_214 : memref<16x128xf32, #tpu.memory_space<vmem_shared>>)
      tpu.yield
    }) : () -> ()
    %mul3A_61 = arith.constant 640 : i32
    %mul3A_62 = arith.muli %arg1, %mul3A_61 : i32
    %add3A_63 = arith.constant 160 : i32
    %add3A_64 = arith.addi %mul3A_62, %add3A_63 : i32
    "tpu.region"() ({
      %run_scoped3A = tpu.sem_alloc : memref<!tpu.dma_semaphore, #tpu.memory_space<semaphore_mem>>
      %dma_start3A_207 = arith.constant 0 : i32
      %dma_start3A_208 = tpu.memref_slice %arg10[%add3A_64, %dma_start3A_207] : memref<10240x128xf32, #tpu.memory_space<vmem_shared>> -> memref<16x128xf32, #tpu.memory_space<vmem_shared>>
      %dma_start3A_209 = arith.constant 0 : i32
      %dma_start3A_210 = tpu.memref_slice %arg10[%add3A_64, %dma_start3A_209] : memref<10240x128xf32, #tpu.memory_space<vmem_shared>> -> memref<16x128xf32, #tpu.memory_space<vmem_shared>>
      tpu.enqueue_dma source(%arg9 : memref<16x128xf32, #tpu.memory_space<vmem>>) target(%dma_start3A_210 : memref<16x128xf32, #tpu.memory_space<vmem_shared>>) target_semaphore(%run_scoped3A : memref<!tpu.dma_semaphore, #tpu.memory_space<semaphore_mem>>)
      %dma_wait3A_211 = arith.constant 0 : i32
      %dma_wait3A_212 = tpu.memref_slice %arg10[%add3A_64, %dma_wait3A_211] : memref<10240x128xf32, #tpu.memory_space<vmem_shared>> -> memref<16x128xf32, #tpu.memory_space<vmem_shared>>
      %dma_wait3A_213 = arith.constant 0 : i32
      %dma_wait3A_214 = tpu.memref_slice %arg10[%add3A_64, %dma_wait3A_213] : memref<10240x128xf32, #tpu.memory_space<vmem_shared>> -> memref<16x128xf32, #tpu.memory_space<vmem_shared>>
      tpu.wait_dma2 semaphore(%run_scoped3A : memref<!tpu.dma_semaphore, #tpu.memory_space<semaphore_mem>>) src(%arg9 : memref<16x128xf32, #tpu.memory_space<vmem>>) dst(%dma_wait3A_214 : memref<16x128xf32, #tpu.memory_space<vmem_shared>>)
      tpu.yield
    }) : () -> ()
    %mul3A_65 = arith.constant 640 : i32
    %mul3A_66 = arith.muli %arg1, %mul3A_65 : i32
    %add3A_67 = arith.constant 176 : i32
    %add3A_68 = arith.addi %mul3A_66, %add3A_67 : i32
    "tpu.region"() ({
      %run_scoped3A = tpu.sem_alloc : memref<!tpu.dma_semaphore, #tpu.memory_space<semaphore_mem>>
      %dma_start3A_207 = arith.constant 0 : i32
      %dma_start3A_208 = tpu.memref_slice %arg10[%add3A_68, %dma_start3A_207] : memref<10240x128xf32, #tpu.memory_space<vmem_shared>> -> memref<16x128xf32, #tpu.memory_space<vmem_shared>>
      %dma_start3A_209 = arith.constant 0 : i32
      %dma_start3A_210 = tpu.memref_slice %arg10[%add3A_68, %dma_start3A_209] : memref<10240x128xf32, #tpu.memory_space<vmem_shared>> -> memref<16x128xf32, #tpu.memory_space<vmem_shared>>
      tpu.enqueue_dma source(%arg9 : memref<16x128xf32, #tpu.memory_space<vmem>>) target(%dma_start3A_210 : memref<16x128xf32, #tpu.memory_space<vmem_shared>>) target_semaphore(%run_scoped3A : memref<!tpu.dma_semaphore, #tpu.memory_space<semaphore_mem>>)
      %dma_wait3A_211 = arith.constant 0 : i32
      %dma_wait3A_212 = tpu.memref_slice %arg10[%add3A_68, %dma_wait3A_211] : memref<10240x128xf32, #tpu.memory_space<vmem_shared>> -> memref<16x128xf32, #tpu.memory_space<vmem_shared>>
      %dma_wait3A_213 = arith.constant 0 : i32
      %dma_wait3A_214 = tpu.memref_slice %arg10[%add3A_68, %dma_wait3A_213] : memref<10240x128xf32, #tpu.memory_space<vmem_shared>> -> memref<16x128xf32, #tpu.memory_space<vmem_shared>>
      tpu.wait_dma2 semaphore(%run_scoped3A : memref<!tpu.dma_semaphore, #tpu.memory_space<semaphore_mem>>) src(%arg9 : memref<16x128xf32, #tpu.memory_space<vmem>>) dst(%dma_wait3A_214 : memref<16x128xf32, #tpu.memory_space<vmem_shared>>)
      tpu.yield
    }) : () -> ()
    %mul3A_69 = arith.constant 640 : i32
    %mul3A_70 = arith.muli %arg1, %mul3A_69 : i32
    %add3A_71 = arith.constant 192 : i32
    %add3A_72 = arith.addi %mul3A_70, %add3A_71 : i32
    "tpu.region"() ({
      %run_scoped3A = tpu.sem_alloc : memref<!tpu.dma_semaphore, #tpu.memory_space<semaphore_mem>>
      %dma_start3A_207 = arith.constant 0 : i32
      %dma_start3A_208 = tpu.memref_slice %arg10[%add3A_72, %dma_start3A_207] : memref<10240x128xf32, #tpu.memory_space<vmem_shared>> -> memref<16x128xf32, #tpu.memory_space<vmem_shared>>
      %dma_start3A_209 = arith.constant 0 : i32
      %dma_start3A_210 = tpu.memref_slice %arg10[%add3A_72, %dma_start3A_209] : memref<10240x128xf32, #tpu.memory_space<vmem_shared>> -> memref<16x128xf32, #tpu.memory_space<vmem_shared>>
      tpu.enqueue_dma source(%arg9 : memref<16x128xf32, #tpu.memory_space<vmem>>) target(%dma_start3A_210 : memref<16x128xf32, #tpu.memory_space<vmem_shared>>) target_semaphore(%run_scoped3A : memref<!tpu.dma_semaphore, #tpu.memory_space<semaphore_mem>>)
      %dma_wait3A_211 = arith.constant 0 : i32
      %dma_wait3A_212 = tpu.memref_slice %arg10[%add3A_72, %dma_wait3A_211] : memref<10240x128xf32, #tpu.memory_space<vmem_shared>> -> memref<16x128xf32, #tpu.memory_space<vmem_shared>>
      %dma_wait3A_213 = arith.constant 0 : i32
      %dma_wait3A_214 = tpu.memref_slice %arg10[%add3A_72, %dma_wait3A_213] : memref<10240x128xf32, #tpu.memory_space<vmem_shared>> -> memref<16x128xf32, #tpu.memory_space<vmem_shared>>
      tpu.wait_dma2 semaphore(%run_scoped3A : memref<!tpu.dma_semaphore, #tpu.memory_space<semaphore_mem>>) src(%arg9 : memref<16x128xf32, #tpu.memory_space<vmem>>) dst(%dma_wait3A_214 : memref<16x128xf32, #tpu.memory_space<vmem_shared>>)
      tpu.yield
    }) : () -> ()
    %mul3A_73 = arith.constant 640 : i32
    %mul3A_74 = arith.muli %arg1, %mul3A_73 : i32
    %add3A_75 = arith.constant 208 : i32
    %add3A_76 = arith.addi %mul3A_74, %add3A_75 : i32
    "tpu.region"() ({
      %run_scoped3A = tpu.sem_alloc : memref<!tpu.dma_semaphore, #tpu.memory_space<semaphore_mem>>
      %dma_start3A_207 = arith.constant 0 : i32
      %dma_start3A_208 = tpu.memref_slice %arg10[%add3A_76, %dma_start3A_207] : memref<10240x128xf32, #tpu.memory_space<vmem_shared>> -> memref<16x128xf32, #tpu.memory_space<vmem_shared>>
      %dma_start3A_209 = arith.constant 0 : i32
      %dma_start3A_210 = tpu.memref_slice %arg10[%add3A_76, %dma_start3A_209] : memref<10240x128xf32, #tpu.memory_space<vmem_shared>> -> memref<16x128xf32, #tpu.memory_space<vmem_shared>>
      tpu.enqueue_dma source(%arg9 : memref<16x128xf32, #tpu.memory_space<vmem>>) target(%dma_start3A_210 : memref<16x128xf32, #tpu.memory_space<vmem_shared>>) target_semaphore(%run_scoped3A : memref<!tpu.dma_semaphore, #tpu.memory_space<semaphore_mem>>)
      %dma_wait3A_211 = arith.constant 0 : i32
      %dma_wait3A_212 = tpu.memref_slice %arg10[%add3A_76, %dma_wait3A_211] : memref<10240x128xf32, #tpu.memory_space<vmem_shared>> -> memref<16x128xf32, #tpu.memory_space<vmem_shared>>
      %dma_wait3A_213 = arith.constant 0 : i32
      %dma_wait3A_214 = tpu.memref_slice %arg10[%add3A_76, %dma_wait3A_213] : memref<10240x128xf32, #tpu.memory_space<vmem_shared>> -> memref<16x128xf32, #tpu.memory_space<vmem_shared>>
      tpu.wait_dma2 semaphore(%run_scoped3A : memref<!tpu.dma_semaphore, #tpu.memory_space<semaphore_mem>>) src(%arg9 : memref<16x128xf32, #tpu.memory_space<vmem>>) dst(%dma_wait3A_214 : memref<16x128xf32, #tpu.memory_space<vmem_shared>>)
      tpu.yield
    }) : () -> ()
    %mul3A_77 = arith.constant 640 : i32
    %mul3A_78 = arith.muli %arg1, %mul3A_77 : i32
    %add3A_79 = arith.constant 224 : i32
    %add3A_80 = arith.addi %mul3A_78, %add3A_79 : i32
    "tpu.region"() ({
      %run_scoped3A = tpu.sem_alloc : memref<!tpu.dma_semaphore, #tpu.memory_space<semaphore_mem>>
      %dma_start3A_207 = arith.constant 0 : i32
      %dma_start3A_208 = tpu.memref_slice %arg10[%add3A_80, %dma_start3A_207] : memref<10240x128xf32, #tpu.memory_space<vmem_shared>> -> memref<16x128xf32, #tpu.memory_space<vmem_shared>>
      %dma_start3A_209 = arith.constant 0 : i32
      %dma_start3A_210 = tpu.memref_slice %arg10[%add3A_80, %dma_start3A_209] : memref<10240x128xf32, #tpu.memory_space<vmem_shared>> -> memref<16x128xf32, #tpu.memory_space<vmem_shared>>
      tpu.enqueue_dma source(%arg9 : memref<16x128xf32, #tpu.memory_space<vmem>>) target(%dma_start3A_210 : memref<16x128xf32, #tpu.memory_space<vmem_shared>>) target_semaphore(%run_scoped3A : memref<!tpu.dma_semaphore, #tpu.memory_space<semaphore_mem>>)
      %dma_wait3A_211 = arith.constant 0 : i32
      %dma_wait3A_212 = tpu.memref_slice %arg10[%add3A_80, %dma_wait3A_211] : memref<10240x128xf32, #tpu.memory_space<vmem_shared>> -> memref<16x128xf32, #tpu.memory_space<vmem_shared>>
      %dma_wait3A_213 = arith.constant 0 : i32
      %dma_wait3A_214 = tpu.memref_slice %arg10[%add3A_80, %dma_wait3A_213] : memref<10240x128xf32, #tpu.memory_space<vmem_shared>> -> memref<16x128xf32, #tpu.memory_space<vmem_shared>>
      tpu.wait_dma2 semaphore(%run_scoped3A : memref<!tpu.dma_semaphore, #tpu.memory_space<semaphore_mem>>) src(%arg9 : memref<16x128xf32, #tpu.memory_space<vmem>>) dst(%dma_wait3A_214 : memref<16x128xf32, #tpu.memory_space<vmem_shared>>)
      tpu.yield
    }) : () -> ()
    %mul3A_81 = arith.constant 640 : i32
    %mul3A_82 = arith.muli %arg1, %mul3A_81 : i32
    %add3A_83 = arith.constant 240 : i32
    %add3A_84 = arith.addi %mul3A_82, %add3A_83 : i32
    "tpu.region"() ({
      %run_scoped3A = tpu.sem_alloc : memref<!tpu.dma_semaphore, #tpu.memory_space<semaphore_mem>>
      %dma_start3A_207 = arith.constant 0 : i32
      %dma_start3A_208 = tpu.memref_slice %arg10[%add3A_84, %dma_start3A_207] : memref<10240x128xf32, #tpu.memory_space<vmem_shared>> -> memref<16x128xf32, #tpu.memory_space<vmem_shared>>
      %dma_start3A_209 = arith.constant 0 : i32
      %dma_start3A_210 = tpu.memref_slice %arg10[%add3A_84, %dma_start3A_209] : memref<10240x128xf32, #tpu.memory_space<vmem_shared>> -> memref<16x128xf32, #tpu.memory_space<vmem_shared>>
      tpu.enqueue_dma source(%arg9 : memref<16x128xf32, #tpu.memory_space<vmem>>) target(%dma_start3A_210 : memref<16x128xf32, #tpu.memory_space<vmem_shared>>) target_semaphore(%run_scoped3A : memref<!tpu.dma_semaphore, #tpu.memory_space<semaphore_mem>>)
      %dma_wait3A_211 = arith.constant 0 : i32
      %dma_wait3A_212 = tpu.memref_slice %arg10[%add3A_84, %dma_wait3A_211] : memref<10240x128xf32, #tpu.memory_space<vmem_shared>> -> memref<16x128xf32, #tpu.memory_space<vmem_shared>>
      %dma_wait3A_213 = arith.constant 0 : i32
      %dma_wait3A_214 = tpu.memref_slice %arg10[%add3A_84, %dma_wait3A_213] : memref<10240x128xf32, #tpu.memory_space<vmem_shared>> -> memref<16x128xf32, #tpu.memory_space<vmem_shared>>
      tpu.wait_dma2 semaphore(%run_scoped3A : memref<!tpu.dma_semaphore, #tpu.memory_space<semaphore_mem>>) src(%arg9 : memref<16x128xf32, #tpu.memory_space<vmem>>) dst(%dma_wait3A_214 : memref<16x128xf32, #tpu.memory_space<vmem_shared>>)
      tpu.yield
    }) : () -> ()
    %mul3A_85 = arith.constant 640 : i32
    %mul3A_86 = arith.muli %arg1, %mul3A_85 : i32
    %add3A_87 = arith.constant 256 : i32
    %add3A_88 = arith.addi %mul3A_86, %add3A_87 : i32
    "tpu.region"() ({
      %run_scoped3A = tpu.sem_alloc : memref<!tpu.dma_semaphore, #tpu.memory_space<semaphore_mem>>
      %dma_start3A_207 = arith.constant 0 : i32
      %dma_start3A_208 = tpu.memref_slice %arg10[%add3A_88, %dma_start3A_207] : memref<10240x128xf32, #tpu.memory_space<vmem_shared>> -> memref<16x128xf32, #tpu.memory_space<vmem_shared>>
      %dma_start3A_209 = arith.constant 0 : i32
      %dma_start3A_210 = tpu.memref_slice %arg10[%add3A_88, %dma_start3A_209] : memref<10240x128xf32, #tpu.memory_space<vmem_shared>> -> memref<16x128xf32, #tpu.memory_space<vmem_shared>>
      tpu.enqueue_dma source(%arg9 : memref<16x128xf32, #tpu.memory_space<vmem>>) target(%dma_start3A_210 : memref<16x128xf32, #tpu.memory_space<vmem_shared>>) target_semaphore(%run_scoped3A : memref<!tpu.dma_semaphore, #tpu.memory_space<semaphore_mem>>)
      %dma_wait3A_211 = arith.constant 0 : i32
      %dma_wait3A_212 = tpu.memref_slice %arg10[%add3A_88, %dma_wait3A_211] : memref<10240x128xf32, #tpu.memory_space<vmem_shared>> -> memref<16x128xf32, #tpu.memory_space<vmem_shared>>
      %dma_wait3A_213 = arith.constant 0 : i32
      %dma_wait3A_214 = tpu.memref_slice %arg10[%add3A_88, %dma_wait3A_213] : memref<10240x128xf32, #tpu.memory_space<vmem_shared>> -> memref<16x128xf32, #tpu.memory_space<vmem_shared>>
      tpu.wait_dma2 semaphore(%run_scoped3A : memref<!tpu.dma_semaphore, #tpu.memory_space<semaphore_mem>>) src(%arg9 : memref<16x128xf32, #tpu.memory_space<vmem>>) dst(%dma_wait3A_214 : memref<16x128xf32, #tpu.memory_space<vmem_shared>>)
      tpu.yield
    }) : () -> ()
    %mul3A_89 = arith.constant 640 : i32
    %mul3A_90 = arith.muli %arg1, %mul3A_89 : i32
    %add3A_91 = arith.constant 272 : i32
    %add3A_92 = arith.addi %mul3A_90, %add3A_91 : i32
    "tpu.region"() ({
      %run_scoped3A = tpu.sem_alloc : memref<!tpu.dma_semaphore, #tpu.memory_space<semaphore_mem>>
      %dma_start3A_207 = arith.constant 0 : i32
      %dma_start3A_208 = tpu.memref_slice %arg10[%add3A_92, %dma_start3A_207] : memref<10240x128xf32, #tpu.memory_space<vmem_shared>> -> memref<16x128xf32, #tpu.memory_space<vmem_shared>>
      %dma_start3A_209 = arith.constant 0 : i32
      %dma_start3A_210 = tpu.memref_slice %arg10[%add3A_92, %dma_start3A_209] : memref<10240x128xf32, #tpu.memory_space<vmem_shared>> -> memref<16x128xf32, #tpu.memory_space<vmem_shared>>
      tpu.enqueue_dma source(%arg9 : memref<16x128xf32, #tpu.memory_space<vmem>>) target(%dma_start3A_210 : memref<16x128xf32, #tpu.memory_space<vmem_shared>>) target_semaphore(%run_scoped3A : memref<!tpu.dma_semaphore, #tpu.memory_space<semaphore_mem>>)
      %dma_wait3A_211 = arith.constant 0 : i32
      %dma_wait3A_212 = tpu.memref_slice %arg10[%add3A_92, %dma_wait3A_211] : memref<10240x128xf32, #tpu.memory_space<vmem_shared>> -> memref<16x128xf32, #tpu.memory_space<vmem_shared>>
      %dma_wait3A_213 = arith.constant 0 : i32
      %dma_wait3A_214 = tpu.memref_slice %arg10[%add3A_92, %dma_wait3A_213] : memref<10240x128xf32, #tpu.memory_space<vmem_shared>> -> memref<16x128xf32, #tpu.memory_space<vmem_shared>>
      tpu.wait_dma2 semaphore(%run_scoped3A : memref<!tpu.dma_semaphore, #tpu.memory_space<semaphore_mem>>) src(%arg9 : memref<16x128xf32, #tpu.memory_space<vmem>>) dst(%dma_wait3A_214 : memref<16x128xf32, #tpu.memory_space<vmem_shared>>)
      tpu.yield
    }) : () -> ()
    %mul3A_93 = arith.constant 640 : i32
    %mul3A_94 = arith.muli %arg1, %mul3A_93 : i32
    %add3A_95 = arith.constant 288 : i32
    %add3A_96 = arith.addi %mul3A_94, %add3A_95 : i32
    "tpu.region"() ({
      %run_scoped3A = tpu.sem_alloc : memref<!tpu.dma_semaphore, #tpu.memory_space<semaphore_mem>>
      %dma_start3A_207 = arith.constant 0 : i32
      %dma_start3A_208 = tpu.memref_slice %arg10[%add3A_96, %dma_start3A_207] : memref<10240x128xf32, #tpu.memory_space<vmem_shared>> -> memref<16x128xf32, #tpu.memory_space<vmem_shared>>
      %dma_start3A_209 = arith.constant 0 : i32
      %dma_start3A_210 = tpu.memref_slice %arg10[%add3A_96, %dma_start3A_209] : memref<10240x128xf32, #tpu.memory_space<vmem_shared>> -> memref<16x128xf32, #tpu.memory_space<vmem_shared>>
      tpu.enqueue_dma source(%arg9 : memref<16x128xf32, #tpu.memory_space<vmem>>) target(%dma_start3A_210 : memref<16x128xf32, #tpu.memory_space<vmem_shared>>) target_semaphore(%run_scoped3A : memref<!tpu.dma_semaphore, #tpu.memory_space<semaphore_mem>>)
      %dma_wait3A_211 = arith.constant 0 : i32
      %dma_wait3A_212 = tpu.memref_slice %arg10[%add3A_96, %dma_wait3A_211] : memref<10240x128xf32, #tpu.memory_space<vmem_shared>> -> memref<16x128xf32, #tpu.memory_space<vmem_shared>>
      %dma_wait3A_213 = arith.constant 0 : i32
      %dma_wait3A_214 = tpu.memref_slice %arg10[%add3A_96, %dma_wait3A_213] : memref<10240x128xf32, #tpu.memory_space<vmem_shared>> -> memref<16x128xf32, #tpu.memory_space<vmem_shared>>
      tpu.wait_dma2 semaphore(%run_scoped3A : memref<!tpu.dma_semaphore, #tpu.memory_space<semaphore_mem>>) src(%arg9 : memref<16x128xf32, #tpu.memory_space<vmem>>) dst(%dma_wait3A_214 : memref<16x128xf32, #tpu.memory_space<vmem_shared>>)
      tpu.yield
    }) : () -> ()
    %mul3A_97 = arith.constant 640 : i32
    %mul3A_98 = arith.muli %arg1, %mul3A_97 : i32
    %add3A_99 = arith.constant 304 : i32
    %add3A_100 = arith.addi %mul3A_98, %add3A_99 : i32
    "tpu.region"() ({
      %run_scoped3A = tpu.sem_alloc : memref<!tpu.dma_semaphore, #tpu.memory_space<semaphore_mem>>
      %dma_start3A_207 = arith.constant 0 : i32
      %dma_start3A_208 = tpu.memref_slice %arg10[%add3A_100, %dma_start3A_207] : memref<10240x128xf32, #tpu.memory_space<vmem_shared>> -> memref<16x128xf32, #tpu.memory_space<vmem_shared>>
      %dma_start3A_209 = arith.constant 0 : i32
      %dma_start3A_210 = tpu.memref_slice %arg10[%add3A_100, %dma_start3A_209] : memref<10240x128xf32, #tpu.memory_space<vmem_shared>> -> memref<16x128xf32, #tpu.memory_space<vmem_shared>>
      tpu.enqueue_dma source(%arg9 : memref<16x128xf32, #tpu.memory_space<vmem>>) target(%dma_start3A_210 : memref<16x128xf32, #tpu.memory_space<vmem_shared>>) target_semaphore(%run_scoped3A : memref<!tpu.dma_semaphore, #tpu.memory_space<semaphore_mem>>)
      %dma_wait3A_211 = arith.constant 0 : i32
      %dma_wait3A_212 = tpu.memref_slice %arg10[%add3A_100, %dma_wait3A_211] : memref<10240x128xf32, #tpu.memory_space<vmem_shared>> -> memref<16x128xf32, #tpu.memory_space<vmem_shared>>
      %dma_wait3A_213 = arith.constant 0 : i32
      %dma_wait3A_214 = tpu.memref_slice %arg10[%add3A_100, %dma_wait3A_213] : memref<10240x128xf32, #tpu.memory_space<vmem_shared>> -> memref<16x128xf32, #tpu.memory_space<vmem_shared>>
      tpu.wait_dma2 semaphore(%run_scoped3A : memref<!tpu.dma_semaphore, #tpu.memory_space<semaphore_mem>>) src(%arg9 : memref<16x128xf32, #tpu.memory_space<vmem>>) dst(%dma_wait3A_214 : memref<16x128xf32, #tpu.memory_space<vmem_shared>>)
      tpu.yield
    }) : () -> ()
    %mul3A_101 = arith.constant 640 : i32
    %mul3A_102 = arith.muli %arg1, %mul3A_101 : i32
    %add3A_103 = arith.constant 320 : i32
    %add3A_104 = arith.addi %mul3A_102, %add3A_103 : i32
    "tpu.region"() ({
      %run_scoped3A = tpu.sem_alloc : memref<!tpu.dma_semaphore, #tpu.memory_space<semaphore_mem>>
      %dma_start3A_207 = arith.constant 0 : i32
      %dma_start3A_208 = tpu.memref_slice %arg10[%add3A_104, %dma_start3A_207] : memref<10240x128xf32, #tpu.memory_space<vmem_shared>> -> memref<16x128xf32, #tpu.memory_space<vmem_shared>>
      %dma_start3A_209 = arith.constant 0 : i32
      %dma_start3A_210 = tpu.memref_slice %arg10[%add3A_104, %dma_start3A_209] : memref<10240x128xf32, #tpu.memory_space<vmem_shared>> -> memref<16x128xf32, #tpu.memory_space<vmem_shared>>
      tpu.enqueue_dma source(%arg9 : memref<16x128xf32, #tpu.memory_space<vmem>>) target(%dma_start3A_210 : memref<16x128xf32, #tpu.memory_space<vmem_shared>>) target_semaphore(%run_scoped3A : memref<!tpu.dma_semaphore, #tpu.memory_space<semaphore_mem>>)
      %dma_wait3A_211 = arith.constant 0 : i32
      %dma_wait3A_212 = tpu.memref_slice %arg10[%add3A_104, %dma_wait3A_211] : memref<10240x128xf32, #tpu.memory_space<vmem_shared>> -> memref<16x128xf32, #tpu.memory_space<vmem_shared>>
      %dma_wait3A_213 = arith.constant 0 : i32
      %dma_wait3A_214 = tpu.memref_slice %arg10[%add3A_104, %dma_wait3A_213] : memref<10240x128xf32, #tpu.memory_space<vmem_shared>> -> memref<16x128xf32, #tpu.memory_space<vmem_shared>>
      tpu.wait_dma2 semaphore(%run_scoped3A : memref<!tpu.dma_semaphore, #tpu.memory_space<semaphore_mem>>) src(%arg9 : memref<16x128xf32, #tpu.memory_space<vmem>>) dst(%dma_wait3A_214 : memref<16x128xf32, #tpu.memory_space<vmem_shared>>)
      tpu.yield
    }) : () -> ()
    %mul3A_105 = arith.constant 640 : i32
    %mul3A_106 = arith.muli %arg1, %mul3A_105 : i32
    %add3A_107 = arith.constant 336 : i32
    %add3A_108 = arith.addi %mul3A_106, %add3A_107 : i32
    "tpu.region"() ({
      %run_scoped3A = tpu.sem_alloc : memref<!tpu.dma_semaphore, #tpu.memory_space<semaphore_mem>>
      %dma_start3A_207 = arith.constant 0 : i32
      %dma_start3A_208 = tpu.memref_slice %arg10[%add3A_108, %dma_start3A_207] : memref<10240x128xf32, #tpu.memory_space<vmem_shared>> -> memref<16x128xf32, #tpu.memory_space<vmem_shared>>
      %dma_start3A_209 = arith.constant 0 : i32
      %dma_start3A_210 = tpu.memref_slice %arg10[%add3A_108, %dma_start3A_209] : memref<10240x128xf32, #tpu.memory_space<vmem_shared>> -> memref<16x128xf32, #tpu.memory_space<vmem_shared>>
      tpu.enqueue_dma source(%arg9 : memref<16x128xf32, #tpu.memory_space<vmem>>) target(%dma_start3A_210 : memref<16x128xf32, #tpu.memory_space<vmem_shared>>) target_semaphore(%run_scoped3A : memref<!tpu.dma_semaphore, #tpu.memory_space<semaphore_mem>>)
      %dma_wait3A_211 = arith.constant 0 : i32
      %dma_wait3A_212 = tpu.memref_slice %arg10[%add3A_108, %dma_wait3A_211] : memref<10240x128xf32, #tpu.memory_space<vmem_shared>> -> memref<16x128xf32, #tpu.memory_space<vmem_shared>>
      %dma_wait3A_213 = arith.constant 0 : i32
      %dma_wait3A_214 = tpu.memref_slice %arg10[%add3A_108, %dma_wait3A_213] : memref<10240x128xf32, #tpu.memory_space<vmem_shared>> -> memref<16x128xf32, #tpu.memory_space<vmem_shared>>
      tpu.wait_dma2 semaphore(%run_scoped3A : memref<!tpu.dma_semaphore, #tpu.memory_space<semaphore_mem>>) src(%arg9 : memref<16x128xf32, #tpu.memory_space<vmem>>) dst(%dma_wait3A_214 : memref<16x128xf32, #tpu.memory_space<vmem_shared>>)
      tpu.yield
    }) : () -> ()
    %mul3A_109 = arith.constant 640 : i32
    %mul3A_110 = arith.muli %arg1, %mul3A_109 : i32
    %add3A_111 = arith.constant 352 : i32
    %add3A_112 = arith.addi %mul3A_110, %add3A_111 : i32
    "tpu.region"() ({
      %run_scoped3A = tpu.sem_alloc : memref<!tpu.dma_semaphore, #tpu.memory_space<semaphore_mem>>
      %dma_start3A_207 = arith.constant 0 : i32
      %dma_start3A_208 = tpu.memref_slice %arg10[%add3A_112, %dma_start3A_207] : memref<10240x128xf32, #tpu.memory_space<vmem_shared>> -> memref<16x128xf32, #tpu.memory_space<vmem_shared>>
      %dma_start3A_209 = arith.constant 0 : i32
      %dma_start3A_210 = tpu.memref_slice %arg10[%add3A_112, %dma_start3A_209] : memref<10240x128xf32, #tpu.memory_space<vmem_shared>> -> memref<16x128xf32, #tpu.memory_space<vmem_shared>>
      tpu.enqueue_dma source(%arg9 : memref<16x128xf32, #tpu.memory_space<vmem>>) target(%dma_start3A_210 : memref<16x128xf32, #tpu.memory_space<vmem_shared>>) target_semaphore(%run_scoped3A : memref<!tpu.dma_semaphore, #tpu.memory_space<semaphore_mem>>)
      %dma_wait3A_211 = arith.constant 0 : i32
      %dma_wait3A_212 = tpu.memref_slice %arg10[%add3A_112, %dma_wait3A_211] : memref<10240x128xf32, #tpu.memory_space<vmem_shared>> -> memref<16x128xf32, #tpu.memory_space<vmem_shared>>
      %dma_wait3A_213 = arith.constant 0 : i32
      %dma_wait3A_214 = tpu.memref_slice %arg10[%add3A_112, %dma_wait3A_213] : memref<10240x128xf32, #tpu.memory_space<vmem_shared>> -> memref<16x128xf32, #tpu.memory_space<vmem_shared>>
      tpu.wait_dma2 semaphore(%run_scoped3A : memref<!tpu.dma_semaphore, #tpu.memory_space<semaphore_mem>>) src(%arg9 : memref<16x128xf32, #tpu.memory_space<vmem>>) dst(%dma_wait3A_214 : memref<16x128xf32, #tpu.memory_space<vmem_shared>>)
      tpu.yield
    }) : () -> ()
    %mul3A_113 = arith.constant 640 : i32
    %mul3A_114 = arith.muli %arg1, %mul3A_113 : i32
    %add3A_115 = arith.constant 368 : i32
    %add3A_116 = arith.addi %mul3A_114, %add3A_115 : i32
    "tpu.region"() ({
      %run_scoped3A = tpu.sem_alloc : memref<!tpu.dma_semaphore, #tpu.memory_space<semaphore_mem>>
      %dma_start3A_207 = arith.constant 0 : i32
      %dma_start3A_208 = tpu.memref_slice %arg10[%add3A_116, %dma_start3A_207] : memref<10240x128xf32, #tpu.memory_space<vmem_shared>> -> memref<16x128xf32, #tpu.memory_space<vmem_shared>>
      %dma_start3A_209 = arith.constant 0 : i32
      %dma_start3A_210 = tpu.memref_slice %arg10[%add3A_116, %dma_start3A_209] : memref<10240x128xf32, #tpu.memory_space<vmem_shared>> -> memref<16x128xf32, #tpu.memory_space<vmem_shared>>
      tpu.enqueue_dma source(%arg9 : memref<16x128xf32, #tpu.memory_space<vmem>>) target(%dma_start3A_210 : memref<16x128xf32, #tpu.memory_space<vmem_shared>>) target_semaphore(%run_scoped3A : memref<!tpu.dma_semaphore, #tpu.memory_space<semaphore_mem>>)
      %dma_wait3A_211 = arith.constant 0 : i32
      %dma_wait3A_212 = tpu.memref_slice %arg10[%add3A_116, %dma_wait3A_211] : memref<10240x128xf32, #tpu.memory_space<vmem_shared>> -> memref<16x128xf32, #tpu.memory_space<vmem_shared>>
      %dma_wait3A_213 = arith.constant 0 : i32
      %dma_wait3A_214 = tpu.memref_slice %arg10[%add3A_116, %dma_wait3A_213] : memref<10240x128xf32, #tpu.memory_space<vmem_shared>> -> memref<16x128xf32, #tpu.memory_space<vmem_shared>>
      tpu.wait_dma2 semaphore(%run_scoped3A : memref<!tpu.dma_semaphore, #tpu.memory_space<semaphore_mem>>) src(%arg9 : memref<16x128xf32, #tpu.memory_space<vmem>>) dst(%dma_wait3A_214 : memref<16x128xf32, #tpu.memory_space<vmem_shared>>)
      tpu.yield
    }) : () -> ()
    %mul3A_117 = arith.constant 640 : i32
    %mul3A_118 = arith.muli %arg1, %mul3A_117 : i32
    %add3A_119 = arith.constant 384 : i32
    %add3A_120 = arith.addi %mul3A_118, %add3A_119 : i32
    "tpu.region"() ({
      %run_scoped3A = tpu.sem_alloc : memref<!tpu.dma_semaphore, #tpu.memory_space<semaphore_mem>>
      %dma_start3A_207 = arith.constant 0 : i32
      %dma_start3A_208 = tpu.memref_slice %arg10[%add3A_120, %dma_start3A_207] : memref<10240x128xf32, #tpu.memory_space<vmem_shared>> -> memref<16x128xf32, #tpu.memory_space<vmem_shared>>
      %dma_start3A_209 = arith.constant 0 : i32
      %dma_start3A_210 = tpu.memref_slice %arg10[%add3A_120, %dma_start3A_209] : memref<10240x128xf32, #tpu.memory_space<vmem_shared>> -> memref<16x128xf32, #tpu.memory_space<vmem_shared>>
      tpu.enqueue_dma source(%arg9 : memref<16x128xf32, #tpu.memory_space<vmem>>) target(%dma_start3A_210 : memref<16x128xf32, #tpu.memory_space<vmem_shared>>) target_semaphore(%run_scoped3A : memref<!tpu.dma_semaphore, #tpu.memory_space<semaphore_mem>>)
      %dma_wait3A_211 = arith.constant 0 : i32
      %dma_wait3A_212 = tpu.memref_slice %arg10[%add3A_120, %dma_wait3A_211] : memref<10240x128xf32, #tpu.memory_space<vmem_shared>> -> memref<16x128xf32, #tpu.memory_space<vmem_shared>>
      %dma_wait3A_213 = arith.constant 0 : i32
      %dma_wait3A_214 = tpu.memref_slice %arg10[%add3A_120, %dma_wait3A_213] : memref<10240x128xf32, #tpu.memory_space<vmem_shared>> -> memref<16x128xf32, #tpu.memory_space<vmem_shared>>
      tpu.wait_dma2 semaphore(%run_scoped3A : memref<!tpu.dma_semaphore, #tpu.memory_space<semaphore_mem>>) src(%arg9 : memref<16x128xf32, #tpu.memory_space<vmem>>) dst(%dma_wait3A_214 : memref<16x128xf32, #tpu.memory_space<vmem_shared>>)
      tpu.yield
    }) : () -> ()
    %mul3A_121 = arith.constant 640 : i32
    %mul3A_122 = arith.muli %arg1, %mul3A_121 : i32
    %add3A_123 = arith.constant 400 : i32
    %add3A_124 = arith.addi %mul3A_122, %add3A_123 : i32
    "tpu.region"() ({
      %run_scoped3A = tpu.sem_alloc : memref<!tpu.dma_semaphore, #tpu.memory_space<semaphore_mem>>
      %dma_start3A_207 = arith.constant 0 : i32
      %dma_start3A_208 = tpu.memref_slice %arg10[%add3A_124, %dma_start3A_207] : memref<10240x128xf32, #tpu.memory_space<vmem_shared>> -> memref<16x128xf32, #tpu.memory_space<vmem_shared>>
      %dma_start3A_209 = arith.constant 0 : i32
      %dma_start3A_210 = tpu.memref_slice %arg10[%add3A_124, %dma_start3A_209] : memref<10240x128xf32, #tpu.memory_space<vmem_shared>> -> memref<16x128xf32, #tpu.memory_space<vmem_shared>>
      tpu.enqueue_dma source(%arg9 : memref<16x128xf32, #tpu.memory_space<vmem>>) target(%dma_start3A_210 : memref<16x128xf32, #tpu.memory_space<vmem_shared>>) target_semaphore(%run_scoped3A : memref<!tpu.dma_semaphore, #tpu.memory_space<semaphore_mem>>)
      %dma_wait3A_211 = arith.constant 0 : i32
      %dma_wait3A_212 = tpu.memref_slice %arg10[%add3A_124, %dma_wait3A_211] : memref<10240x128xf32, #tpu.memory_space<vmem_shared>> -> memref<16x128xf32, #tpu.memory_space<vmem_shared>>
      %dma_wait3A_213 = arith.constant 0 : i32
      %dma_wait3A_214 = tpu.memref_slice %arg10[%add3A_124, %dma_wait3A_213] : memref<10240x128xf32, #tpu.memory_space<vmem_shared>> -> memref<16x128xf32, #tpu.memory_space<vmem_shared>>
      tpu.wait_dma2 semaphore(%run_scoped3A : memref<!tpu.dma_semaphore, #tpu.memory_space<semaphore_mem>>) src(%arg9 : memref<16x128xf32, #tpu.memory_space<vmem>>) dst(%dma_wait3A_214 : memref<16x128xf32, #tpu.memory_space<vmem_shared>>)
      tpu.yield
    }) : () -> ()
    %mul3A_125 = arith.constant 640 : i32
    %mul3A_126 = arith.muli %arg1, %mul3A_125 : i32
    %add3A_127 = arith.constant 416 : i32
    %add3A_128 = arith.addi %mul3A_126, %add3A_127 : i32
    "tpu.region"() ({
      %run_scoped3A = tpu.sem_alloc : memref<!tpu.dma_semaphore, #tpu.memory_space<semaphore_mem>>
      %dma_start3A_207 = arith.constant 0 : i32
      %dma_start3A_208 = tpu.memref_slice %arg10[%add3A_128, %dma_start3A_207] : memref<10240x128xf32, #tpu.memory_space<vmem_shared>> -> memref<16x128xf32, #tpu.memory_space<vmem_shared>>
      %dma_start3A_209 = arith.constant 0 : i32
      %dma_start3A_210 = tpu.memref_slice %arg10[%add3A_128, %dma_start3A_209] : memref<10240x128xf32, #tpu.memory_space<vmem_shared>> -> memref<16x128xf32, #tpu.memory_space<vmem_shared>>
      tpu.enqueue_dma source(%arg9 : memref<16x128xf32, #tpu.memory_space<vmem>>) target(%dma_start3A_210 : memref<16x128xf32, #tpu.memory_space<vmem_shared>>) target_semaphore(%run_scoped3A : memref<!tpu.dma_semaphore, #tpu.memory_space<semaphore_mem>>)
      %dma_wait3A_211 = arith.constant 0 : i32
      %dma_wait3A_212 = tpu.memref_slice %arg10[%add3A_128, %dma_wait3A_211] : memref<10240x128xf32, #tpu.memory_space<vmem_shared>> -> memref<16x128xf32, #tpu.memory_space<vmem_shared>>
      %dma_wait3A_213 = arith.constant 0 : i32
      %dma_wait3A_214 = tpu.memref_slice %arg10[%add3A_128, %dma_wait3A_213] : memref<10240x128xf32, #tpu.memory_space<vmem_shared>> -> memref<16x128xf32, #tpu.memory_space<vmem_shared>>
      tpu.wait_dma2 semaphore(%run_scoped3A : memref<!tpu.dma_semaphore, #tpu.memory_space<semaphore_mem>>) src(%arg9 : memref<16x128xf32, #tpu.memory_space<vmem>>) dst(%dma_wait3A_214 : memref<16x128xf32, #tpu.memory_space<vmem_shared>>)
      tpu.yield
    }) : () -> ()
    %mul3A_129 = arith.constant 640 : i32
    %mul3A_130 = arith.muli %arg1, %mul3A_129 : i32
    %add3A_131 = arith.constant 432 : i32
    %add3A_132 = arith.addi %mul3A_130, %add3A_131 : i32
    "tpu.region"() ({
      %run_scoped3A = tpu.sem_alloc : memref<!tpu.dma_semaphore, #tpu.memory_space<semaphore_mem>>
      %dma_start3A_207 = arith.constant 0 : i32
      %dma_start3A_208 = tpu.memref_slice %arg10[%add3A_132, %dma_start3A_207] : memref<10240x128xf32, #tpu.memory_space<vmem_shared>> -> memref<16x128xf32, #tpu.memory_space<vmem_shared>>
      %dma_start3A_209 = arith.constant 0 : i32
      %dma_start3A_210 = tpu.memref_slice %arg10[%add3A_132, %dma_start3A_209] : memref<10240x128xf32, #tpu.memory_space<vmem_shared>> -> memref<16x128xf32, #tpu.memory_space<vmem_shared>>
      tpu.enqueue_dma source(%arg9 : memref<16x128xf32, #tpu.memory_space<vmem>>) target(%dma_start3A_210 : memref<16x128xf32, #tpu.memory_space<vmem_shared>>) target_semaphore(%run_scoped3A : memref<!tpu.dma_semaphore, #tpu.memory_space<semaphore_mem>>)
      %dma_wait3A_211 = arith.constant 0 : i32
      %dma_wait3A_212 = tpu.memref_slice %arg10[%add3A_132, %dma_wait3A_211] : memref<10240x128xf32, #tpu.memory_space<vmem_shared>> -> memref<16x128xf32, #tpu.memory_space<vmem_shared>>
      %dma_wait3A_213 = arith.constant 0 : i32
      %dma_wait3A_214 = tpu.memref_slice %arg10[%add3A_132, %dma_wait3A_213] : memref<10240x128xf32, #tpu.memory_space<vmem_shared>> -> memref<16x128xf32, #tpu.memory_space<vmem_shared>>
      tpu.wait_dma2 semaphore(%run_scoped3A : memref<!tpu.dma_semaphore, #tpu.memory_space<semaphore_mem>>) src(%arg9 : memref<16x128xf32, #tpu.memory_space<vmem>>) dst(%dma_wait3A_214 : memref<16x128xf32, #tpu.memory_space<vmem_shared>>)
      tpu.yield
    }) : () -> ()
    %mul3A_133 = arith.constant 640 : i32
    %mul3A_134 = arith.muli %arg1, %mul3A_133 : i32
    %add3A_135 = arith.constant 448 : i32
    %add3A_136 = arith.addi %mul3A_134, %add3A_135 : i32
    "tpu.region"() ({
      %run_scoped3A = tpu.sem_alloc : memref<!tpu.dma_semaphore, #tpu.memory_space<semaphore_mem>>
      %dma_start3A_207 = arith.constant 0 : i32
      %dma_start3A_208 = tpu.memref_slice %arg10[%add3A_136, %dma_start3A_207] : memref<10240x128xf32, #tpu.memory_space<vmem_shared>> -> memref<16x128xf32, #tpu.memory_space<vmem_shared>>
      %dma_start3A_209 = arith.constant 0 : i32
      %dma_start3A_210 = tpu.memref_slice %arg10[%add3A_136, %dma_start3A_209] : memref<10240x128xf32, #tpu.memory_space<vmem_shared>> -> memref<16x128xf32, #tpu.memory_space<vmem_shared>>
      tpu.enqueue_dma source(%arg9 : memref<16x128xf32, #tpu.memory_space<vmem>>) target(%dma_start3A_210 : memref<16x128xf32, #tpu.memory_space<vmem_shared>>) target_semaphore(%run_scoped3A : memref<!tpu.dma_semaphore, #tpu.memory_space<semaphore_mem>>)
      %dma_wait3A_211 = arith.constant 0 : i32
      %dma_wait3A_212 = tpu.memref_slice %arg10[%add3A_136, %dma_wait3A_211] : memref<10240x128xf32, #tpu.memory_space<vmem_shared>> -> memref<16x128xf32, #tpu.memory_space<vmem_shared>>
      %dma_wait3A_213 = arith.constant 0 : i32
      %dma_wait3A_214 = tpu.memref_slice %arg10[%add3A_136, %dma_wait3A_213] : memref<10240x128xf32, #tpu.memory_space<vmem_shared>> -> memref<16x128xf32, #tpu.memory_space<vmem_shared>>
      tpu.wait_dma2 semaphore(%run_scoped3A : memref<!tpu.dma_semaphore, #tpu.memory_space<semaphore_mem>>) src(%arg9 : memref<16x128xf32, #tpu.memory_space<vmem>>) dst(%dma_wait3A_214 : memref<16x128xf32, #tpu.memory_space<vmem_shared>>)
      tpu.yield
    }) : () -> ()
    %mul3A_137 = arith.constant 640 : i32
    %mul3A_138 = arith.muli %arg1, %mul3A_137 : i32
    %add3A_139 = arith.constant 464 : i32
    %add3A_140 = arith.addi %mul3A_138, %add3A_139 : i32
    "tpu.region"() ({
      %run_scoped3A = tpu.sem_alloc : memref<!tpu.dma_semaphore, #tpu.memory_space<semaphore_mem>>
      %dma_start3A_207 = arith.constant 0 : i32
      %dma_start3A_208 = tpu.memref_slice %arg10[%add3A_140, %dma_start3A_207] : memref<10240x128xf32, #tpu.memory_space<vmem_shared>> -> memref<16x128xf32, #tpu.memory_space<vmem_shared>>
      %dma_start3A_209 = arith.constant 0 : i32
      %dma_start3A_210 = tpu.memref_slice %arg10[%add3A_140, %dma_start3A_209] : memref<10240x128xf32, #tpu.memory_space<vmem_shared>> -> memref<16x128xf32, #tpu.memory_space<vmem_shared>>
      tpu.enqueue_dma source(%arg9 : memref<16x128xf32, #tpu.memory_space<vmem>>) target(%dma_start3A_210 : memref<16x128xf32, #tpu.memory_space<vmem_shared>>) target_semaphore(%run_scoped3A : memref<!tpu.dma_semaphore, #tpu.memory_space<semaphore_mem>>)
      %dma_wait3A_211 = arith.constant 0 : i32
      %dma_wait3A_212 = tpu.memref_slice %arg10[%add3A_140, %dma_wait3A_211] : memref<10240x128xf32, #tpu.memory_space<vmem_shared>> -> memref<16x128xf32, #tpu.memory_space<vmem_shared>>
      %dma_wait3A_213 = arith.constant 0 : i32
      %dma_wait3A_214 = tpu.memref_slice %arg10[%add3A_140, %dma_wait3A_213] : memref<10240x128xf32, #tpu.memory_space<vmem_shared>> -> memref<16x128xf32, #tpu.memory_space<vmem_shared>>
      tpu.wait_dma2 semaphore(%run_scoped3A : memref<!tpu.dma_semaphore, #tpu.memory_space<semaphore_mem>>) src(%arg9 : memref<16x128xf32, #tpu.memory_space<vmem>>) dst(%dma_wait3A_214 : memref<16x128xf32, #tpu.memory_space<vmem_shared>>)
      tpu.yield
    }) : () -> ()
    %mul3A_141 = arith.constant 640 : i32
    %mul3A_142 = arith.muli %arg1, %mul3A_141 : i32
    %add3A_143 = arith.constant 480 : i32
    %add3A_144 = arith.addi %mul3A_142, %add3A_143 : i32
    "tpu.region"() ({
      %run_scoped3A = tpu.sem_alloc : memref<!tpu.dma_semaphore, #tpu.memory_space<semaphore_mem>>
      %dma_start3A_207 = arith.constant 0 : i32
      %dma_start3A_208 = tpu.memref_slice %arg10[%add3A_144, %dma_start3A_207] : memref<10240x128xf32, #tpu.memory_space<vmem_shared>> -> memref<16x128xf32, #tpu.memory_space<vmem_shared>>
      %dma_start3A_209 = arith.constant 0 : i32
      %dma_start3A_210 = tpu.memref_slice %arg10[%add3A_144, %dma_start3A_209] : memref<10240x128xf32, #tpu.memory_space<vmem_shared>> -> memref<16x128xf32, #tpu.memory_space<vmem_shared>>
      tpu.enqueue_dma source(%arg9 : memref<16x128xf32, #tpu.memory_space<vmem>>) target(%dma_start3A_210 : memref<16x128xf32, #tpu.memory_space<vmem_shared>>) target_semaphore(%run_scoped3A : memref<!tpu.dma_semaphore, #tpu.memory_space<semaphore_mem>>)
      %dma_wait3A_211 = arith.constant 0 : i32
      %dma_wait3A_212 = tpu.memref_slice %arg10[%add3A_144, %dma_wait3A_211] : memref<10240x128xf32, #tpu.memory_space<vmem_shared>> -> memref<16x128xf32, #tpu.memory_space<vmem_shared>>
      %dma_wait3A_213 = arith.constant 0 : i32
      %dma_wait3A_214 = tpu.memref_slice %arg10[%add3A_144, %dma_wait3A_213] : memref<10240x128xf32, #tpu.memory_space<vmem_shared>> -> memref<16x128xf32, #tpu.memory_space<vmem_shared>>
      tpu.wait_dma2 semaphore(%run_scoped3A : memref<!tpu.dma_semaphore, #tpu.memory_space<semaphore_mem>>) src(%arg9 : memref<16x128xf32, #tpu.memory_space<vmem>>) dst(%dma_wait3A_214 : memref<16x128xf32, #tpu.memory_space<vmem_shared>>)
      tpu.yield
    }) : () -> ()
    %mul3A_145 = arith.constant 640 : i32
    %mul3A_146 = arith.muli %arg1, %mul3A_145 : i32
    %add3A_147 = arith.constant 496 : i32
    %add3A_148 = arith.addi %mul3A_146, %add3A_147 : i32
    "tpu.region"() ({
      %run_scoped3A = tpu.sem_alloc : memref<!tpu.dma_semaphore, #tpu.memory_space<semaphore_mem>>
      %dma_start3A_207 = arith.constant 0 : i32
      %dma_start3A_208 = tpu.memref_slice %arg10[%add3A_148, %dma_start3A_207] : memref<10240x128xf32, #tpu.memory_space<vmem_shared>> -> memref<16x128xf32, #tpu.memory_space<vmem_shared>>
      %dma_start3A_209 = arith.constant 0 : i32
      %dma_start3A_210 = tpu.memref_slice %arg10[%add3A_148, %dma_start3A_209] : memref<10240x128xf32, #tpu.memory_space<vmem_shared>> -> memref<16x128xf32, #tpu.memory_space<vmem_shared>>
      tpu.enqueue_dma source(%arg9 : memref<16x128xf32, #tpu.memory_space<vmem>>) target(%dma_start3A_210 : memref<16x128xf32, #tpu.memory_space<vmem_shared>>) target_semaphore(%run_scoped3A : memref<!tpu.dma_semaphore, #tpu.memory_space<semaphore_mem>>)
      %dma_wait3A_211 = arith.constant 0 : i32
      %dma_wait3A_212 = tpu.memref_slice %arg10[%add3A_148, %dma_wait3A_211] : memref<10240x128xf32, #tpu.memory_space<vmem_shared>> -> memref<16x128xf32, #tpu.memory_space<vmem_shared>>
      %dma_wait3A_213 = arith.constant 0 : i32
      %dma_wait3A_214 = tpu.memref_slice %arg10[%add3A_148, %dma_wait3A_213] : memref<10240x128xf32, #tpu.memory_space<vmem_shared>> -> memref<16x128xf32, #tpu.memory_space<vmem_shared>>
      tpu.wait_dma2 semaphore(%run_scoped3A : memref<!tpu.dma_semaphore, #tpu.memory_space<semaphore_mem>>) src(%arg9 : memref<16x128xf32, #tpu.memory_space<vmem>>) dst(%dma_wait3A_214 : memref<16x128xf32, #tpu.memory_space<vmem_shared>>)
      tpu.yield
    }) : () -> ()
    %mul3A_149 = arith.constant 640 : i32
    %mul3A_150 = arith.muli %arg1, %mul3A_149 : i32
    %add3A_151 = arith.constant 512 : i32
    %add3A_152 = arith.addi %mul3A_150, %add3A_151 : i32
    "tpu.region"() ({
      %run_scoped3A = tpu.sem_alloc : memref<!tpu.dma_semaphore, #tpu.memory_space<semaphore_mem>>
      %dma_start3A_207 = arith.constant 0 : i32
      %dma_start3A_208 = tpu.memref_slice %arg10[%add3A_152, %dma_start3A_207] : memref<10240x128xf32, #tpu.memory_space<vmem_shared>> -> memref<16x128xf32, #tpu.memory_space<vmem_shared>>
      %dma_start3A_209 = arith.constant 0 : i32
      %dma_start3A_210 = tpu.memref_slice %arg10[%add3A_152, %dma_start3A_209] : memref<10240x128xf32, #tpu.memory_space<vmem_shared>> -> memref<16x128xf32, #tpu.memory_space<vmem_shared>>
      tpu.enqueue_dma source(%arg9 : memref<16x128xf32, #tpu.memory_space<vmem>>) target(%dma_start3A_210 : memref<16x128xf32, #tpu.memory_space<vmem_shared>>) target_semaphore(%run_scoped3A : memref<!tpu.dma_semaphore, #tpu.memory_space<semaphore_mem>>)
      %dma_wait3A_211 = arith.constant 0 : i32
      %dma_wait3A_212 = tpu.memref_slice %arg10[%add3A_152, %dma_wait3A_211] : memref<10240x128xf32, #tpu.memory_space<vmem_shared>> -> memref<16x128xf32, #tpu.memory_space<vmem_shared>>
      %dma_wait3A_213 = arith.constant 0 : i32
      %dma_wait3A_214 = tpu.memref_slice %arg10[%add3A_152, %dma_wait3A_213] : memref<10240x128xf32, #tpu.memory_space<vmem_shared>> -> memref<16x128xf32, #tpu.memory_space<vmem_shared>>
      tpu.wait_dma2 semaphore(%run_scoped3A : memref<!tpu.dma_semaphore, #tpu.memory_space<semaphore_mem>>) src(%arg9 : memref<16x128xf32, #tpu.memory_space<vmem>>) dst(%dma_wait3A_214 : memref<16x128xf32, #tpu.memory_space<vmem_shared>>)
      tpu.yield
    }) : () -> ()
    %mul3A_153 = arith.constant 640 : i32
    %mul3A_154 = arith.muli %arg1, %mul3A_153 : i32
    %add3A_155 = arith.constant 528 : i32
    %add3A_156 = arith.addi %mul3A_154, %add3A_155 : i32
    "tpu.region"() ({
      %run_scoped3A = tpu.sem_alloc : memref<!tpu.dma_semaphore, #tpu.memory_space<semaphore_mem>>
      %dma_start3A_207 = arith.constant 0 : i32
      %dma_start3A_208 = tpu.memref_slice %arg10[%add3A_156, %dma_start3A_207] : memref<10240x128xf32, #tpu.memory_space<vmem_shared>> -> memref<16x128xf32, #tpu.memory_space<vmem_shared>>
      %dma_start3A_209 = arith.constant 0 : i32
      %dma_start3A_210 = tpu.memref_slice %arg10[%add3A_156, %dma_start3A_209] : memref<10240x128xf32, #tpu.memory_space<vmem_shared>> -> memref<16x128xf32, #tpu.memory_space<vmem_shared>>
      tpu.enqueue_dma source(%arg9 : memref<16x128xf32, #tpu.memory_space<vmem>>) target(%dma_start3A_210 : memref<16x128xf32, #tpu.memory_space<vmem_shared>>) target_semaphore(%run_scoped3A : memref<!tpu.dma_semaphore, #tpu.memory_space<semaphore_mem>>)
      %dma_wait3A_211 = arith.constant 0 : i32
      %dma_wait3A_212 = tpu.memref_slice %arg10[%add3A_156, %dma_wait3A_211] : memref<10240x128xf32, #tpu.memory_space<vmem_shared>> -> memref<16x128xf32, #tpu.memory_space<vmem_shared>>
      %dma_wait3A_213 = arith.constant 0 : i32
      %dma_wait3A_214 = tpu.memref_slice %arg10[%add3A_156, %dma_wait3A_213] : memref<10240x128xf32, #tpu.memory_space<vmem_shared>> -> memref<16x128xf32, #tpu.memory_space<vmem_shared>>
      tpu.wait_dma2 semaphore(%run_scoped3A : memref<!tpu.dma_semaphore, #tpu.memory_space<semaphore_mem>>) src(%arg9 : memref<16x128xf32, #tpu.memory_space<vmem>>) dst(%dma_wait3A_214 : memref<16x128xf32, #tpu.memory_space<vmem_shared>>)
      tpu.yield
    }) : () -> ()
    %mul3A_157 = arith.constant 640 : i32
    %mul3A_158 = arith.muli %arg1, %mul3A_157 : i32
    %add3A_159 = arith.constant 544 : i32
    %add3A_160 = arith.addi %mul3A_158, %add3A_159 : i32
    "tpu.region"() ({
      %run_scoped3A = tpu.sem_alloc : memref<!tpu.dma_semaphore, #tpu.memory_space<semaphore_mem>>
      %dma_start3A_207 = arith.constant 0 : i32
      %dma_start3A_208 = tpu.memref_slice %arg10[%add3A_160, %dma_start3A_207] : memref<10240x128xf32, #tpu.memory_space<vmem_shared>> -> memref<16x128xf32, #tpu.memory_space<vmem_shared>>
      %dma_start3A_209 = arith.constant 0 : i32
      %dma_start3A_210 = tpu.memref_slice %arg10[%add3A_160, %dma_start3A_209] : memref<10240x128xf32, #tpu.memory_space<vmem_shared>> -> memref<16x128xf32, #tpu.memory_space<vmem_shared>>
      tpu.enqueue_dma source(%arg9 : memref<16x128xf32, #tpu.memory_space<vmem>>) target(%dma_start3A_210 : memref<16x128xf32, #tpu.memory_space<vmem_shared>>) target_semaphore(%run_scoped3A : memref<!tpu.dma_semaphore, #tpu.memory_space<semaphore_mem>>)
      %dma_wait3A_211 = arith.constant 0 : i32
      %dma_wait3A_212 = tpu.memref_slice %arg10[%add3A_160, %dma_wait3A_211] : memref<10240x128xf32, #tpu.memory_space<vmem_shared>> -> memref<16x128xf32, #tpu.memory_space<vmem_shared>>
      %dma_wait3A_213 = arith.constant 0 : i32
      %dma_wait3A_214 = tpu.memref_slice %arg10[%add3A_160, %dma_wait3A_213] : memref<10240x128xf32, #tpu.memory_space<vmem_shared>> -> memref<16x128xf32, #tpu.memory_space<vmem_shared>>
      tpu.wait_dma2 semaphore(%run_scoped3A : memref<!tpu.dma_semaphore, #tpu.memory_space<semaphore_mem>>) src(%arg9 : memref<16x128xf32, #tpu.memory_space<vmem>>) dst(%dma_wait3A_214 : memref<16x128xf32, #tpu.memory_space<vmem_shared>>)
      tpu.yield
    }) : () -> ()
    %mul3A_161 = arith.constant 640 : i32
    %mul3A_162 = arith.muli %arg1, %mul3A_161 : i32
    %add3A_163 = arith.constant 560 : i32
    %add3A_164 = arith.addi %mul3A_162, %add3A_163 : i32
    "tpu.region"() ({
      %run_scoped3A = tpu.sem_alloc : memref<!tpu.dma_semaphore, #tpu.memory_space<semaphore_mem>>
      %dma_start3A_207 = arith.constant 0 : i32
      %dma_start3A_208 = tpu.memref_slice %arg10[%add3A_164, %dma_start3A_207] : memref<10240x128xf32, #tpu.memory_space<vmem_shared>> -> memref<16x128xf32, #tpu.memory_space<vmem_shared>>
      %dma_start3A_209 = arith.constant 0 : i32
      %dma_start3A_210 = tpu.memref_slice %arg10[%add3A_164, %dma_start3A_209] : memref<10240x128xf32, #tpu.memory_space<vmem_shared>> -> memref<16x128xf32, #tpu.memory_space<vmem_shared>>
      tpu.enqueue_dma source(%arg9 : memref<16x128xf32, #tpu.memory_space<vmem>>) target(%dma_start3A_210 : memref<16x128xf32, #tpu.memory_space<vmem_shared>>) target_semaphore(%run_scoped3A : memref<!tpu.dma_semaphore, #tpu.memory_space<semaphore_mem>>)
      %dma_wait3A_211 = arith.constant 0 : i32
      %dma_wait3A_212 = tpu.memref_slice %arg10[%add3A_164, %dma_wait3A_211] : memref<10240x128xf32, #tpu.memory_space<vmem_shared>> -> memref<16x128xf32, #tpu.memory_space<vmem_shared>>
      %dma_wait3A_213 = arith.constant 0 : i32
      %dma_wait3A_214 = tpu.memref_slice %arg10[%add3A_164, %dma_wait3A_213] : memref<10240x128xf32, #tpu.memory_space<vmem_shared>> -> memref<16x128xf32, #tpu.memory_space<vmem_shared>>
      tpu.wait_dma2 semaphore(%run_scoped3A : memref<!tpu.dma_semaphore, #tpu.memory_space<semaphore_mem>>) src(%arg9 : memref<16x128xf32, #tpu.memory_space<vmem>>) dst(%dma_wait3A_214 : memref<16x128xf32, #tpu.memory_space<vmem_shared>>)
      tpu.yield
    }) : () -> ()
    %mul3A_165 = arith.constant 640 : i32
    %mul3A_166 = arith.muli %arg1, %mul3A_165 : i32
    %add3A_167 = arith.constant 576 : i32
    %add3A_168 = arith.addi %mul3A_166, %add3A_167 : i32
    "tpu.region"() ({
      %run_scoped3A = tpu.sem_alloc : memref<!tpu.dma_semaphore, #tpu.memory_space<semaphore_mem>>
      %dma_start3A_207 = arith.constant 0 : i32
      %dma_start3A_208 = tpu.memref_slice %arg10[%add3A_168, %dma_start3A_207] : memref<10240x128xf32, #tpu.memory_space<vmem_shared>> -> memref<16x128xf32, #tpu.memory_space<vmem_shared>>
      %dma_start3A_209 = arith.constant 0 : i32
      %dma_start3A_210 = tpu.memref_slice %arg10[%add3A_168, %dma_start3A_209] : memref<10240x128xf32, #tpu.memory_space<vmem_shared>> -> memref<16x128xf32, #tpu.memory_space<vmem_shared>>
      tpu.enqueue_dma source(%arg9 : memref<16x128xf32, #tpu.memory_space<vmem>>) target(%dma_start3A_210 : memref<16x128xf32, #tpu.memory_space<vmem_shared>>) target_semaphore(%run_scoped3A : memref<!tpu.dma_semaphore, #tpu.memory_space<semaphore_mem>>)
      %dma_wait3A_211 = arith.constant 0 : i32
      %dma_wait3A_212 = tpu.memref_slice %arg10[%add3A_168, %dma_wait3A_211] : memref<10240x128xf32, #tpu.memory_space<vmem_shared>> -> memref<16x128xf32, #tpu.memory_space<vmem_shared>>
      %dma_wait3A_213 = arith.constant 0 : i32
      %dma_wait3A_214 = tpu.memref_slice %arg10[%add3A_168, %dma_wait3A_213] : memref<10240x128xf32, #tpu.memory_space<vmem_shared>> -> memref<16x128xf32, #tpu.memory_space<vmem_shared>>
      tpu.wait_dma2 semaphore(%run_scoped3A : memref<!tpu.dma_semaphore, #tpu.memory_space<semaphore_mem>>) src(%arg9 : memref<16x128xf32, #tpu.memory_space<vmem>>) dst(%dma_wait3A_214 : memref<16x128xf32, #tpu.memory_space<vmem_shared>>)
      tpu.yield
    }) : () -> ()
    %mul3A_169 = arith.constant 640 : i32
    %mul3A_170 = arith.muli %arg1, %mul3A_169 : i32
    %add3A_171 = arith.constant 592 : i32
    %add3A_172 = arith.addi %mul3A_170, %add3A_171 : i32
    "tpu.region"() ({
      %run_scoped3A = tpu.sem_alloc : memref<!tpu.dma_semaphore, #tpu.memory_space<semaphore_mem>>
      %dma_start3A_207 = arith.constant 0 : i32
      %dma_start3A_208 = tpu.memref_slice %arg10[%add3A_172, %dma_start3A_207] : memref<10240x128xf32, #tpu.memory_space<vmem_shared>> -> memref<16x128xf32, #tpu.memory_space<vmem_shared>>
      %dma_start3A_209 = arith.constant 0 : i32
      %dma_start3A_210 = tpu.memref_slice %arg10[%add3A_172, %dma_start3A_209] : memref<10240x128xf32, #tpu.memory_space<vmem_shared>> -> memref<16x128xf32, #tpu.memory_space<vmem_shared>>
      tpu.enqueue_dma source(%arg9 : memref<16x128xf32, #tpu.memory_space<vmem>>) target(%dma_start3A_210 : memref<16x128xf32, #tpu.memory_space<vmem_shared>>) target_semaphore(%run_scoped3A : memref<!tpu.dma_semaphore, #tpu.memory_space<semaphore_mem>>)
      %dma_wait3A_211 = arith.constant 0 : i32
      %dma_wait3A_212 = tpu.memref_slice %arg10[%add3A_172, %dma_wait3A_211] : memref<10240x128xf32, #tpu.memory_space<vmem_shared>> -> memref<16x128xf32, #tpu.memory_space<vmem_shared>>
      %dma_wait3A_213 = arith.constant 0 : i32
      %dma_wait3A_214 = tpu.memref_slice %arg10[%add3A_172, %dma_wait3A_213] : memref<10240x128xf32, #tpu.memory_space<vmem_shared>> -> memref<16x128xf32, #tpu.memory_space<vmem_shared>>
      tpu.wait_dma2 semaphore(%run_scoped3A : memref<!tpu.dma_semaphore, #tpu.memory_space<semaphore_mem>>) src(%arg9 : memref<16x128xf32, #tpu.memory_space<vmem>>) dst(%dma_wait3A_214 : memref<16x128xf32, #tpu.memory_space<vmem_shared>>)
      tpu.yield
    }) : () -> ()
    %mul3A_173 = arith.constant 640 : i32
    %mul3A_174 = arith.muli %arg1, %mul3A_173 : i32
    %add3A_175 = arith.constant 608 : i32
    %add3A_176 = arith.addi %mul3A_174, %add3A_175 : i32
    "tpu.region"() ({
      %run_scoped3A = tpu.sem_alloc : memref<!tpu.dma_semaphore, #tpu.memory_space<semaphore_mem>>
      %dma_start3A_207 = arith.constant 0 : i32
      %dma_start3A_208 = tpu.memref_slice %arg10[%add3A_176, %dma_start3A_207] : memref<10240x128xf32, #tpu.memory_space<vmem_shared>> -> memref<16x128xf32, #tpu.memory_space<vmem_shared>>
      %dma_start3A_209 = arith.constant 0 : i32
      %dma_start3A_210 = tpu.memref_slice %arg10[%add3A_176, %dma_start3A_209] : memref<10240x128xf32, #tpu.memory_space<vmem_shared>> -> memref<16x128xf32, #tpu.memory_space<vmem_shared>>
      tpu.enqueue_dma source(%arg9 : memref<16x128xf32, #tpu.memory_space<vmem>>) target(%dma_start3A_210 : memref<16x128xf32, #tpu.memory_space<vmem_shared>>) target_semaphore(%run_scoped3A : memref<!tpu.dma_semaphore, #tpu.memory_space<semaphore_mem>>)
      %dma_wait3A_211 = arith.constant 0 : i32
      %dma_wait3A_212 = tpu.memref_slice %arg10[%add3A_176, %dma_wait3A_211] : memref<10240x128xf32, #tpu.memory_space<vmem_shared>> -> memref<16x128xf32, #tpu.memory_space<vmem_shared>>
      %dma_wait3A_213 = arith.constant 0 : i32
      %dma_wait3A_214 = tpu.memref_slice %arg10[%add3A_176, %dma_wait3A_213] : memref<10240x128xf32, #tpu.memory_space<vmem_shared>> -> memref<16x128xf32, #tpu.memory_space<vmem_shared>>
      tpu.wait_dma2 semaphore(%run_scoped3A : memref<!tpu.dma_semaphore, #tpu.memory_space<semaphore_mem>>) src(%arg9 : memref<16x128xf32, #tpu.memory_space<vmem>>) dst(%dma_wait3A_214 : memref<16x128xf32, #tpu.memory_space<vmem_shared>>)
      tpu.yield
    }) : () -> ()
    %mul3A_177 = arith.constant 640 : i32
    %mul3A_178 = arith.muli %arg1, %mul3A_177 : i32
    %add3A_179 = arith.constant 624 : i32
    %add3A_180 = arith.addi %mul3A_178, %add3A_179 : i32
    "tpu.region"() ({
      %run_scoped3A = tpu.sem_alloc : memref<!tpu.dma_semaphore, #tpu.memory_space<semaphore_mem>>
      %dma_start3A_207 = arith.constant 0 : i32
      %dma_start3A_208 = tpu.memref_slice %arg10[%add3A_180, %dma_start3A_207] : memref<10240x128xf32, #tpu.memory_space<vmem_shared>> -> memref<16x128xf32, #tpu.memory_space<vmem_shared>>
      %dma_start3A_209 = arith.constant 0 : i32
      %dma_start3A_210 = tpu.memref_slice %arg10[%add3A_180, %dma_start3A_209] : memref<10240x128xf32, #tpu.memory_space<vmem_shared>> -> memref<16x128xf32, #tpu.memory_space<vmem_shared>>
      tpu.enqueue_dma source(%arg9 : memref<16x128xf32, #tpu.memory_space<vmem>>) target(%dma_start3A_210 : memref<16x128xf32, #tpu.memory_space<vmem_shared>>) target_semaphore(%run_scoped3A : memref<!tpu.dma_semaphore, #tpu.memory_space<semaphore_mem>>)
      %dma_wait3A_211 = arith.constant 0 : i32
      %dma_wait3A_212 = tpu.memref_slice %arg10[%add3A_180, %dma_wait3A_211] : memref<10240x128xf32, #tpu.memory_space<vmem_shared>> -> memref<16x128xf32, #tpu.memory_space<vmem_shared>>
      %dma_wait3A_213 = arith.constant 0 : i32
      %dma_wait3A_214 = tpu.memref_slice %arg10[%add3A_180, %dma_wait3A_213] : memref<10240x128xf32, #tpu.memory_space<vmem_shared>> -> memref<16x128xf32, #tpu.memory_space<vmem_shared>>
      tpu.wait_dma2 semaphore(%run_scoped3A : memref<!tpu.dma_semaphore, #tpu.memory_space<semaphore_mem>>) src(%arg9 : memref<16x128xf32, #tpu.memory_space<vmem>>) dst(%dma_wait3A_214 : memref<16x128xf32, #tpu.memory_space<vmem_shared>>)
      tpu.yield
    }) : () -> ()
    %mul3A_181 = arith.constant 80 : i32
    %mul3A_182 = arith.muli %add3A, %mul3A_181 : i32
    %dma_wait3A = arith.constant 0 : i32
    %dma_wait3A_183 = arith.constant 0 : i32
    %dma_wait3A_184 = tpu.memref_slice %arg3[%mul3A_182, %dma_wait3A, %dma_wait3A_183] : memref<2560x1x125xi32, #tpu.memory_space<hbm>> -> memref<80x1x125xi32, #tpu.memory_space<hbm>>
    %dma_wait3A_185 = arith.constant 0 : i32
    %dma_wait3A_186 = arith.constant 0 : i32
    %dma_wait3A_187 = tpu.memref_slice %arg3[%mul3A_182, %dma_wait3A_185, %dma_wait3A_186] : memref<2560x1x125xi32, #tpu.memory_space<hbm>> -> memref<80x1x125xi32, #tpu.memory_space<hbm>>
    tpu.wait_dma2 semaphore(%arg12 : memref<!tpu.dma_semaphore, #tpu.memory_space<semaphore_mem>>) src(%dma_wait3A_187 : memref<80x1x125xi32, #tpu.memory_space<hbm>>) dst(%arg6 : memref<80x1x125xi32, #tpu.memory_space<vmem>>)
    %mul3A_188 = arith.constant 80 : i32
    %mul3A_189 = arith.muli %add3A, %mul3A_188 : i32
    %dma_wait3A_190 = arith.constant 0 : i32
    %dma_wait3A_191 = arith.constant 0 : i32
    %dma_wait3A_192 = tpu.memref_slice %arg4[%mul3A_189, %dma_wait3A_190, %dma_wait3A_191] : memref<2560x1x125xi32, #tpu.memory_space<hbm>> -> memref<80x1x125xi32, #tpu.memory_space<hbm>>
    %dma_wait3A_193 = arith.constant 0 : i32
    %dma_wait3A_194 = arith.constant 0 : i32
    %dma_wait3A_195 = tpu.memref_slice %arg4[%mul3A_189, %dma_wait3A_193, %dma_wait3A_194] : memref<2560x1x125xi32, #tpu.memory_space<hbm>> -> memref<80x1x125xi32, #tpu.memory_space<hbm>>
    tpu.wait_dma2 semaphore(%arg12 : memref<!tpu.dma_semaphore, #tpu.memory_space<semaphore_mem>>) src(%dma_wait3A_195 : memref<80x1x125xi32, #tpu.memory_space<hbm>>) dst(%arg7 : memref<80x1x125xi32, #tpu.memory_space<vmem>>)
    %barrier3A = arith.constant 0 : index
    tpu.barrier barrier_id(%barrier3A)
    %scan3A_196 = arith.constant 0 : i32
    %scan3A_197 = arith.constant 0 : i32
    %scan3A_198 = arith.constant 80 : i32
    %scan3A_199 = arith.addi %scan3A_197, %scan3A_198 : i32
    %scan3A_200 = arith.constant 1 : i32
    scf.for %scan3A_207 = %scan3A_197 to %scan3A_199 step %scan3A_200  : i32 {
      %dma_start3A_208 = arith.constant 0 : i32
      %dma_start3A_209 = arith.constant 0 : i32
      %dma_start3A_210 = tpu.memref_slice %arg6[%scan3A_207, %dma_start3A_208, %dma_start3A_209] : memref<80x1x125xi32, #tpu.memory_space<vmem>> -> memref<1x1x125xi32, #tpu.memory_space<vmem>>
      %dma_start3A_211 = tpu.memref_squeeze %dma_start3A_210 : memref<1x1x125xi32, #tpu.memory_space<vmem>> -> memref<125xi32, #tpu.memory_space<vmem>>
      %dma_start3A_212 = arith.constant 0 : i32
      %dma_start3A_213 = arith.constant 0 : i32
      %dma_start3A_214 = tpu.memref_slice %arg2[%dma_start3A_212, %dma_start3A_213] : memref<10000x128xf32, #tpu.memory_space<hbm>> -> memref<10000x128xf32, #tpu.memory_space<hbm>>
      tpu.enqueue_indirect_dma source(%dma_start3A_214 : memref<10000x128xf32, #tpu.memory_space<hbm>>) target(%arg8 : memref<125x128xf32, #tpu.memory_space<vmem>>) offsets(%dma_start3A_211 : memref<125xi32, #tpu.memory_space<vmem>>) semaphore(%arg11 : memref<!tpu.dma_semaphore, #tpu.memory_space<semaphore_mem>>)
      %dma_wait3A_215 = arith.constant 0 : i32
      %dma_wait3A_216 = arith.constant 0 : i32
      %dma_wait3A_217 = tpu.memref_slice %arg6[%scan3A_207, %dma_wait3A_215, %dma_wait3A_216] : memref<80x1x125xi32, #tpu.memory_space<vmem>> -> memref<1x1x125xi32, #tpu.memory_space<vmem>>
      %dma_wait3A_218 = tpu.memref_squeeze %dma_wait3A_217 : memref<1x1x125xi32, #tpu.memory_space<vmem>> -> memref<125xi32, #tpu.memory_space<vmem>>
      %dma_wait3A_219 = arith.constant 0 : i32
      %dma_wait3A_220 = arith.constant 0 : i32
      %dma_wait3A_221 = tpu.memref_slice %arg2[%dma_wait3A_219, %dma_wait3A_220] : memref<10000x128xf32, #tpu.memory_space<hbm>> -> memref<10000x128xf32, #tpu.memory_space<hbm>>
      tpu.wait_indirect_dma semaphore(%arg11 : memref<!tpu.dma_semaphore, #tpu.memory_space<semaphore_mem>>) src(%dma_wait3A_221 : memref<10000x128xf32, #tpu.memory_space<hbm>>) dst(%arg8 : memref<125x128xf32, #tpu.memory_space<vmem>>)
      %run_scoped3A = arith.constant 0 : i32
      "tpu.region"() ({
        %run_scoped3A_222 = tpu.sem_alloc : memref<!tpu.dma_semaphore, #tpu.memory_space<semaphore_mem>>
        %dma_start3A_223 = arith.constant 0 : i32
        %dma_start3A_224 = tpu.memref_slice %arg7[%scan3A_207, %run_scoped3A, %dma_start3A_223] : memref<80x1x125xi32, #tpu.memory_space<vmem>> -> memref<1x1x125xi32, #tpu.memory_space<vmem>>
        %dma_start3A_225 = tpu.memref_squeeze %dma_start3A_224 : memref<1x1x125xi32, #tpu.memory_space<vmem>> -> memref<125xi32, #tpu.memory_space<vmem>>
        %dma_start3A_226 = arith.constant 0 : i32
        %dma_start3A_227 = arith.constant 0 : i32
        %dma_start3A_228 = tpu.memref_slice %arg10[%dma_start3A_226, %dma_start3A_227] : memref<10240x128xf32, #tpu.memory_space<vmem_shared>> -> memref<10240x128xf32, #tpu.memory_space<vmem_shared>>
        tpu.enqueue_indirect_dma source(%arg8 : memref<125x128xf32, #tpu.memory_space<vmem>>) target(%dma_start3A_228 : memref<10240x128xf32, #tpu.memory_space<vmem_shared>>) offsets(%dma_start3A_225 : memref<125xi32, #tpu.memory_space<vmem>>) semaphore(%run_scoped3A_222 : memref<!tpu.dma_semaphore, #tpu.memory_space<semaphore_mem>>) {add = true}
        %dma_wait3A_229 = arith.constant 0 : i32
        %dma_wait3A_230 = tpu.memref_slice %arg7[%scan3A_207, %run_scoped3A, %dma_wait3A_229] : memref<80x1x125xi32, #tpu.memory_space<vmem>> -> memref<1x1x125xi32, #tpu.memory_space<vmem>>
        %dma_wait3A_231 = tpu.memref_squeeze %dma_wait3A_230 : memref<1x1x125xi32, #tpu.memory_space<vmem>> -> memref<125xi32, #tpu.memory_space<vmem>>
        %dma_wait3A_232 = arith.constant 0 : i32
        %dma_wait3A_233 = arith.constant 0 : i32
        %dma_wait3A_234 = tpu.memref_slice %arg10[%dma_wait3A_232, %dma_wait3A_233] : memref<10240x128xf32, #tpu.memory_space<vmem_shared>> -> memref<10240x128xf32, #tpu.memory_space<vmem_shared>>
        tpu.wait_indirect_dma semaphore(%run_scoped3A_222 : memref<!tpu.dma_semaphore, #tpu.memory_space<semaphore_mem>>) src(%arg8 : memref<125x128xf32, #tpu.memory_space<vmem>>) dst(%dma_wait3A_234 : memref<10240x128xf32, #tpu.memory_space<vmem_shared>>)
        tpu.yield
      }) : () -> ()
    }
    %scan3A_201 = arith.constant 80 : i32
    %barrier3A_202 = arith.constant 0 : index
    tpu.barrier barrier_id(%barrier3A_202)
    %mul3A_203 = arith.constant 640 : i32
    %mul3A_204 = arith.muli %arg1, %mul3A_203 : i32
    %mul3A_205 = arith.constant 640 : i32
    %mul3A_206 = arith.muli %arg1, %mul3A_205 : i32
    "tpu.region"() ({
      %run_scoped3A = tpu.sem_alloc : memref<!tpu.dma_semaphore, #tpu.memory_space<semaphore_mem>>
      %dma_start3A_207 = arith.constant 0 : i32
      %dma_start3A_208 = tpu.memref_slice %arg5[%arg0, %mul3A_206, %dma_start3A_207] : memref<2x10240x128xf32, #tpu.memory_space<hbm>> -> memref<1x640x128xf32, #tpu.memory_space<hbm>>
      %dma_start3A_209 = tpu.memref_squeeze %dma_start3A_208 : memref<1x640x128xf32, #tpu.memory_space<hbm>> -> memref<640x128xf32, #tpu.memory_space<hbm>>
      %dma_start3A_210 = arith.constant 0 : i32
      %dma_start3A_211 = tpu.memref_slice %arg10[%mul3A_204, %dma_start3A_210] : memref<10240x128xf32, #tpu.memory_space<vmem_shared>> -> memref<640x128xf32, #tpu.memory_space<vmem_shared>>
      tpu.enqueue_dma source(%dma_start3A_211 : memref<640x128xf32, #tpu.memory_space<vmem_shared>>) target(%dma_start3A_209 : memref<640x128xf32, #tpu.memory_space<hbm>>) target_semaphore(%run_scoped3A : memref<!tpu.dma_semaphore, #tpu.memory_space<semaphore_mem>>)
      %dma_wait3A_212 = arith.constant 0 : i32
      %dma_wait3A_213 = tpu.memref_slice %arg5[%arg0, %mul3A_206, %dma_wait3A_212] : memref<2x10240x128xf32, #tpu.memory_space<hbm>> -> memref<1x640x128xf32, #tpu.memory_space<hbm>>
      %dma_wait3A_214 = tpu.memref_squeeze %dma_wait3A_213 : memref<1x640x128xf32, #tpu.memory_space<hbm>> -> memref<640x128xf32, #tpu.memory_space<hbm>>
      %dma_wait3A_215 = arith.constant 0 : i32
      %dma_wait3A_216 = tpu.memref_slice %arg10[%mul3A_204, %dma_wait3A_215] : memref<10240x128xf32, #tpu.memory_space<vmem_shared>> -> memref<640x128xf32, #tpu.memory_space<vmem_shared>>
      tpu.wait_dma2 semaphore(%run_scoped3A : memref<!tpu.dma_semaphore, #tpu.memory_space<semaphore_mem>>) src(%dma_wait3A_216 : memref<640x128xf32, #tpu.memory_space<vmem_shared>>) dst(%dma_wait3A_214 : memref<640x128xf32, #tpu.memory_space<hbm>>)
      tpu.yield
    }) : () -> ()
    return
  }
}

#map = affine_map<(d0, d1) -> (0, 0)>
#map1 = affine_map<(d0, d1) -> (0, 0, 0)>
module attributes {stable_mosaic.version = 14 : i64} {
  func.func @_sc_agg(%arg0: i32, %arg1: i32, %arg2: memref<10000x128xf32, #tpu.memory_space<hbm>>, %arg3: memref<2560x1x125xi32, #tpu.memory_space<hbm>>, %arg4: memref<2560x1x125xi32, #tpu.memory_space<hbm>>, %arg5: memref<2x10240x128xf32, #tpu.memory_space<hbm>>, %arg6: memref<80x1x125xi32, #tpu.memory_space<vmem>>, %arg7: memref<80x1x125xi32, #tpu.memory_space<vmem>>, %arg8: memref<125x128xf32, #tpu.memory_space<vmem>>, %arg9: memref<16x128xf32, #tpu.memory_space<vmem>>, %arg10: memref<10240x128xf32, #tpu.memory_space<vmem_shared>>, %arg11: memref<!tpu.dma_semaphore, #tpu.memory_space<semaphore_mem>>, %arg12: memref<!tpu.dma_semaphore, #tpu.memory_space<semaphore_mem>>) attributes {dimension_semantics = [#tpu.dimension_semantics<core_parallel>, #tpu.dimension_semantics<subcore_parallel>], iteration_bounds = array<i64: 2, 16>, scalar_prefetch = 0 : i64, scratch_operands = 7 : i64, tpu.core_type = #tpu.core_type<sc_vector_subcore>, window_params = [{transform_indices = #map}, {transform_indices = #map1}, {transform_indices = #map1}, {transform_indices = #map1}]} {
    %mul3A = arith.constant 16 : i32
    %mul3A_0 = arith.muli %arg0, %mul3A : i32
    %add3A = arith.addi %mul3A_0, %arg1 : i32
    %mul3A_1 = arith.constant 80 : i32
    %mul3A_2 = arith.muli %add3A, %mul3A_1 : i32
    %dma_start3A = arith.constant 0 : i32
    %dma_start3A_3 = arith.constant 0 : i32
    %dma_start3A_4 = tpu.memref_slice %arg3[%mul3A_2, %dma_start3A, %dma_start3A_3] : memref<2560x1x125xi32, #tpu.memory_space<hbm>> -> memref<80x1x125xi32, #tpu.memory_space<hbm>>
    %dma_start3A_5 = arith.constant 0 : i32
    %dma_start3A_6 = arith.constant 0 : i32
    %dma_start3A_7 = tpu.memref_slice %arg3[%mul3A_2, %dma_start3A_5, %dma_start3A_6] : memref<2560x1x125xi32, #tpu.memory_space<hbm>> -> memref<80x1x125xi32, #tpu.memory_space<hbm>>
    tpu.enqueue_dma source(%dma_start3A_7 : memref<80x1x125xi32, #tpu.memory_space<hbm>>) target(%arg6 : memref<80x1x125xi32, #tpu.memory_space<vmem>>) target_semaphore(%arg12 : memref<!tpu.dma_semaphore, #tpu.memory_space<semaphore_mem>>)
    %mul3A_8 = arith.constant 80 : i32
    %mul3A_9 = arith.muli %add3A, %mul3A_8 : i32
    %dma_start3A_10 = arith.constant 0 : i32
    %dma_start3A_11 = arith.constant 0 : i32
    %dma_start3A_12 = tpu.memref_slice %arg4[%mul3A_9, %dma_start3A_10, %dma_start3A_11] : memref<2560x1x125xi32, #tpu.memory_space<hbm>> -> memref<80x1x125xi32, #tpu.memory_space<hbm>>
    %dma_start3A_13 = arith.constant 0 : i32
    %dma_start3A_14 = arith.constant 0 : i32
    %dma_start3A_15 = tpu.memref_slice %arg4[%mul3A_9, %dma_start3A_13, %dma_start3A_14] : memref<2560x1x125xi32, #tpu.memory_space<hbm>> -> memref<80x1x125xi32, #tpu.memory_space<hbm>>
    tpu.enqueue_dma source(%dma_start3A_15 : memref<80x1x125xi32, #tpu.memory_space<hbm>>) target(%arg7 : memref<80x1x125xi32, #tpu.memory_space<vmem>>) target_semaphore(%arg12 : memref<!tpu.dma_semaphore, #tpu.memory_space<semaphore_mem>>)
    %scan3A = arith.constant 0 : i32
    %scan3A_16 = arith.constant 0 : i32
    %scan3A_17 = arith.constant 128 : i32
    %scan3A_18 = arith.addi %scan3A_16, %scan3A_17 : i32
    %scan3A_19 = arith.constant 1 : i32
    scf.for %scan3A_207 = %scan3A_16 to %scan3A_18 step %scan3A_19  : i32 {
      %jit3A = arith.constant 8 : i32
      %div3A = arith.divsi %scan3A_207, %jit3A : i32
      %sign3A = arith.constant 0 : i32
      %sign3A_208 = arith.cmpi sgt, %scan3A_207, %sign3A : i32
      %sign3A_209 = arith.extui %sign3A_208 : i1 to i32
      %sign3A_210 = arith.constant 0 : i32
      %sign3A_211 = arith.cmpi slt, %scan3A_207, %sign3A_210 : i32
      %sign3A_212 = arith.extui %sign3A_211 : i1 to i32
      %sign3A_213 = arith.subi %sign3A_209, %sign3A_212 : i32
      %sign3A_214 = arith.constant 0 : i32
      %sign3A_215 = arith.cmpi sgt, %jit3A, %sign3A_214 : i32
      %sign3A_216 = arith.extui %sign3A_215 : i1 to i32
      %sign3A_217 = arith.constant 0 : i32
      %sign3A_218 = arith.cmpi slt, %jit3A, %sign3A_217 : i32
      %sign3A_219 = arith.extui %sign3A_218 : i1 to i32
      %sign3A_220 = arith.subi %sign3A_216, %sign3A_219 : i32
      %ne3A = arith.cmpi ne, %sign3A_213, %sign3A_220 : i32
      %rem3A = arith.remsi %scan3A_207, %jit3A : i32
      %ne3A_221 = arith.constant 0 : i32
      %ne3A_222 = arith.cmpi ne, %rem3A, %ne3A_221 : i32
      %and3A = arith.andi %ne3A, %ne3A_222 : i1
      %sub3A = arith.constant 1 : i32
      %sub3A_223 = arith.subi %div3A, %sub3A : i32
      %select_n3A = arith.select %and3A, %sub3A_223, %div3A : i32
      %mul3A_224 = arith.constant 8 : i32
      %mul3A_225 = arith.muli %select_n3A, %mul3A_224 : i32
      %sub3A_226 = arith.subi %scan3A_207, %mul3A_225 : i32
      %broadcast_in_dim3A = arith.constant 0.000000e+00 : f32
      %broadcast_in_dim3A_227 = vector.broadcast %broadcast_in_dim3A : f32 to vector<16xf32>
      %mul3A_228 = arith.constant 16 : i32
      %mul3A_229 = arith.muli %sub3A_226, %mul3A_228 : i32
      %swap3A = arith.index_cast %select_n3A : i32 to index
      %swap3A_230 = arith.index_cast %mul3A_229 : i32 to index
      %swap3A_231 = tpu.vector_load %arg9[%swap3A, %swap3A_230] {strides = array<i32>} : memref<16x128xf32, #tpu.memory_space<vmem>>, vector<1x16xf32>,
      %swap3A_232 = vector.shape_cast %swap3A_231 : vector<1x16xf32> to vector<16xf32>
      %swap3A_233 = vector.shape_cast %broadcast_in_dim3A_227 : vector<16xf32> to vector<1x16xf32>
      tpu.vector_store %arg9[%swap3A, %swap3A_230], %swap3A_233 {strides = array<i32>} : memref<16x128xf32, #tpu.memory_space<vmem>>, vector<1x16xf32>,
    }
    %scan3A_20 = arith.constant 128 : i32
    %mul3A_21 = arith.constant 640 : i32
    %mul3A_22 = arith.muli %arg1, %mul3A_21 : i32
    %add3A_23 = arith.constant 0 : i32
    %add3A_24 = arith.addi %mul3A_22, %add3A_23 : i32
    "tpu.region"() ({
      %run_scoped3A = tpu.sem_alloc : memref<!tpu.dma_semaphore, #tpu.memory_space<semaphore_mem>>
      %dma_start3A_207 = arith.constant 0 : i32
      %dma_start3A_208 = tpu.memref_slice %arg10[%add3A_24, %dma_start3A_207] : memref<10240x128xf32, #tpu.memory_space<vmem_shared>> -> memref<16x128xf32, #tpu.memory_space<vmem_shared>>
      %dma_start3A_209 = arith.constant 0 : i32
      %dma_start3A_210 = tpu.memref_slice %arg10[%add3A_24, %dma_start3A_209] : memref<10240x128xf32, #tpu.memory_space<vmem_shared>> -> memref<16x128xf32, #tpu.memory_space<vmem_shared>>
      tpu.enqueue_dma source(%arg9 : memref<16x128xf32, #tpu.memory_space<vmem>>) target(%dma_start3A_210 : memref<16x128xf32, #tpu.memory_space<vmem_shared>>) target_semaphore(%run_scoped3A : memref<!tpu.dma_semaphore, #tpu.memory_space<semaphore_mem>>)
      %dma_wait3A_211 = arith.constant 0 : i32
      %dma_wait3A_212 = tpu.memref_slice %arg10[%add3A_24, %dma_wait3A_211] : memref<10240x128xf32, #tpu.memory_space<vmem_shared>> -> memref<16x128xf32, #tpu.memory_space<vmem_shared>>
      %dma_wait3A_213 = arith.constant 0 : i32
      %dma_wait3A_214 = tpu.memref_slice %arg10[%add3A_24, %dma_wait3A_213] : memref<10240x128xf32, #tpu.memory_space<vmem_shared>> -> memref<16x128xf32, #tpu.memory_space<vmem_shared>>
      tpu.wait_dma2 semaphore(%run_scoped3A : memref<!tpu.dma_semaphore, #tpu.memory_space<semaphore_mem>>) src(%arg9 : memref<16x128xf32, #tpu.memory_space<vmem>>) dst(%dma_wait3A_214 : memref<16x128xf32, #tpu.memory_space<vmem_shared>>)
      tpu.yield
    }) : () -> ()
    %mul3A_25 = arith.constant 640 : i32
    %mul3A_26 = arith.muli %arg1, %mul3A_25 : i32
    %add3A_27 = arith.constant 16 : i32
    %add3A_28 = arith.addi %mul3A_26, %add3A_27 : i32
    "tpu.region"() ({
      %run_scoped3A = tpu.sem_alloc : memref<!tpu.dma_semaphore, #tpu.memory_space<semaphore_mem>>
      %dma_start3A_207 = arith.constant 0 : i32
      %dma_start3A_208 = tpu.memref_slice %arg10[%add3A_28, %dma_start3A_207] : memref<10240x128xf32, #tpu.memory_space<vmem_shared>> -> memref<16x128xf32, #tpu.memory_space<vmem_shared>>
      %dma_start3A_209 = arith.constant 0 : i32
      %dma_start3A_210 = tpu.memref_slice %arg10[%add3A_28, %dma_start3A_209] : memref<10240x128xf32, #tpu.memory_space<vmem_shared>> -> memref<16x128xf32, #tpu.memory_space<vmem_shared>>
      tpu.enqueue_dma source(%arg9 : memref<16x128xf32, #tpu.memory_space<vmem>>) target(%dma_start3A_210 : memref<16x128xf32, #tpu.memory_space<vmem_shared>>) target_semaphore(%run_scoped3A : memref<!tpu.dma_semaphore, #tpu.memory_space<semaphore_mem>>)
      %dma_wait3A_211 = arith.constant 0 : i32
      %dma_wait3A_212 = tpu.memref_slice %arg10[%add3A_28, %dma_wait3A_211] : memref<10240x128xf32, #tpu.memory_space<vmem_shared>> -> memref<16x128xf32, #tpu.memory_space<vmem_shared>>
      %dma_wait3A_213 = arith.constant 0 : i32
      %dma_wait3A_214 = tpu.memref_slice %arg10[%add3A_28, %dma_wait3A_213] : memref<10240x128xf32, #tpu.memory_space<vmem_shared>> -> memref<16x128xf32, #tpu.memory_space<vmem_shared>>
      tpu.wait_dma2 semaphore(%run_scoped3A : memref<!tpu.dma_semaphore, #tpu.memory_space<semaphore_mem>>) src(%arg9 : memref<16x128xf32, #tpu.memory_space<vmem>>) dst(%dma_wait3A_214 : memref<16x128xf32, #tpu.memory_space<vmem_shared>>)
      tpu.yield
    }) : () -> ()
    %mul3A_29 = arith.constant 640 : i32
    %mul3A_30 = arith.muli %arg1, %mul3A_29 : i32
    %add3A_31 = arith.constant 32 : i32
    %add3A_32 = arith.addi %mul3A_30, %add3A_31 : i32
    "tpu.region"() ({
      %run_scoped3A = tpu.sem_alloc : memref<!tpu.dma_semaphore, #tpu.memory_space<semaphore_mem>>
      %dma_start3A_207 = arith.constant 0 : i32
      %dma_start3A_208 = tpu.memref_slice %arg10[%add3A_32, %dma_start3A_207] : memref<10240x128xf32, #tpu.memory_space<vmem_shared>> -> memref<16x128xf32, #tpu.memory_space<vmem_shared>>
      %dma_start3A_209 = arith.constant 0 : i32
      %dma_start3A_210 = tpu.memref_slice %arg10[%add3A_32, %dma_start3A_209] : memref<10240x128xf32, #tpu.memory_space<vmem_shared>> -> memref<16x128xf32, #tpu.memory_space<vmem_shared>>
      tpu.enqueue_dma source(%arg9 : memref<16x128xf32, #tpu.memory_space<vmem>>) target(%dma_start3A_210 : memref<16x128xf32, #tpu.memory_space<vmem_shared>>) target_semaphore(%run_scoped3A : memref<!tpu.dma_semaphore, #tpu.memory_space<semaphore_mem>>)
      %dma_wait3A_211 = arith.constant 0 : i32
      %dma_wait3A_212 = tpu.memref_slice %arg10[%add3A_32, %dma_wait3A_211] : memref<10240x128xf32, #tpu.memory_space<vmem_shared>> -> memref<16x128xf32, #tpu.memory_space<vmem_shared>>
      %dma_wait3A_213 = arith.constant 0 : i32
      %dma_wait3A_214 = tpu.memref_slice %arg10[%add3A_32, %dma_wait3A_213] : memref<10240x128xf32, #tpu.memory_space<vmem_shared>> -> memref<16x128xf32, #tpu.memory_space<vmem_shared>>
      tpu.wait_dma2 semaphore(%run_scoped3A : memref<!tpu.dma_semaphore, #tpu.memory_space<semaphore_mem>>) src(%arg9 : memref<16x128xf32, #tpu.memory_space<vmem>>) dst(%dma_wait3A_214 : memref<16x128xf32, #tpu.memory_space<vmem_shared>>)
      tpu.yield
    }) : () -> ()
    %mul3A_33 = arith.constant 640 : i32
    %mul3A_34 = arith.muli %arg1, %mul3A_33 : i32
    %add3A_35 = arith.constant 48 : i32
    %add3A_36 = arith.addi %mul3A_34, %add3A_35 : i32
    "tpu.region"() ({
      %run_scoped3A = tpu.sem_alloc : memref<!tpu.dma_semaphore, #tpu.memory_space<semaphore_mem>>
      %dma_start3A_207 = arith.constant 0 : i32
      %dma_start3A_208 = tpu.memref_slice %arg10[%add3A_36, %dma_start3A_207] : memref<10240x128xf32, #tpu.memory_space<vmem_shared>> -> memref<16x128xf32, #tpu.memory_space<vmem_shared>>
      %dma_start3A_209 = arith.constant 0 : i32
      %dma_start3A_210 = tpu.memref_slice %arg10[%add3A_36, %dma_start3A_209] : memref<10240x128xf32, #tpu.memory_space<vmem_shared>> -> memref<16x128xf32, #tpu.memory_space<vmem_shared>>
      tpu.enqueue_dma source(%arg9 : memref<16x128xf32, #tpu.memory_space<vmem>>) target(%dma_start3A_210 : memref<16x128xf32, #tpu.memory_space<vmem_shared>>) target_semaphore(%run_scoped3A : memref<!tpu.dma_semaphore, #tpu.memory_space<semaphore_mem>>)
      %dma_wait3A_211 = arith.constant 0 : i32
      %dma_wait3A_212 = tpu.memref_slice %arg10[%add3A_36, %dma_wait3A_211] : memref<10240x128xf32, #tpu.memory_space<vmem_shared>> -> memref<16x128xf32, #tpu.memory_space<vmem_shared>>
      %dma_wait3A_213 = arith.constant 0 : i32
      %dma_wait3A_214 = tpu.memref_slice %arg10[%add3A_36, %dma_wait3A_213] : memref<10240x128xf32, #tpu.memory_space<vmem_shared>> -> memref<16x128xf32, #tpu.memory_space<vmem_shared>>
      tpu.wait_dma2 semaphore(%run_scoped3A : memref<!tpu.dma_semaphore, #tpu.memory_space<semaphore_mem>>) src(%arg9 : memref<16x128xf32, #tpu.memory_space<vmem>>) dst(%dma_wait3A_214 : memref<16x128xf32, #tpu.memory_space<vmem_shared>>)
      tpu.yield
    }) : () -> ()
    %mul3A_37 = arith.constant 640 : i32
    %mul3A_38 = arith.muli %arg1, %mul3A_37 : i32
    %add3A_39 = arith.constant 64 : i32
    %add3A_40 = arith.addi %mul3A_38, %add3A_39 : i32
    "tpu.region"() ({
      %run_scoped3A = tpu.sem_alloc : memref<!tpu.dma_semaphore, #tpu.memory_space<semaphore_mem>>
      %dma_start3A_207 = arith.constant 0 : i32
      %dma_start3A_208 = tpu.memref_slice %arg10[%add3A_40, %dma_start3A_207] : memref<10240x128xf32, #tpu.memory_space<vmem_shared>> -> memref<16x128xf32, #tpu.memory_space<vmem_shared>>
      %dma_start3A_209 = arith.constant 0 : i32
      %dma_start3A_210 = tpu.memref_slice %arg10[%add3A_40, %dma_start3A_209] : memref<10240x128xf32, #tpu.memory_space<vmem_shared>> -> memref<16x128xf32, #tpu.memory_space<vmem_shared>>
      tpu.enqueue_dma source(%arg9 : memref<16x128xf32, #tpu.memory_space<vmem>>) target(%dma_start3A_210 : memref<16x128xf32, #tpu.memory_space<vmem_shared>>) target_semaphore(%run_scoped3A : memref<!tpu.dma_semaphore, #tpu.memory_space<semaphore_mem>>)
      %dma_wait3A_211 = arith.constant 0 : i32
      %dma_wait3A_212 = tpu.memref_slice %arg10[%add3A_40, %dma_wait3A_211] : memref<10240x128xf32, #tpu.memory_space<vmem_shared>> -> memref<16x128xf32, #tpu.memory_space<vmem_shared>>
      %dma_wait3A_213 = arith.constant 0 : i32
      %dma_wait3A_214 = tpu.memref_slice %arg10[%add3A_40, %dma_wait3A_213] : memref<10240x128xf32, #tpu.memory_space<vmem_shared>> -> memref<16x128xf32, #tpu.memory_space<vmem_shared>>
      tpu.wait_dma2 semaphore(%run_scoped3A : memref<!tpu.dma_semaphore, #tpu.memory_space<semaphore_mem>>) src(%arg9 : memref<16x128xf32, #tpu.memory_space<vmem>>) dst(%dma_wait3A_214 : memref<16x128xf32, #tpu.memory_space<vmem_shared>>)
      tpu.yield
    }) : () -> ()
    %mul3A_41 = arith.constant 640 : i32
    %mul3A_42 = arith.muli %arg1, %mul3A_41 : i32
    %add3A_43 = arith.constant 80 : i32
    %add3A_44 = arith.addi %mul3A_42, %add3A_43 : i32
    "tpu.region"() ({
      %run_scoped3A = tpu.sem_alloc : memref<!tpu.dma_semaphore, #tpu.memory_space<semaphore_mem>>
      %dma_start3A_207 = arith.constant 0 : i32
      %dma_start3A_208 = tpu.memref_slice %arg10[%add3A_44, %dma_start3A_207] : memref<10240x128xf32, #tpu.memory_space<vmem_shared>> -> memref<16x128xf32, #tpu.memory_space<vmem_shared>>
      %dma_start3A_209 = arith.constant 0 : i32
      %dma_start3A_210 = tpu.memref_slice %arg10[%add3A_44, %dma_start3A_209] : memref<10240x128xf32, #tpu.memory_space<vmem_shared>> -> memref<16x128xf32, #tpu.memory_space<vmem_shared>>
      tpu.enqueue_dma source(%arg9 : memref<16x128xf32, #tpu.memory_space<vmem>>) target(%dma_start3A_210 : memref<16x128xf32, #tpu.memory_space<vmem_shared>>) target_semaphore(%run_scoped3A : memref<!tpu.dma_semaphore, #tpu.memory_space<semaphore_mem>>)
      %dma_wait3A_211 = arith.constant 0 : i32
      %dma_wait3A_212 = tpu.memref_slice %arg10[%add3A_44, %dma_wait3A_211] : memref<10240x128xf32, #tpu.memory_space<vmem_shared>> -> memref<16x128xf32, #tpu.memory_space<vmem_shared>>
      %dma_wait3A_213 = arith.constant 0 : i32
      %dma_wait3A_214 = tpu.memref_slice %arg10[%add3A_44, %dma_wait3A_213] : memref<10240x128xf32, #tpu.memory_space<vmem_shared>> -> memref<16x128xf32, #tpu.memory_space<vmem_shared>>
      tpu.wait_dma2 semaphore(%run_scoped3A : memref<!tpu.dma_semaphore, #tpu.memory_space<semaphore_mem>>) src(%arg9 : memref<16x128xf32, #tpu.memory_space<vmem>>) dst(%dma_wait3A_214 : memref<16x128xf32, #tpu.memory_space<vmem_shared>>)
      tpu.yield
    }) : () -> ()
    %mul3A_45 = arith.constant 640 : i32
    %mul3A_46 = arith.muli %arg1, %mul3A_45 : i32
    %add3A_47 = arith.constant 96 : i32
    %add3A_48 = arith.addi %mul3A_46, %add3A_47 : i32
    "tpu.region"() ({
      %run_scoped3A = tpu.sem_alloc : memref<!tpu.dma_semaphore, #tpu.memory_space<semaphore_mem>>
      %dma_start3A_207 = arith.constant 0 : i32
      %dma_start3A_208 = tpu.memref_slice %arg10[%add3A_48, %dma_start3A_207] : memref<10240x128xf32, #tpu.memory_space<vmem_shared>> -> memref<16x128xf32, #tpu.memory_space<vmem_shared>>
      %dma_start3A_209 = arith.constant 0 : i32
      %dma_start3A_210 = tpu.memref_slice %arg10[%add3A_48, %dma_start3A_209] : memref<10240x128xf32, #tpu.memory_space<vmem_shared>> -> memref<16x128xf32, #tpu.memory_space<vmem_shared>>
      tpu.enqueue_dma source(%arg9 : memref<16x128xf32, #tpu.memory_space<vmem>>) target(%dma_start3A_210 : memref<16x128xf32, #tpu.memory_space<vmem_shared>>) target_semaphore(%run_scoped3A : memref<!tpu.dma_semaphore, #tpu.memory_space<semaphore_mem>>)
      %dma_wait3A_211 = arith.constant 0 : i32
      %dma_wait3A_212 = tpu.memref_slice %arg10[%add3A_48, %dma_wait3A_211] : memref<10240x128xf32, #tpu.memory_space<vmem_shared>> -> memref<16x128xf32, #tpu.memory_space<vmem_shared>>
      %dma_wait3A_213 = arith.constant 0 : i32
      %dma_wait3A_214 = tpu.memref_slice %arg10[%add3A_48, %dma_wait3A_213] : memref<10240x128xf32, #tpu.memory_space<vmem_shared>> -> memref<16x128xf32, #tpu.memory_space<vmem_shared>>
      tpu.wait_dma2 semaphore(%run_scoped3A : memref<!tpu.dma_semaphore, #tpu.memory_space<semaphore_mem>>) src(%arg9 : memref<16x128xf32, #tpu.memory_space<vmem>>) dst(%dma_wait3A_214 : memref<16x128xf32, #tpu.memory_space<vmem_shared>>)
      tpu.yield
    }) : () -> ()
    %mul3A_49 = arith.constant 640 : i32
    %mul3A_50 = arith.muli %arg1, %mul3A_49 : i32
    %add3A_51 = arith.constant 112 : i32
    %add3A_52 = arith.addi %mul3A_50, %add3A_51 : i32
    "tpu.region"() ({
      %run_scoped3A = tpu.sem_alloc : memref<!tpu.dma_semaphore, #tpu.memory_space<semaphore_mem>>
      %dma_start3A_207 = arith.constant 0 : i32
      %dma_start3A_208 = tpu.memref_slice %arg10[%add3A_52, %dma_start3A_207] : memref<10240x128xf32, #tpu.memory_space<vmem_shared>> -> memref<16x128xf32, #tpu.memory_space<vmem_shared>>
      %dma_start3A_209 = arith.constant 0 : i32
      %dma_start3A_210 = tpu.memref_slice %arg10[%add3A_52, %dma_start3A_209] : memref<10240x128xf32, #tpu.memory_space<vmem_shared>> -> memref<16x128xf32, #tpu.memory_space<vmem_shared>>
      tpu.enqueue_dma source(%arg9 : memref<16x128xf32, #tpu.memory_space<vmem>>) target(%dma_start3A_210 : memref<16x128xf32, #tpu.memory_space<vmem_shared>>) target_semaphore(%run_scoped3A : memref<!tpu.dma_semaphore, #tpu.memory_space<semaphore_mem>>)
      %dma_wait3A_211 = arith.constant 0 : i32
      %dma_wait3A_212 = tpu.memref_slice %arg10[%add3A_52, %dma_wait3A_211] : memref<10240x128xf32, #tpu.memory_space<vmem_shared>> -> memref<16x128xf32, #tpu.memory_space<vmem_shared>>
      %dma_wait3A_213 = arith.constant 0 : i32
      %dma_wait3A_214 = tpu.memref_slice %arg10[%add3A_52, %dma_wait3A_213] : memref<10240x128xf32, #tpu.memory_space<vmem_shared>> -> memref<16x128xf32, #tpu.memory_space<vmem_shared>>
      tpu.wait_dma2 semaphore(%run_scoped3A : memref<!tpu.dma_semaphore, #tpu.memory_space<semaphore_mem>>) src(%arg9 : memref<16x128xf32, #tpu.memory_space<vmem>>) dst(%dma_wait3A_214 : memref<16x128xf32, #tpu.memory_space<vmem_shared>>)
      tpu.yield
    }) : () -> ()
    %mul3A_53 = arith.constant 640 : i32
    %mul3A_54 = arith.muli %arg1, %mul3A_53 : i32
    %add3A_55 = arith.constant 128 : i32
    %add3A_56 = arith.addi %mul3A_54, %add3A_55 : i32
    "tpu.region"() ({
      %run_scoped3A = tpu.sem_alloc : memref<!tpu.dma_semaphore, #tpu.memory_space<semaphore_mem>>
      %dma_start3A_207 = arith.constant 0 : i32
      %dma_start3A_208 = tpu.memref_slice %arg10[%add3A_56, %dma_start3A_207] : memref<10240x128xf32, #tpu.memory_space<vmem_shared>> -> memref<16x128xf32, #tpu.memory_space<vmem_shared>>
      %dma_start3A_209 = arith.constant 0 : i32
      %dma_start3A_210 = tpu.memref_slice %arg10[%add3A_56, %dma_start3A_209] : memref<10240x128xf32, #tpu.memory_space<vmem_shared>> -> memref<16x128xf32, #tpu.memory_space<vmem_shared>>
      tpu.enqueue_dma source(%arg9 : memref<16x128xf32, #tpu.memory_space<vmem>>) target(%dma_start3A_210 : memref<16x128xf32, #tpu.memory_space<vmem_shared>>) target_semaphore(%run_scoped3A : memref<!tpu.dma_semaphore, #tpu.memory_space<semaphore_mem>>)
      %dma_wait3A_211 = arith.constant 0 : i32
      %dma_wait3A_212 = tpu.memref_slice %arg10[%add3A_56, %dma_wait3A_211] : memref<10240x128xf32, #tpu.memory_space<vmem_shared>> -> memref<16x128xf32, #tpu.memory_space<vmem_shared>>
      %dma_wait3A_213 = arith.constant 0 : i32
      %dma_wait3A_214 = tpu.memref_slice %arg10[%add3A_56, %dma_wait3A_213] : memref<10240x128xf32, #tpu.memory_space<vmem_shared>> -> memref<16x128xf32, #tpu.memory_space<vmem_shared>>
      tpu.wait_dma2 semaphore(%run_scoped3A : memref<!tpu.dma_semaphore, #tpu.memory_space<semaphore_mem>>) src(%arg9 : memref<16x128xf32, #tpu.memory_space<vmem>>) dst(%dma_wait3A_214 : memref<16x128xf32, #tpu.memory_space<vmem_shared>>)
      tpu.yield
    }) : () -> ()
    %mul3A_57 = arith.constant 640 : i32
    %mul3A_58 = arith.muli %arg1, %mul3A_57 : i32
    %add3A_59 = arith.constant 144 : i32
    %add3A_60 = arith.addi %mul3A_58, %add3A_59 : i32
    "tpu.region"() ({
      %run_scoped3A = tpu.sem_alloc : memref<!tpu.dma_semaphore, #tpu.memory_space<semaphore_mem>>
      %dma_start3A_207 = arith.constant 0 : i32
      %dma_start3A_208 = tpu.memref_slice %arg10[%add3A_60, %dma_start3A_207] : memref<10240x128xf32, #tpu.memory_space<vmem_shared>> -> memref<16x128xf32, #tpu.memory_space<vmem_shared>>
      %dma_start3A_209 = arith.constant 0 : i32
      %dma_start3A_210 = tpu.memref_slice %arg10[%add3A_60, %dma_start3A_209] : memref<10240x128xf32, #tpu.memory_space<vmem_shared>> -> memref<16x128xf32, #tpu.memory_space<vmem_shared>>
      tpu.enqueue_dma source(%arg9 : memref<16x128xf32, #tpu.memory_space<vmem>>) target(%dma_start3A_210 : memref<16x128xf32, #tpu.memory_space<vmem_shared>>) target_semaphore(%run_scoped3A : memref<!tpu.dma_semaphore, #tpu.memory_space<semaphore_mem>>)
      %dma_wait3A_211 = arith.constant 0 : i32
      %dma_wait3A_212 = tpu.memref_slice %arg10[%add3A_60, %dma_wait3A_211] : memref<10240x128xf32, #tpu.memory_space<vmem_shared>> -> memref<16x128xf32, #tpu.memory_space<vmem_shared>>
      %dma_wait3A_213 = arith.constant 0 : i32
      %dma_wait3A_214 = tpu.memref_slice %arg10[%add3A_60, %dma_wait3A_213] : memref<10240x128xf32, #tpu.memory_space<vmem_shared>> -> memref<16x128xf32, #tpu.memory_space<vmem_shared>>
      tpu.wait_dma2 semaphore(%run_scoped3A : memref<!tpu.dma_semaphore, #tpu.memory_space<semaphore_mem>>) src(%arg9 : memref<16x128xf32, #tpu.memory_space<vmem>>) dst(%dma_wait3A_214 : memref<16x128xf32, #tpu.memory_space<vmem_shared>>)
      tpu.yield
    }) : () -> ()
    %mul3A_61 = arith.constant 640 : i32
    %mul3A_62 = arith.muli %arg1, %mul3A_61 : i32
    %add3A_63 = arith.constant 160 : i32
    %add3A_64 = arith.addi %mul3A_62, %add3A_63 : i32
    "tpu.region"() ({
      %run_scoped3A = tpu.sem_alloc : memref<!tpu.dma_semaphore, #tpu.memory_space<semaphore_mem>>
      %dma_start3A_207 = arith.constant 0 : i32
      %dma_start3A_208 = tpu.memref_slice %arg10[%add3A_64, %dma_start3A_207] : memref<10240x128xf32, #tpu.memory_space<vmem_shared>> -> memref<16x128xf32, #tpu.memory_space<vmem_shared>>
      %dma_start3A_209 = arith.constant 0 : i32
      %dma_start3A_210 = tpu.memref_slice %arg10[%add3A_64, %dma_start3A_209] : memref<10240x128xf32, #tpu.memory_space<vmem_shared>> -> memref<16x128xf32, #tpu.memory_space<vmem_shared>>
      tpu.enqueue_dma source(%arg9 : memref<16x128xf32, #tpu.memory_space<vmem>>) target(%dma_start3A_210 : memref<16x128xf32, #tpu.memory_space<vmem_shared>>) target_semaphore(%run_scoped3A : memref<!tpu.dma_semaphore, #tpu.memory_space<semaphore_mem>>)
      %dma_wait3A_211 = arith.constant 0 : i32
      %dma_wait3A_212 = tpu.memref_slice %arg10[%add3A_64, %dma_wait3A_211] : memref<10240x128xf32, #tpu.memory_space<vmem_shared>> -> memref<16x128xf32, #tpu.memory_space<vmem_shared>>
      %dma_wait3A_213 = arith.constant 0 : i32
      %dma_wait3A_214 = tpu.memref_slice %arg10[%add3A_64, %dma_wait3A_213] : memref<10240x128xf32, #tpu.memory_space<vmem_shared>> -> memref<16x128xf32, #tpu.memory_space<vmem_shared>>
      tpu.wait_dma2 semaphore(%run_scoped3A : memref<!tpu.dma_semaphore, #tpu.memory_space<semaphore_mem>>) src(%arg9 : memref<16x128xf32, #tpu.memory_space<vmem>>) dst(%dma_wait3A_214 : memref<16x128xf32, #tpu.memory_space<vmem_shared>>)
      tpu.yield
    }) : () -> ()
    %mul3A_65 = arith.constant 640 : i32
    %mul3A_66 = arith.muli %arg1, %mul3A_65 : i32
    %add3A_67 = arith.constant 176 : i32
    %add3A_68 = arith.addi %mul3A_66, %add3A_67 : i32
    "tpu.region"() ({
      %run_scoped3A = tpu.sem_alloc : memref<!tpu.dma_semaphore, #tpu.memory_space<semaphore_mem>>
      %dma_start3A_207 = arith.constant 0 : i32
      %dma_start3A_208 = tpu.memref_slice %arg10[%add3A_68, %dma_start3A_207] : memref<10240x128xf32, #tpu.memory_space<vmem_shared>> -> memref<16x128xf32, #tpu.memory_space<vmem_shared>>
      %dma_start3A_209 = arith.constant 0 : i32
      %dma_start3A_210 = tpu.memref_slice %arg10[%add3A_68, %dma_start3A_209] : memref<10240x128xf32, #tpu.memory_space<vmem_shared>> -> memref<16x128xf32, #tpu.memory_space<vmem_shared>>
      tpu.enqueue_dma source(%arg9 : memref<16x128xf32, #tpu.memory_space<vmem>>) target(%dma_start3A_210 : memref<16x128xf32, #tpu.memory_space<vmem_shared>>) target_semaphore(%run_scoped3A : memref<!tpu.dma_semaphore, #tpu.memory_space<semaphore_mem>>)
      %dma_wait3A_211 = arith.constant 0 : i32
      %dma_wait3A_212 = tpu.memref_slice %arg10[%add3A_68, %dma_wait3A_211] : memref<10240x128xf32, #tpu.memory_space<vmem_shared>> -> memref<16x128xf32, #tpu.memory_space<vmem_shared>>
      %dma_wait3A_213 = arith.constant 0 : i32
      %dma_wait3A_214 = tpu.memref_slice %arg10[%add3A_68, %dma_wait3A_213] : memref<10240x128xf32, #tpu.memory_space<vmem_shared>> -> memref<16x128xf32, #tpu.memory_space<vmem_shared>>
      tpu.wait_dma2 semaphore(%run_scoped3A : memref<!tpu.dma_semaphore, #tpu.memory_space<semaphore_mem>>) src(%arg9 : memref<16x128xf32, #tpu.memory_space<vmem>>) dst(%dma_wait3A_214 : memref<16x128xf32, #tpu.memory_space<vmem_shared>>)
      tpu.yield
    }) : () -> ()
    %mul3A_69 = arith.constant 640 : i32
    %mul3A_70 = arith.muli %arg1, %mul3A_69 : i32
    %add3A_71 = arith.constant 192 : i32
    %add3A_72 = arith.addi %mul3A_70, %add3A_71 : i32
    "tpu.region"() ({
      %run_scoped3A = tpu.sem_alloc : memref<!tpu.dma_semaphore, #tpu.memory_space<semaphore_mem>>
      %dma_start3A_207 = arith.constant 0 : i32
      %dma_start3A_208 = tpu.memref_slice %arg10[%add3A_72, %dma_start3A_207] : memref<10240x128xf32, #tpu.memory_space<vmem_shared>> -> memref<16x128xf32, #tpu.memory_space<vmem_shared>>
      %dma_start3A_209 = arith.constant 0 : i32
      %dma_start3A_210 = tpu.memref_slice %arg10[%add3A_72, %dma_start3A_209] : memref<10240x128xf32, #tpu.memory_space<vmem_shared>> -> memref<16x128xf32, #tpu.memory_space<vmem_shared>>
      tpu.enqueue_dma source(%arg9 : memref<16x128xf32, #tpu.memory_space<vmem>>) target(%dma_start3A_210 : memref<16x128xf32, #tpu.memory_space<vmem_shared>>) target_semaphore(%run_scoped3A : memref<!tpu.dma_semaphore, #tpu.memory_space<semaphore_mem>>)
      %dma_wait3A_211 = arith.constant 0 : i32
      %dma_wait3A_212 = tpu.memref_slice %arg10[%add3A_72, %dma_wait3A_211] : memref<10240x128xf32, #tpu.memory_space<vmem_shared>> -> memref<16x128xf32, #tpu.memory_space<vmem_shared>>
      %dma_wait3A_213 = arith.constant 0 : i32
      %dma_wait3A_214 = tpu.memref_slice %arg10[%add3A_72, %dma_wait3A_213] : memref<10240x128xf32, #tpu.memory_space<vmem_shared>> -> memref<16x128xf32, #tpu.memory_space<vmem_shared>>
      tpu.wait_dma2 semaphore(%run_scoped3A : memref<!tpu.dma_semaphore, #tpu.memory_space<semaphore_mem>>) src(%arg9 : memref<16x128xf32, #tpu.memory_space<vmem>>) dst(%dma_wait3A_214 : memref<16x128xf32, #tpu.memory_space<vmem_shared>>)
      tpu.yield
    }) : () -> ()
    %mul3A_73 = arith.constant 640 : i32
    %mul3A_74 = arith.muli %arg1, %mul3A_73 : i32
    %add3A_75 = arith.constant 208 : i32
    %add3A_76 = arith.addi %mul3A_74, %add3A_75 : i32
    "tpu.region"() ({
      %run_scoped3A = tpu.sem_alloc : memref<!tpu.dma_semaphore, #tpu.memory_space<semaphore_mem>>
      %dma_start3A_207 = arith.constant 0 : i32
      %dma_start3A_208 = tpu.memref_slice %arg10[%add3A_76, %dma_start3A_207] : memref<10240x128xf32, #tpu.memory_space<vmem_shared>> -> memref<16x128xf32, #tpu.memory_space<vmem_shared>>
      %dma_start3A_209 = arith.constant 0 : i32
      %dma_start3A_210 = tpu.memref_slice %arg10[%add3A_76, %dma_start3A_209] : memref<10240x128xf32, #tpu.memory_space<vmem_shared>> -> memref<16x128xf32, #tpu.memory_space<vmem_shared>>
      tpu.enqueue_dma source(%arg9 : memref<16x128xf32, #tpu.memory_space<vmem>>) target(%dma_start3A_210 : memref<16x128xf32, #tpu.memory_space<vmem_shared>>) target_semaphore(%run_scoped3A : memref<!tpu.dma_semaphore, #tpu.memory_space<semaphore_mem>>)
      %dma_wait3A_211 = arith.constant 0 : i32
      %dma_wait3A_212 = tpu.memref_slice %arg10[%add3A_76, %dma_wait3A_211] : memref<10240x128xf32, #tpu.memory_space<vmem_shared>> -> memref<16x128xf32, #tpu.memory_space<vmem_shared>>
      %dma_wait3A_213 = arith.constant 0 : i32
      %dma_wait3A_214 = tpu.memref_slice %arg10[%add3A_76, %dma_wait3A_213] : memref<10240x128xf32, #tpu.memory_space<vmem_shared>> -> memref<16x128xf32, #tpu.memory_space<vmem_shared>>
      tpu.wait_dma2 semaphore(%run_scoped3A : memref<!tpu.dma_semaphore, #tpu.memory_space<semaphore_mem>>) src(%arg9 : memref<16x128xf32, #tpu.memory_space<vmem>>) dst(%dma_wait3A_214 : memref<16x128xf32, #tpu.memory_space<vmem_shared>>)
      tpu.yield
    }) : () -> ()
    %mul3A_77 = arith.constant 640 : i32
    %mul3A_78 = arith.muli %arg1, %mul3A_77 : i32
    %add3A_79 = arith.constant 224 : i32
    %add3A_80 = arith.addi %mul3A_78, %add3A_79 : i32
    "tpu.region"() ({
      %run_scoped3A = tpu.sem_alloc : memref<!tpu.dma_semaphore, #tpu.memory_space<semaphore_mem>>
      %dma_start3A_207 = arith.constant 0 : i32
      %dma_start3A_208 = tpu.memref_slice %arg10[%add3A_80, %dma_start3A_207] : memref<10240x128xf32, #tpu.memory_space<vmem_shared>> -> memref<16x128xf32, #tpu.memory_space<vmem_shared>>
      %dma_start3A_209 = arith.constant 0 : i32
      %dma_start3A_210 = tpu.memref_slice %arg10[%add3A_80, %dma_start3A_209] : memref<10240x128xf32, #tpu.memory_space<vmem_shared>> -> memref<16x128xf32, #tpu.memory_space<vmem_shared>>
      tpu.enqueue_dma source(%arg9 : memref<16x128xf32, #tpu.memory_space<vmem>>) target(%dma_start3A_210 : memref<16x128xf32, #tpu.memory_space<vmem_shared>>) target_semaphore(%run_scoped3A : memref<!tpu.dma_semaphore, #tpu.memory_space<semaphore_mem>>)
      %dma_wait3A_211 = arith.constant 0 : i32
      %dma_wait3A_212 = tpu.memref_slice %arg10[%add3A_80, %dma_wait3A_211] : memref<10240x128xf32, #tpu.memory_space<vmem_shared>> -> memref<16x128xf32, #tpu.memory_space<vmem_shared>>
      %dma_wait3A_213 = arith.constant 0 : i32
      %dma_wait3A_214 = tpu.memref_slice %arg10[%add3A_80, %dma_wait3A_213] : memref<10240x128xf32, #tpu.memory_space<vmem_shared>> -> memref<16x128xf32, #tpu.memory_space<vmem_shared>>
      tpu.wait_dma2 semaphore(%run_scoped3A : memref<!tpu.dma_semaphore, #tpu.memory_space<semaphore_mem>>) src(%arg9 : memref<16x128xf32, #tpu.memory_space<vmem>>) dst(%dma_wait3A_214 : memref<16x128xf32, #tpu.memory_space<vmem_shared>>)
      tpu.yield
    }) : () -> ()
    %mul3A_81 = arith.constant 640 : i32
    %mul3A_82 = arith.muli %arg1, %mul3A_81 : i32
    %add3A_83 = arith.constant 240 : i32
    %add3A_84 = arith.addi %mul3A_82, %add3A_83 : i32
    "tpu.region"() ({
      %run_scoped3A = tpu.sem_alloc : memref<!tpu.dma_semaphore, #tpu.memory_space<semaphore_mem>>
      %dma_start3A_207 = arith.constant 0 : i32
      %dma_start3A_208 = tpu.memref_slice %arg10[%add3A_84, %dma_start3A_207] : memref<10240x128xf32, #tpu.memory_space<vmem_shared>> -> memref<16x128xf32, #tpu.memory_space<vmem_shared>>
      %dma_start3A_209 = arith.constant 0 : i32
      %dma_start3A_210 = tpu.memref_slice %arg10[%add3A_84, %dma_start3A_209] : memref<10240x128xf32, #tpu.memory_space<vmem_shared>> -> memref<16x128xf32, #tpu.memory_space<vmem_shared>>
      tpu.enqueue_dma source(%arg9 : memref<16x128xf32, #tpu.memory_space<vmem>>) target(%dma_start3A_210 : memref<16x128xf32, #tpu.memory_space<vmem_shared>>) target_semaphore(%run_scoped3A : memref<!tpu.dma_semaphore, #tpu.memory_space<semaphore_mem>>)
      %dma_wait3A_211 = arith.constant 0 : i32
      %dma_wait3A_212 = tpu.memref_slice %arg10[%add3A_84, %dma_wait3A_211] : memref<10240x128xf32, #tpu.memory_space<vmem_shared>> -> memref<16x128xf32, #tpu.memory_space<vmem_shared>>
      %dma_wait3A_213 = arith.constant 0 : i32
      %dma_wait3A_214 = tpu.memref_slice %arg10[%add3A_84, %dma_wait3A_213] : memref<10240x128xf32, #tpu.memory_space<vmem_shared>> -> memref<16x128xf32, #tpu.memory_space<vmem_shared>>
      tpu.wait_dma2 semaphore(%run_scoped3A : memref<!tpu.dma_semaphore, #tpu.memory_space<semaphore_mem>>) src(%arg9 : memref<16x128xf32, #tpu.memory_space<vmem>>) dst(%dma_wait3A_214 : memref<16x128xf32, #tpu.memory_space<vmem_shared>>)
      tpu.yield
    }) : () -> ()
    %mul3A_85 = arith.constant 640 : i32
    %mul3A_86 = arith.muli %arg1, %mul3A_85 : i32
    %add3A_87 = arith.constant 256 : i32
    %add3A_88 = arith.addi %mul3A_86, %add3A_87 : i32
    "tpu.region"() ({
      %run_scoped3A = tpu.sem_alloc : memref<!tpu.dma_semaphore, #tpu.memory_space<semaphore_mem>>
      %dma_start3A_207 = arith.constant 0 : i32
      %dma_start3A_208 = tpu.memref_slice %arg10[%add3A_88, %dma_start3A_207] : memref<10240x128xf32, #tpu.memory_space<vmem_shared>> -> memref<16x128xf32, #tpu.memory_space<vmem_shared>>
      %dma_start3A_209 = arith.constant 0 : i32
      %dma_start3A_210 = tpu.memref_slice %arg10[%add3A_88, %dma_start3A_209] : memref<10240x128xf32, #tpu.memory_space<vmem_shared>> -> memref<16x128xf32, #tpu.memory_space<vmem_shared>>
      tpu.enqueue_dma source(%arg9 : memref<16x128xf32, #tpu.memory_space<vmem>>) target(%dma_start3A_210 : memref<16x128xf32, #tpu.memory_space<vmem_shared>>) target_semaphore(%run_scoped3A : memref<!tpu.dma_semaphore, #tpu.memory_space<semaphore_mem>>)
      %dma_wait3A_211 = arith.constant 0 : i32
      %dma_wait3A_212 = tpu.memref_slice %arg10[%add3A_88, %dma_wait3A_211] : memref<10240x128xf32, #tpu.memory_space<vmem_shared>> -> memref<16x128xf32, #tpu.memory_space<vmem_shared>>
      %dma_wait3A_213 = arith.constant 0 : i32
      %dma_wait3A_214 = tpu.memref_slice %arg10[%add3A_88, %dma_wait3A_213] : memref<10240x128xf32, #tpu.memory_space<vmem_shared>> -> memref<16x128xf32, #tpu.memory_space<vmem_shared>>
      tpu.wait_dma2 semaphore(%run_scoped3A : memref<!tpu.dma_semaphore, #tpu.memory_space<semaphore_mem>>) src(%arg9 : memref<16x128xf32, #tpu.memory_space<vmem>>) dst(%dma_wait3A_214 : memref<16x128xf32, #tpu.memory_space<vmem_shared>>)
      tpu.yield
    }) : () -> ()
    %mul3A_89 = arith.constant 640 : i32
    %mul3A_90 = arith.muli %arg1, %mul3A_89 : i32
    %add3A_91 = arith.constant 272 : i32
    %add3A_92 = arith.addi %mul3A_90, %add3A_91 : i32
    "tpu.region"() ({
      %run_scoped3A = tpu.sem_alloc : memref<!tpu.dma_semaphore, #tpu.memory_space<semaphore_mem>>
      %dma_start3A_207 = arith.constant 0 : i32
      %dma_start3A_208 = tpu.memref_slice %arg10[%add3A_92, %dma_start3A_207] : memref<10240x128xf32, #tpu.memory_space<vmem_shared>> -> memref<16x128xf32, #tpu.memory_space<vmem_shared>>
      %dma_start3A_209 = arith.constant 0 : i32
      %dma_start3A_210 = tpu.memref_slice %arg10[%add3A_92, %dma_start3A_209] : memref<10240x128xf32, #tpu.memory_space<vmem_shared>> -> memref<16x128xf32, #tpu.memory_space<vmem_shared>>
      tpu.enqueue_dma source(%arg9 : memref<16x128xf32, #tpu.memory_space<vmem>>) target(%dma_start3A_210 : memref<16x128xf32, #tpu.memory_space<vmem_shared>>) target_semaphore(%run_scoped3A : memref<!tpu.dma_semaphore, #tpu.memory_space<semaphore_mem>>)
      %dma_wait3A_211 = arith.constant 0 : i32
      %dma_wait3A_212 = tpu.memref_slice %arg10[%add3A_92, %dma_wait3A_211] : memref<10240x128xf32, #tpu.memory_space<vmem_shared>> -> memref<16x128xf32, #tpu.memory_space<vmem_shared>>
      %dma_wait3A_213 = arith.constant 0 : i32
      %dma_wait3A_214 = tpu.memref_slice %arg10[%add3A_92, %dma_wait3A_213] : memref<10240x128xf32, #tpu.memory_space<vmem_shared>> -> memref<16x128xf32, #tpu.memory_space<vmem_shared>>
      tpu.wait_dma2 semaphore(%run_scoped3A : memref<!tpu.dma_semaphore, #tpu.memory_space<semaphore_mem>>) src(%arg9 : memref<16x128xf32, #tpu.memory_space<vmem>>) dst(%dma_wait3A_214 : memref<16x128xf32, #tpu.memory_space<vmem_shared>>)
      tpu.yield
    }) : () -> ()
    %mul3A_93 = arith.constant 640 : i32
    %mul3A_94 = arith.muli %arg1, %mul3A_93 : i32
    %add3A_95 = arith.constant 288 : i32
    %add3A_96 = arith.addi %mul3A_94, %add3A_95 : i32
    "tpu.region"() ({
      %run_scoped3A = tpu.sem_alloc : memref<!tpu.dma_semaphore, #tpu.memory_space<semaphore_mem>>
      %dma_start3A_207 = arith.constant 0 : i32
      %dma_start3A_208 = tpu.memref_slice %arg10[%add3A_96, %dma_start3A_207] : memref<10240x128xf32, #tpu.memory_space<vmem_shared>> -> memref<16x128xf32, #tpu.memory_space<vmem_shared>>
      %dma_start3A_209 = arith.constant 0 : i32
      %dma_start3A_210 = tpu.memref_slice %arg10[%add3A_96, %dma_start3A_209] : memref<10240x128xf32, #tpu.memory_space<vmem_shared>> -> memref<16x128xf32, #tpu.memory_space<vmem_shared>>
      tpu.enqueue_dma source(%arg9 : memref<16x128xf32, #tpu.memory_space<vmem>>) target(%dma_start3A_210 : memref<16x128xf32, #tpu.memory_space<vmem_shared>>) target_semaphore(%run_scoped3A : memref<!tpu.dma_semaphore, #tpu.memory_space<semaphore_mem>>)
      %dma_wait3A_211 = arith.constant 0 : i32
      %dma_wait3A_212 = tpu.memref_slice %arg10[%add3A_96, %dma_wait3A_211] : memref<10240x128xf32, #tpu.memory_space<vmem_shared>> -> memref<16x128xf32, #tpu.memory_space<vmem_shared>>
      %dma_wait3A_213 = arith.constant 0 : i32
      %dma_wait3A_214 = tpu.memref_slice %arg10[%add3A_96, %dma_wait3A_213] : memref<10240x128xf32, #tpu.memory_space<vmem_shared>> -> memref<16x128xf32, #tpu.memory_space<vmem_shared>>
      tpu.wait_dma2 semaphore(%run_scoped3A : memref<!tpu.dma_semaphore, #tpu.memory_space<semaphore_mem>>) src(%arg9 : memref<16x128xf32, #tpu.memory_space<vmem>>) dst(%dma_wait3A_214 : memref<16x128xf32, #tpu.memory_space<vmem_shared>>)
      tpu.yield
    }) : () -> ()
    %mul3A_97 = arith.constant 640 : i32
    %mul3A_98 = arith.muli %arg1, %mul3A_97 : i32
    %add3A_99 = arith.constant 304 : i32
    %add3A_100 = arith.addi %mul3A_98, %add3A_99 : i32
    "tpu.region"() ({
      %run_scoped3A = tpu.sem_alloc : memref<!tpu.dma_semaphore, #tpu.memory_space<semaphore_mem>>
      %dma_start3A_207 = arith.constant 0 : i32
      %dma_start3A_208 = tpu.memref_slice %arg10[%add3A_100, %dma_start3A_207] : memref<10240x128xf32, #tpu.memory_space<vmem_shared>> -> memref<16x128xf32, #tpu.memory_space<vmem_shared>>
      %dma_start3A_209 = arith.constant 0 : i32
      %dma_start3A_210 = tpu.memref_slice %arg10[%add3A_100, %dma_start3A_209] : memref<10240x128xf32, #tpu.memory_space<vmem_shared>> -> memref<16x128xf32, #tpu.memory_space<vmem_shared>>
      tpu.enqueue_dma source(%arg9 : memref<16x128xf32, #tpu.memory_space<vmem>>) target(%dma_start3A_210 : memref<16x128xf32, #tpu.memory_space<vmem_shared>>) target_semaphore(%run_scoped3A : memref<!tpu.dma_semaphore, #tpu.memory_space<semaphore_mem>>)
      %dma_wait3A_211 = arith.constant 0 : i32
      %dma_wait3A_212 = tpu.memref_slice %arg10[%add3A_100, %dma_wait3A_211] : memref<10240x128xf32, #tpu.memory_space<vmem_shared>> -> memref<16x128xf32, #tpu.memory_space<vmem_shared>>
      %dma_wait3A_213 = arith.constant 0 : i32
      %dma_wait3A_214 = tpu.memref_slice %arg10[%add3A_100, %dma_wait3A_213] : memref<10240x128xf32, #tpu.memory_space<vmem_shared>> -> memref<16x128xf32, #tpu.memory_space<vmem_shared>>
      tpu.wait_dma2 semaphore(%run_scoped3A : memref<!tpu.dma_semaphore, #tpu.memory_space<semaphore_mem>>) src(%arg9 : memref<16x128xf32, #tpu.memory_space<vmem>>) dst(%dma_wait3A_214 : memref<16x128xf32, #tpu.memory_space<vmem_shared>>)
      tpu.yield
    }) : () -> ()
    %mul3A_101 = arith.constant 640 : i32
    %mul3A_102 = arith.muli %arg1, %mul3A_101 : i32
    %add3A_103 = arith.constant 320 : i32
    %add3A_104 = arith.addi %mul3A_102, %add3A_103 : i32
    "tpu.region"() ({
      %run_scoped3A = tpu.sem_alloc : memref<!tpu.dma_semaphore, #tpu.memory_space<semaphore_mem>>
      %dma_start3A_207 = arith.constant 0 : i32
      %dma_start3A_208 = tpu.memref_slice %arg10[%add3A_104, %dma_start3A_207] : memref<10240x128xf32, #tpu.memory_space<vmem_shared>> -> memref<16x128xf32, #tpu.memory_space<vmem_shared>>
      %dma_start3A_209 = arith.constant 0 : i32
      %dma_start3A_210 = tpu.memref_slice %arg10[%add3A_104, %dma_start3A_209] : memref<10240x128xf32, #tpu.memory_space<vmem_shared>> -> memref<16x128xf32, #tpu.memory_space<vmem_shared>>
      tpu.enqueue_dma source(%arg9 : memref<16x128xf32, #tpu.memory_space<vmem>>) target(%dma_start3A_210 : memref<16x128xf32, #tpu.memory_space<vmem_shared>>) target_semaphore(%run_scoped3A : memref<!tpu.dma_semaphore, #tpu.memory_space<semaphore_mem>>)
      %dma_wait3A_211 = arith.constant 0 : i32
      %dma_wait3A_212 = tpu.memref_slice %arg10[%add3A_104, %dma_wait3A_211] : memref<10240x128xf32, #tpu.memory_space<vmem_shared>> -> memref<16x128xf32, #tpu.memory_space<vmem_shared>>
      %dma_wait3A_213 = arith.constant 0 : i32
      %dma_wait3A_214 = tpu.memref_slice %arg10[%add3A_104, %dma_wait3A_213] : memref<10240x128xf32, #tpu.memory_space<vmem_shared>> -> memref<16x128xf32, #tpu.memory_space<vmem_shared>>
      tpu.wait_dma2 semaphore(%run_scoped3A : memref<!tpu.dma_semaphore, #tpu.memory_space<semaphore_mem>>) src(%arg9 : memref<16x128xf32, #tpu.memory_space<vmem>>) dst(%dma_wait3A_214 : memref<16x128xf32, #tpu.memory_space<vmem_shared>>)
      tpu.yield
    }) : () -> ()
    %mul3A_105 = arith.constant 640 : i32
    %mul3A_106 = arith.muli %arg1, %mul3A_105 : i32
    %add3A_107 = arith.constant 336 : i32
    %add3A_108 = arith.addi %mul3A_106, %add3A_107 : i32
    "tpu.region"() ({
      %run_scoped3A = tpu.sem_alloc : memref<!tpu.dma_semaphore, #tpu.memory_space<semaphore_mem>>
      %dma_start3A_207 = arith.constant 0 : i32
      %dma_start3A_208 = tpu.memref_slice %arg10[%add3A_108, %dma_start3A_207] : memref<10240x128xf32, #tpu.memory_space<vmem_shared>> -> memref<16x128xf32, #tpu.memory_space<vmem_shared>>
      %dma_start3A_209 = arith.constant 0 : i32
      %dma_start3A_210 = tpu.memref_slice %arg10[%add3A_108, %dma_start3A_209] : memref<10240x128xf32, #tpu.memory_space<vmem_shared>> -> memref<16x128xf32, #tpu.memory_space<vmem_shared>>
      tpu.enqueue_dma source(%arg9 : memref<16x128xf32, #tpu.memory_space<vmem>>) target(%dma_start3A_210 : memref<16x128xf32, #tpu.memory_space<vmem_shared>>) target_semaphore(%run_scoped3A : memref<!tpu.dma_semaphore, #tpu.memory_space<semaphore_mem>>)
      %dma_wait3A_211 = arith.constant 0 : i32
      %dma_wait3A_212 = tpu.memref_slice %arg10[%add3A_108, %dma_wait3A_211] : memref<10240x128xf32, #tpu.memory_space<vmem_shared>> -> memref<16x128xf32, #tpu.memory_space<vmem_shared>>
      %dma_wait3A_213 = arith.constant 0 : i32
      %dma_wait3A_214 = tpu.memref_slice %arg10[%add3A_108, %dma_wait3A_213] : memref<10240x128xf32, #tpu.memory_space<vmem_shared>> -> memref<16x128xf32, #tpu.memory_space<vmem_shared>>
      tpu.wait_dma2 semaphore(%run_scoped3A : memref<!tpu.dma_semaphore, #tpu.memory_space<semaphore_mem>>) src(%arg9 : memref<16x128xf32, #tpu.memory_space<vmem>>) dst(%dma_wait3A_214 : memref<16x128xf32, #tpu.memory_space<vmem_shared>>)
      tpu.yield
    }) : () -> ()
    %mul3A_109 = arith.constant 640 : i32
    %mul3A_110 = arith.muli %arg1, %mul3A_109 : i32
    %add3A_111 = arith.constant 352 : i32
    %add3A_112 = arith.addi %mul3A_110, %add3A_111 : i32
    "tpu.region"() ({
      %run_scoped3A = tpu.sem_alloc : memref<!tpu.dma_semaphore, #tpu.memory_space<semaphore_mem>>
      %dma_start3A_207 = arith.constant 0 : i32
      %dma_start3A_208 = tpu.memref_slice %arg10[%add3A_112, %dma_start3A_207] : memref<10240x128xf32, #tpu.memory_space<vmem_shared>> -> memref<16x128xf32, #tpu.memory_space<vmem_shared>>
      %dma_start3A_209 = arith.constant 0 : i32
      %dma_start3A_210 = tpu.memref_slice %arg10[%add3A_112, %dma_start3A_209] : memref<10240x128xf32, #tpu.memory_space<vmem_shared>> -> memref<16x128xf32, #tpu.memory_space<vmem_shared>>
      tpu.enqueue_dma source(%arg9 : memref<16x128xf32, #tpu.memory_space<vmem>>) target(%dma_start3A_210 : memref<16x128xf32, #tpu.memory_space<vmem_shared>>) target_semaphore(%run_scoped3A : memref<!tpu.dma_semaphore, #tpu.memory_space<semaphore_mem>>)
      %dma_wait3A_211 = arith.constant 0 : i32
      %dma_wait3A_212 = tpu.memref_slice %arg10[%add3A_112, %dma_wait3A_211] : memref<10240x128xf32, #tpu.memory_space<vmem_shared>> -> memref<16x128xf32, #tpu.memory_space<vmem_shared>>
      %dma_wait3A_213 = arith.constant 0 : i32
      %dma_wait3A_214 = tpu.memref_slice %arg10[%add3A_112, %dma_wait3A_213] : memref<10240x128xf32, #tpu.memory_space<vmem_shared>> -> memref<16x128xf32, #tpu.memory_space<vmem_shared>>
      tpu.wait_dma2 semaphore(%run_scoped3A : memref<!tpu.dma_semaphore, #tpu.memory_space<semaphore_mem>>) src(%arg9 : memref<16x128xf32, #tpu.memory_space<vmem>>) dst(%dma_wait3A_214 : memref<16x128xf32, #tpu.memory_space<vmem_shared>>)
      tpu.yield
    }) : () -> ()
    %mul3A_113 = arith.constant 640 : i32
    %mul3A_114 = arith.muli %arg1, %mul3A_113 : i32
    %add3A_115 = arith.constant 368 : i32
    %add3A_116 = arith.addi %mul3A_114, %add3A_115 : i32
    "tpu.region"() ({
      %run_scoped3A = tpu.sem_alloc : memref<!tpu.dma_semaphore, #tpu.memory_space<semaphore_mem>>
      %dma_start3A_207 = arith.constant 0 : i32
      %dma_start3A_208 = tpu.memref_slice %arg10[%add3A_116, %dma_start3A_207] : memref<10240x128xf32, #tpu.memory_space<vmem_shared>> -> memref<16x128xf32, #tpu.memory_space<vmem_shared>>
      %dma_start3A_209 = arith.constant 0 : i32
      %dma_start3A_210 = tpu.memref_slice %arg10[%add3A_116, %dma_start3A_209] : memref<10240x128xf32, #tpu.memory_space<vmem_shared>> -> memref<16x128xf32, #tpu.memory_space<vmem_shared>>
      tpu.enqueue_dma source(%arg9 : memref<16x128xf32, #tpu.memory_space<vmem>>) target(%dma_start3A_210 : memref<16x128xf32, #tpu.memory_space<vmem_shared>>) target_semaphore(%run_scoped3A : memref<!tpu.dma_semaphore, #tpu.memory_space<semaphore_mem>>)
      %dma_wait3A_211 = arith.constant 0 : i32
      %dma_wait3A_212 = tpu.memref_slice %arg10[%add3A_116, %dma_wait3A_211] : memref<10240x128xf32, #tpu.memory_space<vmem_shared>> -> memref<16x128xf32, #tpu.memory_space<vmem_shared>>
      %dma_wait3A_213 = arith.constant 0 : i32
      %dma_wait3A_214 = tpu.memref_slice %arg10[%add3A_116, %dma_wait3A_213] : memref<10240x128xf32, #tpu.memory_space<vmem_shared>> -> memref<16x128xf32, #tpu.memory_space<vmem_shared>>
      tpu.wait_dma2 semaphore(%run_scoped3A : memref<!tpu.dma_semaphore, #tpu.memory_space<semaphore_mem>>) src(%arg9 : memref<16x128xf32, #tpu.memory_space<vmem>>) dst(%dma_wait3A_214 : memref<16x128xf32, #tpu.memory_space<vmem_shared>>)
      tpu.yield
    }) : () -> ()
    %mul3A_117 = arith.constant 640 : i32
    %mul3A_118 = arith.muli %arg1, %mul3A_117 : i32
    %add3A_119 = arith.constant 384 : i32
    %add3A_120 = arith.addi %mul3A_118, %add3A_119 : i32
    "tpu.region"() ({
      %run_scoped3A = tpu.sem_alloc : memref<!tpu.dma_semaphore, #tpu.memory_space<semaphore_mem>>
      %dma_start3A_207 = arith.constant 0 : i32
      %dma_start3A_208 = tpu.memref_slice %arg10[%add3A_120, %dma_start3A_207] : memref<10240x128xf32, #tpu.memory_space<vmem_shared>> -> memref<16x128xf32, #tpu.memory_space<vmem_shared>>
      %dma_start3A_209 = arith.constant 0 : i32
      %dma_start3A_210 = tpu.memref_slice %arg10[%add3A_120, %dma_start3A_209] : memref<10240x128xf32, #tpu.memory_space<vmem_shared>> -> memref<16x128xf32, #tpu.memory_space<vmem_shared>>
      tpu.enqueue_dma source(%arg9 : memref<16x128xf32, #tpu.memory_space<vmem>>) target(%dma_start3A_210 : memref<16x128xf32, #tpu.memory_space<vmem_shared>>) target_semaphore(%run_scoped3A : memref<!tpu.dma_semaphore, #tpu.memory_space<semaphore_mem>>)
      %dma_wait3A_211 = arith.constant 0 : i32
      %dma_wait3A_212 = tpu.memref_slice %arg10[%add3A_120, %dma_wait3A_211] : memref<10240x128xf32, #tpu.memory_space<vmem_shared>> -> memref<16x128xf32, #tpu.memory_space<vmem_shared>>
      %dma_wait3A_213 = arith.constant 0 : i32
      %dma_wait3A_214 = tpu.memref_slice %arg10[%add3A_120, %dma_wait3A_213] : memref<10240x128xf32, #tpu.memory_space<vmem_shared>> -> memref<16x128xf32, #tpu.memory_space<vmem_shared>>
      tpu.wait_dma2 semaphore(%run_scoped3A : memref<!tpu.dma_semaphore, #tpu.memory_space<semaphore_mem>>) src(%arg9 : memref<16x128xf32, #tpu.memory_space<vmem>>) dst(%dma_wait3A_214 : memref<16x128xf32, #tpu.memory_space<vmem_shared>>)
      tpu.yield
    }) : () -> ()
    %mul3A_121 = arith.constant 640 : i32
    %mul3A_122 = arith.muli %arg1, %mul3A_121 : i32
    %add3A_123 = arith.constant 400 : i32
    %add3A_124 = arith.addi %mul3A_122, %add3A_123 : i32
    "tpu.region"() ({
      %run_scoped3A = tpu.sem_alloc : memref<!tpu.dma_semaphore, #tpu.memory_space<semaphore_mem>>
      %dma_start3A_207 = arith.constant 0 : i32
      %dma_start3A_208 = tpu.memref_slice %arg10[%add3A_124, %dma_start3A_207] : memref<10240x128xf32, #tpu.memory_space<vmem_shared>> -> memref<16x128xf32, #tpu.memory_space<vmem_shared>>
      %dma_start3A_209 = arith.constant 0 : i32
      %dma_start3A_210 = tpu.memref_slice %arg10[%add3A_124, %dma_start3A_209] : memref<10240x128xf32, #tpu.memory_space<vmem_shared>> -> memref<16x128xf32, #tpu.memory_space<vmem_shared>>
      tpu.enqueue_dma source(%arg9 : memref<16x128xf32, #tpu.memory_space<vmem>>) target(%dma_start3A_210 : memref<16x128xf32, #tpu.memory_space<vmem_shared>>) target_semaphore(%run_scoped3A : memref<!tpu.dma_semaphore, #tpu.memory_space<semaphore_mem>>)
      %dma_wait3A_211 = arith.constant 0 : i32
      %dma_wait3A_212 = tpu.memref_slice %arg10[%add3A_124, %dma_wait3A_211] : memref<10240x128xf32, #tpu.memory_space<vmem_shared>> -> memref<16x128xf32, #tpu.memory_space<vmem_shared>>
      %dma_wait3A_213 = arith.constant 0 : i32
      %dma_wait3A_214 = tpu.memref_slice %arg10[%add3A_124, %dma_wait3A_213] : memref<10240x128xf32, #tpu.memory_space<vmem_shared>> -> memref<16x128xf32, #tpu.memory_space<vmem_shared>>
      tpu.wait_dma2 semaphore(%run_scoped3A : memref<!tpu.dma_semaphore, #tpu.memory_space<semaphore_mem>>) src(%arg9 : memref<16x128xf32, #tpu.memory_space<vmem>>) dst(%dma_wait3A_214 : memref<16x128xf32, #tpu.memory_space<vmem_shared>>)
      tpu.yield
    }) : () -> ()
    %mul3A_125 = arith.constant 640 : i32
    %mul3A_126 = arith.muli %arg1, %mul3A_125 : i32
    %add3A_127 = arith.constant 416 : i32
    %add3A_128 = arith.addi %mul3A_126, %add3A_127 : i32
    "tpu.region"() ({
      %run_scoped3A = tpu.sem_alloc : memref<!tpu.dma_semaphore, #tpu.memory_space<semaphore_mem>>
      %dma_start3A_207 = arith.constant 0 : i32
      %dma_start3A_208 = tpu.memref_slice %arg10[%add3A_128, %dma_start3A_207] : memref<10240x128xf32, #tpu.memory_space<vmem_shared>> -> memref<16x128xf32, #tpu.memory_space<vmem_shared>>
      %dma_start3A_209 = arith.constant 0 : i32
      %dma_start3A_210 = tpu.memref_slice %arg10[%add3A_128, %dma_start3A_209] : memref<10240x128xf32, #tpu.memory_space<vmem_shared>> -> memref<16x128xf32, #tpu.memory_space<vmem_shared>>
      tpu.enqueue_dma source(%arg9 : memref<16x128xf32, #tpu.memory_space<vmem>>) target(%dma_start3A_210 : memref<16x128xf32, #tpu.memory_space<vmem_shared>>) target_semaphore(%run_scoped3A : memref<!tpu.dma_semaphore, #tpu.memory_space<semaphore_mem>>)
      %dma_wait3A_211 = arith.constant 0 : i32
      %dma_wait3A_212 = tpu.memref_slice %arg10[%add3A_128, %dma_wait3A_211] : memref<10240x128xf32, #tpu.memory_space<vmem_shared>> -> memref<16x128xf32, #tpu.memory_space<vmem_shared>>
      %dma_wait3A_213 = arith.constant 0 : i32
      %dma_wait3A_214 = tpu.memref_slice %arg10[%add3A_128, %dma_wait3A_213] : memref<10240x128xf32, #tpu.memory_space<vmem_shared>> -> memref<16x128xf32, #tpu.memory_space<vmem_shared>>
      tpu.wait_dma2 semaphore(%run_scoped3A : memref<!tpu.dma_semaphore, #tpu.memory_space<semaphore_mem>>) src(%arg9 : memref<16x128xf32, #tpu.memory_space<vmem>>) dst(%dma_wait3A_214 : memref<16x128xf32, #tpu.memory_space<vmem_shared>>)
      tpu.yield
    }) : () -> ()
    %mul3A_129 = arith.constant 640 : i32
    %mul3A_130 = arith.muli %arg1, %mul3A_129 : i32
    %add3A_131 = arith.constant 432 : i32
    %add3A_132 = arith.addi %mul3A_130, %add3A_131 : i32
    "tpu.region"() ({
      %run_scoped3A = tpu.sem_alloc : memref<!tpu.dma_semaphore, #tpu.memory_space<semaphore_mem>>
      %dma_start3A_207 = arith.constant 0 : i32
      %dma_start3A_208 = tpu.memref_slice %arg10[%add3A_132, %dma_start3A_207] : memref<10240x128xf32, #tpu.memory_space<vmem_shared>> -> memref<16x128xf32, #tpu.memory_space<vmem_shared>>
      %dma_start3A_209 = arith.constant 0 : i32
      %dma_start3A_210 = tpu.memref_slice %arg10[%add3A_132, %dma_start3A_209] : memref<10240x128xf32, #tpu.memory_space<vmem_shared>> -> memref<16x128xf32, #tpu.memory_space<vmem_shared>>
      tpu.enqueue_dma source(%arg9 : memref<16x128xf32, #tpu.memory_space<vmem>>) target(%dma_start3A_210 : memref<16x128xf32, #tpu.memory_space<vmem_shared>>) target_semaphore(%run_scoped3A : memref<!tpu.dma_semaphore, #tpu.memory_space<semaphore_mem>>)
      %dma_wait3A_211 = arith.constant 0 : i32
      %dma_wait3A_212 = tpu.memref_slice %arg10[%add3A_132, %dma_wait3A_211] : memref<10240x128xf32, #tpu.memory_space<vmem_shared>> -> memref<16x128xf32, #tpu.memory_space<vmem_shared>>
      %dma_wait3A_213 = arith.constant 0 : i32
      %dma_wait3A_214 = tpu.memref_slice %arg10[%add3A_132, %dma_wait3A_213] : memref<10240x128xf32, #tpu.memory_space<vmem_shared>> -> memref<16x128xf32, #tpu.memory_space<vmem_shared>>
      tpu.wait_dma2 semaphore(%run_scoped3A : memref<!tpu.dma_semaphore, #tpu.memory_space<semaphore_mem>>) src(%arg9 : memref<16x128xf32, #tpu.memory_space<vmem>>) dst(%dma_wait3A_214 : memref<16x128xf32, #tpu.memory_space<vmem_shared>>)
      tpu.yield
    }) : () -> ()
    %mul3A_133 = arith.constant 640 : i32
    %mul3A_134 = arith.muli %arg1, %mul3A_133 : i32
    %add3A_135 = arith.constant 448 : i32
    %add3A_136 = arith.addi %mul3A_134, %add3A_135 : i32
    "tpu.region"() ({
      %run_scoped3A = tpu.sem_alloc : memref<!tpu.dma_semaphore, #tpu.memory_space<semaphore_mem>>
      %dma_start3A_207 = arith.constant 0 : i32
      %dma_start3A_208 = tpu.memref_slice %arg10[%add3A_136, %dma_start3A_207] : memref<10240x128xf32, #tpu.memory_space<vmem_shared>> -> memref<16x128xf32, #tpu.memory_space<vmem_shared>>
      %dma_start3A_209 = arith.constant 0 : i32
      %dma_start3A_210 = tpu.memref_slice %arg10[%add3A_136, %dma_start3A_209] : memref<10240x128xf32, #tpu.memory_space<vmem_shared>> -> memref<16x128xf32, #tpu.memory_space<vmem_shared>>
      tpu.enqueue_dma source(%arg9 : memref<16x128xf32, #tpu.memory_space<vmem>>) target(%dma_start3A_210 : memref<16x128xf32, #tpu.memory_space<vmem_shared>>) target_semaphore(%run_scoped3A : memref<!tpu.dma_semaphore, #tpu.memory_space<semaphore_mem>>)
      %dma_wait3A_211 = arith.constant 0 : i32
      %dma_wait3A_212 = tpu.memref_slice %arg10[%add3A_136, %dma_wait3A_211] : memref<10240x128xf32, #tpu.memory_space<vmem_shared>> -> memref<16x128xf32, #tpu.memory_space<vmem_shared>>
      %dma_wait3A_213 = arith.constant 0 : i32
      %dma_wait3A_214 = tpu.memref_slice %arg10[%add3A_136, %dma_wait3A_213] : memref<10240x128xf32, #tpu.memory_space<vmem_shared>> -> memref<16x128xf32, #tpu.memory_space<vmem_shared>>
      tpu.wait_dma2 semaphore(%run_scoped3A : memref<!tpu.dma_semaphore, #tpu.memory_space<semaphore_mem>>) src(%arg9 : memref<16x128xf32, #tpu.memory_space<vmem>>) dst(%dma_wait3A_214 : memref<16x128xf32, #tpu.memory_space<vmem_shared>>)
      tpu.yield
    }) : () -> ()
    %mul3A_137 = arith.constant 640 : i32
    %mul3A_138 = arith.muli %arg1, %mul3A_137 : i32
    %add3A_139 = arith.constant 464 : i32
    %add3A_140 = arith.addi %mul3A_138, %add3A_139 : i32
    "tpu.region"() ({
      %run_scoped3A = tpu.sem_alloc : memref<!tpu.dma_semaphore, #tpu.memory_space<semaphore_mem>>
      %dma_start3A_207 = arith.constant 0 : i32
      %dma_start3A_208 = tpu.memref_slice %arg10[%add3A_140, %dma_start3A_207] : memref<10240x128xf32, #tpu.memory_space<vmem_shared>> -> memref<16x128xf32, #tpu.memory_space<vmem_shared>>
      %dma_start3A_209 = arith.constant 0 : i32
      %dma_start3A_210 = tpu.memref_slice %arg10[%add3A_140, %dma_start3A_209] : memref<10240x128xf32, #tpu.memory_space<vmem_shared>> -> memref<16x128xf32, #tpu.memory_space<vmem_shared>>
      tpu.enqueue_dma source(%arg9 : memref<16x128xf32, #tpu.memory_space<vmem>>) target(%dma_start3A_210 : memref<16x128xf32, #tpu.memory_space<vmem_shared>>) target_semaphore(%run_scoped3A : memref<!tpu.dma_semaphore, #tpu.memory_space<semaphore_mem>>)
      %dma_wait3A_211 = arith.constant 0 : i32
      %dma_wait3A_212 = tpu.memref_slice %arg10[%add3A_140, %dma_wait3A_211] : memref<10240x128xf32, #tpu.memory_space<vmem_shared>> -> memref<16x128xf32, #tpu.memory_space<vmem_shared>>
      %dma_wait3A_213 = arith.constant 0 : i32
      %dma_wait3A_214 = tpu.memref_slice %arg10[%add3A_140, %dma_wait3A_213] : memref<10240x128xf32, #tpu.memory_space<vmem_shared>> -> memref<16x128xf32, #tpu.memory_space<vmem_shared>>
      tpu.wait_dma2 semaphore(%run_scoped3A : memref<!tpu.dma_semaphore, #tpu.memory_space<semaphore_mem>>) src(%arg9 : memref<16x128xf32, #tpu.memory_space<vmem>>) dst(%dma_wait3A_214 : memref<16x128xf32, #tpu.memory_space<vmem_shared>>)
      tpu.yield
    }) : () -> ()
    %mul3A_141 = arith.constant 640 : i32
    %mul3A_142 = arith.muli %arg1, %mul3A_141 : i32
    %add3A_143 = arith.constant 480 : i32
    %add3A_144 = arith.addi %mul3A_142, %add3A_143 : i32
    "tpu.region"() ({
      %run_scoped3A = tpu.sem_alloc : memref<!tpu.dma_semaphore, #tpu.memory_space<semaphore_mem>>
      %dma_start3A_207 = arith.constant 0 : i32
      %dma_start3A_208 = tpu.memref_slice %arg10[%add3A_144, %dma_start3A_207] : memref<10240x128xf32, #tpu.memory_space<vmem_shared>> -> memref<16x128xf32, #tpu.memory_space<vmem_shared>>
      %dma_start3A_209 = arith.constant 0 : i32
      %dma_start3A_210 = tpu.memref_slice %arg10[%add3A_144, %dma_start3A_209] : memref<10240x128xf32, #tpu.memory_space<vmem_shared>> -> memref<16x128xf32, #tpu.memory_space<vmem_shared>>
      tpu.enqueue_dma source(%arg9 : memref<16x128xf32, #tpu.memory_space<vmem>>) target(%dma_start3A_210 : memref<16x128xf32, #tpu.memory_space<vmem_shared>>) target_semaphore(%run_scoped3A : memref<!tpu.dma_semaphore, #tpu.memory_space<semaphore_mem>>)
      %dma_wait3A_211 = arith.constant 0 : i32
      %dma_wait3A_212 = tpu.memref_slice %arg10[%add3A_144, %dma_wait3A_211] : memref<10240x128xf32, #tpu.memory_space<vmem_shared>> -> memref<16x128xf32, #tpu.memory_space<vmem_shared>>
      %dma_wait3A_213 = arith.constant 0 : i32
      %dma_wait3A_214 = tpu.memref_slice %arg10[%add3A_144, %dma_wait3A_213] : memref<10240x128xf32, #tpu.memory_space<vmem_shared>> -> memref<16x128xf32, #tpu.memory_space<vmem_shared>>
      tpu.wait_dma2 semaphore(%run_scoped3A : memref<!tpu.dma_semaphore, #tpu.memory_space<semaphore_mem>>) src(%arg9 : memref<16x128xf32, #tpu.memory_space<vmem>>) dst(%dma_wait3A_214 : memref<16x128xf32, #tpu.memory_space<vmem_shared>>)
      tpu.yield
    }) : () -> ()
    %mul3A_145 = arith.constant 640 : i32
    %mul3A_146 = arith.muli %arg1, %mul3A_145 : i32
    %add3A_147 = arith.constant 496 : i32
    %add3A_148 = arith.addi %mul3A_146, %add3A_147 : i32
    "tpu.region"() ({
      %run_scoped3A = tpu.sem_alloc : memref<!tpu.dma_semaphore, #tpu.memory_space<semaphore_mem>>
      %dma_start3A_207 = arith.constant 0 : i32
      %dma_start3A_208 = tpu.memref_slice %arg10[%add3A_148, %dma_start3A_207] : memref<10240x128xf32, #tpu.memory_space<vmem_shared>> -> memref<16x128xf32, #tpu.memory_space<vmem_shared>>
      %dma_start3A_209 = arith.constant 0 : i32
      %dma_start3A_210 = tpu.memref_slice %arg10[%add3A_148, %dma_start3A_209] : memref<10240x128xf32, #tpu.memory_space<vmem_shared>> -> memref<16x128xf32, #tpu.memory_space<vmem_shared>>
      tpu.enqueue_dma source(%arg9 : memref<16x128xf32, #tpu.memory_space<vmem>>) target(%dma_start3A_210 : memref<16x128xf32, #tpu.memory_space<vmem_shared>>) target_semaphore(%run_scoped3A : memref<!tpu.dma_semaphore, #tpu.memory_space<semaphore_mem>>)
      %dma_wait3A_211 = arith.constant 0 : i32
      %dma_wait3A_212 = tpu.memref_slice %arg10[%add3A_148, %dma_wait3A_211] : memref<10240x128xf32, #tpu.memory_space<vmem_shared>> -> memref<16x128xf32, #tpu.memory_space<vmem_shared>>
      %dma_wait3A_213 = arith.constant 0 : i32
      %dma_wait3A_214 = tpu.memref_slice %arg10[%add3A_148, %dma_wait3A_213] : memref<10240x128xf32, #tpu.memory_space<vmem_shared>> -> memref<16x128xf32, #tpu.memory_space<vmem_shared>>
      tpu.wait_dma2 semaphore(%run_scoped3A : memref<!tpu.dma_semaphore, #tpu.memory_space<semaphore_mem>>) src(%arg9 : memref<16x128xf32, #tpu.memory_space<vmem>>) dst(%dma_wait3A_214 : memref<16x128xf32, #tpu.memory_space<vmem_shared>>)
      tpu.yield
    }) : () -> ()
    %mul3A_149 = arith.constant 640 : i32
    %mul3A_150 = arith.muli %arg1, %mul3A_149 : i32
    %add3A_151 = arith.constant 512 : i32
    %add3A_152 = arith.addi %mul3A_150, %add3A_151 : i32
    "tpu.region"() ({
      %run_scoped3A = tpu.sem_alloc : memref<!tpu.dma_semaphore, #tpu.memory_space<semaphore_mem>>
      %dma_start3A_207 = arith.constant 0 : i32
      %dma_start3A_208 = tpu.memref_slice %arg10[%add3A_152, %dma_start3A_207] : memref<10240x128xf32, #tpu.memory_space<vmem_shared>> -> memref<16x128xf32, #tpu.memory_space<vmem_shared>>
      %dma_start3A_209 = arith.constant 0 : i32
      %dma_start3A_210 = tpu.memref_slice %arg10[%add3A_152, %dma_start3A_209] : memref<10240x128xf32, #tpu.memory_space<vmem_shared>> -> memref<16x128xf32, #tpu.memory_space<vmem_shared>>
      tpu.enqueue_dma source(%arg9 : memref<16x128xf32, #tpu.memory_space<vmem>>) target(%dma_start3A_210 : memref<16x128xf32, #tpu.memory_space<vmem_shared>>) target_semaphore(%run_scoped3A : memref<!tpu.dma_semaphore, #tpu.memory_space<semaphore_mem>>)
      %dma_wait3A_211 = arith.constant 0 : i32
      %dma_wait3A_212 = tpu.memref_slice %arg10[%add3A_152, %dma_wait3A_211] : memref<10240x128xf32, #tpu.memory_space<vmem_shared>> -> memref<16x128xf32, #tpu.memory_space<vmem_shared>>
      %dma_wait3A_213 = arith.constant 0 : i32
      %dma_wait3A_214 = tpu.memref_slice %arg10[%add3A_152, %dma_wait3A_213] : memref<10240x128xf32, #tpu.memory_space<vmem_shared>> -> memref<16x128xf32, #tpu.memory_space<vmem_shared>>
      tpu.wait_dma2 semaphore(%run_scoped3A : memref<!tpu.dma_semaphore, #tpu.memory_space<semaphore_mem>>) src(%arg9 : memref<16x128xf32, #tpu.memory_space<vmem>>) dst(%dma_wait3A_214 : memref<16x128xf32, #tpu.memory_space<vmem_shared>>)
      tpu.yield
    }) : () -> ()
    %mul3A_153 = arith.constant 640 : i32
    %mul3A_154 = arith.muli %arg1, %mul3A_153 : i32
    %add3A_155 = arith.constant 528 : i32
    %add3A_156 = arith.addi %mul3A_154, %add3A_155 : i32
    "tpu.region"() ({
      %run_scoped3A = tpu.sem_alloc : memref<!tpu.dma_semaphore, #tpu.memory_space<semaphore_mem>>
      %dma_start3A_207 = arith.constant 0 : i32
      %dma_start3A_208 = tpu.memref_slice %arg10[%add3A_156, %dma_start3A_207] : memref<10240x128xf32, #tpu.memory_space<vmem_shared>> -> memref<16x128xf32, #tpu.memory_space<vmem_shared>>
      %dma_start3A_209 = arith.constant 0 : i32
      %dma_start3A_210 = tpu.memref_slice %arg10[%add3A_156, %dma_start3A_209] : memref<10240x128xf32, #tpu.memory_space<vmem_shared>> -> memref<16x128xf32, #tpu.memory_space<vmem_shared>>
      tpu.enqueue_dma source(%arg9 : memref<16x128xf32, #tpu.memory_space<vmem>>) target(%dma_start3A_210 : memref<16x128xf32, #tpu.memory_space<vmem_shared>>) target_semaphore(%run_scoped3A : memref<!tpu.dma_semaphore, #tpu.memory_space<semaphore_mem>>)
      %dma_wait3A_211 = arith.constant 0 : i32
      %dma_wait3A_212 = tpu.memref_slice %arg10[%add3A_156, %dma_wait3A_211] : memref<10240x128xf32, #tpu.memory_space<vmem_shared>> -> memref<16x128xf32, #tpu.memory_space<vmem_shared>>
      %dma_wait3A_213 = arith.constant 0 : i32
      %dma_wait3A_214 = tpu.memref_slice %arg10[%add3A_156, %dma_wait3A_213] : memref<10240x128xf32, #tpu.memory_space<vmem_shared>> -> memref<16x128xf32, #tpu.memory_space<vmem_shared>>
      tpu.wait_dma2 semaphore(%run_scoped3A : memref<!tpu.dma_semaphore, #tpu.memory_space<semaphore_mem>>) src(%arg9 : memref<16x128xf32, #tpu.memory_space<vmem>>) dst(%dma_wait3A_214 : memref<16x128xf32, #tpu.memory_space<vmem_shared>>)
      tpu.yield
    }) : () -> ()
    %mul3A_157 = arith.constant 640 : i32
    %mul3A_158 = arith.muli %arg1, %mul3A_157 : i32
    %add3A_159 = arith.constant 544 : i32
    %add3A_160 = arith.addi %mul3A_158, %add3A_159 : i32
    "tpu.region"() ({
      %run_scoped3A = tpu.sem_alloc : memref<!tpu.dma_semaphore, #tpu.memory_space<semaphore_mem>>
      %dma_start3A_207 = arith.constant 0 : i32
      %dma_start3A_208 = tpu.memref_slice %arg10[%add3A_160, %dma_start3A_207] : memref<10240x128xf32, #tpu.memory_space<vmem_shared>> -> memref<16x128xf32, #tpu.memory_space<vmem_shared>>
      %dma_start3A_209 = arith.constant 0 : i32
      %dma_start3A_210 = tpu.memref_slice %arg10[%add3A_160, %dma_start3A_209] : memref<10240x128xf32, #tpu.memory_space<vmem_shared>> -> memref<16x128xf32, #tpu.memory_space<vmem_shared>>
      tpu.enqueue_dma source(%arg9 : memref<16x128xf32, #tpu.memory_space<vmem>>) target(%dma_start3A_210 : memref<16x128xf32, #tpu.memory_space<vmem_shared>>) target_semaphore(%run_scoped3A : memref<!tpu.dma_semaphore, #tpu.memory_space<semaphore_mem>>)
      %dma_wait3A_211 = arith.constant 0 : i32
      %dma_wait3A_212 = tpu.memref_slice %arg10[%add3A_160, %dma_wait3A_211] : memref<10240x128xf32, #tpu.memory_space<vmem_shared>> -> memref<16x128xf32, #tpu.memory_space<vmem_shared>>
      %dma_wait3A_213 = arith.constant 0 : i32
      %dma_wait3A_214 = tpu.memref_slice %arg10[%add3A_160, %dma_wait3A_213] : memref<10240x128xf32, #tpu.memory_space<vmem_shared>> -> memref<16x128xf32, #tpu.memory_space<vmem_shared>>
      tpu.wait_dma2 semaphore(%run_scoped3A : memref<!tpu.dma_semaphore, #tpu.memory_space<semaphore_mem>>) src(%arg9 : memref<16x128xf32, #tpu.memory_space<vmem>>) dst(%dma_wait3A_214 : memref<16x128xf32, #tpu.memory_space<vmem_shared>>)
      tpu.yield
    }) : () -> ()
    %mul3A_161 = arith.constant 640 : i32
    %mul3A_162 = arith.muli %arg1, %mul3A_161 : i32
    %add3A_163 = arith.constant 560 : i32
    %add3A_164 = arith.addi %mul3A_162, %add3A_163 : i32
    "tpu.region"() ({
      %run_scoped3A = tpu.sem_alloc : memref<!tpu.dma_semaphore, #tpu.memory_space<semaphore_mem>>
      %dma_start3A_207 = arith.constant 0 : i32
      %dma_start3A_208 = tpu.memref_slice %arg10[%add3A_164, %dma_start3A_207] : memref<10240x128xf32, #tpu.memory_space<vmem_shared>> -> memref<16x128xf32, #tpu.memory_space<vmem_shared>>
      %dma_start3A_209 = arith.constant 0 : i32
      %dma_start3A_210 = tpu.memref_slice %arg10[%add3A_164, %dma_start3A_209] : memref<10240x128xf32, #tpu.memory_space<vmem_shared>> -> memref<16x128xf32, #tpu.memory_space<vmem_shared>>
      tpu.enqueue_dma source(%arg9 : memref<16x128xf32, #tpu.memory_space<vmem>>) target(%dma_start3A_210 : memref<16x128xf32, #tpu.memory_space<vmem_shared>>) target_semaphore(%run_scoped3A : memref<!tpu.dma_semaphore, #tpu.memory_space<semaphore_mem>>)
      %dma_wait3A_211 = arith.constant 0 : i32
      %dma_wait3A_212 = tpu.memref_slice %arg10[%add3A_164, %dma_wait3A_211] : memref<10240x128xf32, #tpu.memory_space<vmem_shared>> -> memref<16x128xf32, #tpu.memory_space<vmem_shared>>
      %dma_wait3A_213 = arith.constant 0 : i32
      %dma_wait3A_214 = tpu.memref_slice %arg10[%add3A_164, %dma_wait3A_213] : memref<10240x128xf32, #tpu.memory_space<vmem_shared>> -> memref<16x128xf32, #tpu.memory_space<vmem_shared>>
      tpu.wait_dma2 semaphore(%run_scoped3A : memref<!tpu.dma_semaphore, #tpu.memory_space<semaphore_mem>>) src(%arg9 : memref<16x128xf32, #tpu.memory_space<vmem>>) dst(%dma_wait3A_214 : memref<16x128xf32, #tpu.memory_space<vmem_shared>>)
      tpu.yield
    }) : () -> ()
    %mul3A_165 = arith.constant 640 : i32
    %mul3A_166 = arith.muli %arg1, %mul3A_165 : i32
    %add3A_167 = arith.constant 576 : i32
    %add3A_168 = arith.addi %mul3A_166, %add3A_167 : i32
    "tpu.region"() ({
      %run_scoped3A = tpu.sem_alloc : memref<!tpu.dma_semaphore, #tpu.memory_space<semaphore_mem>>
      %dma_start3A_207 = arith.constant 0 : i32
      %dma_start3A_208 = tpu.memref_slice %arg10[%add3A_168, %dma_start3A_207] : memref<10240x128xf32, #tpu.memory_space<vmem_shared>> -> memref<16x128xf32, #tpu.memory_space<vmem_shared>>
      %dma_start3A_209 = arith.constant 0 : i32
      %dma_start3A_210 = tpu.memref_slice %arg10[%add3A_168, %dma_start3A_209] : memref<10240x128xf32, #tpu.memory_space<vmem_shared>> -> memref<16x128xf32, #tpu.memory_space<vmem_shared>>
      tpu.enqueue_dma source(%arg9 : memref<16x128xf32, #tpu.memory_space<vmem>>) target(%dma_start3A_210 : memref<16x128xf32, #tpu.memory_space<vmem_shared>>) target_semaphore(%run_scoped3A : memref<!tpu.dma_semaphore, #tpu.memory_space<semaphore_mem>>)
      %dma_wait3A_211 = arith.constant 0 : i32
      %dma_wait3A_212 = tpu.memref_slice %arg10[%add3A_168, %dma_wait3A_211] : memref<10240x128xf32, #tpu.memory_space<vmem_shared>> -> memref<16x128xf32, #tpu.memory_space<vmem_shared>>
      %dma_wait3A_213 = arith.constant 0 : i32
      %dma_wait3A_214 = tpu.memref_slice %arg10[%add3A_168, %dma_wait3A_213] : memref<10240x128xf32, #tpu.memory_space<vmem_shared>> -> memref<16x128xf32, #tpu.memory_space<vmem_shared>>
      tpu.wait_dma2 semaphore(%run_scoped3A : memref<!tpu.dma_semaphore, #tpu.memory_space<semaphore_mem>>) src(%arg9 : memref<16x128xf32, #tpu.memory_space<vmem>>) dst(%dma_wait3A_214 : memref<16x128xf32, #tpu.memory_space<vmem_shared>>)
      tpu.yield
    }) : () -> ()
    %mul3A_169 = arith.constant 640 : i32
    %mul3A_170 = arith.muli %arg1, %mul3A_169 : i32
    %add3A_171 = arith.constant 592 : i32
    %add3A_172 = arith.addi %mul3A_170, %add3A_171 : i32
    "tpu.region"() ({
      %run_scoped3A = tpu.sem_alloc : memref<!tpu.dma_semaphore, #tpu.memory_space<semaphore_mem>>
      %dma_start3A_207 = arith.constant 0 : i32
      %dma_start3A_208 = tpu.memref_slice %arg10[%add3A_172, %dma_start3A_207] : memref<10240x128xf32, #tpu.memory_space<vmem_shared>> -> memref<16x128xf32, #tpu.memory_space<vmem_shared>>
      %dma_start3A_209 = arith.constant 0 : i32
      %dma_start3A_210 = tpu.memref_slice %arg10[%add3A_172, %dma_start3A_209] : memref<10240x128xf32, #tpu.memory_space<vmem_shared>> -> memref<16x128xf32, #tpu.memory_space<vmem_shared>>
      tpu.enqueue_dma source(%arg9 : memref<16x128xf32, #tpu.memory_space<vmem>>) target(%dma_start3A_210 : memref<16x128xf32, #tpu.memory_space<vmem_shared>>) target_semaphore(%run_scoped3A : memref<!tpu.dma_semaphore, #tpu.memory_space<semaphore_mem>>)
      %dma_wait3A_211 = arith.constant 0 : i32
      %dma_wait3A_212 = tpu.memref_slice %arg10[%add3A_172, %dma_wait3A_211] : memref<10240x128xf32, #tpu.memory_space<vmem_shared>> -> memref<16x128xf32, #tpu.memory_space<vmem_shared>>
      %dma_wait3A_213 = arith.constant 0 : i32
      %dma_wait3A_214 = tpu.memref_slice %arg10[%add3A_172, %dma_wait3A_213] : memref<10240x128xf32, #tpu.memory_space<vmem_shared>> -> memref<16x128xf32, #tpu.memory_space<vmem_shared>>
      tpu.wait_dma2 semaphore(%run_scoped3A : memref<!tpu.dma_semaphore, #tpu.memory_space<semaphore_mem>>) src(%arg9 : memref<16x128xf32, #tpu.memory_space<vmem>>) dst(%dma_wait3A_214 : memref<16x128xf32, #tpu.memory_space<vmem_shared>>)
      tpu.yield
    }) : () -> ()
    %mul3A_173 = arith.constant 640 : i32
    %mul3A_174 = arith.muli %arg1, %mul3A_173 : i32
    %add3A_175 = arith.constant 608 : i32
    %add3A_176 = arith.addi %mul3A_174, %add3A_175 : i32
    "tpu.region"() ({
      %run_scoped3A = tpu.sem_alloc : memref<!tpu.dma_semaphore, #tpu.memory_space<semaphore_mem>>
      %dma_start3A_207 = arith.constant 0 : i32
      %dma_start3A_208 = tpu.memref_slice %arg10[%add3A_176, %dma_start3A_207] : memref<10240x128xf32, #tpu.memory_space<vmem_shared>> -> memref<16x128xf32, #tpu.memory_space<vmem_shared>>
      %dma_start3A_209 = arith.constant 0 : i32
      %dma_start3A_210 = tpu.memref_slice %arg10[%add3A_176, %dma_start3A_209] : memref<10240x128xf32, #tpu.memory_space<vmem_shared>> -> memref<16x128xf32, #tpu.memory_space<vmem_shared>>
      tpu.enqueue_dma source(%arg9 : memref<16x128xf32, #tpu.memory_space<vmem>>) target(%dma_start3A_210 : memref<16x128xf32, #tpu.memory_space<vmem_shared>>) target_semaphore(%run_scoped3A : memref<!tpu.dma_semaphore, #tpu.memory_space<semaphore_mem>>)
      %dma_wait3A_211 = arith.constant 0 : i32
      %dma_wait3A_212 = tpu.memref_slice %arg10[%add3A_176, %dma_wait3A_211] : memref<10240x128xf32, #tpu.memory_space<vmem_shared>> -> memref<16x128xf32, #tpu.memory_space<vmem_shared>>
      %dma_wait3A_213 = arith.constant 0 : i32
      %dma_wait3A_214 = tpu.memref_slice %arg10[%add3A_176, %dma_wait3A_213] : memref<10240x128xf32, #tpu.memory_space<vmem_shared>> -> memref<16x128xf32, #tpu.memory_space<vmem_shared>>
      tpu.wait_dma2 semaphore(%run_scoped3A : memref<!tpu.dma_semaphore, #tpu.memory_space<semaphore_mem>>) src(%arg9 : memref<16x128xf32, #tpu.memory_space<vmem>>) dst(%dma_wait3A_214 : memref<16x128xf32, #tpu.memory_space<vmem_shared>>)
      tpu.yield
    }) : () -> ()
    %mul3A_177 = arith.constant 640 : i32
    %mul3A_178 = arith.muli %arg1, %mul3A_177 : i32
    %add3A_179 = arith.constant 624 : i32
    %add3A_180 = arith.addi %mul3A_178, %add3A_179 : i32
    "tpu.region"() ({
      %run_scoped3A = tpu.sem_alloc : memref<!tpu.dma_semaphore, #tpu.memory_space<semaphore_mem>>
      %dma_start3A_207 = arith.constant 0 : i32
      %dma_start3A_208 = tpu.memref_slice %arg10[%add3A_180, %dma_start3A_207] : memref<10240x128xf32, #tpu.memory_space<vmem_shared>> -> memref<16x128xf32, #tpu.memory_space<vmem_shared>>
      %dma_start3A_209 = arith.constant 0 : i32
      %dma_start3A_210 = tpu.memref_slice %arg10[%add3A_180, %dma_start3A_209] : memref<10240x128xf32, #tpu.memory_space<vmem_shared>> -> memref<16x128xf32, #tpu.memory_space<vmem_shared>>
      tpu.enqueue_dma source(%arg9 : memref<16x128xf32, #tpu.memory_space<vmem>>) target(%dma_start3A_210 : memref<16x128xf32, #tpu.memory_space<vmem_shared>>) target_semaphore(%run_scoped3A : memref<!tpu.dma_semaphore, #tpu.memory_space<semaphore_mem>>)
      %dma_wait3A_211 = arith.constant 0 : i32
      %dma_wait3A_212 = tpu.memref_slice %arg10[%add3A_180, %dma_wait3A_211] : memref<10240x128xf32, #tpu.memory_space<vmem_shared>> -> memref<16x128xf32, #tpu.memory_space<vmem_shared>>
      %dma_wait3A_213 = arith.constant 0 : i32
      %dma_wait3A_214 = tpu.memref_slice %arg10[%add3A_180, %dma_wait3A_213] : memref<10240x128xf32, #tpu.memory_space<vmem_shared>> -> memref<16x128xf32, #tpu.memory_space<vmem_shared>>
      tpu.wait_dma2 semaphore(%run_scoped3A : memref<!tpu.dma_semaphore, #tpu.memory_space<semaphore_mem>>) src(%arg9 : memref<16x128xf32, #tpu.memory_space<vmem>>) dst(%dma_wait3A_214 : memref<16x128xf32, #tpu.memory_space<vmem_shared>>)
      tpu.yield
    }) : () -> ()
    %mul3A_181 = arith.constant 80 : i32
    %mul3A_182 = arith.muli %add3A, %mul3A_181 : i32
    %dma_wait3A = arith.constant 0 : i32
    %dma_wait3A_183 = arith.constant 0 : i32
    %dma_wait3A_184 = tpu.memref_slice %arg3[%mul3A_182, %dma_wait3A, %dma_wait3A_183] : memref<2560x1x125xi32, #tpu.memory_space<hbm>> -> memref<80x1x125xi32, #tpu.memory_space<hbm>>
    %dma_wait3A_185 = arith.constant 0 : i32
    %dma_wait3A_186 = arith.constant 0 : i32
    %dma_wait3A_187 = tpu.memref_slice %arg3[%mul3A_182, %dma_wait3A_185, %dma_wait3A_186] : memref<2560x1x125xi32, #tpu.memory_space<hbm>> -> memref<80x1x125xi32, #tpu.memory_space<hbm>>
    tpu.wait_dma2 semaphore(%arg12 : memref<!tpu.dma_semaphore, #tpu.memory_space<semaphore_mem>>) src(%dma_wait3A_187 : memref<80x1x125xi32, #tpu.memory_space<hbm>>) dst(%arg6 : memref<80x1x125xi32, #tpu.memory_space<vmem>>)
    %mul3A_188 = arith.constant 80 : i32
    %mul3A_189 = arith.muli %add3A, %mul3A_188 : i32
    %dma_wait3A_190 = arith.constant 0 : i32
    %dma_wait3A_191 = arith.constant 0 : i32
    %dma_wait3A_192 = tpu.memref_slice %arg4[%mul3A_189, %dma_wait3A_190, %dma_wait3A_191] : memref<2560x1x125xi32, #tpu.memory_space<hbm>> -> memref<80x1x125xi32, #tpu.memory_space<hbm>>
    %dma_wait3A_193 = arith.constant 0 : i32
    %dma_wait3A_194 = arith.constant 0 : i32
    %dma_wait3A_195 = tpu.memref_slice %arg4[%mul3A_189, %dma_wait3A_193, %dma_wait3A_194] : memref<2560x1x125xi32, #tpu.memory_space<hbm>> -> memref<80x1x125xi32, #tpu.memory_space<hbm>>
    tpu.wait_dma2 semaphore(%arg12 : memref<!tpu.dma_semaphore, #tpu.memory_space<semaphore_mem>>) src(%dma_wait3A_195 : memref<80x1x125xi32, #tpu.memory_space<hbm>>) dst(%arg7 : memref<80x1x125xi32, #tpu.memory_space<vmem>>)
    %barrier3A = arith.constant 0 : index
    tpu.barrier barrier_id(%barrier3A)
    %scan3A_196 = arith.constant 0 : i32
    %scan3A_197 = arith.constant 0 : i32
    %scan3A_198 = arith.constant 80 : i32
    %scan3A_199 = arith.addi %scan3A_197, %scan3A_198 : i32
    %scan3A_200 = arith.constant 1 : i32
    scf.for %scan3A_207 = %scan3A_197 to %scan3A_199 step %scan3A_200  : i32 {
      %dma_start3A_208 = arith.constant 0 : i32
      %dma_start3A_209 = arith.constant 0 : i32
      %dma_start3A_210 = tpu.memref_slice %arg6[%scan3A_207, %dma_start3A_208, %dma_start3A_209] : memref<80x1x125xi32, #tpu.memory_space<vmem>> -> memref<1x1x125xi32, #tpu.memory_space<vmem>>
      %dma_start3A_211 = tpu.memref_squeeze %dma_start3A_210 : memref<1x1x125xi32, #tpu.memory_space<vmem>> -> memref<125xi32, #tpu.memory_space<vmem>>
      %dma_start3A_212 = arith.constant 0 : i32
      %dma_start3A_213 = arith.constant 0 : i32
      %dma_start3A_214 = tpu.memref_slice %arg2[%dma_start3A_212, %dma_start3A_213] : memref<10000x128xf32, #tpu.memory_space<hbm>> -> memref<10000x128xf32, #tpu.memory_space<hbm>>
      tpu.enqueue_indirect_dma source(%dma_start3A_214 : memref<10000x128xf32, #tpu.memory_space<hbm>>) target(%arg8 : memref<125x128xf32, #tpu.memory_space<vmem>>) offsets(%dma_start3A_211 : memref<125xi32, #tpu.memory_space<vmem>>) semaphore(%arg11 : memref<!tpu.dma_semaphore, #tpu.memory_space<semaphore_mem>>)
      %dma_wait3A_215 = arith.constant 0 : i32
      %dma_wait3A_216 = arith.constant 0 : i32
      %dma_wait3A_217 = tpu.memref_slice %arg6[%scan3A_207, %dma_wait3A_215, %dma_wait3A_216] : memref<80x1x125xi32, #tpu.memory_space<vmem>> -> memref<1x1x125xi32, #tpu.memory_space<vmem>>
      %dma_wait3A_218 = tpu.memref_squeeze %dma_wait3A_217 : memref<1x1x125xi32, #tpu.memory_space<vmem>> -> memref<125xi32, #tpu.memory_space<vmem>>
      %dma_wait3A_219 = arith.constant 0 : i32
      %dma_wait3A_220 = arith.constant 0 : i32
      %dma_wait3A_221 = tpu.memref_slice %arg2[%dma_wait3A_219, %dma_wait3A_220] : memref<10000x128xf32, #tpu.memory_space<hbm>> -> memref<10000x128xf32, #tpu.memory_space<hbm>>
      tpu.wait_indirect_dma semaphore(%arg11 : memref<!tpu.dma_semaphore, #tpu.memory_space<semaphore_mem>>) src(%dma_wait3A_221 : memref<10000x128xf32, #tpu.memory_space<hbm>>) dst(%arg8 : memref<125x128xf32, #tpu.memory_space<vmem>>)
      %run_scoped3A = arith.constant 0 : i32
      "tpu.region"() ({
        %run_scoped3A_222 = tpu.sem_alloc : memref<!tpu.dma_semaphore, #tpu.memory_space<semaphore_mem>>
        %dma_start3A_223 = arith.constant 0 : i32
        %dma_start3A_224 = tpu.memref_slice %arg7[%scan3A_207, %run_scoped3A, %dma_start3A_223] : memref<80x1x125xi32, #tpu.memory_space<vmem>> -> memref<1x1x125xi32, #tpu.memory_space<vmem>>
        %dma_start3A_225 = tpu.memref_squeeze %dma_start3A_224 : memref<1x1x125xi32, #tpu.memory_space<vmem>> -> memref<125xi32, #tpu.memory_space<vmem>>
        %dma_start3A_226 = arith.constant 0 : i32
        %dma_start3A_227 = arith.constant 0 : i32
        %dma_start3A_228 = tpu.memref_slice %arg10[%dma_start3A_226, %dma_start3A_227] : memref<10240x128xf32, #tpu.memory_space<vmem_shared>> -> memref<10240x128xf32, #tpu.memory_space<vmem_shared>>
        tpu.enqueue_indirect_dma source(%arg8 : memref<125x128xf32, #tpu.memory_space<vmem>>) target(%dma_start3A_228 : memref<10240x128xf32, #tpu.memory_space<vmem_shared>>) offsets(%dma_start3A_225 : memref<125xi32, #tpu.memory_space<vmem>>) semaphore(%run_scoped3A_222 : memref<!tpu.dma_semaphore, #tpu.memory_space<semaphore_mem>>) {add = true}
        %dma_wait3A_229 = arith.constant 0 : i32
        %dma_wait3A_230 = tpu.memref_slice %arg7[%scan3A_207, %run_scoped3A, %dma_wait3A_229] : memref<80x1x125xi32, #tpu.memory_space<vmem>> -> memref<1x1x125xi32, #tpu.memory_space<vmem>>
        %dma_wait3A_231 = tpu.memref_squeeze %dma_wait3A_230 : memref<1x1x125xi32, #tpu.memory_space<vmem>> -> memref<125xi32, #tpu.memory_space<vmem>>
        %dma_wait3A_232 = arith.constant 0 : i32
        %dma_wait3A_233 = arith.constant 0 : i32
        %dma_wait3A_234 = tpu.memref_slice %arg10[%dma_wait3A_232, %dma_wait3A_233] : memref<10240x128xf32, #tpu.memory_space<vmem_shared>> -> memref<10240x128xf32, #tpu.memory_space<vmem_shared>>
        tpu.wait_indirect_dma semaphore(%run_scoped3A_222 : memref<!tpu.dma_semaphore, #tpu.memory_space<semaphore_mem>>) src(%arg8 : memref<125x128xf32, #tpu.memory_space<vmem>>) dst(%dma_wait3A_234 : memref<10240x128xf32, #tpu.memory_space<vmem_shared>>)
        tpu.yield
      }) : () -> ()
    }
    %scan3A_201 = arith.constant 80 : i32
    %barrier3A_202 = arith.constant 0 : index
    tpu.barrier barrier_id(%barrier3A_202)
    %mul3A_203 = arith.constant 640 : i32
    %mul3A_204 = arith.muli %arg1, %mul3A_203 : i32
    %mul3A_205 = arith.constant 640 : i32
    %mul3A_206 = arith.muli %arg1, %mul3A_205 : i32
    "tpu.region"() ({
      %run_scoped3A = tpu.sem_alloc : memref<!tpu.dma_semaphore, #tpu.memory_space<semaphore_mem>>
      %dma_start3A_207 = arith.constant 0 : i32
      %dma_start3A_208 = tpu.memref_slice %arg5[%arg0, %mul3A_206, %dma_start3A_207] : memref<2x10240x128xf32, #tpu.memory_space<hbm>> -> memref<1x640x128xf32, #tpu.memory_space<hbm>>
      %dma_start3A_209 = tpu.memref_squeeze %dma_start3A_208 : memref<1x640x128xf32, #tpu.memory_space<hbm>> -> memref<640x128xf32, #tpu.memory_space<hbm>>
      %dma_start3A_210 = arith.constant 0 : i32
      %dma_start3A_211 = tpu.memref_slice %arg10[%mul3A_204, %dma_start3A_210] : memref<10240x128xf32, #tpu.memory_space<vmem_shared>> -> memref<640x128xf32, #tpu.memory_space<vmem_shared>>
      tpu.enqueue_dma source(%dma_start3A_211 : memref<640x128xf32, #tpu.memory_space<vmem_shared>>) target(%dma_start3A_209 : memref<640x128xf32, #tpu.memory_space<hbm>>) target_semaphore(%run_scoped3A : memref<!tpu.dma_semaphore, #tpu.memory_space<semaphore_mem>>)
      %dma_wait3A_212 = arith.constant 0 : i32
      %dma_wait3A_213 = tpu.memref_slice %arg5[%arg0, %mul3A_206, %dma_wait3A_212] : memref<2x10240x128xf32, #tpu.memory_space<hbm>> -> memref<1x640x128xf32, #tpu.memory_space<hbm>>
      %dma_wait3A_214 = tpu.memref_squeeze %dma_wait3A_213 : memref<1x640x128xf32, #tpu.memory_space<hbm>> -> memref<640x128xf32, #tpu.memory_space<hbm>>
      %dma_wait3A_215 = arith.constant 0 : i32
      %dma_wait3A_216 = tpu.memref_slice %arg10[%mul3A_204, %dma_wait3A_215] : memref<10240x128xf32, #tpu.memory_space<vmem_shared>> -> memref<640x128xf32, #tpu.memory_space<vmem_shared>>
      tpu.wait_dma2 semaphore(%run_scoped3A : memref<!tpu.dma_semaphore, #tpu.memory_space<semaphore_mem>>) src(%dma_wait3A_216 : memref<640x128xf32, #tpu.memory_space<vmem_shared>>) dst(%dma_wait3A_214 : memref<640x128xf32, #tpu.memory_space<hbm>>)
      tpu.yield
    }) : () -> ()
    return
  }
}

module attributes {stable_mosaic.version = 14 : i64} {
  func.func @_tc_g1_body(%arg0: i32, %arg1: memref<1000x128xf32, #tpu.memory_space<vmem>>, %arg2: memref<128x128xf32, #tpu.memory_space<vmem>>, %arg3: memref<2x1000x16xf32, #tpu.memory_space<vmem>>, %arg4: memref<1000x128xf32, #tpu.memory_space<vmem>>) attributes {dimension_semantics = [#tpu.dimension_semantics<arbitrary>], iteration_bounds = array<i64: 10>, scalar_prefetch = 0 : i64, scratch_operands = 0 : i64, tpu.core_type = #tpu.core_type<tc>, window_params = [{transform_indices = @transform_0, window_bounds = array<i64: 1000, 128>}, {pipeline_mode = #tpu.pipeline_mode<synchronous>, transform_indices = @transform_1, window_bounds = array<i64: 128, 128>}, {transform_indices = @transform_2, window_bounds = array<i64: 2, 1000, 16>}, {transform_indices = @transform_3, window_bounds = array<i64: 1000, 128>}]} {
    %get3A = arith.constant 0 : index
    %get3A_0 = arith.constant 0 : index
    %get3A_1 = vector.load %arg1[%get3A, %get3A_0] : memref<1000x128xf32, #tpu.memory_space<vmem>>, vector<1000x128xf32>
    %get3A_2 = arith.constant 0 : index
    %get3A_3 = arith.constant 0 : index
    %get3A_4 = vector.load %arg2[%get3A_2, %get3A_3] : memref<128x128xf32, #tpu.memory_space<vmem>>, vector<128x128xf32>
    %dot_general3A = arith.constant dense<0.000000e+00> : vector<1000x128xf32>
    %dot_general3A_5 = tpu.matmul %get3A_1, %get3A_4, %dot_general3A {dimension_numbers = #tpu.dot_dimension_numbers<[1], [0], [0], [1], [0, 0, 1, 1], [], []>, transpose_lhs_hint = false} : vector<1000x128xf32>, vector<128x128xf32>, vector<1000x128xf32> -> vector<1000x128xf32>
    %get3A_6 = arith.constant 0 : index
    %get3A_7 = arith.constant 0 : index
    %get3A_8 = arith.constant 0 : index
    %get3A_9 = vector.load %arg3[%get3A_6, %get3A_7, %get3A_8] : memref<2x1000x16xf32, #tpu.memory_space<vmem>>, vector<1x1000x1xf32>
    %get3A_10 = vector.shape_cast %get3A_9 : vector<1x1000x1xf32> to vector<1000x1xf32>
    %add3A = arith.constant 1.000000e+00 : f32
    %add3A_11 = vector.broadcast %add3A : f32 to vector<1000x1xf32>
    %add3A_12 = arith.addf %add3A_11, %get3A_10 : vector<1000x1xf32>
    %get3A_13 = arith.constant 1 : index
    %get3A_14 = arith.constant 0 : index
    %get3A_15 = arith.constant 0 : index
    %get3A_16 = vector.load %arg3[%get3A_13, %get3A_14, %get3A_15] : memref<2x1000x16xf32, #tpu.memory_space<vmem>>, vector<1x1000x1xf32>
    %get3A_17 = vector.shape_cast %get3A_16 : vector<1x1000x1xf32> to vector<1000x1xf32>
    %add3A_18 = arith.addf %add3A_12, %get3A_17 : vector<1000x1xf32>
    %rsqrt3A = math.rsqrt %add3A_18 : vector<1000x1xf32>
    %mul3A = vector.broadcast %rsqrt3A : vector<1000x1xf32> to vector<1000x128xf32>
    %mul3A_19 = arith.mulf %dot_general3A_5, %mul3A : vector<1000x128xf32>
    %swap3A = arith.constant 0 : index
    %swap3A_20 = arith.constant 0 : index
    %swap3A_21 = vector.load %arg4[%swap3A, %swap3A_20] : memref<1000x128xf32, #tpu.memory_space<vmem>>, vector<1000x128xf32>
    tpu.vector_store %arg4[%swap3A, %swap3A_20], %mul3A_19 {strides = array<i32>} : memref<1000x128xf32, #tpu.memory_space<vmem>>, vector<1000x128xf32>,
    return
  }
  func.func @transform_0(%arg0: i32) -> (i32, i32) {
    %c0_i32 = arith.constant 0 : i32
    %c0_i32_0 = arith.constant 0 : i32
    return %arg0, %c0_i32 : i32, i32
  }
  func.func @transform_1(%arg0: i32) -> (i32, i32) {
    %c0_i32 = arith.constant 0 : i32
    %c0_i32_0 = arith.constant 0 : i32
    %c0_i32_1 = arith.constant 0 : i32
    return %c0_i32, %c0_i32_0 : i32, i32
  }
  func.func @transform_2(%arg0: i32) -> (i32, i32, i32) {
    %c0_i32 = arith.constant 0 : i32
    %c0_i32_0 = arith.constant 0 : i32
    %c0_i32_1 = arith.constant 0 : i32
    return %c0_i32, %arg0, %c0_i32_0 : i32, i32, i32
  }
  func.func @transform_3(%arg0: i32) -> (i32, i32) {
    %c0_i32 = arith.constant 0 : i32
    %c0_i32_0 = arith.constant 0 : i32
    return %arg0, %c0_i32 : i32, i32
  }
}

module attributes {stable_mosaic.version = 14 : i64} {
  func.func @_tc_g2_body(%arg0: i32, %arg1: memref<2x1000x128xf32, #tpu.memory_space<vmem>>, %arg2: memref<1000x128xf32, #tpu.memory_space<vmem>>, %arg3: memref<2x1000x16xf32, #tpu.memory_space<vmem>>, %arg4: memref<1x128xf32, #tpu.memory_space<vmem>>, %arg5: memref<128x128xf32, #tpu.memory_space<vmem>>, %arg6: memref<1000x128xf32, #tpu.memory_space<vmem>>) attributes {dimension_semantics = [#tpu.dimension_semantics<arbitrary>], iteration_bounds = array<i64: 10>, scalar_prefetch = 0 : i64, scratch_operands = 0 : i64, tpu.core_type = #tpu.core_type<tc>, window_params = [{transform_indices = @transform_0, window_bounds = array<i64: 2, 1000, 128>}, {transform_indices = @transform_1, window_bounds = array<i64: 1000, 128>}, {transform_indices = @transform_2, window_bounds = array<i64: 2, 1000, 16>}, {pipeline_mode = #tpu.pipeline_mode<synchronous>, transform_indices = @transform_3, window_bounds = array<i64: 1, 128>}, {pipeline_mode = #tpu.pipeline_mode<synchronous>, transform_indices = @transform_4, window_bounds = array<i64: 128, 128>}, {transform_indices = @transform_5, window_bounds = array<i64: 1000, 128>}]} {
    %get3A = arith.constant 0 : index
    %get3A_0 = arith.constant 0 : index
    %get3A_1 = arith.constant 0 : index
    %get3A_2 = vector.load %arg3[%get3A, %get3A_0, %get3A_1] : memref<2x1000x16xf32, #tpu.memory_space<vmem>>, vector<1x1000x1xf32>
    %get3A_3 = vector.shape_cast %get3A_2 : vector<1x1000x1xf32> to vector<1000x1xf32>
    %add3A = arith.constant 1.000000e+00 : f32
    %add3A_4 = vector.broadcast %add3A : f32 to vector<1000x1xf32>
    %add3A_5 = arith.addf %add3A_4, %get3A_3 : vector<1000x1xf32>
    %get3A_6 = arith.constant 1 : index
    %get3A_7 = arith.constant 0 : index
    %get3A_8 = arith.constant 0 : index
    %get3A_9 = vector.load %arg3[%get3A_6, %get3A_7, %get3A_8] : memref<2x1000x16xf32, #tpu.memory_space<vmem>>, vector<1x1000x1xf32>
    %get3A_10 = vector.shape_cast %get3A_9 : vector<1x1000x1xf32> to vector<1000x1xf32>
    %add3A_11 = arith.addf %add3A_5, %get3A_10 : vector<1000x1xf32>
    %rsqrt3A = math.rsqrt %add3A_11 : vector<1000x1xf32>
    %get3A_12 = arith.constant 0 : index
    %get3A_13 = arith.constant 0 : index
    %get3A_14 = arith.constant 0 : index
    %get3A_15 = vector.load %arg1[%get3A_12, %get3A_13, %get3A_14] : memref<2x1000x128xf32, #tpu.memory_space<vmem>>, vector<1x1000x128xf32>
    %get3A_16 = vector.shape_cast %get3A_15 : vector<1x1000x128xf32> to vector<1000x128xf32>
    %get3A_17 = arith.constant 1 : index
    %get3A_18 = arith.constant 0 : index
    %get3A_19 = arith.constant 0 : index
    %get3A_20 = vector.load %arg1[%get3A_17, %get3A_18, %get3A_19] : memref<2x1000x128xf32, #tpu.memory_space<vmem>>, vector<1x1000x128xf32>
    %get3A_21 = vector.shape_cast %get3A_20 : vector<1x1000x128xf32> to vector<1000x128xf32>
    %add3A_22 = arith.addf %get3A_16, %get3A_21 : vector<1000x128xf32>
    %get3A_23 = arith.constant 0 : index
    %get3A_24 = arith.constant 0 : index
    %get3A_25 = vector.load %arg2[%get3A_23, %get3A_24] : memref<1000x128xf32, #tpu.memory_space<vmem>>, vector<1000x128xf32>
    %add3A_26 = arith.addf %add3A_22, %get3A_25 : vector<1000x128xf32>
    %mul3A = vector.broadcast %rsqrt3A : vector<1000x1xf32> to vector<1000x128xf32>
    %mul3A_27 = arith.mulf %mul3A, %add3A_26 : vector<1000x128xf32>
    %get3A_28 = arith.constant 0 : index
    %get3A_29 = arith.constant 0 : index
    %get3A_30 = vector.load %arg4[%get3A_28, %get3A_29] : memref<1x128xf32, #tpu.memory_space<vmem>>, vector<1x128xf32>
    %add3A_31 = vector.broadcast %get3A_30 : vector<1x128xf32> to vector<1000x128xf32>
    %add3A_32 = arith.addf %mul3A_27, %add3A_31 : vector<1000x128xf32>
    %max3A = arith.constant 0.000000e+00 : f32
    %max3A_33 = vector.broadcast %max3A : f32 to vector<1000x128xf32>
    %max3A_34 = arith.maximumf %add3A_32, %max3A_33 : vector<1000x128xf32>
    %get3A_35 = arith.constant 0 : index
    %get3A_36 = arith.constant 0 : index
    %get3A_37 = vector.load %arg5[%get3A_35, %get3A_36] : memref<128x128xf32, #tpu.memory_space<vmem>>, vector<128x128xf32>
    %dot_general3A = arith.constant dense<0.000000e+00> : vector<1000x128xf32>
    %dot_general3A_38 = tpu.matmul %max3A_34, %get3A_37, %dot_general3A {dimension_numbers = #tpu.dot_dimension_numbers<[1], [0], [0], [1], [0, 0, 1, 1], [], []>, transpose_lhs_hint = false} : vector<1000x128xf32>, vector<128x128xf32>, vector<1000x128xf32> -> vector<1000x128xf32>
    %mul3A_39 = vector.broadcast %rsqrt3A : vector<1000x1xf32> to vector<1000x128xf32>
    %mul3A_40 = arith.mulf %dot_general3A_38, %mul3A_39 : vector<1000x128xf32>
    %swap3A = arith.constant 0 : index
    %swap3A_41 = arith.constant 0 : index
    %swap3A_42 = vector.load %arg6[%swap3A, %swap3A_41] : memref<1000x128xf32, #tpu.memory_space<vmem>>, vector<1000x128xf32>
    tpu.vector_store %arg6[%swap3A, %swap3A_41], %mul3A_40 {strides = array<i32>} : memref<1000x128xf32, #tpu.memory_space<vmem>>, vector<1000x128xf32>,
    return
  }
  func.func @transform_0(%arg0: i32) -> (i32, i32, i32) {
    %c0_i32 = arith.constant 0 : i32
    %c0_i32_0 = arith.constant 0 : i32
    %c0_i32_1 = arith.constant 0 : i32
    return %c0_i32, %arg0, %c0_i32_0 : i32, i32, i32
  }
  func.func @transform_1(%arg0: i32) -> (i32, i32) {
    %c0_i32 = arith.constant 0 : i32
    %c0_i32_0 = arith.constant 0 : i32
    return %arg0, %c0_i32 : i32, i32
  }
  func.func @transform_2(%arg0: i32) -> (i32, i32, i32) {
    %c0_i32 = arith.constant 0 : i32
    %c0_i32_0 = arith.constant 0 : i32
    %c0_i32_1 = arith.constant 0 : i32
    return %c0_i32, %arg0, %c0_i32_0 : i32, i32, i32
  }
  func.func @transform_3(%arg0: i32) -> (i32, i32) {
    %c0_i32 = arith.constant 0 : i32
    %c0_i32_0 = arith.constant 0 : i32
    %c0_i32_1 = arith.constant 0 : i32
    return %c0_i32, %c0_i32_0 : i32, i32
  }
  func.func @transform_4(%arg0: i32) -> (i32, i32) {
    %c0_i32 = arith.constant 0 : i32
    %c0_i32_0 = arith.constant 0 : i32
    %c0_i32_1 = arith.constant 0 : i32
    return %c0_i32, %c0_i32_0 : i32, i32
  }
  func.func @transform_5(%arg0: i32) -> (i32, i32) {
    %c0_i32 = arith.constant 0 : i32
    %c0_i32_0 = arith.constant 0 : i32
    return %arg0, %c0_i32 : i32, i32
  }
}

module attributes {stable_mosaic.version = 14 : i64} {
  func.func @_tc_out_body(%arg0: i32, %arg1: memref<2x1000x128xf32, #tpu.memory_space<vmem>>, %arg2: memref<1000x128xf32, #tpu.memory_space<vmem>>, %arg3: memref<2x1000x16xf32, #tpu.memory_space<vmem>>, %arg4: memref<1x128xf32, #tpu.memory_space<vmem>>, %arg5: memref<1000x128xf32, #tpu.memory_space<vmem>>) attributes {dimension_semantics = [#tpu.dimension_semantics<arbitrary>], iteration_bounds = array<i64: 10>, scalar_prefetch = 0 : i64, scratch_operands = 0 : i64, tpu.core_type = #tpu.core_type<tc>, window_params = [{transform_indices = @transform_0, window_bounds = array<i64: 2, 1000, 128>}, {transform_indices = @transform_1, window_bounds = array<i64: 1000, 128>}, {transform_indices = @transform_2, window_bounds = array<i64: 2, 1000, 16>}, {pipeline_mode = #tpu.pipeline_mode<synchronous>, transform_indices = @transform_3, window_bounds = array<i64: 1, 128>}, {transform_indices = @transform_4, window_bounds = array<i64: 1000, 128>}]} {
    %get3A = arith.constant 0 : index
    %get3A_0 = arith.constant 0 : index
    %get3A_1 = arith.constant 0 : index
    %get3A_2 = vector.load %arg3[%get3A, %get3A_0, %get3A_1] : memref<2x1000x16xf32, #tpu.memory_space<vmem>>, vector<1x1000x1xf32>
    %get3A_3 = vector.shape_cast %get3A_2 : vector<1x1000x1xf32> to vector<1000x1xf32>
    %add3A = arith.constant 1.000000e+00 : f32
    %add3A_4 = vector.broadcast %add3A : f32 to vector<1000x1xf32>
    %add3A_5 = arith.addf %add3A_4, %get3A_3 : vector<1000x1xf32>
    %get3A_6 = arith.constant 1 : index
    %get3A_7 = arith.constant 0 : index
    %get3A_8 = arith.constant 0 : index
    %get3A_9 = vector.load %arg3[%get3A_6, %get3A_7, %get3A_8] : memref<2x1000x16xf32, #tpu.memory_space<vmem>>, vector<1x1000x1xf32>
    %get3A_10 = vector.shape_cast %get3A_9 : vector<1x1000x1xf32> to vector<1000x1xf32>
    %add3A_11 = arith.addf %add3A_5, %get3A_10 : vector<1000x1xf32>
    %rsqrt3A = math.rsqrt %add3A_11 : vector<1000x1xf32>
    %get3A_12 = arith.constant 0 : index
    %get3A_13 = arith.constant 0 : index
    %get3A_14 = arith.constant 0 : index
    %get3A_15 = vector.load %arg1[%get3A_12, %get3A_13, %get3A_14] : memref<2x1000x128xf32, #tpu.memory_space<vmem>>, vector<1x1000x128xf32>
    %get3A_16 = vector.shape_cast %get3A_15 : vector<1x1000x128xf32> to vector<1000x128xf32>
    %get3A_17 = arith.constant 1 : index
    %get3A_18 = arith.constant 0 : index
    %get3A_19 = arith.constant 0 : index
    %get3A_20 = vector.load %arg1[%get3A_17, %get3A_18, %get3A_19] : memref<2x1000x128xf32, #tpu.memory_space<vmem>>, vector<1x1000x128xf32>
    %get3A_21 = vector.shape_cast %get3A_20 : vector<1x1000x128xf32> to vector<1000x128xf32>
    %add3A_22 = arith.addf %get3A_16, %get3A_21 : vector<1000x128xf32>
    %get3A_23 = arith.constant 0 : index
    %get3A_24 = arith.constant 0 : index
    %get3A_25 = vector.load %arg2[%get3A_23, %get3A_24] : memref<1000x128xf32, #tpu.memory_space<vmem>>, vector<1000x128xf32>
    %add3A_26 = arith.addf %add3A_22, %get3A_25 : vector<1000x128xf32>
    %mul3A = vector.broadcast %rsqrt3A : vector<1000x1xf32> to vector<1000x128xf32>
    %mul3A_27 = arith.mulf %mul3A, %add3A_26 : vector<1000x128xf32>
    %get3A_28 = arith.constant 0 : index
    %get3A_29 = arith.constant 0 : index
    %get3A_30 = vector.load %arg4[%get3A_28, %get3A_29] : memref<1x128xf32, #tpu.memory_space<vmem>>, vector<1x128xf32>
    %add3A_31 = vector.broadcast %get3A_30 : vector<1x128xf32> to vector<1000x128xf32>
    %add3A_32 = arith.addf %mul3A_27, %add3A_31 : vector<1000x128xf32>
    %swap3A = arith.constant 0 : index
    %swap3A_33 = arith.constant 0 : index
    %swap3A_34 = vector.load %arg5[%swap3A, %swap3A_33] : memref<1000x128xf32, #tpu.memory_space<vmem>>, vector<1000x128xf32>
    tpu.vector_store %arg5[%swap3A, %swap3A_33], %add3A_32 {strides = array<i32>} : memref<1000x128xf32, #tpu.memory_space<vmem>>, vector<1000x128xf32>,
    return
  }
  func.func @transform_0(%arg0: i32) -> (i32, i32, i32) {
    %c0_i32 = arith.constant 0 : i32
    %c0_i32_0 = arith.constant 0 : i32
    %c0_i32_1 = arith.constant 0 : i32
    return %c0_i32, %arg0, %c0_i32_0 : i32, i32, i32
  }
  func.func @transform_1(%arg0: i32) -> (i32, i32) {
    %c0_i32 = arith.constant 0 : i32
    %c0_i32_0 = arith.constant 0 : i32
    return %arg0, %c0_i32 : i32, i32
  }
  func.func @transform_2(%arg0: i32) -> (i32, i32, i32) {
    %c0_i32 = arith.constant 0 : i32
    %c0_i32_0 = arith.constant 0 : i32
    %c0_i32_1 = arith.constant 0 : i32
    return %c0_i32, %arg0, %c0_i32_0 : i32, i32, i32
  }
  func.func @transform_3(%arg0: i32) -> (i32, i32) {
    %c0_i32 = arith.constant 0 : i32
    %c0_i32_0 = arith.constant 0 : i32
    %c0_i32_1 = arith.constant 0 : i32
    return %c0_i32, %c0_i32_0 : i32, i32
  }
  func.func @transform_4(%arg0: i32) -> (i32, i32) {
    %c0_i32 = arith.constant 0 : i32
    %c0_i32_0 = arith.constant 0 : i32
    return %arg0, %c0_i32 : i32, i32
  }
}

</mosaic_0001>

<sc_bundles>
// kernel: kernel.11.cloned.1.call-start
scs
__scs_entry_jumppad:
0x0: {  	(pc) =	sbr.rel $0x88, $3  }
0x1: {  	(tag) =	ssettag $0x0;
	lr =	simm.s32 $0x1  }
0x2: {  	[smem:$0x3F9B] =	sst lr;
	_ =	strace $0xD0000000  }
0x3: {  	_ = 	snop  }
0x4: {  	_ = 	snop  }
0x5: {  	_ = 	snop  }
0x6: {  	_ = 	snop  }
0x7: {  	_ = 	snop  }
__scs_overlays_trampoline_lowered:
0x8: {  	[smem:$0x3FAA] =	sst s0  }
0x9: {  	[smem:$0x3FAB] =	sst s1  }
0xa: {  	[smem:$0x3FAC] =	sst s2  }
0xb: {  	[smem:$0x3FAD] =	sst s3  }
0xc: {  	[smem:$0x3FAE] =	sst s4  }
0xd: {  	[smem:$0x3FAF] =	sst s5  }
0xe: {  	[smem:$0x3FB0] =	sst s6  }
0xf: {  	[smem:$0x3FB1] =	sst s7  }
0x10: {  	[smem:$0x3FB2] =	sst s8  }
0x11: {  	[smem:$0x3FB3] =	sst s9;
	s0 =	simm.s32 @!p0 $0x0  }
0x12: {  	s1 =	sld [smem:$0x3F99];
	s0 =	simm.s32 @p0 $0x1  }
0x13: {  	[smem:$0x3FB4] =	sst s0;
	s0 =	simm.s32 @!p1 $0x0  }
0x14: {  	s2 =	sld [smem:$0x3F98];
	s0 =	simm.s32 @p1 $0x1  }
0x15: {  	[smem:$0x3FB5] =	sst s0;
	s0 =	simm.s32 @!p2 $0x0  }
0x16: {  	s3 =	sld [smem:$0x3FDB];
	s0 =	simm.s32 @p2 $0x1  }
0x17: {  	s4 =	simm.s32 $0x1BF5;
	[smem:$0x3FB7] =	sst s0  }
0x18: {  	s0 =	sld [smem:$0x3F9A];
	_ =	swait.ge [sflag:s4], $0x0  }
0x19: {  	s7 =	sld [smem:$0x3F9B]  }
0x1a: {  	s8 =	sadd.s32 $0xFFFFE003, lr  }
0x1b: {  	s9 =	sadd.s32 $0xFFFFFEF7, lr;
	s5 =	simm.s32 $0xFFFFFFFF;
	p2 =	slt.u32 s8, $0xFFFFF086  }
0x1c: {  	p1 =	slt.u32 s9, $0xF7A;
	s5 =	simm.s32 @!p2 $0x0  }
0x1d: {  	s5 =	simm.s32 @p1 $0x1;
	p0 =	seq.s32 s7, s2  }
0x1e: {  	s7 =	smul.u32 @!p0 $0xF7A, s2;
	p2 =	seq.s32 @!p0 s5, $0x0  }
0x1f: {  	s9 =	smul.u32 $0xF7A, s1;
	s8 =	simm.s32 @!p0 $0x1BF5;
	p2 =	por !p2, p0  }
0x20: {  	[sflag:s8] =	ssyncset.s32 @!p0 $0xFFFFF086;
	s6 =	sadd.s32 @!p0 s3, s7;
	s7 =	simm.s32 @!p0 $0x108  }
0x21: {  	s3 =	sadd.s32 s3, s9;
	s6 =	sadd.s32 @!p0 $0x88, s6;
	s7 =	simm.s32 @p2 $0x1082  }
0x22: {  	[simem:s7], [sflag:s8] =	dma.local @!p0 [hbm:s6], $0xF7A  }
0x23: {  	s9 =	sor.u32 $0xD0000000, s2;
	s6 =	simm.s32 $0x108;
	_ =	swait.ge @!p0 [sflag:s8], $0x0  }
0x24: {  	s3 =	sadd.s32 $0x88, s3;
	s6 =	simm.s32 @!p1 $0x1082;
	[sflag:s4] =	ssyncset.s32 $0xFFFFF086  }
0x25: {  	[simem:s6], [sflag:s4] =	dma.local [hbm:s3], $0xF7A  }
0x26: {  	[smem:$0x3F9B] =	sst s1;
	(tag) =	ssettag s2;
	_ =	strace s9  }
0x27: {  	s1 =	sld [smem:$0x3FAB]  }
0x28: {  	s2 =	sld [smem:$0x3FAC]  }
0x29: {  	s4 =	sld [smem:$0x3FAE]  }
0x2a: {  	p0 =	seq.s32 s5, $0x0;
	s5 =	sld [smem:$0x3FAF]  }
0x2b: {  	s6 =	sld [smem:$0x3FB0]  }
0x2c: {  	s7 =	sld [smem:$0x3FB1]  }
0x2d: {  	s3 =	simm.s32 $0x108;
	s8 =	sld [smem:$0x3FB2]  }
0x2e: {  	s3 =	simm.s32 @!p0 $0x1082;
	s9 =	sld [smem:$0x3FB3]  }
0x2f: {  	lr =	sadd.s32 s0, s3;
	s0 =	sld [smem:$0x3FAA]  }
0x30: {  	s3 =	sld [smem:$0x3FAD]  }
0x31: {  	[smem:$0x3FB6] =	sst s10  }
0x32: {  	s10 =	sld [smem:$0x3FB4];
	_ =	sdelay $0x3  }
0x33: {  	p0 =	seq.s32 s10, $0x1;
	s10 =	sld [smem:$0x3FB6];
	_ =	sdelay $0x3  }
0x34: {  	[smem:$0x3FB6] =	sst s10  }
0x35: {  	s10 =	sld [smem:$0x3FB5];
	_ =	sdelay $0x3  }
0x36: {  	p1 =	seq.s32 s10, $0x1;
	s10 =	sld [smem:$0x3FB6];
	_ =	sdelay $0x3  }
0x37: {  	[smem:$0x3FB6] =	sst s10  }
0x38: {  	s10 =	sld [smem:$0x3FB7]  }
0x39: {  	_ = 	snop;
	(pc) =	sbr.ind lr, $3  }
0x3a: {  	_ = 	snop  }
0x3b: {  	_ = 	snop  }
0x3c: {  	p2 =	seq.s32 s10, $0x1;
	s10 =	sld [smem:$0x3FB6]  }
0x3d: {  	_ =	shalt  }
0x3e: {  	_ =	shalt  }
0x3f: {  	_ =	shalt  }
0x40: {  	_ =	shalt  }
0x41: {  	_ =	shalt  }
0x42: {  	_ =	shalt  }
0x43: {  	_ =	shalt  }
0x44: {  	_ =	shalt  }
0x45: {  	_ =	shalt  }
0x46: {  	_ =	shalt  }
0x47: {  	_ =	shalt  }
0x48: {  	_ =	shalt  }
0x49: {  	_ =	shalt  }
0x4a: {  	_ =	shalt  }
0x4b: {  	_ =	shalt  }
0x4c: {  	_ =	shalt  }
0x4d: {  	_ =	shalt  }
0x4e: {  	_ =	shalt  }
0x4f: {  	_ =	shalt  }
0x50: {  	_ =	shalt  }
0x51: {  	_ =	shalt  }
0x52: {  	_ =	shalt  }
0x53: {  	_ =	shalt  }
0x54: {  	_ =	shalt  }
0x55: {  	_ =	shalt  }
0x56: {  	_ =	shalt  }
0x57: {  	_ =	shalt  }
0x58: {  	_ =	shalt  }
0x59: {  	_ =	shalt  }
0x5a: {  	_ =	shalt  }
0x5b: {  	_ =	shalt  }
0x5c: {  	_ =	shalt  }
0x5d: {  	_ =	shalt  }
0x5e: {  	_ =	shalt  }
0x5f: {  	_ =	shalt  }
0x60: {  	_ =	shalt  }
0x61: {  	_ =	shalt  }
0x62: {  	_ =	shalt  }
0x63: {  	_ =	shalt  }
0x64: {  	_ =	shalt  }
0x65: {  	_ =	shalt  }
0x66: {  	_ =	shalt  }
0x67: {  	_ =	shalt  }
0x68: {  	_ =	shalt  }
0x69: {  	_ =	shalt  }
0x6a: {  	_ =	shalt  }
0x6b: {  	_ =	shalt  }
0x6c: {  	_ =	shalt  }
0x6d: {  	_ =	shalt  }
0x6e: {  	_ =	shalt  }
0x6f: {  	_ =	shalt  }
0x70: {  	_ =	shalt  }
0x71: {  	_ =	shalt  }
0x72: {  	_ =	shalt  }
0x73: {  	_ =	shalt  }
0x74: {  	_ =	shalt  }
0x75: {  	_ =	shalt  }
0x76: {  	_ =	shalt  }
0x77: {  	_ =	shalt  }
0x78: {  	_ =	shalt  }
0x79: {  	_ =	shalt  }
0x7a: {  	_ =	shalt  }
0x7b: {  	_ =	shalt  }
0x7c: {  	_ =	shalt  }
0x7d: {  	_ =	shalt  }
0x7e: {  	_ =	shalt  }
0x7f: {  	_ =	shalt  }
0x80: {  	_ =	shalt  }
0x81: {  	_ =	shalt  }
0x82: {  	_ =	shalt  }
0x83: {  	_ =	shalt  }
0x84: {  	_ =	shalt  }
0x85: {  	_ =	shalt  }
0x86: {  	_ =	shalt  }
0x87: {  	_ =	shalt  }
.Lfunc_end0:
.L_simem_size_0:
called_computation.1_lowered:
.L_overlay_start_0:
0x88: {  	s2 =	sld [smem:$0x3FD9]  }
0x89: {  	s3 =	sld [smem:$0x3FFE];
	_ =	sdelay $0x1  }
0x8a: {  	s1 =	srdreg.scid  }
0x8b: {  	s0 =	sand.u32 $0x1, s1  }
0x8c: {  	s17 =	sshll.u32 s0, $0xA;
	s2 =	sadd.s32 s3, s2  }
0x8d: {  	s2 =	sadd.s32 s2, s17  }
0x8e: {  	[smem:$0x3FC2] =	sst s2  }
0x8f: {  	_ = 	snop  }
0x90: {  	s2 =	sld [smem:$0x3FD0];
	(tm) =	ssettm $0x1  }
0x91: {  	s18 =	sld [smem:$0x3FFB];
	_ =	sdelay $0x3  }
0x92: {  	_ =	strace s18  }
0x93: {  	s3 =	sld [smem:$0x3FFC];
	_ =	sdelay $0x3  }
0x94: {  	_ =	strace s3  }
0x95: {  	s3 =	sld [smem:$0x3FFD];
	_ =	sdelay $0x3  }
0x96: {  	_ =	strace s3  }
0x97: {  	_ =	strace $0x8FFFFFFF  }
0x98: {  	s19 =	sld [smem:$0x3FDB];
	_ =	sdelay $0x1  }
0x99: {  	s4 =	simm.s32 $_scs_section_size  }
0x9a: {  	s5 =	simm.s32 $_size__tile_overlayer_lowered;
	s6 =	simm.s32 $_tile_overlayer_lowered  }
0x9b: {  	s22 =	simm.s32 $0x1BFF;
	s21 =	sshll.u32 s6, $0x1;
	s3 =	sadd.s32 s4, s19  }
0x9c: {  	s7 =	simm.s32 $0x0;
	s20 =	sshll.u32 s5, $0x1;
	s5 =	sadd.s32 s21, s3  }
0x9d: {  	[timem:s7], [sflag:s22] =	dma.local [hbm:s5], s20  }
0x9e: {  	_ =	swait.ge [sflag:s22], s20  }
0x9f: {  	s4 =	ssub.s32 $0x0, s20;
	[sflag:s22] =	ssyncset.done $0x0  }
0xa0: {  	[sflag:s22] =	ssyncadd.s32 s4;
	_ =	sdelay $0x1  }
0xa1: {  	s23 =	simm.s32 $0x1B8B  }
0xa2: {  	_ =	swait.ge [sflag:s23], $0x1  }
0xa3: {  	[sflag:s23] =	ssyncset.done $0x0  }
0xa4: {  	s25 =	simm.s32 $0x1B8E;
	s24 =	sld [smem:$0x3FFE];
	[sflag:s23] =	ssyncadd.s32 $0xFFFFFFFF  }
0xa5: {  	s26 =	simm.s32 $execute0_lowered;
	[smem:$0x3FD2] =	sst s25  }
0xa6: {  	s5 =	sshll.u32 s26, $0x1;
	_ =	strace $0x80000049;
	[dreg:$0x1] =	wrdreg $0xFFFFFFFF  }
0xa7: {  	s28 =	simm.s32 $_size_execute0_lowered;
	s3 =	sadd.s32 s3, s5;
	[dreg:$0x0] =	wrdreg $0x0  }
0xa8: {  	s5 =	sshll.u32 s28, $0x1;
	[dreg:$0x2] =	wrdreg s3  }
0xa9: {  	[dreg:$0x3] =	wrdreg s5  }
0xaa: {  	[dreg:$0x4] =	wrdreg $0xC0  }
0xab: {  	_ =	task [dreg:s7], $0x5FFFF  }
0xac: {  	[dreg:$0x1] =	wrdreg $0xFFFFFFFF  }
0xad: {  	[dreg:$0x0] =	wrdreg $0x60  }
0xae: {  	[dreg:$0x2] =	wrdreg s2  }
0xaf: {  	[dreg:$0x3] =	wrdreg s24  }
0xb0: {  	[dreg:$0x4] =	wrdreg $0x98000  }
0xb1: {  	[dreg:$0x5] =	wrdreg $0x9  }
0xb2: {  	_ =	task.clear_ibuf [dreg:s7], $0x6FFFF;
	_ =	strace $0x90000049  }
0xb3: {  	s29 =	simm.s32 $0x9;
	_ =	strace $0x8000004B  }
0xb4: {  	_ =	swait.ge [sflag:s29], $0x1  }
0xb5: {  	[sflag:s29] =	ssyncadd.s32 $0xFFFFFFFF  }
0xb6: {  	_ =	strace $0x9000004B  }
0xb7: {  	_ =	sfence  }
0xb8: {  	s30 =	sld [smem:$0x0];
	_ =	sdelay $0x2  }
0xb9: {  	s31 =	sshll.u32 s1, $0xD;
	s1 =	sshrl.u32 s1, $0x2  }
0xba: {  	s3 =	sand.u32 $0x4000, s31;
	s1 =	sadd.s32 s1, s30  }
0xbb: {  	s0 =	sor.u32 s3, s0;
	s1 =	sshll.u32 s1, $0x11  }
0xbc: {  	s0 =	sor.u32 s1, s0  }
0xbd: {  	s0 =	sadd.s32 $0x8F2B, s0  }
0xbe: {  	[sflag:s0] =	ssyncadd.remote.s32 $0x1  }
0xbf: {  	_ =	sfence.sel $0xFFFF  }
0xc0: {  	[dreg:$0x0] =	wrdreg $0xFFFFFFFF;
	(pc) =	sbr.abs _section_cstart, $3  }
0xc1: {  	[dreg:$0x1] =	wrdreg $0xFFFFFFFF  }
0xc2: {  	_ =	task.clear_ibuf [dreg:s7], $0x2FFFF;
	_ =	strace $0x9FFFFFFF  }
0xc3: {  	(tm) =	ssettm $0x7FFFFFFF  }
tec
execute0_lowered:
.L_overlay_start_1:
0x0: {  	(tag) =	ssettag $0x1  }
0x1: {  	s1 =	rddreg [dreg:$0x0]  }
0x2: {  	s0 =	srdreg.scid;
	s5 =	rddreg [dreg:$0x1]  }
0x3: {  	s8 =	stileid.u32;
	s3 =	rddreg [dreg:$0x2]  }
0x4: {  	s4 =	simm.s32 $0x0;
	s0 =	sand.u32 $0x1, s0;
	s7 =	smul.u32 $0x14000, s8  }
0x5: {  	[smem:$0x7FF] =	sst s4;
	s2 =	sshll.u32 s0, $0x4;
	s6 =	smul.u32 $0x140000, s0  }
0x6: {  	s0 =	ssub.s32 $0x2, s0;
	s2 =	sor.u32 s8, s2;
	s8 =	smul.u32 $0x50000, s8  }
0x7: {  	s24 =	sshrl.u32 s0, $0x1;
	s2 =	smul.u32 $0x500, s2;
	s6 =	sadd.s32 s7, s6  }
0x8: {  	_ =	strace $0x8000004A;
	s0 =	ssub.s32 s0, s24;
	s6 =	sshrl.u32 s6, $0x3  }
0x9: {  	s8 =	sshrl.u32 s8, $0x2;
	s0 =	smax.u32 s0, $0x1;
	s2 =	sadd.s32 s2, s5  }
0xa: {  	s6 =	sadd.s32 s6, s5;
	[dreg:$0x17] =	wrdreg s0;
	s25 =	sadd.s32 $0x5C200, s2  }
0xb: {  	s5 =	sadd.s32 s8, s3;
	s2 =	sadd.s32 $0x52200, s2;
	[dreg:$0x4] =	wrdreg s25  }
0xc: {  	s26 =	sadd.s32 $0x800, s5;
	[dreg:$0x5] =	wrdreg s2  }
0xd: {  	s30 =	sadd.s32 $0x1000, s5;
	[dreg:$0x6] =	wrdreg s26  }
0xe: {  	s31 =	sadd.s32 $0x1800, s5;
	[dreg:$0x7] =	wrdreg s30  }
0xf: {  	s7 =	sadd.s32 $0x2000, s5;
	[dreg:$0x8] =	wrdreg s31  }
0x10: {  	s8 =	sadd.s32 $0x2800, s5;
	[dreg:$0x9] =	wrdreg s7  }
0x11: {  	s9 =	sadd.s32 $0x3000, s5;
	[dreg:$0xa] =	wrdreg s8  }
0x12: {  	s10 =	sadd.s32 $0x3800, s5;
	[dreg:$0xb] =	wrdreg s9  }
0x13: {  	s11 =	sadd.s32 $0x4000, s5;
	[dreg:$0xc] =	wrdreg s10  }
0x14: {  	s12 =	sadd.s32 $0x4800, s5;
	[dreg:$0xd] =	wrdreg s11  }
0x15: {  	s13 =	sadd.s32 $0x5000, s5;
	[dreg:$0xe] =	wrdreg s12  }
0x16: {  	s14 =	sadd.s32 $0x5800, s5;
	[dreg:$0xf] =	wrdreg s13  }
0x17: {  	s15 =	sadd.s32 $0x6000, s5;
	[dreg:$0x10] =	wrdreg s14  }
0x18: {  	s16 =	sadd.s32 $0x6800, s5;
	[dreg:$0x11] =	wrdreg s15  }
0x19: {  	s17 =	sadd.s32 $0x7000, s5;
	[dreg:$0x12] =	wrdreg s16  }
0x1a: {  	s18 =	sadd.s32 $0x7800, s5;
	[dreg:$0x13] =	wrdreg s17  }
0x1b: {  	s19 =	sadd.s32 $0x8000, s5;
	[dreg:$0x14] =	wrdreg s18  }
0x1c: {  	s20 =	sadd.s32 $0x66200, s6;
	[dreg:$0x15] =	wrdreg s19  }
0x1d: {  	s21 =	sadd.s32 $0x8800, s5;
	[dreg:$0x16] =	wrdreg s20  }
0x1e: {  	s22 =	sadd.s32 $0x9000, s5;
	[dreg:$0x18] =	wrdreg s21  }
0x1f: {  	s23 =	sadd.s32 $0x9800, s5;
	[dreg:$0x19] =	wrdreg s22  }
0x20: {  	s28 =	simm.s32 $0x1;
	s24 =	sadd.s32 $0xA000, s5;
	[dreg:$0x1a] =	wrdreg s23  }
0x21: {  	s29 =	simm.s32 $0x0;
	[dreg:$0x1b] =	wrdreg s24;
	s25 =	sadd.s32 $0xA800, s5  }
0x22: {  	s26 =	sadd.s32 $0xB000, s5;
	s30 =	sadd.s32 $0xB800, s5;
	s31 =	sadd.s32 $0xC000, s5  }
0x23: {  	s7 =	sadd.s32 $0xC800, s5;
	s8 =	sadd.s32 $0xD000, s5;
	s9 =	sadd.s32 $0xD800, s5  }
0x24: {  	s10 =	sadd.s32 $0xE000, s5;
	s11 =	sadd.s32 $0xE800, s5;
	s12 =	sadd.s32 $0xF000, s5  }
0x25: {  	s13 =	sadd.s32 $0xF800, s5;
	s14 =	sadd.s32 $0x10000, s5;
	s15 =	sadd.s32 $0x10800, s5  }
0x26: {  	s16 =	sadd.s32 $0x11000, s5;
	s17 =	sadd.s32 $0x11800, s5;
	s18 =	sadd.s32 $0x12000, s5  }
0x27: {  	s19 =	sadd.s32 $0x12800, s5;
	s20 =	sadd.s32 $0x13000, s5;
	[dreg:$0x1c] =	wrdreg s25  }
0x28: {  	s21 =	sadd.s32 $0x13800, s5;
	s22 =	simm.s32 $0x9000;
	[dreg:$0x1d] =	wrdreg s26  }
0x29: {  	s23 =	simm.s32 $0x3;
	s24 =	simm.s32 $0x2;
	[dreg:$0x1e] =	wrdreg s30  }
0x2a: {  	v0 =	vimm.f32 $0.0e+00;
	[dreg:$0x1f] =	wrdreg s31;
	s25 =	simm.s32 $0x7D;
	s26 =	simm.s32 $0x5000  }
.LBB2_1:
0x2b: {  	s0 =	rddreg [dreg:$0x4]  }
0x2c: {  	[tilespmem:s4], [sflag:$0x2] =	stream.linear.gather [hbm4b:s0+s4], $0x2800, $0x38;
	[tilespmem:$0x1D800] =	vst v63  }
0x2d: {  	s6 =	rddreg [dreg:$0x5];
	s2 =	simm.s32 $0x2800  }
0x2e: {  	[tilespmem:s2], [sflag:$0x2] =	stream.linear.gather [hbm4b:s6+s4], $0x2800, $0x38;
	[tilespmem:$0x1D800] =	vst v63  }
0x2f: {  	s6 =	simm.s32 $0x0  }
0x30: {  	s30 =	sand.u32 $0xFFFFFF80, s6  }
0x31: {  	s30 =	ssub.s32 $0x0, s30  }
0x32: {  	s2 =	sand.u32 $0x3FFFFF80, s6;
	s30 =	sand.u32 $0xFFFFFF80, s30  }
0x33: {  	s31 =	sand.u32 $0x70, s4;
	s2 =	sadd.s32 s30, s2  }
0x34: {  	s30 =	simm.s32 $0x1;
	s2 =	sor.u32 s31, s2;
	s31 =	simm.s32 $0x0  }
.LBB2_2:
0x35: {  	s0 =	sshll.u32 s30, $0x4;
	p0 =	sne.s32 s30, $0x7F;
	s30 =	sadd.s32 $0x1, s30;
	[tilespmem:s2+$0x9000] =	vst v0  }
.Ltmp0:
0x36: {  	s31 =	sadd.s32 $0x10, s31;
	s2 =	sand.u32 $0xFFFFFF80, s0;
	(pc) =	sbr.rel @p0 .LBB2_2-.Ltmp0, $4  }
0x37: {  	s2 =	ssub.s32 s31, s2  }
0x38: {  	s0 =	sand.u32 $0x3FFFFF80, s0;
	s2 =	sand.u32 $0xFFFFFF80, s2  }
0x39: {  	s6 =	sand.u32 $0x70, s31;
	s0 =	sadd.s32 s2, s0  }
0x3a: {  	s2 =	sor.u32 s6, s0  }
0x3b: {  	[tilespmem:s2+$0x9000] =	vst v0  }
0x3c: {  	[spmem:s5] =	stream.linear.scatter [tilespmem:s22], [sflag:$0x3], $0x800, $0x38;
	[tilespmem:$0x1D800] =	vst v63  }
0x3d: {  	_ =	swait.ge [sflag:s23], $0x800  }
0x3e: {  	[sflag:s23] =	ssyncset.done $0x0  }
0x3f: {  	s0 =	rddreg [dreg:$0x6];
	[sflag:s23] =	ssyncadd.s32 $0xFFFFF800  }
0x40: {  	[spmem:s0] =	stream.linear.scatter [tilespmem:s22], [sflag:$0x3], $0x800, $0x38;
	[tilespmem:$0x1D800] =	vst v63  }
0x41: {  	_ =	swait.ge [sflag:s23], $0x800  }
0x42: {  	[sflag:s23] =	ssyncset.done $0x0  }
0x43: {  	s6 =	rddreg [dreg:$0x7];
	[sflag:s23] =	ssyncadd.s32 $0xFFFFF800  }
0x44: {  	[spmem:s6] =	stream.linear.scatter [tilespmem:s22], [sflag:$0x3], $0x800, $0x38;
	[tilespmem:$0x1D800] =	vst v63  }
0x45: {  	_ =	swait.ge [sflag:s23], $0x800  }
0x46: {  	[sflag:s23] =	ssyncset.done $0x0  }
0x47: {  	s2 =	rddreg [dreg:$0x8];
	[sflag:s23] =	ssyncadd.s32 $0xFFFFF800  }
0x48: {  	[spmem:s2] =	stream.linear.scatter [tilespmem:s22], [sflag:$0x3], $0x800, $0x38;
	[tilespmem:$0x1D800] =	vst v63  }
0x49: {  	_ =	swait.ge [sflag:s23], $0x800  }
0x4a: {  	[sflag:s23] =	ssyncset.done $0x0  }
0x4b: {  	s6 =	rddreg [dreg:$0x9];
	[sflag:s23] =	ssyncadd.s32 $0xFFFFF800  }
0x4c: {  	[spmem:s6] =	stream.linear.scatter [tilespmem:s22], [sflag:$0x3], $0x800, $0x38;
	[tilespmem:$0x1D800] =	vst v63  }
0x4d: {  	_ =	swait.ge [sflag:s23], $0x800  }
0x4e: {  	[sflag:s23] =	ssyncset.done $0x0  }
0x4f: {  	s2 =	rddreg [dreg:$0xa];
	[sflag:s23] =	ssyncadd.s32 $0xFFFFF800  }
0x50: {  	[spmem:s2] =	stream.linear.scatter [tilespmem:s22], [sflag:$0x3], $0x800, $0x38;
	[tilespmem:$0x1D800] =	vst v63  }
0x51: {  	_ =	swait.ge [sflag:s23], $0x800  }
0x52: {  	[sflag:s23] =	ssyncset.done $0x0  }
0x53: {  	s6 =	rddreg [dreg:$0xb];
	[sflag:s23] =	ssyncadd.s32 $0xFFFFF800  }
0x54: {  	[spmem:s6] =	stream.linear.scatter [tilespmem:s22], [sflag:$0x3], $0x800, $0x38;
	[tilespmem:$0x1D800] =	vst v63  }
0x55: {  	_ =	swait.ge [sflag:s23], $0x800  }
0x56: {  	[sflag:s23] =	ssyncset.done $0x0  }
0x57: {  	s2 =	rddreg [dreg:$0xc];
	[sflag:s23] =	ssyncadd.s32 $0xFFFFF800  }
0x58: {  	[spmem:s2] =	stream.linear.scatter [tilespmem:s22], [sflag:$0x3], $0x800, $0x38;
	[tilespmem:$0x1D800] =	vst v63  }
0x59: {  	_ =	swait.ge [sflag:s23], $0x800  }
0x5a: {  	[sflag:s23] =	ssyncset.done $0x0  }
0x5b: {  	s6 =	rddreg [dreg:$0xd];
	[sflag:s23] =	ssyncadd.s32 $0xFFFFF800  }
0x5c: {  	[spmem:s6] =	stream.linear.scatter [tilespmem:s22], [sflag:$0x3], $0x800, $0x38;
	[tilespmem:$0x1D800] =	vst v63  }
0x5d: {  	_ =	swait.ge [sflag:s23], $0x800  }
0x5e: {  	[sflag:s23] =	ssyncset.done $0x0  }
0x5f: {  	s2 =	rddreg [dreg:$0xe];
	[sflag:s23] =	ssyncadd.s32 $0xFFFFF800  }
0x60: {  	[spmem:s2] =	stream.linear.scatter [tilespmem:s22], [sflag:$0x3], $0x800, $0x38;
	[tilespmem:$0x1D800] =	vst v63  }
0x61: {  	_ =	swait.ge [sflag:s23], $0x800  }
0x62: {  	[sflag:s23] =	ssyncset.done $0x0  }
0x63: {  	s6 =	rddreg [dreg:$0xf];
	[sflag:s23] =	ssyncadd.s32 $0xFFFFF800  }
0x64: {  	[spmem:s6] =	stream.linear.scatter [tilespmem:s22], [sflag:$0x3], $0x800, $0x38;
	[tilespmem:$0x1D800] =	vst v63  }
0x65: {  	_ =	swait.ge [sflag:s23], $0x800  }
0x66: {  	[sflag:s23] =	ssyncset.done $0x0  }
0x67: {  	s2 =	rddreg [dreg:$0x10];
	[sflag:s23] =	ssyncadd.s32 $0xFFFFF800  }
0x68: {  	[spmem:s2] =	stream.linear.scatter [tilespmem:s22], [sflag:$0x3], $0x800, $0x38;
	[tilespmem:$0x1D800] =	vst v63  }
0x69: {  	_ =	swait.ge [sflag:s23], $0x800  }
0x6a: {  	[sflag:s23] =	ssyncset.done $0x0  }
0x6b: {  	s6 =	rddreg [dreg:$0x11];
	[sflag:s23] =	ssyncadd.s32 $0xFFFFF800  }
0x6c: {  	[spmem:s6] =	stream.linear.scatter [tilespmem:s22], [sflag:$0x3], $0x800, $0x38;
	[tilespmem:$0x1D800] =	vst v63  }
0x6d: {  	_ =	swait.ge [sflag:s23], $0x800  }
0x6e: {  	[sflag:s23] =	ssyncset.done $0x0  }
0x6f: {  	s2 =	rddreg [dreg:$0x12];
	[sflag:s23] =	ssyncadd.s32 $0xFFFFF800  }
0x70: {  	[spmem:s2] =	stream.linear.scatter [tilespmem:s22], [sflag:$0x3], $0x800, $0x38;
	[tilespmem:$0x1D800] =	vst v63  }
0x71: {  	_ =	swait.ge [sflag:s23], $0x800  }
0x72: {  	[sflag:s23] =	ssyncset.done $0x0  }
0x73: {  	s6 =	rddreg [dreg:$0x13];
	[sflag:s23] =	ssyncadd.s32 $0xFFFFF800  }
0x74: {  	[spmem:s6] =	stream.linear.scatter [tilespmem:s22], [sflag:$0x3], $0x800, $0x38;
	[tilespmem:$0x1D800] =	vst v63  }
0x75: {  	_ =	swait.ge [sflag:s23], $0x800  }
0x76: {  	[sflag:s23] =	ssyncset.done $0x0  }
0x77: {  	s2 =	rddreg [dreg:$0x14];
	[sflag:s23] =	ssyncadd.s32 $0xFFFFF800  }
0x78: {  	[spmem:s2] =	stream.linear.scatter [tilespmem:s22], [sflag:$0x3], $0x800, $0x38;
	[tilespmem:$0x1D800] =	vst v63  }
0x79: {  	_ =	swait.ge [sflag:s23], $0x800  }
0x7a: {  	[sflag:s23] =	ssyncset.done $0x0  }
0x7b: {  	s6 =	rddreg [dreg:$0x15];
	[sflag:s23] =	ssyncadd.s32 $0xFFFFF800  }
0x7c: {  	[spmem:s6] =	stream.linear.scatter [tilespmem:s22], [sflag:$0x3], $0x800, $0x38;
	[tilespmem:$0x1D800] =	vst v63  }
0x7d: {  	_ =	swait.ge [sflag:s23], $0x800  }
0x7e: {  	[sflag:s23] =	ssyncset.done $0x0  }
0x7f: {  	s2 =	rddreg [dreg:$0x18];
	[sflag:s23] =	ssyncadd.s32 $0xFFFFF800  }
0x80: {  	[spmem:s2] =	stream.linear.scatter [tilespmem:s22], [sflag:$0x3], $0x800, $0x38;
	[tilespmem:$0x1D800] =	vst v63  }
0x81: {  	_ =	swait.ge [sflag:s23], $0x800  }
0x82: {  	[sflag:s23] =	ssyncset.done $0x0  }
0x83: {  	s6 =	rddreg [dreg:$0x19];
	[sflag:s23] =	ssyncadd.s32 $0xFFFFF800  }
0x84: {  	[spmem:s6] =	stream.linear.scatter [tilespmem:s22], [sflag:$0x3], $0x800, $0x38;
	[tilespmem:$0x1D800] =	vst v63  }
0x85: {  	_ =	swait.ge [sflag:s23], $0x800  }
0x86: {  	[sflag:s23] =	ssyncset.done $0x0  }
0x87: {  	s2 =	rddreg [dreg:$0x1a];
	[sflag:s23] =	ssyncadd.s32 $0xFFFFF800  }
0x88: {  	[spmem:s2] =	stream.linear.scatter [tilespmem:s22], [sflag:$0x3], $0x800, $0x38;
	[tilespmem:$0x1D800] =	vst v63  }
0x89: {  	_ =	swait.ge [sflag:s23], $0x800  }
0x8a: {  	[sflag:s23] =	ssyncset.done $0x0  }
0x8b: {  	s6 =	rddreg [dreg:$0x1b];
	[sflag:s23] =	ssyncadd.s32 $0xFFFFF800  }
0x8c: {  	[spmem:s6] =	stream.linear.scatter [tilespmem:s22], [sflag:$0x3], $0x800, $0x38;
	[tilespmem:$0x1D800] =	vst v63  }
0x8d: {  	_ =	swait.ge [sflag:s23], $0x800  }
0x8e: {  	[sflag:s23] =	ssyncset.done $0x0  }
0x8f: {  	s2 =	rddreg [dreg:$0x1c];
	[sflag:s23] =	ssyncadd.s32 $0xFFFFF800  }
0x90: {  	[spmem:s2] =	stream.linear.scatter [tilespmem:s22], [sflag:$0x3], $0x800, $0x38;
	[tilespmem:$0x1D800] =	vst v63  }
0x91: {  	_ =	swait.ge [sflag:s23], $0x800  }
0x92: {  	[sflag:s23] =	ssyncset.done $0x0  }
0x93: {  	s6 =	rddreg [dreg:$0x1d];
	[sflag:s23] =	ssyncadd.s32 $0xFFFFF800  }
0x94: {  	[spmem:s6] =	stream.linear.scatter [tilespmem:s22], [sflag:$0x3], $0x800, $0x38;
	[tilespmem:$0x1D800] =	vst v63  }
0x95: {  	_ =	swait.ge [sflag:s23], $0x800  }
0x96: {  	[sflag:s23] =	ssyncset.done $0x0  }
0x97: {  	s2 =	rddreg [dreg:$0x1e];
	[sflag:s23] =	ssyncadd.s32 $0xFFFFF800  }
0x98: {  	[spmem:s2] =	stream.linear.scatter [tilespmem:s22], [sflag:$0x3], $0x800, $0x38;
	[tilespmem:$0x1D800] =	vst v63  }
0x99: {  	_ =	swait.ge [sflag:s23], $0x800  }
0x9a: {  	[sflag:s23] =	ssyncset.done $0x0  }
0x9b: {  	s6 =	rddreg [dreg:$0x1f];
	[sflag:s23] =	ssyncadd.s32 $0xFFFFF800  }
0x9c: {  	[spmem:s6] =	stream.linear.scatter [tilespmem:s22], [sflag:$0x3], $0x800, $0x38;
	[tilespmem:$0x1D800] =	vst v63  }
0x9d: {  	_ =	swait.ge [sflag:s23], $0x800  }
0x9e: {  	[sflag:s23] =	ssyncset.done $0x0  }
0x9f: {  	[sflag:s23] =	ssyncadd.s32 $0xFFFFF800  }
0xa0: {  	[spmem:s7] =	stream.linear.scatter [tilespmem:s22], [sflag:$0x3], $0x800, $0x38;
	[tilespmem:$0x1D800] =	vst v63  }
0xa1: {  	_ =	swait.ge [sflag:s23], $0x800  }
0xa2: {  	[sflag:s23] =	ssyncset.done $0x0  }
0xa3: {  	[sflag:s23] =	ssyncadd.s32 $0xFFFFF800  }
0xa4: {  	[spmem:s8] =	stream.linear.scatter [tilespmem:s22], [sflag:$0x3], $0x800, $0x38;
	[tilespmem:$0x1D800] =	vst v63  }
0xa5: {  	_ =	swait.ge [sflag:s23], $0x800  }
0xa6: {  	[sflag:s23] =	ssyncset.done $0x0  }
0xa7: {  	[sflag:s23] =	ssyncadd.s32 $0xFFFFF800  }
0xa8: {  	[spmem:s9] =	stream.linear.scatter [tilespmem:s22], [sflag:$0x3], $0x800, $0x38;
	[tilespmem:$0x1D800] =	vst v63  }
0xa9: {  	_ =	swait.ge [sflag:s23], $0x800  }
0xaa: {  	[sflag:s23] =	ssyncset.done $0x0  }
0xab: {  	[sflag:s23] =	ssyncadd.s32 $0xFFFFF800  }
0xac: {  	[spmem:s10] =	stream.linear.scatter [tilespmem:s22], [sflag:$0x3], $0x800, $0x38;
	[tilespmem:$0x1D800] =	vst v63  }
0xad: {  	_ =	swait.ge [sflag:s23], $0x800  }
0xae: {  	[sflag:s23] =	ssyncset.done $0x0  }
0xaf: {  	[sflag:s23] =	ssyncadd.s32 $0xFFFFF800  }
0xb0: {  	[spmem:s11] =	stream.linear.scatter [tilespmem:s22], [sflag:$0x3], $0x800, $0x38;
	[tilespmem:$0x1D800] =	vst v63  }
0xb1: {  	_ =	swait.ge [sflag:s23], $0x800  }
0xb2: {  	[sflag:s23] =	ssyncset.done $0x0  }
0xb3: {  	[sflag:s23] =	ssyncadd.s32 $0xFFFFF800  }
0xb4: {  	[spmem:s12] =	stream.linear.scatter [tilespmem:s22], [sflag:$0x3], $0x800, $0x38;
	[tilespmem:$0x1D800] =	vst v63  }
0xb5: {  	_ =	swait.ge [sflag:s23], $0x800  }
0xb6: {  	[sflag:s23] =	ssyncset.done $0x0  }
0xb7: {  	[sflag:s23] =	ssyncadd.s32 $0xFFFFF800  }
0xb8: {  	[spmem:s13] =	stream.linear.scatter [tilespmem:s22], [sflag:$0x3], $0x800, $0x38;
	[tilespmem:$0x1D800] =	vst v63  }
0xb9: {  	_ =	swait.ge [sflag:s23], $0x800  }
0xba: {  	[sflag:s23] =	ssyncset.done $0x0  }
0xbb: {  	[sflag:s23] =	ssyncadd.s32 $0xFFFFF800  }
0xbc: {  	[spmem:s14] =	stream.linear.scatter [tilespmem:s22], [sflag:$0x3], $0x800, $0x38;
	[tilespmem:$0x1D800] =	vst v63  }
0xbd: {  	_ =	swait.ge [sflag:s23], $0x800  }
0xbe: {  	[sflag:s23] =	ssyncset.done $0x0  }
0xbf: {  	[sflag:s23] =	ssyncadd.s32 $0xFFFFF800  }
0xc0: {  	[spmem:s15] =	stream.linear.scatter [tilespmem:s22], [sflag:$0x3], $0x800, $0x38;
	[tilespmem:$0x1D800] =	vst v63  }
0xc1: {  	_ =	swait.ge [sflag:s23], $0x800  }
0xc2: {  	[sflag:s23] =	ssyncset.done $0x0  }
0xc3: {  	[sflag:s23] =	ssyncadd.s32 $0xFFFFF800  }
0xc4: {  	[spmem:s16] =	stream.linear.scatter [tilespmem:s22], [sflag:$0x3], $0x800, $0x38;
	[tilespmem:$0x1D800] =	vst v63  }
0xc5: {  	_ =	swait.ge [sflag:s23], $0x800  }
0xc6: {  	[sflag:s23] =	ssyncset.done $0x0  }
0xc7: {  	[sflag:s23] =	ssyncadd.s32 $0xFFFFF800  }
0xc8: {  	[spmem:s17] =	stream.linear.scatter [tilespmem:s22], [sflag:$0x3], $0x800, $0x38;
	[tilespmem:$0x1D800] =	vst v63  }
0xc9: {  	_ =	swait.ge [sflag:s23], $0x800  }
0xca: {  	[sflag:s23] =	ssyncset.done $0x0  }
0xcb: {  	[sflag:s23] =	ssyncadd.s32 $0xFFFFF800  }
0xcc: {  	[spmem:s18] =	stream.linear.scatter [tilespmem:s22], [sflag:$0x3], $0x800, $0x38;
	[tilespmem:$0x1D800] =	vst v63  }
0xcd: {  	_ =	swait.ge [sflag:s23], $0x800  }
0xce: {  	[sflag:s23] =	ssyncset.done $0x0  }
0xcf: {  	[sflag:s23] =	ssyncadd.s32 $0xFFFFF800  }
0xd0: {  	[spmem:s19] =	stream.linear.scatter [tilespmem:s22], [sflag:$0x3], $0x800, $0x38;
	[tilespmem:$0x1D800] =	vst v63  }
0xd1: {  	_ =	swait.ge [sflag:s23], $0x800  }
0xd2: {  	[sflag:s23] =	ssyncset.done $0x0  }
0xd3: {  	[sflag:s23] =	ssyncadd.s32 $0xFFFFF800  }
0xd4: {  	[spmem:s20] =	stream.linear.scatter [tilespmem:s22], [sflag:$0x3], $0x800, $0x38;
	[tilespmem:$0x1D800] =	vst v63  }
0xd5: {  	_ =	swait.ge [sflag:s23], $0x800  }
0xd6: {  	[sflag:s23] =	ssyncset.done $0x0  }
0xd7: {  	[sflag:s23] =	ssyncadd.s32 $0xFFFFF800  }
0xd8: {  	[spmem:s21] =	stream.linear.scatter [tilespmem:s22], [sflag:$0x3], $0x800, $0x38;
	[tilespmem:$0x1D800] =	vst v63  }
0xd9: {  	_ =	swait.ge [sflag:s23], $0x800  }
0xda: {  	[sflag:s23] =	ssyncset.done $0x0  }
0xdb: {  	[sflag:s23] =	ssyncadd.s32 $0xFFFFF800  }
0xdc: {  	_ =	swait.ge [sflag:s24], $0x2800  }
0xdd: {  	[sflag:s24] =	ssyncset.done $0x0  }
0xde: {  	[sflag:s24] =	ssyncadd.s32 $0xFFFFD800  }
0xdf: {  	_ =	swait.ge [sflag:s24], $0x2800  }
0xe0: {  	[sflag:s24] =	ssyncset.done $0x0  }
0xe1: {  	[sflag:s24] =	ssyncadd.s32 $0xFFFFD800  }
0xe2: {  	s2 =	simm.s32 $0x0;
	[bflag:$0x0] =	sbarrier.arrive $0xFFFF  }
0xe3: {  	[tilespmem:s26], [sflag:$0x1] =	stream.indirect.gather [hbm4b:s1+s25], $0x80, s2, s25, $0xb8;
	[tilespmem:$0x1D800] =	vst v63  }
0xe4: {  	_ =	swait.ge [sflag:s28], $0x3E80  }
0xe5: {  	[sflag:s28] =	ssyncset.done $0x0  }
0xe6: {  	s6 =	simm.s32 $0x2800;
	[sflag:s28] =	ssyncadd.s32 $0xFFFFC180  }
0xe7: {  	[spmem:s3] =	stream.indirect.scatter.add.f32 [tilespmem:s26], [sflag:$0x3], $0x80, s6, s25, $0xb8;
	[tilespmem:$0x1D800] =	vst v63  }
0xe8: {  	_ =	swait.ge [sflag:s23], $0x3E80  }
0xe9: {  	s30 =	simm.s32 $0x200;
	s31 =	simm.s32 $0x400;
	[sflag:s23] =	ssyncset.done $0x0  }
.LBB2_4:
0xea: {  	s0 =	sshra.s32 s30, $0x2  }
0xeb: {  	[sflag:s23] =	ssyncadd.s32 $0xFFFFC180;
	s30 =	smov.u32 s31;
	s2 =	sadd.s32 $0x200, s31  }
0xec: {  	[tilespmem:s26], [sflag:$0x1] =	stream.indirect.gather [hbm4b:s1+s25], $0x80, s0, s25, $0xb8;
	[tilespmem:$0x1D800] =	vst v63  }
0xed: {  	p0 =	sne.s32 s31, $0x9E00;
	_ =	swait.ge [sflag:s28], $0x3E80  }
.Ltmp1:
0xee: {  	[sflag:s28] =	ssyncset.done $0x0;
	(pc) =	sbr.rel @p0 .LBB2_4-.Ltmp1, $4  }
0xef: {  	s0 =	sadd.s32 $0x2800, s0;
	[sflag:s28] =	ssyncadd.s32 $0xFFFFC180  }
0xf0: {  	[spmem:s3] =	stream.indirect.scatter.add.f32 [tilespmem:s26], [sflag:$0x3], $0x80, s0, s25, $0xb8;
	[tilespmem:$0x1D800] =	vst v63  }
0xf1: {  	_ =	swait.ge [sflag:s23], $0x3E80  }
0xf2: {  	s31 =	smov.u32 s2;
	[sflag:s23] =	ssyncset.done $0x0  }
0xf3: {  	s0 =	sshra.s32 s30, $0x2;
	[sflag:s23] =	ssyncadd.s32 $0xFFFFC180  }
0xf4: {  	[tilespmem:s26], [sflag:$0x1] =	stream.indirect.gather [hbm4b:s1+s25], $0x80, s0, s25, $0xb8;
	[tilespmem:$0x1D800] =	vst v63  }
0xf5: {  	_ =	swait.ge [sflag:s28], $0x3E80  }
0xf6: {  	[sflag:s28] =	ssyncset.done $0x0  }
0xf7: {  	s0 =	sadd.s32 $0x2800, s0;
	[sflag:s28] =	ssyncadd.s32 $0xFFFFC180  }
0xf8: {  	[spmem:s3] =	stream.indirect.scatter.add.f32 [tilespmem:s26], [sflag:$0x3], $0x80, s0, s25, $0xb8;
	[tilespmem:$0x1D800] =	vst v63  }
0xf9: {  	_ =	swait.ge [sflag:s23], $0x3E80  }
0xfa: {  	[sflag:s23] =	ssyncset.done $0x0  }
0xfb: {  	s30 =	stileid.u32;
	[sflag:s23] =	ssyncadd.s32 $0xFFFFC180  }
0xfc: {  	s0 =	sshll.u32 s30, $0x6;
	[bflag:$0x0] =	sbarrier.arrive $0xFFFF  }
0xfd: {  	s2 =	sshrl.u32 s5, $0x3;
	s0 =	sor.u32 $0x1C03, s0;
	s6 =	rddreg [dreg:$0x16]  }
0xfe: {  	[hbm:s6], [sflag:s0] =	dma.local [spmem:s2], $0x2800  }
0xff: {  	_ =	swait.ge [sflag:s23], $0x2800  }
0x100: {  	s29 =	sadd.s32 $0x1, s29;
	s31 =	rddreg [dreg:$0x17]  }
0x101: {  	p0 =	sne.s32 s29, s31  }
.Ltmp2:
0x102: {  	_ = 	snop;
	(pc) =	sbr.rel @p0 .LBB2_1-.Ltmp2, $3  }
0x103: {  	_ =	sdelay $0x1  }
0x104: {  	[sflag:s23] =	ssyncset.done $0x0  }
0x105: {  	[sflag:s23] =	ssyncadd.s32 $0xFFFFD800  }
0x106: {  	_ =	sfence.sel $0x180000  }
0x107: {  	[bflag:$0x0] =	sbarrier.arrive $0xFFFF  }
0x108: {  	_ =	strace $0x9000004A  }
0x109: {  	s0 =	stileid.u32;
	[bflag:$0x2] =	sbarrier.arrive $0xFFFF  }
0x10a: {  	p0 =	sne.s32 s0, $0x0;
	s0 =	rddreg [dreg:$0x3]  }
0x10b: {  	s0 =	sadd.s32 @!p0 $0x100000, s0  }
0x10c: {  	[sflag:s0] =	ssyncadd.tile.s32 @!p0 $0x1;
	_ =	shalt  }
.Lfunc_end2:
_tile_overlayer_lowered:
.L_overlay_start_2:
0x10d: {  	(tag) =	ssettag $0x2  }
0x10e: {  	s0 =	rddreg [dreg:$0x0];
	s2 =	stileid.u32  }
0x10f: {  	s1 =	rddreg [dreg:$0x1];
	p0 =	sne.s32 s2, $0x0  }
0x110: {  	s3 =	rddreg [dreg:$0x2];
	[bflag:$0x3] =	sbarrier.arrive $0xFFFF;
	s2 =	simm.s32 @!p0 $0x1C03  }
0x111: {  	[timem:s3], [sflag:s2] =	dma.local @!p0 [hbm:s0], s1  }
0x112: {  	s0 =	simm.s32 @!p0 $0x3  }
0x113: {  	_ =	swait.ge @!p0 [sflag:s0], s1  }
0x114: {  	s1 =	ssub.s32 @!p0 $0x0, s1;
	[sflag:s0] =	ssyncset.done @!p0 $0x0  }
0x115: {  	[sflag:s0] =	ssyncadd.s32 @!p0 s1  }
0x116: {  	[bflag:$0x3] =	sbarrier.arrive $0xFFFF  }
0x117: {  	_ =	shalt  }

// kernel: kernel.14.cloned.1.call-start
scs
__scs_entry_jumppad:
0x0: {  	(pc) =	sbr.rel $0x88, $3  }
0x1: {  	(tag) =	ssettag $0x0;
	lr =	simm.s32 $0x1  }
0x2: {  	[smem:$0x3F9B] =	sst lr;
	_ =	strace $0xD0000000  }
0x3: {  	_ = 	snop  }
0x4: {  	_ = 	snop  }
0x5: {  	_ = 	snop  }
0x6: {  	_ = 	snop  }
0x7: {  	_ = 	snop  }
__scs_overlays_trampoline_lowered:
0x8: {  	[smem:$0x3FAA] =	sst s0  }
0x9: {  	[smem:$0x3FAB] =	sst s1  }
0xa: {  	[smem:$0x3FAC] =	sst s2  }
0xb: {  	[smem:$0x3FAD] =	sst s3  }
0xc: {  	[smem:$0x3FAE] =	sst s4  }
0xd: {  	[smem:$0x3FAF] =	sst s5  }
0xe: {  	[smem:$0x3FB0] =	sst s6  }
0xf: {  	[smem:$0x3FB1] =	sst s7  }
0x10: {  	[smem:$0x3FB2] =	sst s8  }
0x11: {  	[smem:$0x3FB3] =	sst s9;
	s0 =	simm.s32 @!p0 $0x0  }
0x12: {  	s1 =	sld [smem:$0x3F99];
	s0 =	simm.s32 @p0 $0x1  }
0x13: {  	[smem:$0x3FB4] =	sst s0;
	s0 =	simm.s32 @!p1 $0x0  }
0x14: {  	s2 =	sld [smem:$0x3F98];
	s0 =	simm.s32 @p1 $0x1  }
0x15: {  	[smem:$0x3FB5] =	sst s0;
	s0 =	simm.s32 @!p2 $0x0  }
0x16: {  	s3 =	sld [smem:$0x3FDB];
	s0 =	simm.s32 @p2 $0x1  }
0x17: {  	s4 =	simm.s32 $0x1BF5;
	[smem:$0x3FB7] =	sst s0  }
0x18: {  	s0 =	sld [smem:$0x3F9A];
	_ =	swait.ge [sflag:s4], $0x0  }
0x19: {  	s7 =	sld [smem:$0x3F9B]  }
0x1a: {  	s8 =	sadd.s32 $0xFFFFE003, lr  }
0x1b: {  	s9 =	sadd.s32 $0xFFFFFEF7, lr;
	s5 =	simm.s32 $0xFFFFFFFF;
	p2 =	slt.u32 s8, $0xFFFFF086  }
0x1c: {  	p1 =	slt.u32 s9, $0xF7A;
	s5 =	simm.s32 @!p2 $0x0  }
0x1d: {  	s5 =	simm.s32 @p1 $0x1;
	p0 =	seq.s32 s7, s2  }
0x1e: {  	s7 =	smul.u32 @!p0 $0xF7A, s2;
	p2 =	seq.s32 @!p0 s5, $0x0  }
0x1f: {  	s9 =	smul.u32 $0xF7A, s1;
	s8 =	simm.s32 @!p0 $0x1BF5;
	p2 =	por !p2, p0  }
0x20: {  	[sflag:s8] =	ssyncset.s32 @!p0 $0xFFFFF086;
	s6 =	sadd.s32 @!p0 s3, s7;
	s7 =	simm.s32 @!p0 $0x108  }
0x21: {  	s3 =	sadd.s32 s3, s9;
	s6 =	sadd.s32 @!p0 $0x88, s6;
	s7 =	simm.s32 @p2 $0x1082  }
0x22: {  	[simem:s7], [sflag:s8] =	dma.local @!p0 [hbm:s6], $0xF7A  }
0x23: {  	s9 =	sor.u32 $0xD0000000, s2;
	s6 =	simm.s32 $0x108;
	_ =	swait.ge @!p0 [sflag:s8], $0x0  }
0x24: {  	s3 =	sadd.s32 $0x88, s3;
	s6 =	simm.s32 @!p1 $0x1082;
	[sflag:s4] =	ssyncset.s32 $0xFFFFF086  }
0x25: {  	[simem:s6], [sflag:s4] =	dma.local [hbm:s3], $0xF7A  }
0x26: {  	[smem:$0x3F9B] =	sst s1;
	(tag) =	ssettag s2;
	_ =	strace s9  }
0x27: {  	s1 =	sld [smem:$0x3FAB]  }
0x28: {  	s2 =	sld [smem:$0x3FAC]  }
0x29: {  	s4 =	sld [smem:$0x3FAE]  }
0x2a: {  	p0 =	seq.s32 s5, $0x0;
	s5 =	sld [smem:$0x3FAF]  }
0x2b: {  	s6 =	sld [smem:$0x3FB0]  }
0x2c: {  	s7 =	sld [smem:$0x3FB1]  }
0x2d: {  	s3 =	simm.s32 $0x108;
	s8 =	sld [smem:$0x3FB2]  }
0x2e: {  	s3 =	simm.s32 @!p0 $0x1082;
	s9 =	sld [smem:$0x3FB3]  }
0x2f: {  	lr =	sadd.s32 s0, s3;
	s0 =	sld [smem:$0x3FAA]  }
0x30: {  	s3 =	sld [smem:$0x3FAD]  }
0x31: {  	[smem:$0x3FB6] =	sst s10  }
0x32: {  	s10 =	sld [smem:$0x3FB4];
	_ =	sdelay $0x3  }
0x33: {  	p0 =	seq.s32 s10, $0x1;
	s10 =	sld [smem:$0x3FB6];
	_ =	sdelay $0x3  }
0x34: {  	[smem:$0x3FB6] =	sst s10  }
0x35: {  	s10 =	sld [smem:$0x3FB5];
	_ =	sdelay $0x3  }
0x36: {  	p1 =	seq.s32 s10, $0x1;
	s10 =	sld [smem:$0x3FB6];
	_ =	sdelay $0x3  }
0x37: {  	[smem:$0x3FB6] =	sst s10  }
0x38: {  	s10 =	sld [smem:$0x3FB7]  }
0x39: {  	_ = 	snop;
	(pc) =	sbr.ind lr, $3  }
0x3a: {  	_ = 	snop  }
0x3b: {  	_ = 	snop  }
0x3c: {  	p2 =	seq.s32 s10, $0x1;
	s10 =	sld [smem:$0x3FB6]  }
0x3d: {  	_ =	shalt  }
0x3e: {  	_ =	shalt  }
0x3f: {  	_ =	shalt  }
0x40: {  	_ =	shalt  }
0x41: {  	_ =	shalt  }
0x42: {  	_ =	shalt  }
0x43: {  	_ =	shalt  }
0x44: {  	_ =	shalt  }
0x45: {  	_ =	shalt  }
0x46: {  	_ =	shalt  }
0x47: {  	_ =	shalt  }
0x48: {  	_ =	shalt  }
0x49: {  	_ =	shalt  }
0x4a: {  	_ =	shalt  }
0x4b: {  	_ =	shalt  }
0x4c: {  	_ =	shalt  }
0x4d: {  	_ =	shalt  }
0x4e: {  	_ =	shalt  }
0x4f: {  	_ =	shalt  }
0x50: {  	_ =	shalt  }
0x51: {  	_ =	shalt  }
0x52: {  	_ =	shalt  }
0x53: {  	_ =	shalt  }
0x54: {  	_ =	shalt  }
0x55: {  	_ =	shalt  }
0x56: {  	_ =	shalt  }
0x57: {  	_ =	shalt  }
0x58: {  	_ =	shalt  }
0x59: {  	_ =	shalt  }
0x5a: {  	_ =	shalt  }
0x5b: {  	_ =	shalt  }
0x5c: {  	_ =	shalt  }
0x5d: {  	_ =	shalt  }
0x5e: {  	_ =	shalt  }
0x5f: {  	_ =	shalt  }
0x60: {  	_ =	shalt  }
0x61: {  	_ =	shalt  }
0x62: {  	_ =	shalt  }
0x63: {  	_ =	shalt  }
0x64: {  	_ =	shalt  }
0x65: {  	_ =	shalt  }
0x66: {  	_ =	shalt  }
0x67: {  	_ =	shalt  }
0x68: {  	_ =	shalt  }
0x69: {  	_ =	shalt  }
0x6a: {  	_ =	shalt  }
0x6b: {  	_ =	shalt  }
0x6c: {  	_ =	shalt  }
0x6d: {  	_ =	shalt  }
0x6e: {  	_ =	shalt  }
0x6f: {  	_ =	shalt  }
0x70: {  	_ =	shalt  }
0x71: {  	_ =	shalt  }
0x72: {  	_ =	shalt  }
0x73: {  	_ =	shalt  }
0x74: {  	_ =	shalt  }
0x75: {  	_ =	shalt  }
0x76: {  	_ =	shalt  }
0x77: {  	_ =	shalt  }
0x78: {  	_ =	shalt  }
0x79: {  	_ =	shalt  }
0x7a: {  	_ =	shalt  }
0x7b: {  	_ =	shalt  }
0x7c: {  	_ =	shalt  }
0x7d: {  	_ =	shalt  }
0x7e: {  	_ =	shalt  }
0x7f: {  	_ =	shalt  }
0x80: {  	_ =	shalt  }
0x81: {  	_ =	shalt  }
0x82: {  	_ =	shalt  }
0x83: {  	_ =	shalt  }
0x84: {  	_ =	shalt  }
0x85: {  	_ =	shalt  }
0x86: {  	_ =	shalt  }
0x87: {  	_ =	shalt  }
.Lfunc_end0:
.L_simem_size_0:
called_computation.2_lowered:
.L_overlay_start_0:
0x88: {  	s2 =	sld [smem:$0x3FD9]  }
0x89: {  	s3 =	sld [smem:$0x3FFE];
	_ =	sdelay $0x1  }
0x8a: {  	s1 =	srdreg.scid  }
0x8b: {  	s0 =	sand.u32 $0x1, s1  }
0x8c: {  	s17 =	sshll.u32 s0, $0xA;
	s2 =	sadd.s32 s3, s2  }
0x8d: {  	s2 =	sadd.s32 s2, s17  }
0x8e: {  	[smem:$0x3FC2] =	sst s2  }
0x8f: {  	_ = 	snop  }
0x90: {  	s2 =	sld [smem:$0x3FD0];
	(tm) =	ssettm $0x1  }
0x91: {  	s18 =	sld [smem:$0x3FFB];
	_ =	sdelay $0x3  }
0x92: {  	_ =	strace s18  }
0x93: {  	s3 =	sld [smem:$0x3FFC];
	_ =	sdelay $0x3  }
0x94: {  	_ =	strace s3  }
0x95: {  	s3 =	sld [smem:$0x3FFD];
	_ =	sdelay $0x3  }
0x96: {  	_ =	strace s3  }
0x97: {  	_ =	strace $0x8FFFFFFF  }
0x98: {  	s19 =	sld [smem:$0x3FDB];
	_ =	sdelay $0x1  }
0x99: {  	s4 =	simm.s32 $_scs_section_size  }
0x9a: {  	s5 =	simm.s32 $_size__tile_overlayer_lowered;
	s6 =	simm.s32 $_tile_overlayer_lowered  }
0x9b: {  	s22 =	simm.s32 $0x1BFF;
	s21 =	sshll.u32 s6, $0x1;
	s3 =	sadd.s32 s4, s19  }
0x9c: {  	s7 =	simm.s32 $0x0;
	s20 =	sshll.u32 s5, $0x1;
	s5 =	sadd.s32 s21, s3  }
0x9d: {  	[timem:s7], [sflag:s22] =	dma.local [hbm:s5], s20  }
0x9e: {  	_ =	swait.ge [sflag:s22], s20  }
0x9f: {  	s4 =	ssub.s32 $0x0, s20;
	[sflag:s22] =	ssyncset.done $0x0  }
0xa0: {  	[sflag:s22] =	ssyncadd.s32 s4;
	_ =	sdelay $0x1  }
0xa1: {  	s23 =	simm.s32 $0x1B8B  }
0xa2: {  	_ =	swait.ge [sflag:s23], $0x1  }
0xa3: {  	[sflag:s23] =	ssyncset.done $0x0  }
0xa4: {  	s25 =	simm.s32 $0x1B8E;
	s24 =	sld [smem:$0x3FFE];
	[sflag:s23] =	ssyncadd.s32 $0xFFFFFFFF  }
0xa5: {  	s26 =	simm.s32 $execute0_lowered;
	[smem:$0x3FD2] =	sst s25  }
0xa6: {  	s5 =	sshll.u32 s26, $0x1;
	_ =	strace $0x8000004C;
	[dreg:$0x1] =	wrdreg $0xFFFFFFFF  }
0xa7: {  	s28 =	simm.s32 $_size_execute0_lowered;
	s3 =	sadd.s32 s3, s5;
	[dreg:$0x0] =	wrdreg $0x0  }
0xa8: {  	s5 =	sshll.u32 s28, $0x1;
	[dreg:$0x2] =	wrdreg s3  }
0xa9: {  	[dreg:$0x3] =	wrdreg s5  }
0xaa: {  	[dreg:$0x4] =	wrdreg $0xC0  }
0xab: {  	_ =	task [dreg:s7], $0x5FFFF  }
0xac: {  	[dreg:$0x1] =	wrdreg $0xFFFFFFFF  }
0xad: {  	[dreg:$0x0] =	wrdreg $0x60  }
0xae: {  	[dreg:$0x2] =	wrdreg s2  }
0xaf: {  	[dreg:$0x3] =	wrdreg s24  }
0xb0: {  	[dreg:$0x4] =	wrdreg $0x98000  }
0xb1: {  	[dreg:$0x5] =	wrdreg $0x9  }
0xb2: {  	_ =	task.clear_ibuf [dreg:s7], $0x6FFFF;
	_ =	strace $0x9000004C  }
0xb3: {  	s29 =	simm.s32 $0x9;
	_ =	strace $0x8000004E  }
0xb4: {  	_ =	swait.ge [sflag:s29], $0x1  }
0xb5: {  	[sflag:s29] =	ssyncadd.s32 $0xFFFFFFFF  }
0xb6: {  	_ =	strace $0x9000004E  }
0xb7: {  	_ =	sfence  }
0xb8: {  	s30 =	sld [smem:$0x0];
	_ =	sdelay $0x2  }
0xb9: {  	s31 =	sshll.u32 s1, $0xD;
	s1 =	sshrl.u32 s1, $0x2  }
0xba: {  	s3 =	sand.u32 $0x4000, s31;
	s1 =	sadd.s32 s1, s30  }
0xbb: {  	s0 =	sor.u32 s3, s0;
	s1 =	sshll.u32 s1, $0x11  }
0xbc: {  	s0 =	sor.u32 s1, s0  }
0xbd: {  	s0 =	sadd.s32 $0x8F2B, s0  }
0xbe: {  	[sflag:s0] =	ssyncadd.remote.s32 $0x1  }
0xbf: {  	_ =	sfence.sel $0xFFFF  }
0xc0: {  	[dreg:$0x0] =	wrdreg $0xFFFFFFFF;
	(pc) =	sbr.abs _section_cstart, $3  }
0xc1: {  	[dreg:$0x1] =	wrdreg $0xFFFFFFFF  }
0xc2: {  	_ =	task.clear_ibuf [dreg:s7], $0x2FFFF;
	_ =	strace $0x9FFFFFFF  }
0xc3: {  	(tm) =	ssettm $0x7FFFFFFF  }
tec
execute0_lowered:
.L_overlay_start_1:
0x0: {  	(tag) =	ssettag $0x1  }
0x1: {  	s1 =	rddreg [dreg:$0x0]  }
0x2: {  	s0 =	srdreg.scid;
	s5 =	rddreg [dreg:$0x1]  }
0x3: {  	s8 =	stileid.u32;
	s3 =	rddreg [dreg:$0x2]  }
0x4: {  	s4 =	simm.s32 $0x0;
	s0 =	sand.u32 $0x1, s0;
	s7 =	smul.u32 $0x14000, s8  }
0x5: {  	[smem:$0x7FF] =	sst s4;
	s2 =	sshll.u32 s0, $0x4;
	s6 =	smul.u32 $0x140000, s0  }
0x6: {  	s0 =	ssub.s32 $0x2, s0;
	s2 =	sor.u32 s8, s2;
	s8 =	smul.u32 $0x50000, s8  }
0x7: {  	s24 =	sshrl.u32 s0, $0x1;
	s2 =	smul.u32 $0x500, s2;
	s6 =	sadd.s32 s7, s6  }
0x8: {  	_ =	strace $0x8000004D;
	s0 =	ssub.s32 s0, s24;
	s6 =	sshrl.u32 s6, $0x3  }
0x9: {  	s8 =	sshrl.u32 s8, $0x2;
	s0 =	smax.u32 s0, $0x1;
	s2 =	sadd.s32 s2, s5  }
0xa: {  	s6 =	sadd.s32 s6, s5;
	[dreg:$0x17] =	wrdreg s0;
	s25 =	sadd.s32 $0x5C200, s2  }
0xb: {  	s5 =	sadd.s32 s8, s3;
	s2 =	sadd.s32 $0x52200, s2;
	[dreg:$0x4] =	wrdreg s25  }
0xc: {  	s26 =	sadd.s32 $0x800, s5;
	[dreg:$0x5] =	wrdreg s2  }
0xd: {  	s30 =	sadd.s32 $0x1000, s5;
	[dreg:$0x6] =	wrdreg s26  }
0xe: {  	s31 =	sadd.s32 $0x1800, s5;
	[dreg:$0x7] =	wrdreg s30  }
0xf: {  	s7 =	sadd.s32 $0x2000, s5;
	[dreg:$0x8] =	wrdreg s31  }
0x10: {  	s8 =	sadd.s32 $0x2800, s5;
	[dreg:$0x9] =	wrdreg s7  }
0x11: {  	s9 =	sadd.s32 $0x3000, s5;
	[dreg:$0xa] =	wrdreg s8  }
0x12: {  	s10 =	sadd.s32 $0x3800, s5;
	[dreg:$0xb] =	wrdreg s9  }
0x13: {  	s11 =	sadd.s32 $0x4000, s5;
	[dreg:$0xc] =	wrdreg s10  }
0x14: {  	s12 =	sadd.s32 $0x4800, s5;
	[dreg:$0xd] =	wrdreg s11  }
0x15: {  	s13 =	sadd.s32 $0x5000, s5;
	[dreg:$0xe] =	wrdreg s12  }
0x16: {  	s14 =	sadd.s32 $0x5800, s5;
	[dreg:$0xf] =	wrdreg s13  }
0x17: {  	s15 =	sadd.s32 $0x6000, s5;
	[dreg:$0x10] =	wrdreg s14  }
0x18: {  	s16 =	sadd.s32 $0x6800, s5;
	[dreg:$0x11] =	wrdreg s15  }
0x19: {  	s17 =	sadd.s32 $0x7000, s5;
	[dreg:$0x12] =	wrdreg s16  }
0x1a: {  	s18 =	sadd.s32 $0x7800, s5;
	[dreg:$0x13] =	wrdreg s17  }
0x1b: {  	s19 =	sadd.s32 $0x8000, s5;
	[dreg:$0x14] =	wrdreg s18  }
0x1c: {  	s20 =	sadd.s32 $0x66200, s6;
	[dreg:$0x15] =	wrdreg s19  }
0x1d: {  	s21 =	sadd.s32 $0x8800, s5;
	[dreg:$0x16] =	wrdreg s20  }
0x1e: {  	s22 =	sadd.s32 $0x9000, s5;
	[dreg:$0x18] =	wrdreg s21  }
0x1f: {  	s23 =	sadd.s32 $0x9800, s5;
	[dreg:$0x19] =	wrdreg s22  }
0x20: {  	s28 =	simm.s32 $0x1;
	s24 =	sadd.s32 $0xA000, s5;
	[dreg:$0x1a] =	wrdreg s23  }
0x21: {  	s29 =	simm.s32 $0x0;
	[dreg:$0x1b] =	wrdreg s24;
	s25 =	sadd.s32 $0xA800, s5  }
0x22: {  	s26 =	sadd.s32 $0xB000, s5;
	s30 =	sadd.s32 $0xB800, s5;
	s31 =	sadd.s32 $0xC000, s5  }
0x23: {  	s7 =	sadd.s32 $0xC800, s5;
	s8 =	sadd.s32 $0xD000, s5;
	s9 =	sadd.s32 $0xD800, s5  }
0x24: {  	s10 =	sadd.s32 $0xE000, s5;
	s11 =	sadd.s32 $0xE800, s5;
	s12 =	sadd.s32 $0xF000, s5  }
0x25: {  	s13 =	sadd.s32 $0xF800, s5;
	s14 =	sadd.s32 $0x10000, s5;
	s15 =	sadd.s32 $0x10800, s5  }
0x26: {  	s16 =	sadd.s32 $0x11000, s5;
	s17 =	sadd.s32 $0x11800, s5;
	s18 =	sadd.s32 $0x12000, s5  }
0x27: {  	s19 =	sadd.s32 $0x12800, s5;
	s20 =	sadd.s32 $0x13000, s5;
	[dreg:$0x1c] =	wrdreg s25  }
0x28: {  	s21 =	sadd.s32 $0x13800, s5;
	s22 =	simm.s32 $0x9000;
	[dreg:$0x1d] =	wrdreg s26  }
0x29: {  	s23 =	simm.s32 $0x3;
	s24 =	simm.s32 $0x2;
	[dreg:$0x1e] =	wrdreg s30  }
0x2a: {  	v0 =	vimm.f32 $0.0e+00;
	[dreg:$0x1f] =	wrdreg s31;
	s25 =	simm.s32 $0x7D;
	s26 =	simm.s32 $0x5000  }
.LBB2_1:
0x2b: {  	s0 =	rddreg [dreg:$0x4]  }
0x2c: {  	[tilespmem:s4], [sflag:$0x2] =	stream.linear.gather [hbm4b:s0+s4], $0x2800, $0x38;
	[tilespmem:$0x1D800] =	vst v63  }
0x2d: {  	s6 =	rddreg [dreg:$0x5];
	s2 =	simm.s32 $0x2800  }
0x2e: {  	[tilespmem:s2], [sflag:$0x2] =	stream.linear.gather [hbm4b:s6+s4], $0x2800, $0x38;
	[tilespmem:$0x1D800] =	vst v63  }
0x2f: {  	s6 =	simm.s32 $0x0  }
0x30: {  	s30 =	sand.u32 $0xFFFFFF80, s6  }
0x31: {  	s30 =	ssub.s32 $0x0, s30  }
0x32: {  	s2 =	sand.u32 $0x3FFFFF80, s6;
	s30 =	sand.u32 $0xFFFFFF80, s30  }
0x33: {  	s31 =	sand.u32 $0x70, s4;
	s2 =	sadd.s32 s30, s2  }
0x34: {  	s30 =	simm.s32 $0x1;
	s2 =	sor.u32 s31, s2;
	s31 =	simm.s32 $0x0  }
.LBB2_2:
0x35: {  	s0 =	sshll.u32 s30, $0x4;
	p0 =	sne.s32 s30, $0x7F;
	s30 =	sadd.s32 $0x1, s30;
	[tilespmem:s2+$0x9000] =	vst v0  }
.Ltmp0:
0x36: {  	s31 =	sadd.s32 $0x10, s31;
	s2 =	sand.u32 $0xFFFFFF80, s0;
	(pc) =	sbr.rel @p0 .LBB2_2-.Ltmp0, $4  }
0x37: {  	s2 =	ssub.s32 s31, s2  }
0x38: {  	s0 =	sand.u32 $0x3FFFFF80, s0;
	s2 =	sand.u32 $0xFFFFFF80, s2  }
0x39: {  	s6 =	sand.u32 $0x70, s31;
	s0 =	sadd.s32 s2, s0  }
0x3a: {  	s2 =	sor.u32 s6, s0  }
0x3b: {  	[tilespmem:s2+$0x9000] =	vst v0  }
0x3c: {  	[spmem:s5] =	stream.linear.scatter [tilespmem:s22], [sflag:$0x3], $0x800, $0x38;
	[tilespmem:$0x1D800] =	vst v63  }
0x3d: {  	_ =	swait.ge [sflag:s23], $0x800  }
0x3e: {  	[sflag:s23] =	ssyncset.done $0x0  }
0x3f: {  	s0 =	rddreg [dreg:$0x6];
	[sflag:s23] =	ssyncadd.s32 $0xFFFFF800  }
0x40: {  	[spmem:s0] =	stream.linear.scatter [tilespmem:s22], [sflag:$0x3], $0x800, $0x38;
	[tilespmem:$0x1D800] =	vst v63  }
0x41: {  	_ =	swait.ge [sflag:s23], $0x800  }
0x42: {  	[sflag:s23] =	ssyncset.done $0x0  }
0x43: {  	s6 =	rddreg [dreg:$0x7];
	[sflag:s23] =	ssyncadd.s32 $0xFFFFF800  }
0x44: {  	[spmem:s6] =	stream.linear.scatter [tilespmem:s22], [sflag:$0x3], $0x800, $0x38;
	[tilespmem:$0x1D800] =	vst v63  }
0x45: {  	_ =	swait.ge [sflag:s23], $0x800  }
0x46: {  	[sflag:s23] =	ssyncset.done $0x0  }
0x47: {  	s2 =	rddreg [dreg:$0x8];
	[sflag:s23] =	ssyncadd.s32 $0xFFFFF800  }
0x48: {  	[spmem:s2] =	stream.linear.scatter [tilespmem:s22], [sflag:$0x3], $0x800, $0x38;
	[tilespmem:$0x1D800] =	vst v63  }
0x49: {  	_ =	swait.ge [sflag:s23], $0x800  }
0x4a: {  	[sflag:s23] =	ssyncset.done $0x0  }
0x4b: {  	s6 =	rddreg [dreg:$0x9];
	[sflag:s23] =	ssyncadd.s32 $0xFFFFF800  }
0x4c: {  	[spmem:s6] =	stream.linear.scatter [tilespmem:s22], [sflag:$0x3], $0x800, $0x38;
	[tilespmem:$0x1D800] =	vst v63  }
0x4d: {  	_ =	swait.ge [sflag:s23], $0x800  }
0x4e: {  	[sflag:s23] =	ssyncset.done $0x0  }
0x4f: {  	s2 =	rddreg [dreg:$0xa];
	[sflag:s23] =	ssyncadd.s32 $0xFFFFF800  }
0x50: {  	[spmem:s2] =	stream.linear.scatter [tilespmem:s22], [sflag:$0x3], $0x800, $0x38;
	[tilespmem:$0x1D800] =	vst v63  }
0x51: {  	_ =	swait.ge [sflag:s23], $0x800  }
0x52: {  	[sflag:s23] =	ssyncset.done $0x0  }
0x53: {  	s6 =	rddreg [dreg:$0xb];
	[sflag:s23] =	ssyncadd.s32 $0xFFFFF800  }
0x54: {  	[spmem:s6] =	stream.linear.scatter [tilespmem:s22], [sflag:$0x3], $0x800, $0x38;
	[tilespmem:$0x1D800] =	vst v63  }
0x55: {  	_ =	swait.ge [sflag:s23], $0x800  }
0x56: {  	[sflag:s23] =	ssyncset.done $0x0  }
0x57: {  	s2 =	rddreg [dreg:$0xc];
	[sflag:s23] =	ssyncadd.s32 $0xFFFFF800  }
0x58: {  	[spmem:s2] =	stream.linear.scatter [tilespmem:s22], [sflag:$0x3], $0x800, $0x38;
	[tilespmem:$0x1D800] =	vst v63  }
0x59: {  	_ =	swait.ge [sflag:s23], $0x800  }
0x5a: {  	[sflag:s23] =	ssyncset.done $0x0  }
0x5b: {  	s6 =	rddreg [dreg:$0xd];
	[sflag:s23] =	ssyncadd.s32 $0xFFFFF800  }
0x5c: {  	[spmem:s6] =	stream.linear.scatter [tilespmem:s22], [sflag:$0x3], $0x800, $0x38;
	[tilespmem:$0x1D800] =	vst v63  }
0x5d: {  	_ =	swait.ge [sflag:s23], $0x800  }
0x5e: {  	[sflag:s23] =	ssyncset.done $0x0  }
0x5f: {  	s2 =	rddreg [dreg:$0xe];
	[sflag:s23] =	ssyncadd.s32 $0xFFFFF800  }
0x60: {  	[spmem:s2] =	stream.linear.scatter [tilespmem:s22], [sflag:$0x3], $0x800, $0x38;
	[tilespmem:$0x1D800] =	vst v63  }
0x61: {  	_ =	swait.ge [sflag:s23], $0x800  }
0x62: {  	[sflag:s23] =	ssyncset.done $0x0  }
0x63: {  	s6 =	rddreg [dreg:$0xf];
	[sflag:s23] =	ssyncadd.s32 $0xFFFFF800  }
0x64: {  	[spmem:s6] =	stream.linear.scatter [tilespmem:s22], [sflag:$0x3], $0x800, $0x38;
	[tilespmem:$0x1D800] =	vst v63  }
0x65: {  	_ =	swait.ge [sflag:s23], $0x800  }
0x66: {  	[sflag:s23] =	ssyncset.done $0x0  }
0x67: {  	s2 =	rddreg [dreg:$0x10];
	[sflag:s23] =	ssyncadd.s32 $0xFFFFF800  }
0x68: {  	[spmem:s2] =	stream.linear.scatter [tilespmem:s22], [sflag:$0x3], $0x800, $0x38;
	[tilespmem:$0x1D800] =	vst v63  }
0x69: {  	_ =	swait.ge [sflag:s23], $0x800  }
0x6a: {  	[sflag:s23] =	ssyncset.done $0x0  }
0x6b: {  	s6 =	rddreg [dreg:$0x11];
	[sflag:s23] =	ssyncadd.s32 $0xFFFFF800  }
0x6c: {  	[spmem:s6] =	stream.linear.scatter [tilespmem:s22], [sflag:$0x3], $0x800, $0x38;
	[tilespmem:$0x1D800] =	vst v63  }
0x6d: {  	_ =	swait.ge [sflag:s23], $0x800  }
0x6e: {  	[sflag:s23] =	ssyncset.done $0x0  }
0x6f: {  	s2 =	rddreg [dreg:$0x12];
	[sflag:s23] =	ssyncadd.s32 $0xFFFFF800  }
0x70: {  	[spmem:s2] =	stream.linear.scatter [tilespmem:s22], [sflag:$0x3], $0x800, $0x38;
	[tilespmem:$0x1D800] =	vst v63  }
0x71: {  	_ =	swait.ge [sflag:s23], $0x800  }
0x72: {  	[sflag:s23] =	ssyncset.done $0x0  }
0x73: {  	s6 =	rddreg [dreg:$0x13];
	[sflag:s23] =	ssyncadd.s32 $0xFFFFF800  }
0x74: {  	[spmem:s6] =	stream.linear.scatter [tilespmem:s22], [sflag:$0x3], $0x800, $0x38;
	[tilespmem:$0x1D800] =	vst v63  }
0x75: {  	_ =	swait.ge [sflag:s23], $0x800  }
0x76: {  	[sflag:s23] =	ssyncset.done $0x0  }
0x77: {  	s2 =	rddreg [dreg:$0x14];
	[sflag:s23] =	ssyncadd.s32 $0xFFFFF800  }
0x78: {  	[spmem:s2] =	stream.linear.scatter [tilespmem:s22], [sflag:$0x3], $0x800, $0x38;
	[tilespmem:$0x1D800] =	vst v63  }
0x79: {  	_ =	swait.ge [sflag:s23], $0x800  }
0x7a: {  	[sflag:s23] =	ssyncset.done $0x0  }
0x7b: {  	s6 =	rddreg [dreg:$0x15];
	[sflag:s23] =	ssyncadd.s32 $0xFFFFF800  }
0x7c: {  	[spmem:s6] =	stream.linear.scatter [tilespmem:s22], [sflag:$0x3], $0x800, $0x38;
	[tilespmem:$0x1D800] =	vst v63  }
0x7d: {  	_ =	swait.ge [sflag:s23], $0x800  }
0x7e: {  	[sflag:s23] =	ssyncset.done $0x0  }
0x7f: {  	s2 =	rddreg [dreg:$0x18];
	[sflag:s23] =	ssyncadd.s32 $0xFFFFF800  }
0x80: {  	[spmem:s2] =	stream.linear.scatter [tilespmem:s22], [sflag:$0x3], $0x800, $0x38;
	[tilespmem:$0x1D800] =	vst v63  }
0x81: {  	_ =	swait.ge [sflag:s23], $0x800  }
0x82: {  	[sflag:s23] =	ssyncset.done $0x0  }
0x83: {  	s6 =	rddreg [dreg:$0x19];
	[sflag:s23] =	ssyncadd.s32 $0xFFFFF800  }
0x84: {  	[spmem:s6] =	stream.linear.scatter [tilespmem:s22], [sflag:$0x3], $0x800, $0x38;
	[tilespmem:$0x1D800] =	vst v63  }
0x85: {  	_ =	swait.ge [sflag:s23], $0x800  }
0x86: {  	[sflag:s23] =	ssyncset.done $0x0  }
0x87: {  	s2 =	rddreg [dreg:$0x1a];
	[sflag:s23] =	ssyncadd.s32 $0xFFFFF800  }
0x88: {  	[spmem:s2] =	stream.linear.scatter [tilespmem:s22], [sflag:$0x3], $0x800, $0x38;
	[tilespmem:$0x1D800] =	vst v63  }
0x89: {  	_ =	swait.ge [sflag:s23], $0x800  }
0x8a: {  	[sflag:s23] =	ssyncset.done $0x0  }
0x8b: {  	s6 =	rddreg [dreg:$0x1b];
	[sflag:s23] =	ssyncadd.s32 $0xFFFFF800  }
0x8c: {  	[spmem:s6] =	stream.linear.scatter [tilespmem:s22], [sflag:$0x3], $0x800, $0x38;
	[tilespmem:$0x1D800] =	vst v63  }
0x8d: {  	_ =	swait.ge [sflag:s23], $0x800  }
0x8e: {  	[sflag:s23] =	ssyncset.done $0x0  }
0x8f: {  	s2 =	rddreg [dreg:$0x1c];
	[sflag:s23] =	ssyncadd.s32 $0xFFFFF800  }
0x90: {  	[spmem:s2] =	stream.linear.scatter [tilespmem:s22], [sflag:$0x3], $0x800, $0x38;
	[tilespmem:$0x1D800] =	vst v63  }
0x91: {  	_ =	swait.ge [sflag:s23], $0x800  }
0x92: {  	[sflag:s23] =	ssyncset.done $0x0  }
0x93: {  	s6 =	rddreg [dreg:$0x1d];
	[sflag:s23] =	ssyncadd.s32 $0xFFFFF800  }
0x94: {  	[spmem:s6] =	stream.linear.scatter [tilespmem:s22], [sflag:$0x3], $0x800, $0x38;
	[tilespmem:$0x1D800] =	vst v63  }
0x95: {  	_ =	swait.ge [sflag:s23], $0x800  }
0x96: {  	[sflag:s23] =	ssyncset.done $0x0  }
0x97: {  	s2 =	rddreg [dreg:$0x1e];
	[sflag:s23] =	ssyncadd.s32 $0xFFFFF800  }
0x98: {  	[spmem:s2] =	stream.linear.scatter [tilespmem:s22], [sflag:$0x3], $0x800, $0x38;
	[tilespmem:$0x1D800] =	vst v63  }
0x99: {  	_ =	swait.ge [sflag:s23], $0x800  }
0x9a: {  	[sflag:s23] =	ssyncset.done $0x0  }
0x9b: {  	s6 =	rddreg [dreg:$0x1f];
	[sflag:s23] =	ssyncadd.s32 $0xFFFFF800  }
0x9c: {  	[spmem:s6] =	stream.linear.scatter [tilespmem:s22], [sflag:$0x3], $0x800, $0x38;
	[tilespmem:$0x1D800] =	vst v63  }
0x9d: {  	_ =	swait.ge [sflag:s23], $0x800  }
0x9e: {  	[sflag:s23] =	ssyncset.done $0x0  }
0x9f: {  	[sflag:s23] =	ssyncadd.s32 $0xFFFFF800  }
0xa0: {  	[spmem:s7] =	stream.linear.scatter [tilespmem:s22], [sflag:$0x3], $0x800, $0x38;
	[tilespmem:$0x1D800] =	vst v63  }
0xa1: {  	_ =	swait.ge [sflag:s23], $0x800  }
0xa2: {  	[sflag:s23] =	ssyncset.done $0x0  }
0xa3: {  	[sflag:s23] =	ssyncadd.s32 $0xFFFFF800  }
0xa4: {  	[spmem:s8] =	stream.linear.scatter [tilespmem:s22], [sflag:$0x3], $0x800, $0x38;
	[tilespmem:$0x1D800] =	vst v63  }
0xa5: {  	_ =	swait.ge [sflag:s23], $0x800  }
0xa6: {  	[sflag:s23] =	ssyncset.done $0x0  }
0xa7: {  	[sflag:s23] =	ssyncadd.s32 $0xFFFFF800  }
0xa8: {  	[spmem:s9] =	stream.linear.scatter [tilespmem:s22], [sflag:$0x3], $0x800, $0x38;
	[tilespmem:$0x1D800] =	vst v63  }
0xa9: {  	_ =	swait.ge [sflag:s23], $0x800  }
0xaa: {  	[sflag:s23] =	ssyncset.done $0x0  }
0xab: {  	[sflag:s23] =	ssyncadd.s32 $0xFFFFF800  }
0xac: {  	[spmem:s10] =	stream.linear.scatter [tilespmem:s22], [sflag:$0x3], $0x800, $0x38;
	[tilespmem:$0x1D800] =	vst v63  }
0xad: {  	_ =	swait.ge [sflag:s23], $0x800  }
0xae: {  	[sflag:s23] =	ssyncset.done $0x0  }
0xaf: {  	[sflag:s23] =	ssyncadd.s32 $0xFFFFF800  }
0xb0: {  	[spmem:s11] =	stream.linear.scatter [tilespmem:s22], [sflag:$0x3], $0x800, $0x38;
	[tilespmem:$0x1D800] =	vst v63  }
0xb1: {  	_ =	swait.ge [sflag:s23], $0x800  }
0xb2: {  	[sflag:s23] =	ssyncset.done $0x0  }
0xb3: {  	[sflag:s23] =	ssyncadd.s32 $0xFFFFF800  }
0xb4: {  	[spmem:s12] =	stream.linear.scatter [tilespmem:s22], [sflag:$0x3], $0x800, $0x38;
	[tilespmem:$0x1D800] =	vst v63  }
0xb5: {  	_ =	swait.ge [sflag:s23], $0x800  }
0xb6: {  	[sflag:s23] =	ssyncset.done $0x0  }
0xb7: {  	[sflag:s23] =	ssyncadd.s32 $0xFFFFF800  }
0xb8: {  	[spmem:s13] =	stream.linear.scatter [tilespmem:s22], [sflag:$0x3], $0x800, $0x38;
	[tilespmem:$0x1D800] =	vst v63  }
0xb9: {  	_ =	swait.ge [sflag:s23], $0x800  }
0xba: {  	[sflag:s23] =	ssyncset.done $0x0  }
0xbb: {  	[sflag:s23] =	ssyncadd.s32 $0xFFFFF800  }
0xbc: {  	[spmem:s14] =	stream.linear.scatter [tilespmem:s22], [sflag:$0x3], $0x800, $0x38;
	[tilespmem:$0x1D800] =	vst v63  }
0xbd: {  	_ =	swait.ge [sflag:s23], $0x800  }
0xbe: {  	[sflag:s23] =	ssyncset.done $0x0  }
0xbf: {  	[sflag:s23] =	ssyncadd.s32 $0xFFFFF800  }
0xc0: {  	[spmem:s15] =	stream.linear.scatter [tilespmem:s22], [sflag:$0x3], $0x800, $0x38;
	[tilespmem:$0x1D800] =	vst v63  }
0xc1: {  	_ =	swait.ge [sflag:s23], $0x800  }
0xc2: {  	[sflag:s23] =	ssyncset.done $0x0  }
0xc3: {  	[sflag:s23] =	ssyncadd.s32 $0xFFFFF800  }
0xc4: {  	[spmem:s16] =	stream.linear.scatter [tilespmem:s22], [sflag:$0x3], $0x800, $0x38;
	[tilespmem:$0x1D800] =	vst v63  }
0xc5: {  	_ =	swait.ge [sflag:s23], $0x800  }
0xc6: {  	[sflag:s23] =	ssyncset.done $0x0  }
0xc7: {  	[sflag:s23] =	ssyncadd.s32 $0xFFFFF800  }
0xc8: {  	[spmem:s17] =	stream.linear.scatter [tilespmem:s22], [sflag:$0x3], $0x800, $0x38;
	[tilespmem:$0x1D800] =	vst v63  }
0xc9: {  	_ =	swait.ge [sflag:s23], $0x800  }
0xca: {  	[sflag:s23] =	ssyncset.done $0x0  }
0xcb: {  	[sflag:s23] =	ssyncadd.s32 $0xFFFFF800  }
0xcc: {  	[spmem:s18] =	stream.linear.scatter [tilespmem:s22], [sflag:$0x3], $0x800, $0x38;
	[tilespmem:$0x1D800] =	vst v63  }
0xcd: {  	_ =	swait.ge [sflag:s23], $0x800  }
0xce: {  	[sflag:s23] =	ssyncset.done $0x0  }
0xcf: {  	[sflag:s23] =	ssyncadd.s32 $0xFFFFF800  }
0xd0: {  	[spmem:s19] =	stream.linear.scatter [tilespmem:s22], [sflag:$0x3], $0x800, $0x38;
	[tilespmem:$0x1D800] =	vst v63  }
0xd1: {  	_ =	swait.ge [sflag:s23], $0x800  }
0xd2: {  	[sflag:s23] =	ssyncset.done $0x0  }
0xd3: {  	[sflag:s23] =	ssyncadd.s32 $0xFFFFF800  }
0xd4: {  	[spmem:s20] =	stream.linear.scatter [tilespmem:s22], [sflag:$0x3], $0x800, $0x38;
	[tilespmem:$0x1D800] =	vst v63  }
0xd5: {  	_ =	swait.ge [sflag:s23], $0x800  }
0xd6: {  	[sflag:s23] =	ssyncset.done $0x0  }
0xd7: {  	[sflag:s23] =	ssyncadd.s32 $0xFFFFF800  }
0xd8: {  	[spmem:s21] =	stream.linear.scatter [tilespmem:s22], [sflag:$0x3], $0x800, $0x38;
	[tilespmem:$0x1D800] =	vst v63  }
0xd9: {  	_ =	swait.ge [sflag:s23], $0x800  }
0xda: {  	[sflag:s23] =	ssyncset.done $0x0  }
0xdb: {  	[sflag:s23] =	ssyncadd.s32 $0xFFFFF800  }
0xdc: {  	_ =	swait.ge [sflag:s24], $0x2800  }
0xdd: {  	[sflag:s24] =	ssyncset.done $0x0  }
0xde: {  	[sflag:s24] =	ssyncadd.s32 $0xFFFFD800  }
0xdf: {  	_ =	swait.ge [sflag:s24], $0x2800  }
0xe0: {  	[sflag:s24] =	ssyncset.done $0x0  }
0xe1: {  	[sflag:s24] =	ssyncadd.s32 $0xFFFFD800  }
0xe2: {  	s2 =	simm.s32 $0x0;
	[bflag:$0x0] =	sbarrier.arrive $0xFFFF  }
0xe3: {  	[tilespmem:s26], [sflag:$0x1] =	stream.indirect.gather [hbm4b:s1+s25], $0x80, s2, s25, $0xb8;
	[tilespmem:$0x1D800] =	vst v63  }
0xe4: {  	_ =	swait.ge [sflag:s28], $0x3E80  }
0xe5: {  	[sflag:s28] =	ssyncset.done $0x0  }
0xe6: {  	s6 =	simm.s32 $0x2800;
	[sflag:s28] =	ssyncadd.s32 $0xFFFFC180  }
0xe7: {  	[spmem:s3] =	stream.indirect.scatter.add.f32 [tilespmem:s26], [sflag:$0x3], $0x80, s6, s25, $0xb8;
	[tilespmem:$0x1D800] =	vst v63  }
0xe8: {  	_ =	swait.ge [sflag:s23], $0x3E80  }
0xe9: {  	s30 =	simm.s32 $0x200;
	s31 =	simm.s32 $0x400;
	[sflag:s23] =	ssyncset.done $0x0  }
.LBB2_4:
0xea: {  	s0 =	sshra.s32 s30, $0x2  }
0xeb: {  	[sflag:s23] =	ssyncadd.s32 $0xFFFFC180;
	s30 =	smov.u32 s31;
	s2 =	sadd.s32 $0x200, s31  }
0xec: {  	[tilespmem:s26], [sflag:$0x1] =	stream.indirect.gather [hbm4b:s1+s25], $0x80, s0, s25, $0xb8;
	[tilespmem:$0x1D800] =	vst v63  }
0xed: {  	p0 =	sne.s32 s31, $0x9E00;
	_ =	swait.ge [sflag:s28], $0x3E80  }
.Ltmp1:
0xee: {  	[sflag:s28] =	ssyncset.done $0x0;
	(pc) =	sbr.rel @p0 .LBB2_4-.Ltmp1, $4  }
0xef: {  	s0 =	sadd.s32 $0x2800, s0;
	[sflag:s28] =	ssyncadd.s32 $0xFFFFC180  }
0xf0: {  	[spmem:s3] =	stream.indirect.scatter.add.f32 [tilespmem:s26], [sflag:$0x3], $0x80, s0, s25, $0xb8;
	[tilespmem:$0x1D800] =	vst v63  }
0xf1: {  	_ =	swait.ge [sflag:s23], $0x3E80  }
0xf2: {  	s31 =	smov.u32 s2;
	[sflag:s23] =	ssyncset.done $0x0  }
0xf3: {  	s0 =	sshra.s32 s30, $0x2;
	[sflag:s23] =	ssyncadd.s32 $0xFFFFC180  }
0xf4: {  	[tilespmem:s26], [sflag:$0x1] =	stream.indirect.gather [hbm4b:s1+s25], $0x80, s0, s25, $0xb8;
	[tilespmem:$0x1D800] =	vst v63  }
0xf5: {  	_ =	swait.ge [sflag:s28], $0x3E80  }
0xf6: {  	[sflag:s28] =	ssyncset.done $0x0  }
0xf7: {  	s0 =	sadd.s32 $0x2800, s0;
	[sflag:s28] =	ssyncadd.s32 $0xFFFFC180  }
0xf8: {  	[spmem:s3] =	stream.indirect.scatter.add.f32 [tilespmem:s26], [sflag:$0x3], $0x80, s0, s25, $0xb8;
	[tilespmem:$0x1D800] =	vst v63  }
0xf9: {  	_ =	swait.ge [sflag:s23], $0x3E80  }
0xfa: {  	[sflag:s23] =	ssyncset.done $0x0  }
0xfb: {  	s30 =	stileid.u32;
	[sflag:s23] =	ssyncadd.s32 $0xFFFFC180  }
0xfc: {  	s0 =	sshll.u32 s30, $0x6;
	[bflag:$0x0] =	sbarrier.arrive $0xFFFF  }
0xfd: {  	s2 =	sshrl.u32 s5, $0x3;
	s0 =	sor.u32 $0x1C03, s0;
	s6 =	rddreg [dreg:$0x16]  }
0xfe: {  	[hbm:s6], [sflag:s0] =	dma.local [spmem:s2], $0x2800  }
0xff: {  	_ =	swait.ge [sflag:s23], $0x2800  }
0x100: {  	s29 =	sadd.s32 $0x1, s29;
	s31 =	rddreg [dreg:$0x17]  }
0x101: {  	p0 =	sne.s32 s29, s31  }
.Ltmp2:
0x102: {  	_ = 	snop;
	(pc) =	sbr.rel @p0 .LBB2_1-.Ltmp2, $3  }
0x103: {  	_ =	sdelay $0x1  }
0x104: {  	[sflag:s23] =	ssyncset.done $0x0  }
0x105: {  	[sflag:s23] =	ssyncadd.s32 $0xFFFFD800  }
0x106: {  	_ =	sfence.sel $0x180000  }
0x107: {  	[bflag:$0x0] =	sbarrier.arrive $0xFFFF  }
0x108: {  	_ =	strace $0x9000004D  }
0x109: {  	s0 =	stileid.u32;
	[bflag:$0x2] =	sbarrier.arrive $0xFFFF  }
0x10a: {  	p0 =	sne.s32 s0, $0x0;
	s0 =	rddreg [dreg:$0x3]  }
0x10b: {  	s0 =	sadd.s32 @!p0 $0x100000, s0  }
0x10c: {  	[sflag:s0] =	ssyncadd.tile.s32 @!p0 $0x1;
	_ =	shalt  }
.Lfunc_end2:
_tile_overlayer_lowered:
.L_overlay_start_2:
0x10d: {  	(tag) =	ssettag $0x2  }
0x10e: {  	s0 =	rddreg [dreg:$0x0];
	s2 =	stileid.u32  }
0x10f: {  	s1 =	rddreg [dreg:$0x1];
	p0 =	sne.s32 s2, $0x0  }
0x110: {  	s3 =	rddreg [dreg:$0x2];
	[bflag:$0x3] =	sbarrier.arrive $0xFFFF;
	s2 =	simm.s32 @!p0 $0x1C03  }
0x111: {  	[timem:s3], [sflag:s2] =	dma.local @!p0 [hbm:s0], s1  }
0x112: {  	s0 =	simm.s32 @!p0 $0x3  }
0x113: {  	_ =	swait.ge @!p0 [sflag:s0], s1  }
0x114: {  	s1 =	ssub.s32 @!p0 $0x0, s1;
	[sflag:s0] =	ssyncset.done @!p0 $0x0  }
0x115: {  	[sflag:s0] =	ssyncadd.s32 @!p0 s1  }
0x116: {  	[bflag:$0x3] =	sbarrier.arrive $0xFFFF  }
0x117: {  	_ =	shalt  }

// kernel: kernel.8.cloned.1.call-start
scs
__scs_entry_jumppad:
0x0: {  	(pc) =	sbr.rel $0x88, $3  }
0x1: {  	(tag) =	ssettag $0x0;
	lr =	simm.s32 $0x1  }
0x2: {  	[smem:$0x3F9B] =	sst lr;
	_ =	strace $0xD0000000  }
0x3: {  	_ = 	snop  }
0x4: {  	_ = 	snop  }
0x5: {  	_ = 	snop  }
0x6: {  	_ = 	snop  }
0x7: {  	_ = 	snop  }
__scs_overlays_trampoline_lowered:
0x8: {  	[smem:$0x3FAA] =	sst s0  }
0x9: {  	[smem:$0x3FAB] =	sst s1  }
0xa: {  	[smem:$0x3FAC] =	sst s2  }
0xb: {  	[smem:$0x3FAD] =	sst s3  }
0xc: {  	[smem:$0x3FAE] =	sst s4  }
0xd: {  	[smem:$0x3FAF] =	sst s5  }
0xe: {  	[smem:$0x3FB0] =	sst s6  }
0xf: {  	[smem:$0x3FB1] =	sst s7  }
0x10: {  	[smem:$0x3FB2] =	sst s8  }
0x11: {  	[smem:$0x3FB3] =	sst s9;
	s0 =	simm.s32 @!p0 $0x0  }
0x12: {  	s1 =	sld [smem:$0x3F99];
	s0 =	simm.s32 @p0 $0x1  }
0x13: {  	[smem:$0x3FB4] =	sst s0;
	s0 =	simm.s32 @!p1 $0x0  }
0x14: {  	s2 =	sld [smem:$0x3F98];
	s0 =	simm.s32 @p1 $0x1  }
0x15: {  	[smem:$0x3FB5] =	sst s0;
	s0 =	simm.s32 @!p2 $0x0  }
0x16: {  	s3 =	sld [smem:$0x3FDB];
	s0 =	simm.s32 @p2 $0x1  }
0x17: {  	s4 =	simm.s32 $0x1BF5;
	[smem:$0x3FB7] =	sst s0  }
0x18: {  	s0 =	sld [smem:$0x3F9A];
	_ =	swait.ge [sflag:s4], $0x0  }
0x19: {  	s7 =	sld [smem:$0x3F9B]  }
0x1a: {  	s8 =	sadd.s32 $0xFFFFE003, lr  }
0x1b: {  	s9 =	sadd.s32 $0xFFFFFEF7, lr;
	s5 =	simm.s32 $0xFFFFFFFF;
	p2 =	slt.u32 s8, $0xFFFFF086  }
0x1c: {  	p1 =	slt.u32 s9, $0xF7A;
	s5 =	simm.s32 @!p2 $0x0  }
0x1d: {  	s5 =	simm.s32 @p1 $0x1;
	p0 =	seq.s32 s7, s2  }
0x1e: {  	s7 =	smul.u32 @!p0 $0xF7A, s2;
	p2 =	seq.s32 @!p0 s5, $0x0  }
0x1f: {  	s9 =	smul.u32 $0xF7A, s1;
	s8 =	simm.s32 @!p0 $0x1BF5;
	p2 =	por !p2, p0  }
0x20: {  	[sflag:s8] =	ssyncset.s32 @!p0 $0xFFFFF086;
	s6 =	sadd.s32 @!p0 s3, s7;
	s7 =	simm.s32 @!p0 $0x108  }
0x21: {  	s3 =	sadd.s32 s3, s9;
	s6 =	sadd.s32 @!p0 $0x88, s6;
	s7 =	simm.s32 @p2 $0x1082  }
0x22: {  	[simem:s7], [sflag:s8] =	dma.local @!p0 [hbm:s6], $0xF7A  }
0x23: {  	s9 =	sor.u32 $0xD0000000, s2;
	s6 =	simm.s32 $0x108;
	_ =	swait.ge @!p0 [sflag:s8], $0x0  }
0x24: {  	s3 =	sadd.s32 $0x88, s3;
	s6 =	simm.s32 @!p1 $0x1082;
	[sflag:s4] =	ssyncset.s32 $0xFFFFF086  }
0x25: {  	[simem:s6], [sflag:s4] =	dma.local [hbm:s3], $0xF7A  }
0x26: {  	[smem:$0x3F9B] =	sst s1;
	(tag) =	ssettag s2;
	_ =	strace s9  }
0x27: {  	s1 =	sld [smem:$0x3FAB]  }
0x28: {  	s2 =	sld [smem:$0x3FAC]  }
0x29: {  	s4 =	sld [smem:$0x3FAE]  }
0x2a: {  	p0 =	seq.s32 s5, $0x0;
	s5 =	sld [smem:$0x3FAF]  }
0x2b: {  	s6 =	sld [smem:$0x3FB0]  }
0x2c: {  	s7 =	sld [smem:$0x3FB1]  }
0x2d: {  	s3 =	simm.s32 $0x108;
	s8 =	sld [smem:$0x3FB2]  }
0x2e: {  	s3 =	simm.s32 @!p0 $0x1082;
	s9 =	sld [smem:$0x3FB3]  }
0x2f: {  	lr =	sadd.s32 s0, s3;
	s0 =	sld [smem:$0x3FAA]  }
0x30: {  	s3 =	sld [smem:$0x3FAD]  }
0x31: {  	[smem:$0x3FB6] =	sst s10  }
0x32: {  	s10 =	sld [smem:$0x3FB4];
	_ =	sdelay $0x3  }
0x33: {  	p0 =	seq.s32 s10, $0x1;
	s10 =	sld [smem:$0x3FB6];
	_ =	sdelay $0x3  }
0x34: {  	[smem:$0x3FB6] =	sst s10  }
0x35: {  	s10 =	sld [smem:$0x3FB5];
	_ =	sdelay $0x3  }
0x36: {  	p1 =	seq.s32 s10, $0x1;
	s10 =	sld [smem:$0x3FB6];
	_ =	sdelay $0x3  }
0x37: {  	[smem:$0x3FB6] =	sst s10  }
0x38: {  	s10 =	sld [smem:$0x3FB7]  }
0x39: {  	_ = 	snop;
	(pc) =	sbr.ind lr, $3  }
0x3a: {  	_ = 	snop  }
0x3b: {  	_ = 	snop  }
0x3c: {  	p2 =	seq.s32 s10, $0x1;
	s10 =	sld [smem:$0x3FB6]  }
0x3d: {  	_ =	shalt  }
0x3e: {  	_ =	shalt  }
0x3f: {  	_ =	shalt  }
0x40: {  	_ =	shalt  }
0x41: {  	_ =	shalt  }
0x42: {  	_ =	shalt  }
0x43: {  	_ =	shalt  }
0x44: {  	_ =	shalt  }
0x45: {  	_ =	shalt  }
0x46: {  	_ =	shalt  }
0x47: {  	_ =	shalt  }
0x48: {  	_ =	shalt  }
0x49: {  	_ =	shalt  }
0x4a: {  	_ =	shalt  }
0x4b: {  	_ =	shalt  }
0x4c: {  	_ =	shalt  }
0x4d: {  	_ =	shalt  }
0x4e: {  	_ =	shalt  }
0x4f: {  	_ =	shalt  }
0x50: {  	_ =	shalt  }
0x51: {  	_ =	shalt  }
0x52: {  	_ =	shalt  }
0x53: {  	_ =	shalt  }
0x54: {  	_ =	shalt  }
0x55: {  	_ =	shalt  }
0x56: {  	_ =	shalt  }
0x57: {  	_ =	shalt  }
0x58: {  	_ =	shalt  }
0x59: {  	_ =	shalt  }
0x5a: {  	_ =	shalt  }
0x5b: {  	_ =	shalt  }
0x5c: {  	_ =	shalt  }
0x5d: {  	_ =	shalt  }
0x5e: {  	_ =	shalt  }
0x5f: {  	_ =	shalt  }
0x60: {  	_ =	shalt  }
0x61: {  	_ =	shalt  }
0x62: {  	_ =	shalt  }
0x63: {  	_ =	shalt  }
0x64: {  	_ =	shalt  }
0x65: {  	_ =	shalt  }
0x66: {  	_ =	shalt  }
0x67: {  	_ =	shalt  }
0x68: {  	_ =	shalt  }
0x69: {  	_ =	shalt  }
0x6a: {  	_ =	shalt  }
0x6b: {  	_ =	shalt  }
0x6c: {  	_ =	shalt  }
0x6d: {  	_ =	shalt  }
0x6e: {  	_ =	shalt  }
0x6f: {  	_ =	shalt  }
0x70: {  	_ =	shalt  }
0x71: {  	_ =	shalt  }
0x72: {  	_ =	shalt  }
0x73: {  	_ =	shalt  }
0x74: {  	_ =	shalt  }
0x75: {  	_ =	shalt  }
0x76: {  	_ =	shalt  }
0x77: {  	_ =	shalt  }
0x78: {  	_ =	shalt  }
0x79: {  	_ =	shalt  }
0x7a: {  	_ =	shalt  }
0x7b: {  	_ =	shalt  }
0x7c: {  	_ =	shalt  }
0x7d: {  	_ =	shalt  }
0x7e: {  	_ =	shalt  }
0x7f: {  	_ =	shalt  }
0x80: {  	_ =	shalt  }
0x81: {  	_ =	shalt  }
0x82: {  	_ =	shalt  }
0x83: {  	_ =	shalt  }
0x84: {  	_ =	shalt  }
0x85: {  	_ =	shalt  }
0x86: {  	_ =	shalt  }
0x87: {  	_ =	shalt  }
.Lfunc_end0:
.L_simem_size_0:
called_computation_lowered:
.L_overlay_start_0:
0x88: {  	s2 =	sld [smem:$0x3FD9]  }
0x89: {  	s3 =	sld [smem:$0x3FFE];
	_ =	sdelay $0x1  }
0x8a: {  	s1 =	srdreg.scid  }
0x8b: {  	s0 =	sand.u32 $0x1, s1  }
0x8c: {  	s17 =	sshll.u32 s0, $0xA;
	s2 =	sadd.s32 s3, s2  }
0x8d: {  	s2 =	sadd.s32 s2, s17  }
0x8e: {  	[smem:$0x3FC2] =	sst s2  }
0x8f: {  	_ = 	snop  }
0x90: {  	s2 =	sld [smem:$0x3FD0];
	(tm) =	ssettm $0x1  }
0x91: {  	s18 =	sld [smem:$0x3FFB];
	_ =	sdelay $0x3  }
0x92: {  	_ =	strace s18  }
0x93: {  	s3 =	sld [smem:$0x3FFC];
	_ =	sdelay $0x3  }
0x94: {  	_ =	strace s3  }
0x95: {  	s3 =	sld [smem:$0x3FFD];
	_ =	sdelay $0x3  }
0x96: {  	_ =	strace s3  }
0x97: {  	_ =	strace $0x8FFFFFFF  }
0x98: {  	s19 =	sld [smem:$0x3FDB];
	_ =	sdelay $0x1  }
0x99: {  	s4 =	simm.s32 $_scs_section_size  }
0x9a: {  	s5 =	simm.s32 $_size__tile_overlayer_lowered;
	s6 =	simm.s32 $_tile_overlayer_lowered  }
0x9b: {  	s22 =	simm.s32 $0x1BFF;
	s21 =	sshll.u32 s6, $0x1;
	s3 =	sadd.s32 s4, s19  }
0x9c: {  	s7 =	simm.s32 $0x0;
	s20 =	sshll.u32 s5, $0x1;
	s5 =	sadd.s32 s21, s3  }
0x9d: {  	[timem:s7], [sflag:s22] =	dma.local [hbm:s5], s20  }
0x9e: {  	_ =	swait.ge [sflag:s22], s20  }
0x9f: {  	s4 =	ssub.s32 $0x0, s20;
	[sflag:s22] =	ssyncset.done $0x0  }
0xa0: {  	[sflag:s22] =	ssyncadd.s32 s4;
	_ =	sdelay $0x1  }
0xa1: {  	s23 =	simm.s32 $0x1B8B  }
0xa2: {  	_ =	swait.ge [sflag:s23], $0x1  }
0xa3: {  	[sflag:s23] =	ssyncset.done $0x0  }
0xa4: {  	s25 =	simm.s32 $0x1B8E;
	s24 =	sld [smem:$0x3FFE];
	[sflag:s23] =	ssyncadd.s32 $0xFFFFFFFF  }
0xa5: {  	s26 =	simm.s32 $execute0_lowered;
	[smem:$0x3FD2] =	sst s25  }
0xa6: {  	s5 =	sshll.u32 s26, $0x1;
	_ =	strace $0x80000046;
	[dreg:$0x1] =	wrdreg $0xFFFFFFFF  }
0xa7: {  	s28 =	simm.s32 $_size_execute0_lowered;
	s3 =	sadd.s32 s3, s5;
	[dreg:$0x0] =	wrdreg $0x0  }
0xa8: {  	s5 =	sshll.u32 s28, $0x1;
	[dreg:$0x2] =	wrdreg s3  }
0xa9: {  	[dreg:$0x3] =	wrdreg s5  }
0xaa: {  	[dreg:$0x4] =	wrdreg $0xC0  }
0xab: {  	_ =	task [dreg:s7], $0x5FFFF  }
0xac: {  	[dreg:$0x1] =	wrdreg $0xFFFFFFFF  }
0xad: {  	[dreg:$0x0] =	wrdreg $0x60  }
0xae: {  	[dreg:$0x2] =	wrdreg s2  }
0xaf: {  	[dreg:$0x3] =	wrdreg s24  }
0xb0: {  	[dreg:$0x4] =	wrdreg $0x70800  }
0xb1: {  	[dreg:$0x5] =	wrdreg $0x9  }
0xb2: {  	_ =	task.clear_ibuf [dreg:s7], $0x6FFFF;
	_ =	strace $0x90000046  }
0xb3: {  	s29 =	simm.s32 $0x9;
	_ =	strace $0x80000048  }
0xb4: {  	_ =	swait.ge [sflag:s29], $0x1  }
0xb5: {  	[sflag:s29] =	ssyncadd.s32 $0xFFFFFFFF  }
0xb6: {  	_ =	strace $0x90000048  }
0xb7: {  	_ =	sfence  }
0xb8: {  	s30 =	sld [smem:$0x0];
	_ =	sdelay $0x2  }
0xb9: {  	s31 =	sshll.u32 s1, $0xD;
	s1 =	sshrl.u32 s1, $0x2  }
0xba: {  	s3 =	sand.u32 $0x4000, s31;
	s1 =	sadd.s32 s1, s30  }
0xbb: {  	s0 =	sor.u32 s3, s0;
	s1 =	sshll.u32 s1, $0x11  }
0xbc: {  	s0 =	sor.u32 s1, s0  }
0xbd: {  	s0 =	sadd.s32 $0x8F2B, s0  }
0xbe: {  	[sflag:s0] =	ssyncadd.remote.s32 $0x1  }
0xbf: {  	_ =	sfence.sel $0xFFFF  }
0xc0: {  	[dreg:$0x0] =	wrdreg $0xFFFFFFFF;
	(pc) =	sbr.abs _section_cstart, $3  }
0xc1: {  	[dreg:$0x1] =	wrdreg $0xFFFFFFFF  }
0xc2: {  	_ =	task.clear_ibuf [dreg:s7], $0x2FFFF;
	_ =	strace $0x9FFFFFFF  }
0xc3: {  	(tm) =	ssettm $0x7FFFFFFF  }
tec
execute0_lowered:
.L_overlay_start_1:
0x0: {  	(tag) =	ssettag $0x1  }
0x1: {  	s0 =	rddreg [dreg:$0x0]  }
0x2: {  	s2 =	rddreg [dreg:$0x1]  }
0x3: {  	s1 =	rddreg [dreg:$0x2];
	s7 =	stileid.u32  }
0x4: {  	s3 =	srdreg.scid;
	s28 =	smul.u32 $0x14000, s7  }
0x5: {  	s5 =	simm.s32 $0x0;
	s3 =	sand.u32 $0x1, s3;
	s6 =	smul.u32 $0x50000, s7  }
0x6: {  	[smem:$0x7FF] =	sst s5;
	s4 =	smul.u32 $0x140000, s3  }
0x7: {  	_ =	strace $0x80000047;
	s29 =	sshll.u32 s3, $0x4;
	s3 =	ssub.s32 $0x2, s3  }
0x8: {  	s5 =	sor.u32 s7, s29;
	s30 =	sshrl.u32 s3, $0x1;
	s4 =	sadd.s32 s28, s4  }
0x9: {  	s5 =	smul.u32 $0x4F0, s5;
	s3 =	ssub.s32 s3, s30;
	s4 =	sshrl.u32 s4, $0x3  }
0xa: {  	s6 =	sshrl.u32 s6, $0x2;
	s25 =	smax.u32 s3, $0x1;
	s2 =	sadd.s32 s4, s2  }
0xb: {  	s4 =	sadd.s32 s6, s1;
	s0 =	sadd.s32 s0, s5;
	[dreg:$0x18] =	wrdreg s25  }
0xc: {  	[dreg:$0x4] =	wrdreg s0;
	s6 =	sadd.s32 $0x800, s4  }
0xd: {  	s7 =	sadd.s32 $0x1000, s4;
	[dreg:$0x5] =	wrdreg s6  }
0xe: {  	s8 =	sadd.s32 $0x1800, s4;
	[dreg:$0x6] =	wrdreg s7  }
0xf: {  	s9 =	sadd.s32 $0x2000, s4;
	[dreg:$0x7] =	wrdreg s8  }
0x10: {  	s10 =	sadd.s32 $0x2800, s4;
	[dreg:$0x8] =	wrdreg s9  }
0x11: {  	s11 =	sadd.s32 $0x3000, s4;
	[dreg:$0x9] =	wrdreg s10  }
0x12: {  	s12 =	sadd.s32 $0x3800, s4;
	[dreg:$0xa] =	wrdreg s11  }
0x13: {  	s13 =	sadd.s32 $0x4000, s4;
	[dreg:$0xb] =	wrdreg s12  }
0x14: {  	s14 =	sadd.s32 $0x4800, s4;
	[dreg:$0xc] =	wrdreg s13  }
0x15: {  	s15 =	sadd.s32 $0x5000, s4;
	[dreg:$0xd] =	wrdreg s14  }
0x16: {  	s16 =	sadd.s32 $0x5800, s4;
	[dreg:$0xe] =	wrdreg s15  }
0x17: {  	s17 =	sadd.s32 $0x6000, s4;
	[dreg:$0xf] =	wrdreg s16  }
0x18: {  	s18 =	sadd.s32 $0x6800, s4;
	[dreg:$0x10] =	wrdreg s17  }
0x19: {  	s19 =	sadd.s32 $0x7000, s4;
	[dreg:$0x11] =	wrdreg s18  }
0x1a: {  	s20 =	sadd.s32 $0x7800, s4;
	[dreg:$0x12] =	wrdreg s19  }
0x1b: {  	s21 =	sadd.s32 $0x8000, s4;
	[dreg:$0x13] =	wrdreg s20  }
0x1c: {  	s22 =	sadd.s32 $0x8800, s4;
	[dreg:$0x14] =	wrdreg s21  }
0x1d: {  	s25 =	simm.s32 $0x2;
	s23 =	sadd.s32 $0x9000, s4;
	[dreg:$0x15] =	wrdreg s22  }
0x1e: {  	s24 =	sadd.s32 $0x2200, s2;
	s26 =	sadd.s32 $0x9800, s4;
	[dreg:$0x16] =	wrdreg s23  }
0x1f: {  	s28 =	sadd.s32 $0xA000, s4;
	s29 =	sadd.s32 $0xA800, s4;
	[dreg:$0x17] =	wrdreg s24  }
0x20: {  	s30 =	sadd.s32 $0xB000, s4;
	s31 =	sadd.s32 $0xB800, s4;
	[dreg:$0x19] =	wrdreg s26  }
0x21: {  	s0 =	sadd.s32 $0xC000, s4;
	s3 =	sadd.s32 $0xC800, s4;
	[dreg:$0x1a] =	wrdreg s28  }
0x22: {  	s2 =	sadd.s32 $0xD000, s4;
	s5 =	sadd.s32 $0xD800, s4;
	[dreg:$0x1b] =	wrdreg s29  }
0x23: {  	[dreg:$0x1c] =	wrdreg s30;
	s6 =	sadd.s32 $0xE000, s4;
	s7 =	sadd.s32 $0xE800, s4  }
0x24: {  	s8 =	sadd.s32 $0xF000, s4;
	s9 =	sadd.s32 $0xF800, s4;
	s10 =	sadd.s32 $0x10000, s4  }
0x25: {  	s11 =	sadd.s32 $0x10800, s4;
	s12 =	sadd.s32 $0x11000, s4;
	s13 =	sadd.s32 $0x11800, s4  }
0x26: {  	s14 =	sadd.s32 $0x12000, s4;
	s15 =	sadd.s32 $0x12800, s4;
	s16 =	sadd.s32 $0x13000, s4  }
0x27: {  	s17 =	sadd.s32 $0x13800, s4;
	s18 =	simm.s32 $0x6880;
	s19 =	simm.s32 $0x3  }
0x28: {  	s20 =	simm.s32 $0x1;
	s21 =	simm.s32 $0x80;
	s22 =	simm.s32 $0x2780  }
0x29: {  	v0 =	vimm.f32 $1.000000000e+00;
	v1 =	vimm.f32 $0.0e+00;
	s23 =	simm.s32 $0x2880;
	s24 =	simm.s32 $0x2800;
	s26 =	simm.s32 $0x0  }
.LBB2_1:
0x2a: {  	s28 =	simm.s32 $0x0;
	s29 =	rddreg [dreg:$0x4]  }
0x2b: {  	[tilespmem:s28], [sflag:$0x1] =	stream.linear.gather [hbm4b:s29+s28], $0x2780, $0x38;
	[tilespmem:$0x9880] =	vst v63  }
0x2c: {  	s28 =	simm.s32 $0x200;
	s29 =	simm.s32 $0x0  }
.LBB2_2:
0x2d: {  	p0 =	sne.s32 s28, $0xFE00;
	[tilespmem:s29+$0x2880] =	vst v0;
	s29 =	smov.u32 s28;
	s28 =	sadd.s32 $0x200, s28  }
.Ltmp0:
0x2e: {  	(pc) =	sbr.rel @p0 .LBB2_2-.Ltmp0, $2  }
0x2f: {  	_ =	sdelay $0x2  }
0x30: {  	s29 =	sshra.s32 s29, $0x2  }
0x31: {  	[tilespmem:s29+$0x2880] =	vst v0  }
0x32: {  	[tilespmem:$0x6880] =	vst v1  }
0x33: {  	[tilespmem:$0x6900] =	vst v1  }
0x34: {  	[tilespmem:$0x6980] =	vst v1  }
0x35: {  	[tilespmem:$0x6A00] =	vst v1  }
0x36: {  	[tilespmem:$0x6A80] =	vst v1  }
0x37: {  	[tilespmem:$0x6B00] =	vst v1  }
0x38: {  	[tilespmem:$0x6B80] =	vst v1  }
0x39: {  	[tilespmem:$0x6C00] =	vst v1  }
0x3a: {  	[tilespmem:$0x6C80] =	vst v1  }
0x3b: {  	[tilespmem:$0x6D00] =	vst v1  }
0x3c: {  	[tilespmem:$0x6D80] =	vst v1  }
0x3d: {  	[tilespmem:$0x6E00] =	vst v1  }
0x3e: {  	[tilespmem:$0x6E80] =	vst v1  }
0x3f: {  	[tilespmem:$0x6F00] =	vst v1  }
0x40: {  	[tilespmem:$0x6F80] =	vst v1  }
0x41: {  	[tilespmem:$0x7000] =	vst v1  }
0x42: {  	[spmem:s4] =	stream.linear.scatter [tilespmem:s18], [sflag:$0x3], $0x800, $0x38;
	[tilespmem:$0x9880] =	vst v63  }
0x43: {  	_ =	swait.ge [sflag:s19], $0x800  }
0x44: {  	[sflag:s19] =	ssyncset.done $0x0  }
0x45: {  	s28 =	rddreg [dreg:$0x5];
	[sflag:s19] =	ssyncadd.s32 $0xFFFFF800  }
0x46: {  	[spmem:s28] =	stream.linear.scatter [tilespmem:s18], [sflag:$0x3], $0x800, $0x38;
	[tilespmem:$0x9880] =	vst v63  }
0x47: {  	_ =	swait.ge [sflag:s19], $0x800  }
0x48: {  	[sflag:s19] =	ssyncset.done $0x0  }
0x49: {  	s28 =	rddreg [dreg:$0x6];
	[sflag:s19] =	ssyncadd.s32 $0xFFFFF800  }
0x4a: {  	[spmem:s28] =	stream.linear.scatter [tilespmem:s18], [sflag:$0x3], $0x800, $0x38;
	[tilespmem:$0x9880] =	vst v63  }
0x4b: {  	_ =	swait.ge [sflag:s19], $0x800  }
0x4c: {  	[sflag:s19] =	ssyncset.done $0x0  }
0x4d: {  	s28 =	rddreg [dreg:$0x7];
	[sflag:s19] =	ssyncadd.s32 $0xFFFFF800  }
0x4e: {  	[spmem:s28] =	stream.linear.scatter [tilespmem:s18], [sflag:$0x3], $0x800, $0x38;
	[tilespmem:$0x9880] =	vst v63  }
0x4f: {  	_ =	swait.ge [sflag:s19], $0x800  }
0x50: {  	[sflag:s19] =	ssyncset.done $0x0  }
0x51: {  	s28 =	rddreg [dreg:$0x8];
	[sflag:s19] =	ssyncadd.s32 $0xFFFFF800  }
0x52: {  	[spmem:s28] =	stream.linear.scatter [tilespmem:s18], [sflag:$0x3], $0x800, $0x38;
	[tilespmem:$0x9880] =	vst v63  }
0x53: {  	_ =	swait.ge [sflag:s19], $0x800  }
0x54: {  	[sflag:s19] =	ssyncset.done $0x0  }
0x55: {  	s28 =	rddreg [dreg:$0x9];
	[sflag:s19] =	ssyncadd.s32 $0xFFFFF800  }
0x56: {  	[spmem:s28] =	stream.linear.scatter [tilespmem:s18], [sflag:$0x3], $0x800, $0x38;
	[tilespmem:$0x9880] =	vst v63  }
0x57: {  	_ =	swait.ge [sflag:s19], $0x800  }
0x58: {  	[sflag:s19] =	ssyncset.done $0x0  }
0x59: {  	s28 =	rddreg [dreg:$0xa];
	[sflag:s19] =	ssyncadd.s32 $0xFFFFF800  }
0x5a: {  	[spmem:s28] =	stream.linear.scatter [tilespmem:s18], [sflag:$0x3], $0x800, $0x38;
	[tilespmem:$0x9880] =	vst v63  }
0x5b: {  	_ =	swait.ge [sflag:s19], $0x800  }
0x5c: {  	[sflag:s19] =	ssyncset.done $0x0  }
0x5d: {  	s28 =	rddreg [dreg:$0xb];
	[sflag:s19] =	ssyncadd.s32 $0xFFFFF800  }
0x5e: {  	[spmem:s28] =	stream.linear.scatter [tilespmem:s18], [sflag:$0x3], $0x800, $0x38;
	[tilespmem:$0x9880] =	vst v63  }
0x5f: {  	_ =	swait.ge [sflag:s19], $0x800  }
0x60: {  	[sflag:s19] =	ssyncset.done $0x0  }
0x61: {  	s28 =	rddreg [dreg:$0xc];
	[sflag:s19] =	ssyncadd.s32 $0xFFFFF800  }
0x62: {  	[spmem:s28] =	stream.linear.scatter [tilespmem:s18], [sflag:$0x3], $0x800, $0x38;
	[tilespmem:$0x9880] =	vst v63  }
0x63: {  	_ =	swait.ge [sflag:s19], $0x800  }
0x64: {  	[sflag:s19] =	ssyncset.done $0x0  }
0x65: {  	s28 =	rddreg [dreg:$0xd];
	[sflag:s19] =	ssyncadd.s32 $0xFFFFF800  }
0x66: {  	[spmem:s28] =	stream.linear.scatter [tilespmem:s18], [sflag:$0x3], $0x800, $0x38;
	[tilespmem:$0x9880] =	vst v63  }
0x67: {  	_ =	swait.ge [sflag:s19], $0x800  }
0x68: {  	[sflag:s19] =	ssyncset.done $0x0  }
0x69: {  	s28 =	rddreg [dreg:$0xe];
	[sflag:s19] =	ssyncadd.s32 $0xFFFFF800  }
0x6a: {  	[spmem:s28] =	stream.linear.scatter [tilespmem:s18], [sflag:$0x3], $0x800, $0x38;
	[tilespmem:$0x9880] =	vst v63  }
0x6b: {  	_ =	swait.ge [sflag:s19], $0x800  }
0x6c: {  	[sflag:s19] =	ssyncset.done $0x0  }
0x6d: {  	s28 =	rddreg [dreg:$0xf];
	[sflag:s19] =	ssyncadd.s32 $0xFFFFF800  }
0x6e: {  	[spmem:s28] =	stream.linear.scatter [tilespmem:s18], [sflag:$0x3], $0x800, $0x38;
	[tilespmem:$0x9880] =	vst v63  }
0x6f: {  	_ =	swait.ge [sflag:s19], $0x800  }
0x70: {  	[sflag:s19] =	ssyncset.done $0x0  }
0x71: {  	s28 =	rddreg [dreg:$0x10];
	[sflag:s19] =	ssyncadd.s32 $0xFFFFF800  }
0x72: {  	[spmem:s28] =	stream.linear.scatter [tilespmem:s18], [sflag:$0x3], $0x800, $0x38;
	[tilespmem:$0x9880] =	vst v63  }
0x73: {  	_ =	swait.ge [sflag:s19], $0x800  }
0x74: {  	[sflag:s19] =	ssyncset.done $0x0  }
0x75: {  	s28 =	rddreg [dreg:$0x11];
	[sflag:s19] =	ssyncadd.s32 $0xFFFFF800  }
0x76: {  	[spmem:s28] =	stream.linear.scatter [tilespmem:s18], [sflag:$0x3], $0x800, $0x38;
	[tilespmem:$0x9880] =	vst v63  }
0x77: {  	_ =	swait.ge [sflag:s19], $0x800  }
0x78: {  	[sflag:s19] =	ssyncset.done $0x0  }
0x79: {  	s28 =	rddreg [dreg:$0x12];
	[sflag:s19] =	ssyncadd.s32 $0xFFFFF800  }
0x7a: {  	[spmem:s28] =	stream.linear.scatter [tilespmem:s18], [sflag:$0x3], $0x800, $0x38;
	[tilespmem:$0x9880] =	vst v63  }
0x7b: {  	_ =	swait.ge [sflag:s19], $0x800  }
0x7c: {  	[sflag:s19] =	ssyncset.done $0x0  }
0x7d: {  	s28 =	rddreg [dreg:$0x13];
	[sflag:s19] =	ssyncadd.s32 $0xFFFFF800  }
0x7e: {  	[spmem:s28] =	stream.linear.scatter [tilespmem:s18], [sflag:$0x3], $0x800, $0x38;
	[tilespmem:$0x9880] =	vst v63  }
0x7f: {  	_ =	swait.ge [sflag:s19], $0x800  }
0x80: {  	[sflag:s19] =	ssyncset.done $0x0  }
0x81: {  	s28 =	rddreg [dreg:$0x14];
	[sflag:s19] =	ssyncadd.s32 $0xFFFFF800  }
0x82: {  	[spmem:s28] =	stream.linear.scatter [tilespmem:s18], [sflag:$0x3], $0x800, $0x38;
	[tilespmem:$0x9880] =	vst v63  }
0x83: {  	_ =	swait.ge [sflag:s19], $0x800  }
0x84: {  	[sflag:s19] =	ssyncset.done $0x0  }
0x85: {  	s28 =	rddreg [dreg:$0x15];
	[sflag:s19] =	ssyncadd.s32 $0xFFFFF800  }
0x86: {  	[spmem:s28] =	stream.linear.scatter [tilespmem:s18], [sflag:$0x3], $0x800, $0x38;
	[tilespmem:$0x9880] =	vst v63  }
0x87: {  	_ =	swait.ge [sflag:s19], $0x800  }
0x88: {  	[sflag:s19] =	ssyncset.done $0x0  }
0x89: {  	s28 =	rddreg [dreg:$0x16];
	[sflag:s19] =	ssyncadd.s32 $0xFFFFF800  }
0x8a: {  	[spmem:s28] =	stream.linear.scatter [tilespmem:s18], [sflag:$0x3], $0x800, $0x38;
	[tilespmem:$0x9880] =	vst v63  }
0x8b: {  	_ =	swait.ge [sflag:s19], $0x800  }
0x8c: {  	[sflag:s19] =	ssyncset.done $0x0  }
0x8d: {  	s28 =	rddreg [dreg:$0x19];
	[sflag:s19] =	ssyncadd.s32 $0xFFFFF800  }
0x8e: {  	[spmem:s28] =	stream.linear.scatter [tilespmem:s18], [sflag:$0x3], $0x800, $0x38;
	[tilespmem:$0x9880] =	vst v63  }
0x8f: {  	_ =	swait.ge [sflag:s19], $0x800  }
0x90: {  	[sflag:s19] =	ssyncset.done $0x0  }
0x91: {  	s28 =	rddreg [dreg:$0x1a];
	[sflag:s19] =	ssyncadd.s32 $0xFFFFF800  }
0x92: {  	[spmem:s28] =	stream.linear.scatter [tilespmem:s18], [sflag:$0x3], $0x800, $0x38;
	[tilespmem:$0x9880] =	vst v63  }
0x93: {  	_ =	swait.ge [sflag:s19], $0x800  }
0x94: {  	[sflag:s19] =	ssyncset.done $0x0  }
0x95: {  	s28 =	rddreg [dreg:$0x1b];
	[sflag:s19] =	ssyncadd.s32 $0xFFFFF800  }
0x96: {  	[spmem:s28] =	stream.linear.scatter [tilespmem:s18], [sflag:$0x3], $0x800, $0x38;
	[tilespmem:$0x9880] =	vst v63  }
0x97: {  	_ =	swait.ge [sflag:s19], $0x800  }
0x98: {  	[sflag:s19] =	ssyncset.done $0x0  }
0x99: {  	s28 =	rddreg [dreg:$0x1c];
	[sflag:s19] =	ssyncadd.s32 $0xFFFFF800  }
0x9a: {  	[spmem:s28] =	stream.linear.scatter [tilespmem:s18], [sflag:$0x3], $0x800, $0x38;
	[tilespmem:$0x9880] =	vst v63  }
0x9b: {  	_ =	swait.ge [sflag:s19], $0x800  }
0x9c: {  	[sflag:s19] =	ssyncset.done $0x0  }
0x9d: {  	[sflag:s19] =	ssyncadd.s32 $0xFFFFF800  }
0x9e: {  	[spmem:s31] =	stream.linear.scatter [tilespmem:s18], [sflag:$0x3], $0x800, $0x38;
	[tilespmem:$0x9880] =	vst v63  }
0x9f: {  	_ =	swait.ge [sflag:s19], $0x800  }
0xa0: {  	[sflag:s19] =	ssyncset.done $0x0  }
0xa1: {  	[sflag:s19] =	ssyncadd.s32 $0xFFFFF800  }
0xa2: {  	[spmem:s0] =	stream.linear.scatter [tilespmem:s18], [sflag:$0x3], $0x800, $0x38;
	[tilespmem:$0x9880] =	vst v63  }
0xa3: {  	_ =	swait.ge [sflag:s19], $0x800  }
0xa4: {  	[sflag:s19] =	ssyncset.done $0x0  }
0xa5: {  	[sflag:s19] =	ssyncadd.s32 $0xFFFFF800  }
0xa6: {  	[spmem:s3] =	stream.linear.scatter [tilespmem:s18], [sflag:$0x3], $0x800, $0x38;
	[tilespmem:$0x9880] =	vst v63  }
0xa7: {  	_ =	swait.ge [sflag:s19], $0x800  }
0xa8: {  	[sflag:s19] =	ssyncset.done $0x0  }
0xa9: {  	[sflag:s19] =	ssyncadd.s32 $0xFFFFF800  }
0xaa: {  	[spmem:s2] =	stream.linear.scatter [tilespmem:s18], [sflag:$0x3], $0x800, $0x38;
	[tilespmem:$0x9880] =	vst v63  }
0xab: {  	_ =	swait.ge [sflag:s19], $0x800  }
0xac: {  	[sflag:s19] =	ssyncset.done $0x0  }
0xad: {  	[sflag:s19] =	ssyncadd.s32 $0xFFFFF800  }
0xae: {  	[spmem:s5] =	stream.linear.scatter [tilespmem:s18], [sflag:$0x3], $0x800, $0x38;
	[tilespmem:$0x9880] =	vst v63  }
0xaf: {  	_ =	swait.ge [sflag:s19], $0x800  }
0xb0: {  	[sflag:s19] =	ssyncset.done $0x0  }
0xb1: {  	[sflag:s19] =	ssyncadd.s32 $0xFFFFF800  }
0xb2: {  	[spmem:s6] =	stream.linear.scatter [tilespmem:s18], [sflag:$0x3], $0x800, $0x38;
	[tilespmem:$0x9880] =	vst v63  }
0xb3: {  	_ =	swait.ge [sflag:s19], $0x800  }
0xb4: {  	[sflag:s19] =	ssyncset.done $0x0  }
0xb5: {  	[sflag:s19] =	ssyncadd.s32 $0xFFFFF800  }
0xb6: {  	[spmem:s7] =	stream.linear.scatter [tilespmem:s18], [sflag:$0x3], $0x800, $0x38;
	[tilespmem:$0x9880] =	vst v63  }
0xb7: {  	_ =	swait.ge [sflag:s19], $0x800  }
0xb8: {  	[sflag:s19] =	ssyncset.done $0x0  }
0xb9: {  	[sflag:s19] =	ssyncadd.s32 $0xFFFFF800  }
0xba: {  	[spmem:s8] =	stream.linear.scatter [tilespmem:s18], [sflag:$0x3], $0x800, $0x38;
	[tilespmem:$0x9880] =	vst v63  }
0xbb: {  	_ =	swait.ge [sflag:s19], $0x800  }
0xbc: {  	[sflag:s19] =	ssyncset.done $0x0  }
0xbd: {  	[sflag:s19] =	ssyncadd.s32 $0xFFFFF800  }
0xbe: {  	[spmem:s9] =	stream.linear.scatter [tilespmem:s18], [sflag:$0x3], $0x800, $0x38;
	[tilespmem:$0x9880] =	vst v63  }
0xbf: {  	_ =	swait.ge [sflag:s19], $0x800  }
0xc0: {  	[sflag:s19] =	ssyncset.done $0x0  }
0xc1: {  	[sflag:s19] =	ssyncadd.s32 $0xFFFFF800  }
0xc2: {  	[spmem:s10] =	stream.linear.scatter [tilespmem:s18], [sflag:$0x3], $0x800, $0x38;
	[tilespmem:$0x9880] =	vst v63  }
0xc3: {  	_ =	swait.ge [sflag:s19], $0x800  }
0xc4: {  	[sflag:s19] =	ssyncset.done $0x0  }
0xc5: {  	[sflag:s19] =	ssyncadd.s32 $0xFFFFF800  }
0xc6: {  	[spmem:s11] =	stream.linear.scatter [tilespmem:s18], [sflag:$0x3], $0x800, $0x38;
	[tilespmem:$0x9880] =	vst v63  }
0xc7: {  	_ =	swait.ge [sflag:s19], $0x800  }
0xc8: {  	[sflag:s19] =	ssyncset.done $0x0  }
0xc9: {  	[sflag:s19] =	ssyncadd.s32 $0xFFFFF800  }
0xca: {  	[spmem:s12] =	stream.linear.scatter [tilespmem:s18], [sflag:$0x3], $0x800, $0x38;
	[tilespmem:$0x9880] =	vst v63  }
0xcb: {  	_ =	swait.ge [sflag:s19], $0x800  }
0xcc: {  	[sflag:s19] =	ssyncset.done $0x0  }
0xcd: {  	[sflag:s19] =	ssyncadd.s32 $0xFFFFF800  }
0xce: {  	[spmem:s13] =	stream.linear.scatter [tilespmem:s18], [sflag:$0x3], $0x800, $0x38;
	[tilespmem:$0x9880] =	vst v63  }
0xcf: {  	_ =	swait.ge [sflag:s19], $0x800  }
0xd0: {  	[sflag:s19] =	ssyncset.done $0x0  }
0xd1: {  	[sflag:s19] =	ssyncadd.s32 $0xFFFFF800  }
0xd2: {  	[spmem:s14] =	stream.linear.scatter [tilespmem:s18], [sflag:$0x3], $0x800, $0x38;
	[tilespmem:$0x9880] =	vst v63  }
0xd3: {  	_ =	swait.ge [sflag:s19], $0x800  }
0xd4: {  	[sflag:s19] =	ssyncset.done $0x0  }
0xd5: {  	[sflag:s19] =	ssyncadd.s32 $0xFFFFF800  }
0xd6: {  	[spmem:s15] =	stream.linear.scatter [tilespmem:s18], [sflag:$0x3], $0x800, $0x38;
	[tilespmem:$0x9880] =	vst v63  }
0xd7: {  	_ =	swait.ge [sflag:s19], $0x800  }
0xd8: {  	[sflag:s19] =	ssyncset.done $0x0  }
0xd9: {  	[sflag:s19] =	ssyncadd.s32 $0xFFFFF800  }
0xda: {  	[spmem:s16] =	stream.linear.scatter [tilespmem:s18], [sflag:$0x3], $0x800, $0x38;
	[tilespmem:$0x9880] =	vst v63  }
0xdb: {  	_ =	swait.ge [sflag:s19], $0x800  }
0xdc: {  	[sflag:s19] =	ssyncset.done $0x0  }
0xdd: {  	[sflag:s19] =	ssyncadd.s32 $0xFFFFF800  }
0xde: {  	[spmem:s17] =	stream.linear.scatter [tilespmem:s18], [sflag:$0x3], $0x800, $0x38;
	[tilespmem:$0x9880] =	vst v63  }
0xdf: {  	_ =	swait.ge [sflag:s19], $0x800  }
0xe0: {  	[sflag:s19] =	ssyncset.done $0x0  }
0xe1: {  	[sflag:s19] =	ssyncadd.s32 $0xFFFFF800  }
0xe2: {  	_ =	swait.ge [sflag:s20], $0x2780  }
0xe3: {  	[sflag:s20] =	ssyncset.done $0x0  }
0xe4: {  	[sflag:s20] =	ssyncadd.s32 $0xFFFFD880  }
0xe5: {  	[bflag:$0x0] =	sbarrier.arrive $0xFFFF  }
0xe6: {  	v2 =	vld [tilespmem:$0x0]  }
0xe7: {  	v3 =	vld [tilespmem:$0x10]  }
0xe8: {  	v4 =	vld [tilespmem:$0x20]  }
0xe9: {  	v5 =	vld [tilespmem:$0x30]  }
0xea: {  	v6 =	vld [tilespmem:$0x40]  }
0xeb: {  	v7 =	vld [tilespmem:$0x50];
	v2 =	vshrl.u32 v2, $0x10  }
0xec: {  	[tilespmem:$0x2780] =	vst v2;
	v2 =	vshrl.u32 v3, $0x10;
	v3 =	vld [tilespmem:$0x60]  }
0xed: {  	v58 =	vld [tilespmem:$0x70];
	[tilespmem:$0x2790] =	vst v2;
	v2 =	vshrl.u32 v4, $0x10  }
0xee: {  	[tilespmem:$0x27A0] =	vst v2;
	v2 =	vshrl.u32 v5, $0x10  }
0xef: {  	[tilespmem:$0x27B0] =	vst v2;
	v2 =	vshrl.u32 v6, $0x10  }
0xf0: {  	[tilespmem:$0x27C0] =	vst v2;
	v2 =	vshrl.u32 v7, $0x10  }
0xf1: {  	[tilespmem:$0x27D0] =	vst v2;
	v2 =	vshrl.u32 v3, $0x10  }
0xf2: {  	[tilespmem:$0x27E0] =	vst v2;
	v2 =	vshrl.u32 v58, $0x10  }
0xf3: {  	[tilespmem:$0x27F0] =	vst v2  }
0xf4: {  	[spmem:s1] =	stream.indirect.scatter.add.f32 [tilespmem:s23], [sflag:$0x1], $0x10, s22, s21, $0xb8;
	[tilespmem:$0x9880] =	vst v63  }
0xf5: {  	v2 =	vld [tilespmem:$0x80]  }
0xf6: {  	v3 =	vld [tilespmem:$0x90]  }
0xf7: {  	v59 =	vld [tilespmem:$0xA0]  }
0xf8: {  	v60 =	vld [tilespmem:$0xB0]  }
0xf9: {  	v61 =	vld [tilespmem:$0xC0]  }
0xfa: {  	v62 =	vld [tilespmem:$0xD0];
	v2 =	vshrl.u32 v2, $0x10  }
0xfb: {  	[tilespmem:$0x2800] =	vst v2;
	v2 =	vshrl.u32 v3, $0x10;
	v3 =	vld [tilespmem:$0xE0]  }
0xfc: {  	v63 =	vld [tilespmem:$0xF0];
	[tilespmem:$0x2810] =	vst v2;
	v2 =	vshrl.u32 v59, $0x10  }
0xfd: {  	[tilespmem:$0x2820] =	vst v2;
	v2 =	vshrl.u32 v60, $0x10  }
0xfe: {  	[tilespmem:$0x2830] =	vst v2;
	v2 =	vshrl.u32 v61, $0x10  }
0xff: {  	[tilespmem:$0x2840] =	vst v2;
	v2 =	vshrl.u32 v62, $0x10  }
0x100: {  	[tilespmem:$0x2850] =	vst v2;
	v2 =	vshrl.u32 v3, $0x10  }
0x101: {  	[tilespmem:$0x2860] =	vst v2;
	v2 =	vshrl.u32 v63, $0x10  }
0x102: {  	[tilespmem:$0x2870] =	vst v2  }
0x103: {  	[spmem:s1] =	stream.indirect.scatter.add.f32 [tilespmem:s23], [sflag:$0x2], $0x10, s24, s21, $0xb8;
	[tilespmem:$0x9880] =	vst v63  }
0x104: {  	_ =	swait.ge [sflag:s20], $0x800  }
0x105: {  	[sflag:s20] =	ssyncset.done $0x0  }
0x106: {  	s28 =	simm.s32 $0x0;
	[sflag:s20] =	ssyncadd.s32 $0xFFFFF800  }
0x107: {  	v2 =	vld [tilespmem:s28+$0x100];
	_ =	sdelay $0x4  }
0x108: {  	v2 =	vshrl.u32 v2, $0x10  }
0x109: {  	[tilespmem:$0x2780] =	vst v2  }
0x10a: {  	v2 =	vld [tilespmem:s28+$0x110];
	_ =	sdelay $0x4  }
0x10b: {  	v2 =	vshrl.u32 v2, $0x10  }
0x10c: {  	[tilespmem:$0x2790] =	vst v2  }
0x10d: {  	v2 =	vld [tilespmem:s28+$0x120];
	_ =	sdelay $0x4  }
0x10e: {  	v2 =	vshrl.u32 v2, $0x10  }
0x10f: {  	[tilespmem:$0x27A0] =	vst v2  }
0x110: {  	v2 =	vld [tilespmem:s28+$0x130];
	_ =	sdelay $0x4  }
0x111: {  	v2 =	vshrl.u32 v2, $0x10  }
0x112: {  	[tilespmem:$0x27B0] =	vst v2  }
0x113: {  	v2 =	vld [tilespmem:s28+$0x140];
	_ =	sdelay $0x4  }
0x114: {  	v2 =	vshrl.u32 v2, $0x10  }
0x115: {  	[tilespmem:$0x27C0] =	vst v2  }
0x116: {  	v2 =	vld [tilespmem:s28+$0x150];
	_ =	sdelay $0x4  }
0x117: {  	v2 =	vshrl.u32 v2, $0x10  }
0x118: {  	[tilespmem:$0x27D0] =	vst v2  }
0x119: {  	v2 =	vld [tilespmem:s28+$0x160];
	_ =	sdelay $0x4  }
0x11a: {  	v2 =	vshrl.u32 v2, $0x10  }
0x11b: {  	[tilespmem:$0x27E0] =	vst v2  }
0x11c: {  	v2 =	vld [tilespmem:s28+$0x170];
	_ =	sdelay $0x4  }
0x11d: {  	v2 =	vshrl.u32 v2, $0x10  }
0x11e: {  	[tilespmem:$0x27F0] =	vst v2  }
0x11f: {  	[spmem:s1] =	stream.indirect.scatter.add.f32 [tilespmem:s23], [sflag:$0x1], $0x10, s22, s21, $0xb8;
	[tilespmem:$0x9880] =	vst v63  }
0x120: {  	_ =	swait.ge [sflag:s25], $0x800  }
0x121: {  	[sflag:s25] =	ssyncset.done $0x0  }
0x122: {  	[sflag:s25] =	ssyncadd.s32 $0xFFFFF800  }
0x123: {  	v2 =	vld [tilespmem:s28+$0x180];
	_ =	sdelay $0x4  }
0x124: {  	v2 =	vshrl.u32 v2, $0x10  }
0x125: {  	[tilespmem:$0x2800] =	vst v2  }
0x126: {  	v2 =	vld [tilespmem:s28+$0x190];
	_ =	sdelay $0x4  }
0x127: {  	v2 =	vshrl.u32 v2, $0x10  }
0x128: {  	[tilespmem:$0x2810] =	vst v2  }
0x129: {  	v2 =	vld [tilespmem:s28+$0x1A0];
	_ =	sdelay $0x4  }
0x12a: {  	v2 =	vshrl.u32 v2, $0x10  }
0x12b: {  	[tilespmem:$0x2820] =	vst v2  }
0x12c: {  	v2 =	vld [tilespmem:s28+$0x1B0];
	_ =	sdelay $0x4  }
0x12d: {  	v2 =	vshrl.u32 v2, $0x10  }
0x12e: {  	[tilespmem:$0x2830] =	vst v2  }
0x12f: {  	v2 =	vld [tilespmem:s28+$0x1C0];
	_ =	sdelay $0x4  }
0x130: {  	v2 =	vshrl.u32 v2, $0x10  }
0x131: {  	[tilespmem:$0x2840] =	vst v2  }
0x132: {  	v2 =	vld [tilespmem:s28+$0x1D0];
	_ =	sdelay $0x4  }
0x133: {  	v2 =	vshrl.u32 v2, $0x10  }
0x134: {  	[tilespmem:$0x2850] =	vst v2  }
0x135: {  	v2 =	vld [tilespmem:s28+$0x1E0];
	_ =	sdelay $0x4  }
0x136: {  	v2 =	vshrl.u32 v2, $0x10  }
0x137: {  	[tilespmem:$0x2860] =	vst v2  }
0x138: {  	v2 =	vld [tilespmem:s28+$0x1F0];
	_ =	sdelay $0x4  }
0x139: {  	v2 =	vshrl.u32 v2, $0x10  }
0x13a: {  	s28 =	simm.s32 $0x400;
	[tilespmem:$0x2870] =	vst v2  }
.LBB2_4:
0x13b: {  	[spmem:s1] =	stream.indirect.scatter.add.f32 [tilespmem:s23], [sflag:$0x2], $0x10, s24, s21, $0xb8;
	[tilespmem:$0x9880] =	vst v63  }
0x13c: {  	s29 =	smov.u32 s28  }
0x13d: {  	p0 =	sne.s32 s28, $0x9400;
	s28 =	sadd.s32 $0x400, s28;
	_ =	swait.ge [sflag:s20], $0x800  }
0x13e: {  	[sflag:s20] =	ssyncset.done $0x0  }
0x13f: {  	s29 =	sshra.s32 s29, $0x2;
	[sflag:s20] =	ssyncadd.s32 $0xFFFFF800  }
0x140: {  	v2 =	vld [tilespmem:s29+$0x100];
	_ =	sdelay $0x4  }
0x141: {  	v2 =	vshrl.u32 v2, $0x10  }
0x142: {  	[tilespmem:$0x2780] =	vst v2  }
0x143: {  	v2 =	vld [tilespmem:s29+$0x110];
	_ =	sdelay $0x4  }
0x144: {  	v2 =	vshrl.u32 v2, $0x10  }
0x145: {  	[tilespmem:$0x2790] =	vst v2  }
0x146: {  	v2 =	vld [tilespmem:s29+$0x120];
	_ =	sdelay $0x4  }
0x147: {  	v2 =	vshrl.u32 v2, $0x10  }
0x148: {  	[tilespmem:$0x27A0] =	vst v2  }
0x149: {  	v2 =	vld [tilespmem:s29+$0x130];
	_ =	sdelay $0x4  }
0x14a: {  	v2 =	vshrl.u32 v2, $0x10  }
0x14b: {  	[tilespmem:$0x27B0] =	vst v2  }
0x14c: {  	v2 =	vld [tilespmem:s29+$0x140];
	_ =	sdelay $0x4  }
0x14d: {  	v2 =	vshrl.u32 v2, $0x10  }
0x14e: {  	[tilespmem:$0x27C0] =	vst v2  }
0x14f: {  	v2 =	vld [tilespmem:s29+$0x150];
	_ =	sdelay $0x4  }
0x150: {  	v2 =	vshrl.u32 v2, $0x10  }
0x151: {  	[tilespmem:$0x27D0] =	vst v2  }
0x152: {  	v2 =	vld [tilespmem:s29+$0x160];
	_ =	sdelay $0x4  }
0x153: {  	v2 =	vshrl.u32 v2, $0x10  }
0x154: {  	[tilespmem:$0x27E0] =	vst v2  }
0x155: {  	v2 =	vld [tilespmem:s29+$0x170];
	_ =	sdelay $0x4  }
0x156: {  	v2 =	vshrl.u32 v2, $0x10  }
0x157: {  	[tilespmem:$0x27F0] =	vst v2  }
0x158: {  	[spmem:s1] =	stream.indirect.scatter.add.f32 [tilespmem:s23], [sflag:$0x1], $0x10, s22, s21, $0xb8;
	[tilespmem:$0x9880] =	vst v63  }
0x159: {  	_ =	swait.ge [sflag:s25], $0x800  }
0x15a: {  	[sflag:s25] =	ssyncset.done $0x0  }
0x15b: {  	[sflag:s25] =	ssyncadd.s32 $0xFFFFF800  }
0x15c: {  	v2 =	vld [tilespmem:s29+$0x180];
	_ =	sdelay $0x4  }
0x15d: {  	v2 =	vshrl.u32 v2, $0x10  }
0x15e: {  	[tilespmem:$0x2800] =	vst v2  }
0x15f: {  	v2 =	vld [tilespmem:s29+$0x190];
	_ =	sdelay $0x4  }
0x160: {  	v2 =	vshrl.u32 v2, $0x10  }
0x161: {  	[tilespmem:$0x2810] =	vst v2  }
0x162: {  	v2 =	vld [tilespmem:s29+$0x1A0];
	_ =	sdelay $0x4  }
0x163: {  	v2 =	vshrl.u32 v2, $0x10  }
0x164: {  	[tilespmem:$0x2820] =	vst v2  }
0x165: {  	v2 =	vld [tilespmem:s29+$0x1B0];
	_ =	sdelay $0x4  }
0x166: {  	v2 =	vshrl.u32 v2, $0x10  }
0x167: {  	[tilespmem:$0x2830] =	vst v2  }
0x168: {  	v2 =	vld [tilespmem:s29+$0x1C0];
	_ =	sdelay $0x4  }
0x169: {  	v2 =	vshrl.u32 v2, $0x10  }
0x16a: {  	[tilespmem:$0x2840] =	vst v2  }
0x16b: {  	v2 =	vld [tilespmem:s29+$0x1D0];
	_ =	sdelay $0x4  }
0x16c: {  	v2 =	vshrl.u32 v2, $0x10  }
0x16d: {  	[tilespmem:$0x2850] =	vst v2  }
0x16e: {  	v2 =	vld [tilespmem:s29+$0x1E0];
	_ =	sdelay $0x4  }
0x16f: {  	v2 =	vshrl.u32 v2, $0x10  }
0x170: {  	[tilespmem:$0x2860] =	vst v2  }
0x171: {  	v2 =	vld [tilespmem:s29+$0x1F0];
	_ =	sdelay $0x1  }
.Ltmp1:
0x172: {  	(pc) =	sbr.rel @p0 .LBB2_4-.Ltmp1, $3  }
0x173: {  	_ =	sdelay $0x1  }
0x174: {  	v2 =	vshrl.u32 v2, $0x10  }
0x175: {  	[tilespmem:$0x2870] =	vst v2  }
0x176: {  	[spmem:s1] =	stream.indirect.scatter.add.f32 [tilespmem:s23], [sflag:$0x2], $0x10, s24, s21, $0xb8;
	[tilespmem:$0x9880] =	vst v63  }
0x177: {  	_ =	swait.ge [sflag:s20], $0x800  }
0x178: {  	[sflag:s20] =	ssyncset.done $0x0  }
0x179: {  	[sflag:s20] =	ssyncadd.s32 $0xFFFFF800  }
0x17a: {  	v2 =	vld [tilespmem:$0x2700]  }
0x17b: {  	v3 =	vld [tilespmem:$0x2710]  }
0x17c: {  	v4 =	vld [tilespmem:$0x2720]  }
0x17d: {  	v5 =	vld [tilespmem:$0x2730]  }
0x17e: {  	v6 =	vld [tilespmem:$0x2740]  }
0x17f: {  	v7 =	vld [tilespmem:$0x2750];
	v2 =	vshrl.u32 v2, $0x10  }
0x180: {  	[tilespmem:$0x2780] =	vst v2;
	v2 =	vshrl.u32 v3, $0x10;
	v3 =	vld [tilespmem:$0x2760]  }
0x181: {  	v63 =	vld [tilespmem:$0x2770];
	[tilespmem:$0x2790] =	vst v2;
	v2 =	vshrl.u32 v4, $0x10  }
0x182: {  	[tilespmem:$0x27A0] =	vst v2;
	v2 =	vshrl.u32 v5, $0x10  }
0x183: {  	[tilespmem:$0x27B0] =	vst v2;
	v2 =	vshrl.u32 v6, $0x10  }
0x184: {  	[tilespmem:$0x27C0] =	vst v2;
	v2 =	vshrl.u32 v7, $0x10  }
0x185: {  	[tilespmem:$0x27D0] =	vst v2;
	v2 =	vshrl.u32 v3, $0x10  }
0x186: {  	[tilespmem:$0x27E0] =	vst v2;
	v2 =	vshrl.u32 v63, $0x10  }
0x187: {  	[tilespmem:$0x27F0] =	vst v2  }
0x188: {  	[spmem:s1] =	stream.indirect.scatter.add.f32 [tilespmem:s23], [sflag:$0x1], $0x10, s22, s21, $0xb8;
	[tilespmem:$0x9880] =	vst v63  }
0x189: {  	_ =	swait.ge [sflag:s20], $0x800  }
0x18a: {  	[sflag:s20] =	ssyncset.done $0x0  }
0x18b: {  	[sflag:s20] =	ssyncadd.s32 $0xFFFFF800  }
0x18c: {  	_ =	swait.ge [sflag:s25], $0x800  }
0x18d: {  	[sflag:s25] =	ssyncset.done $0x0  }
0x18e: {  	s28 =	stileid.u32;
	[sflag:s25] =	ssyncadd.s32 $0xFFFFF800  }
0x18f: {  	s28 =	sshll.u32 s28, $0x6;
	[bflag:$0x0] =	sbarrier.arrive $0xFFFF  }
0x190: {  	s29 =	sshrl.u32 s4, $0x3;
	s28 =	sor.u32 $0x1C03, s28;
	s30 =	rddreg [dreg:$0x17]  }
0x191: {  	[hbm:s30], [sflag:s28] =	dma.local [spmem:s29], $0x2800  }
0x192: {  	_ =	swait.ge [sflag:s19], $0x2800  }
0x193: {  	s26 =	sadd.s32 $0x1, s26;
	s30 =	rddreg [dreg:$0x18]  }
0x194: {  	p0 =	sne.s32 s26, s30  }
.Ltmp2:
0x195: {  	_ = 	snop;
	(pc) =	sbr.rel @p0 .LBB2_1-.Ltmp2, $3  }
0x196: {  	_ =	sdelay $0x1  }
0x197: {  	[sflag:s19] =	ssyncset.done $0x0  }
0x198: {  	[sflag:s19] =	ssyncadd.s32 $0xFFFFD800  }
0x199: {  	_ =	sfence.sel $0x180000  }
0x19a: {  	[bflag:$0x0] =	sbarrier.arrive $0xFFFF  }
0x19b: {  	_ =	strace $0x90000047  }
0x19c: {  	s0 =	stileid.u32;
	[bflag:$0x2] =	sbarrier.arrive $0xFFFF  }
0x19d: {  	p0 =	sne.s32 s0, $0x0;
	s0 =	rddreg [dreg:$0x3]  }
0x19e: {  	s0 =	sadd.s32 @!p0 $0x100000, s0  }
0x19f: {  	[sflag:s0] =	ssyncadd.tile.s32 @!p0 $0x1;
	_ =	shalt  }
.Lfunc_end2:
_tile_overlayer_lowered:
.L_overlay_start_2:
0x1a0: {  	(tag) =	ssettag $0x2  }
0x1a1: {  	s0 =	rddreg [dreg:$0x0];
	s2 =	stileid.u32  }
0x1a2: {  	s1 =	rddreg [dreg:$0x1];
	p0 =	sne.s32 s2, $0x0  }
0x1a3: {  	s3 =	rddreg [dreg:$0x2];
	[bflag:$0x3] =	sbarrier.arrive $0xFFFF;
	s2 =	simm.s32 @!p0 $0x1C03  }
0x1a4: {  	[timem:s3], [sflag:s2] =	dma.local @!p0 [hbm:s0], s1  }
0x1a5: {  	s0 =	simm.s32 @!p0 $0x3  }
0x1a6: {  	_ =	swait.ge @!p0 [sflag:s0], s1  }
0x1a7: {  	s1 =	ssub.s32 @!p0 $0x0, s1;
	[sflag:s0] =	ssyncset.done @!p0 $0x0  }
0x1a8: {  	[sflag:s0] =	ssyncadd.s32 @!p0 s1  }
0x1a9: {  	[bflag:$0x3] =	sbarrier.arrive $0xFFFF  }
0x1aa: {  	_ =	shalt  }

</sc_bundles>
